<compile_context>
chip_gen: v7x
topology: tpu7x:2x2x1
jax: 0.10.2.dev20260603
libtpu: 0.0.44.dev20260713+nightly
codegen_flags: <defaults>
</compile_context>

<pallas_src>
import jax
import jax.numpy as jnp
from jax import lax
from jax.experimental import pallas as pl
from jax.experimental.pallas import tpu as pltpu
from jax.experimental.pallas import tpu_sc as plsc

N = 10000
D = 128
DH = D // 2
NNZ = 320000

NC = 2
NS = 16
CH = 64
ST = 320
PK1 = 4
PK2 = 5
PPT = ST * CH
NNZP = NS * PPT
NP = 10240
RPT = NP // NS

_MESH = plsc.VectorSubcoreMesh(
    core_axis_name="c", subcore_axis_name="s", num_cores=NC, num_subcores=NS
)
_SC_PARAMS = pltpu.CompilerParams(
    needs_layout_passes=False, use_tc_tiling_on_sc=False
)



_RB = 1024


def _proj_matmul_body(y_ref, th_ref, o_ref):
    y = y_ref[...]
    norm = jnp.sqrt(jnp.sum(y * y, axis=-1, keepdims=True))
    yp = y / jnp.maximum(norm, 1e-7)
    o_ref[0] = jnp.dot(yp, th_ref[0], preferred_element_type=jnp.float32)


def _proj_matmul(y_pad, theta_split):
    return pl.pallas_call(
        _proj_matmul_body,
        grid=(NC, NP // _RB),
        in_specs=[
            pl.BlockSpec((_RB, D), lambda c, i: (i, 0)),
            pl.BlockSpec((1, D, DH), lambda c, i: (c, 0, 0)),
        ],
        out_specs=pl.BlockSpec((1, _RB, DH), lambda c, i: (c, i, 0)),
        out_shape=jax.ShapeDtypeStruct((NC, NP, DH), jnp.float32),
    )(y_pad, theta_split)


def _combine_div_body(part_ref, deg_ref, o_ref):
    deg = jnp.sum(deg_ref[...], axis=0)
    inv = 1.0 / jnp.maximum(deg, 1.0)
    o_ref[0] = part_ref[0] * inv[:, None]


def _combine_div(part, deg_part):
    return pl.pallas_call(
        _combine_div_body,
        grid=(NC, NP // _RB),
        in_specs=[
            pl.BlockSpec((1, _RB, DH), lambda c, i: (c, i, 0)),
            pl.BlockSpec((NS, _RB), lambda c, i: (0, i)),
        ],
        out_specs=pl.BlockSpec((1, _RB, DH), lambda c, i: (c, i, 0)),
        out_shape=jax.ShapeDtypeStruct((NC, NP, DH), jnp.float32),
    )(part, deg_part)


def _finish_body(part_ref, deg_ref, b_ref, o_ref):
    deg = jnp.sum(deg_ref[...], axis=0)
    inv = 1.0 / jnp.maximum(deg, 1.0)
    x = jnp.concatenate([part_ref[0], part_ref[1]], axis=-1)
    o_ref[...] = jnp.tanh(x * inv[:, None] + b_ref[...])


def _finish(part, deg_part, bias):
    return pl.pallas_call(
        _finish_body,
        grid=(NP // _RB,),
        in_specs=[
            pl.BlockSpec((NC, _RB, DH), lambda i: (0, i, 0)),
            pl.BlockSpec((NS, _RB), lambda i: (0, i)),
            pl.BlockSpec((D,), lambda i: (0,)),
        ],
        out_specs=pl.BlockSpec((_RB, D), lambda i: (i, 0)),
        out_shape=jax.ShapeDtypeStruct((NP, D), jnp.float32),
    )(part, deg_part, bias)




def _pipelined_gather_scatter(table_c, gidx, sidx, rowbuf, acc,
                              gsA, gsB, ssA, ssB, pk, hist_rows=None):

    def a_buf(i):
        return rowbuf.at[i]

    def b_buf(i):
        return rowbuf.at[pk + i]

    def wait_gather(buf, sem):
        pltpu.make_async_copy(table_c.at[pl.ds(0, CH)], buf, sem).wait()

    def wait_scatter(buf, sem):
        pltpu.make_async_copy(buf, acc.at[sidx.at[0]], sem).wait()

    def body(t, carry):
        base = t * 2 * pk

        @pl.when(t > 0)
        def _():
            for i in range(pk):
                wait_scatter(b_buf(i), ssB)

        for i in range(pk):
            pltpu.async_copy(table_c.at[gidx.at[base + pk + i]],
                             b_buf(i), gsB)

        if hist_rows is not None:
            hist_rows(base)

        for i in range(pk):
            wait_gather(a_buf(i), gsA)
        for i in range(pk):
            pltpu.async_copy(a_buf(i), acc.at[sidx.at[base + i]],
                             ssA, add=True)
        for i in range(pk):
            wait_scatter(a_buf(i), ssA)

        @pl.when(base + 2 * pk < ST)
        def _():
            for i in range(pk):
                pltpu.async_copy(table_c.at[gidx.at[base + 2 * pk + i]],
                                 a_buf(i), gsA)

        for i in range(pk):
            wait_gather(b_buf(i), gsB)
        for i in range(pk):
            pltpu.async_copy(b_buf(i), acc.at[sidx.at[base + pk + i]],
                             ssB, add=True)
        return carry

    lax.fori_loop(0, ST // (2 * pk), body, 0)
    for i in range(pk):
        wait_scatter(b_buf(i), ssB)


def _sc_stage1_body(
    z_hbm, n3_hbm, e3_hbm, zeros_hbm,
    sum_hbm, degv_hbm, dege_hbm,
    gidx, sidx, rowbuf, deg_h, acc, gsA, gsB, ssA, ssB, isem,
):
    c = lax.axis_index("c")
    s = lax.axis_index("s")
    r0 = s * RPT
    table_c = z_hbm.at[c]

    pltpu.async_copy(n3_hbm.at[s], gidx, isem)
    pltpu.async_copy(e3_hbm.at[s], sidx, isem)
    pltpu.make_async_copy(n3_hbm.at[s], gidx, isem).wait()
    pltpu.make_async_copy(e3_hbm.at[s], sidx, isem).wait()

    for i in range(PK1):
        pltpu.async_copy(table_c.at[gidx.at[i]], rowbuf.at[i], gsA)

    pltpu.sync_copy(zeros_hbm.at[pl.ds(r0, RPT)], acc.at[pl.ds(r0, RPT)])

    z16 = jnp.zeros((16,), jnp.float32)

    def zero_body(i, carry):
        deg_h[pl.ds(i * 16, 16)] = z16
        return carry

    lax.fori_loop(0, NP // 16, zero_body, 0)
    plsc.subcore_barrier()

    ones16 = jnp.ones((16,), jnp.float32)

    def make_hist(src):
        def hist_rows(base):
            for r in range(2 * PK1):
                for k in range(CH // 16):
                    iv = src[base + r, pl.ds(k * 16, 16)]
                    plsc.addupdate_scatter(deg_h, [iv], ones16)
        return hist_rows

    @pl.when(c == 0)
    def _():
        _pipelined_gather_scatter(table_c, gidx, sidx, rowbuf, acc,
                                  gsA, gsB, ssA, ssB, PK1,
                                  hist_rows=make_hist(gidx))

    @pl.when(c != 0)
    def _():
        _pipelined_gather_scatter(table_c, gidx, sidx, rowbuf, acc,
                                  gsA, gsB, ssA, ssB, PK1,
                                  hist_rows=make_hist(sidx))

    plsc.subcore_barrier()

    pltpu.sync_copy(acc.at[pl.ds(r0, RPT)], sum_hbm.at[c, pl.ds(r0, RPT)])

    @pl.when(c == 0)
    def _():
        pltpu.sync_copy(deg_h, degv_hbm.at[s])

    @pl.when(c != 0)
    def _():
        pltpu.sync_copy(deg_h, dege_hbm.at[s])


def _sc_stage2_body(
    ef_hbm, e3_hbm, n3_hbm, zeros_hbm,
    sum_hbm,
    gidx, sidx, rowbuf, acc, gsA, gsB, ssA, ssB, isem,
):
    c = lax.axis_index("c")
    s = lax.axis_index("s")
    r0 = s * RPT
    table_c = ef_hbm.at[c]

    pltpu.async_copy(e3_hbm.at[s], gidx, isem)
    pltpu.async_copy(n3_hbm.at[s], sidx, isem)
    pltpu.make_async_copy(e3_hbm.at[s], gidx, isem).wait()
    pltpu.make_async_copy(n3_hbm.at[s], sidx, isem).wait()

    for i in range(PK2):
        pltpu.async_copy(table_c.at[gidx.at[i]], rowbuf.at[i], gsA)

    pltpu.sync_copy(zeros_hbm.at[pl.ds(r0, RPT)], acc.at[pl.ds(r0, RPT)])
    plsc.subcore_barrier()

    _pipelined_gather_scatter(table_c, gidx, sidx, rowbuf, acc,
                              gsA, gsB, ssA, ssB, PK2)
    plsc.subcore_barrier()

    pltpu.sync_copy(acc.at[pl.ds(r0, RPT)], sum_hbm.at[c, pl.ds(r0, RPT)])


_sc_stage1 = pl.kernel(
    _sc_stage1_body,
    out_type=(
        jax.ShapeDtypeStruct((NC, NP, DH), jnp.float32),
        jax.ShapeDtypeStruct((NS, NP), jnp.float32),
        jax.ShapeDtypeStruct((NS, NP), jnp.float32),
    ),
    mesh=_MESH,
    compiler_params=_SC_PARAMS,
    scratch_types=[
        pltpu.VMEM((ST, CH), jnp.int32),
        pltpu.VMEM((ST, CH), jnp.int32),
        pltpu.VMEM((2 * PK1, CH, DH), jnp.float32),
        pltpu.VMEM((NP,), jnp.float32),
        pltpu.VMEM_SHARED((NP, DH), jnp.float32),
        pltpu.SemaphoreType.DMA,
        pltpu.SemaphoreType.DMA,
        pltpu.SemaphoreType.DMA,
        pltpu.SemaphoreType.DMA,
        pltpu.SemaphoreType.DMA,
    ],
)

_sc_stage2 = pl.kernel(
    _sc_stage2_body,
    out_type=jax.ShapeDtypeStruct((NC, NP, DH), jnp.float32),
    mesh=_MESH,
    compiler_params=_SC_PARAMS,
    scratch_types=[
        pltpu.VMEM((ST, CH), jnp.int32),
        pltpu.VMEM((ST, CH), jnp.int32),
        pltpu.VMEM((2 * PK2, CH, DH), jnp.float32),
        pltpu.VMEM_SHARED((NP, DH), jnp.float32),
        pltpu.SemaphoreType.DMA,
        pltpu.SemaphoreType.DMA,
        pltpu.SemaphoreType.DMA,
        pltpu.SemaphoreType.DMA,
        pltpu.SemaphoreType.DMA,
    ],
)




def kernel(t, y, incidence, theta, bias):
    del t
    node_idx = incidence[0]
    edge_idx = incidence[1]
    pad = jnp.full((NNZP - NNZ,), N, dtype=jnp.int32)
    n3 = jnp.concatenate([node_idx, pad]).reshape(NS, ST, CH)
    e3 = jnp.concatenate([edge_idx, pad]).reshape(NS, ST, CH)
    y_pad = jnp.concatenate(
        [y, jnp.zeros((NP - N, D), dtype=jnp.float32)], axis=0
    )
    zeros_h = jnp.zeros((NP, DH), dtype=jnp.float32)
    theta_split = jnp.stack([theta[:, :DH], theta[:, DH:]])

    z = _proj_matmul(y_pad, theta_split)
    esum, degv_p, dege_p = _sc_stage1(z, n3, e3, zeros_h)
    edge_feat = _combine_div(esum, dege_p)
    nsum = _sc_stage2(edge_feat, e3, n3, zeros_h)
    out = _finish(nsum, degv_p, bias)
    return out[:N]

# --- scband reference (transcript-rebuilt; emitter-appended) ---
"""Pipeline reference for scband-riemannian-conv-drift-32263794328073 (READ-ONLY COPY).

The authoritative reference and input builder live on the scoring server;
editing this copy changes nothing except your own understanding.
"""

import jax, jax.numpy as jnp
import numpy as np

N_NODES = 10000
N_HYPEREDGES = 10000
NNZ = 320000
D = 128


def setup_inputs(seed: int = 0) -> dict:
    key = jax.random.key(seed)
    k1, k2, k3, k4 = jax.random.split(key, 4)
    t = jnp.zeros((), dtype=jnp.float32)
    y = jax.random.normal(k1, (N_NODES, D), dtype=jnp.float32)
    incidence = jax.random.randint(k2, (2, NNZ), 0, N_NODES, dtype=jnp.int32)
    # learned params of the hypergraph conv (HGNN-style): theta [D, D], bias [D]
    theta = jax.random.normal(k3, (D, D), dtype=jnp.float32) * (1.0 / np.sqrt(D))
    bias = jax.random.normal(k4, (D,), dtype=jnp.float32) * 0.01
    return {"t": t, "y": y, "incidence": incidence, "theta": theta, "bias": bias}


def reference(t, y, incidence, theta, bias):
    # --- manifold.project: unit hypersphere projection (corrects numerical drift) ---
    norm = jnp.linalg.norm(y, axis=-1, keepdims=True)
    y_proj = y / jnp.maximum(norm, 1e-7)

    node_idx = incidence[0]
    edge_idx = incidence[1]

    # --- hypergraph conv: X' = D_v^{-1} H D_e^{-1} H^T X Theta + b ---
    ones = jnp.ones((NNZ,), dtype=jnp.float32)
    deg_e = jax.ops.segment_sum(ones, edge_idx, num_segments=N_HYPEREDGES)
    deg_v = jax.ops.segment_sum(ones, node_idx, num_segments=N_NODES)

    # node -> hyperedge aggregation (gather + scatter-add), mean over members
    gathered_nodes = jnp.take(y_proj, node_idx, axis=0)
    edge_feat = jax.ops.segment_sum(gathered_nodes, edge_idx, num_segments=N_HYPEREDGES)
    edge_feat = edge_feat / jnp.maximum(deg_e, 1.0)[:, None]

    # hyperedge -> node aggregation, mean over incident hyperedges
    gathered_edges = jnp.take(edge_feat, edge_idx, axis=0)
    node_out = jax.ops.segment_sum(gathered_edges, node_idx, num_segments=N_NODES)
    node_out = node_out / jnp.maximum(deg_v, 1.0)[:, None]

    # linear transform + activation (drift output = tangent vector)
    out = node_out @ theta + bias
    return jnp.tanh(out)

if __name__ == "__main__":
    import jax
    _d = setup_inputs()
    print(jax.jit(kernel)(*tuple(_d.values())))

</pallas_src>

<mosaic_0001>
#map = affine_map<(d0, d1) -> (0, 0, 0)>
#map1 = affine_map<(d0, d1) -> (0, 0)>
module attributes {stable_mosaic.version = 14 : i64} {
  func.func @_sc_stage2_body(%arg0: i32, %arg1: i32, %arg2: memref<2x10240x64xf32, #tpu.memory_space<hbm>>, %arg3: memref<16x320x64xi32, #tpu.memory_space<hbm>>, %arg4: memref<16x320x64xi32, #tpu.memory_space<hbm>>, %arg5: memref<10240x64xf32, #tpu.memory_space<hbm>>, %arg6: memref<2x10240x64xf32, #tpu.memory_space<hbm>>, %arg7: memref<320x64xi32, #tpu.memory_space<vmem>>, %arg8: memref<320x64xi32, #tpu.memory_space<vmem>>, %arg9: memref<10x64x64xf32, #tpu.memory_space<vmem>>, %arg10: memref<10240x64xf32, #tpu.memory_space<vmem_shared>>, %arg11: memref<!tpu.dma_semaphore, #tpu.memory_space<semaphore_mem>>, %arg12: memref<!tpu.dma_semaphore, #tpu.memory_space<semaphore_mem>>, %arg13: memref<!tpu.dma_semaphore, #tpu.memory_space<semaphore_mem>>, %arg14: memref<!tpu.dma_semaphore, #tpu.memory_space<semaphore_mem>>, %arg15: memref<!tpu.dma_semaphore, #tpu.memory_space<semaphore_mem>>) attributes {dimension_semantics = [#tpu.dimension_semantics<core_parallel>, #tpu.dimension_semantics<subcore_parallel>], iteration_bounds = array<i64: 2, 16>, scalar_prefetch = 0 : i64, scratch_operands = 9 : i64, tpu.core_type = #tpu.core_type<sc_vector_subcore>, window_params = [{transform_indices = #map}, {transform_indices = #map}, {transform_indices = #map}, {transform_indices = #map1}, {transform_indices = #map}]} {
    %mul3A = arith.constant 640 : i32
    %mul3A_0 = arith.muli %arg1, %mul3A : i32
    %dma_start3A = arith.constant 0 : i32
    %dma_start3A_1 = arith.constant 0 : i32
    %dma_start3A_2 = tpu.memref_slice %arg3[%arg1, %dma_start3A, %dma_start3A_1] : memref<16x320x64xi32, #tpu.memory_space<hbm>> -> memref<1x320x64xi32, #tpu.memory_space<hbm>>
    %dma_start3A_3 = tpu.memref_squeeze %dma_start3A_2 : memref<1x320x64xi32, #tpu.memory_space<hbm>> -> memref<320x64xi32, #tpu.memory_space<hbm>>
    %dma_start3A_4 = arith.constant 0 : i32
    %dma_start3A_5 = arith.constant 0 : i32
    %dma_start3A_6 = tpu.memref_slice %arg3[%arg1, %dma_start3A_4, %dma_start3A_5] : memref<16x320x64xi32, #tpu.memory_space<hbm>> -> memref<1x320x64xi32, #tpu.memory_space<hbm>>
    %dma_start3A_7 = tpu.memref_squeeze %dma_start3A_6 : memref<1x320x64xi32, #tpu.memory_space<hbm>> -> memref<320x64xi32, #tpu.memory_space<hbm>>
    tpu.enqueue_dma source(%dma_start3A_7 : memref<320x64xi32, #tpu.memory_space<hbm>>) target(%arg7 : memref<320x64xi32, #tpu.memory_space<vmem>>) target_semaphore(%arg15 : memref<!tpu.dma_semaphore, #tpu.memory_space<semaphore_mem>>)
    %dma_start3A_8 = arith.constant 0 : i32
    %dma_start3A_9 = arith.constant 0 : i32
    %dma_start3A_10 = tpu.memref_slice %arg4[%arg1, %dma_start3A_8, %dma_start3A_9] : memref<16x320x64xi32, #tpu.memory_space<hbm>> -> memref<1x320x64xi32, #tpu.memory_space<hbm>>
    %dma_start3A_11 = tpu.memref_squeeze %dma_start3A_10 : memref<1x320x64xi32, #tpu.memory_space<hbm>> -> memref<320x64xi32, #tpu.memory_space<hbm>>
    %dma_start3A_12 = arith.constant 0 : i32
    %dma_start3A_13 = arith.constant 0 : i32
    %dma_start3A_14 = tpu.memref_slice %arg4[%arg1, %dma_start3A_12, %dma_start3A_13] : memref<16x320x64xi32, #tpu.memory_space<hbm>> -> memref<1x320x64xi32, #tpu.memory_space<hbm>>
    %dma_start3A_15 = tpu.memref_squeeze %dma_start3A_14 : memref<1x320x64xi32, #tpu.memory_space<hbm>> -> memref<320x64xi32, #tpu.memory_space<hbm>>
    tpu.enqueue_dma source(%dma_start3A_15 : memref<320x64xi32, #tpu.memory_space<hbm>>) target(%arg8 : memref<320x64xi32, #tpu.memory_space<vmem>>) target_semaphore(%arg15 : memref<!tpu.dma_semaphore, #tpu.memory_space<semaphore_mem>>)
    %dma_wait3A = arith.constant 0 : i32
    %dma_wait3A_16 = arith.constant 0 : i32
    %dma_wait3A_17 = tpu.memref_slice %arg3[%arg1, %dma_wait3A, %dma_wait3A_16] : memref<16x320x64xi32, #tpu.memory_space<hbm>> -> memref<1x320x64xi32, #tpu.memory_space<hbm>>
    %dma_wait3A_18 = tpu.memref_squeeze %dma_wait3A_17 : memref<1x320x64xi32, #tpu.memory_space<hbm>> -> memref<320x64xi32, #tpu.memory_space<hbm>>
    %dma_wait3A_19 = arith.constant 0 : i32
    %dma_wait3A_20 = arith.constant 0 : i32
    %dma_wait3A_21 = tpu.memref_slice %arg3[%arg1, %dma_wait3A_19, %dma_wait3A_20] : memref<16x320x64xi32, #tpu.memory_space<hbm>> -> memref<1x320x64xi32, #tpu.memory_space<hbm>>
    %dma_wait3A_22 = tpu.memref_squeeze %dma_wait3A_21 : memref<1x320x64xi32, #tpu.memory_space<hbm>> -> memref<320x64xi32, #tpu.memory_space<hbm>>
    tpu.wait_dma2 semaphore(%arg15 : memref<!tpu.dma_semaphore, #tpu.memory_space<semaphore_mem>>) src(%dma_wait3A_22 : memref<320x64xi32, #tpu.memory_space<hbm>>) dst(%arg7 : memref<320x64xi32, #tpu.memory_space<vmem>>)
    %dma_wait3A_23 = arith.constant 0 : i32
    %dma_wait3A_24 = arith.constant 0 : i32
    %dma_wait3A_25 = tpu.memref_slice %arg4[%arg1, %dma_wait3A_23, %dma_wait3A_24] : memref<16x320x64xi32, #tpu.memory_space<hbm>> -> memref<1x320x64xi32, #tpu.memory_space<hbm>>
    %dma_wait3A_26 = tpu.memref_squeeze %dma_wait3A_25 : memref<1x320x64xi32, #tpu.memory_space<hbm>> -> memref<320x64xi32, #tpu.memory_space<hbm>>
    %dma_wait3A_27 = arith.constant 0 : i32
    %dma_wait3A_28 = arith.constant 0 : i32
    %dma_wait3A_29 = tpu.memref_slice %arg4[%arg1, %dma_wait3A_27, %dma_wait3A_28] : memref<16x320x64xi32, #tpu.memory_space<hbm>> -> memref<1x320x64xi32, #tpu.memory_space<hbm>>
    %dma_wait3A_30 = tpu.memref_squeeze %dma_wait3A_29 : memref<1x320x64xi32, #tpu.memory_space<hbm>> -> memref<320x64xi32, #tpu.memory_space<hbm>>
    tpu.wait_dma2 semaphore(%arg15 : memref<!tpu.dma_semaphore, #tpu.memory_space<semaphore_mem>>) src(%dma_wait3A_30 : memref<320x64xi32, #tpu.memory_space<hbm>>) dst(%arg8 : memref<320x64xi32, #tpu.memory_space<vmem>>)
    %dma_start3A_31 = arith.constant 0 : i32
    %dma_start3A_32 = arith.constant 0 : i32
    %dma_start3A_33 = arith.constant 0 : i32
    %dma_start3A_34 = arith.constant 0 : i32
    %dma_start3A_35 = tpu.memref_slice %arg9[%dma_start3A_32, %dma_start3A_33, %dma_start3A_34] : memref<10x64x64xf32, #tpu.memory_space<vmem>> -> memref<1x64x64xf32, #tpu.memory_space<vmem>>
    %dma_start3A_36 = tpu.memref_squeeze %dma_start3A_35 : memref<1x64x64xf32, #tpu.memory_space<vmem>> -> memref<64x64xf32, #tpu.memory_space<vmem>>
    %dma_start3A_37 = arith.constant 0 : i32
    %dma_start3A_38 = tpu.memref_slice %arg7[%dma_start3A_31, %dma_start3A_37] : memref<320x64xi32, #tpu.memory_space<vmem>> -> memref<1x64xi32, #tpu.memory_space<vmem>>
    %dma_start3A_39 = tpu.memref_squeeze %dma_start3A_38 : memref<1x64xi32, #tpu.memory_space<vmem>> -> memref<64xi32, #tpu.memory_space<vmem>>
    %dma_start3A_40 = arith.constant 0 : i32
    %dma_start3A_41 = arith.constant 0 : i32
    %dma_start3A_42 = tpu.memref_slice %arg2[%arg0, %dma_start3A_40, %dma_start3A_41] : memref<2x10240x64xf32, #tpu.memory_space<hbm>> -> memref<1x10240x64xf32, #tpu.memory_space<hbm>>
    %dma_start3A_43 = tpu.memref_squeeze %dma_start3A_42 : memref<1x10240x64xf32, #tpu.memory_space<hbm>> -> memref<10240x64xf32, #tpu.memory_space<hbm>>
    %dma_start3A_44 = arith.constant 0 : i32
    %dma_start3A_45 = arith.constant 0 : i32
    %dma_start3A_46 = tpu.memref_slice %dma_start3A_43[%dma_start3A_44, %dma_start3A_45] : memref<10240x64xf32, #tpu.memory_space<hbm>> -> memref<10240x64xf32, #tpu.memory_space<hbm>>
    tpu.enqueue_indirect_dma source(%dma_start3A_46 : memref<10240x64xf32, #tpu.memory_space<hbm>>) target(%dma_start3A_36 : memref<64x64xf32, #tpu.memory_space<vmem>>) offsets(%dma_start3A_39 : memref<64xi32, #tpu.memory_space<vmem>>) semaphore(%arg11 : memref<!tpu.dma_semaphore, #tpu.memory_space<semaphore_mem>>)
    %dma_start3A_47 = arith.constant 1 : i32
    %dma_start3A_48 = arith.constant 1 : i32
    %dma_start3A_49 = arith.constant 0 : i32
    %dma_start3A_50 = arith.constant 0 : i32
    %dma_start3A_51 = tpu.memref_slice %arg9[%dma_start3A_48, %dma_start3A_49, %dma_start3A_50] : memref<10x64x64xf32, #tpu.memory_space<vmem>> -> memref<1x64x64xf32, #tpu.memory_space<vmem>>
    %dma_start3A_52 = tpu.memref_squeeze %dma_start3A_51 : memref<1x64x64xf32, #tpu.memory_space<vmem>> -> memref<64x64xf32, #tpu.memory_space<vmem>>
    %dma_start3A_53 = arith.constant 0 : i32
    %dma_start3A_54 = tpu.memref_slice %arg7[%dma_start3A_47, %dma_start3A_53] : memref<320x64xi32, #tpu.memory_space<vmem>> -> memref<1x64xi32, #tpu.memory_space<vmem>>
    %dma_start3A_55 = tpu.memref_squeeze %dma_start3A_54 : memref<1x64xi32, #tpu.memory_space<vmem>> -> memref<64xi32, #tpu.memory_space<vmem>>
    %dma_start3A_56 = arith.constant 0 : i32
    %dma_start3A_57 = arith.constant 0 : i32
    %dma_start3A_58 = tpu.memref_slice %arg2[%arg0, %dma_start3A_56, %dma_start3A_57] : memref<2x10240x64xf32, #tpu.memory_space<hbm>> -> memref<1x10240x64xf32, #tpu.memory_space<hbm>>
    %dma_start3A_59 = tpu.memref_squeeze %dma_start3A_58 : memref<1x10240x64xf32, #tpu.memory_space<hbm>> -> memref<10240x64xf32, #tpu.memory_space<hbm>>
    %dma_start3A_60 = arith.constant 0 : i32
    %dma_start3A_61 = arith.constant 0 : i32
    %dma_start3A_62 = tpu.memref_slice %dma_start3A_59[%dma_start3A_60, %dma_start3A_61] : memref<10240x64xf32, #tpu.memory_space<hbm>> -> memref<10240x64xf32, #tpu.memory_space<hbm>>
    tpu.enqueue_indirect_dma source(%dma_start3A_62 : memref<10240x64xf32, #tpu.memory_space<hbm>>) target(%dma_start3A_52 : memref<64x64xf32, #tpu.memory_space<vmem>>) offsets(%dma_start3A_55 : memref<64xi32, #tpu.memory_space<vmem>>) semaphore(%arg11 : memref<!tpu.dma_semaphore, #tpu.memory_space<semaphore_mem>>)
    %dma_start3A_63 = arith.constant 2 : i32
    %dma_start3A_64 = arith.constant 2 : i32
    %dma_start3A_65 = arith.constant 0 : i32
    %dma_start3A_66 = arith.constant 0 : i32
    %dma_start3A_67 = tpu.memref_slice %arg9[%dma_start3A_64, %dma_start3A_65, %dma_start3A_66] : memref<10x64x64xf32, #tpu.memory_space<vmem>> -> memref<1x64x64xf32, #tpu.memory_space<vmem>>
    %dma_start3A_68 = tpu.memref_squeeze %dma_start3A_67 : memref<1x64x64xf32, #tpu.memory_space<vmem>> -> memref<64x64xf32, #tpu.memory_space<vmem>>
    %dma_start3A_69 = arith.constant 0 : i32
    %dma_start3A_70 = tpu.memref_slice %arg7[%dma_start3A_63, %dma_start3A_69] : memref<320x64xi32, #tpu.memory_space<vmem>> -> memref<1x64xi32, #tpu.memory_space<vmem>>
    %dma_start3A_71 = tpu.memref_squeeze %dma_start3A_70 : memref<1x64xi32, #tpu.memory_space<vmem>> -> memref<64xi32, #tpu.memory_space<vmem>>
    %dma_start3A_72 = arith.constant 0 : i32
    %dma_start3A_73 = arith.constant 0 : i32
    %dma_start3A_74 = tpu.memref_slice %arg2[%arg0, %dma_start3A_72, %dma_start3A_73] : memref<2x10240x64xf32, #tpu.memory_space<hbm>> -> memref<1x10240x64xf32, #tpu.memory_space<hbm>>
    %dma_start3A_75 = tpu.memref_squeeze %dma_start3A_74 : memref<1x10240x64xf32, #tpu.memory_space<hbm>> -> memref<10240x64xf32, #tpu.memory_space<hbm>>
    %dma_start3A_76 = arith.constant 0 : i32
    %dma_start3A_77 = arith.constant 0 : i32
    %dma_start3A_78 = tpu.memref_slice %dma_start3A_75[%dma_start3A_76, %dma_start3A_77] : memref<10240x64xf32, #tpu.memory_space<hbm>> -> memref<10240x64xf32, #tpu.memory_space<hbm>>
    tpu.enqueue_indirect_dma source(%dma_start3A_78 : memref<10240x64xf32, #tpu.memory_space<hbm>>) target(%dma_start3A_68 : memref<64x64xf32, #tpu.memory_space<vmem>>) offsets(%dma_start3A_71 : memref<64xi32, #tpu.memory_space<vmem>>) semaphore(%arg11 : memref<!tpu.dma_semaphore, #tpu.memory_space<semaphore_mem>>)
    %dma_start3A_79 = arith.constant 3 : i32
    %dma_start3A_80 = arith.constant 3 : i32
    %dma_start3A_81 = arith.constant 0 : i32
    %dma_start3A_82 = arith.constant 0 : i32
    %dma_start3A_83 = tpu.memref_slice %arg9[%dma_start3A_80, %dma_start3A_81, %dma_start3A_82] : memref<10x64x64xf32, #tpu.memory_space<vmem>> -> memref<1x64x64xf32, #tpu.memory_space<vmem>>
    %dma_start3A_84 = tpu.memref_squeeze %dma_start3A_83 : memref<1x64x64xf32, #tpu.memory_space<vmem>> -> memref<64x64xf32, #tpu.memory_space<vmem>>
    %dma_start3A_85 = arith.constant 0 : i32
    %dma_start3A_86 = tpu.memref_slice %arg7[%dma_start3A_79, %dma_start3A_85] : memref<320x64xi32, #tpu.memory_space<vmem>> -> memref<1x64xi32, #tpu.memory_space<vmem>>
    %dma_start3A_87 = tpu.memref_squeeze %dma_start3A_86 : memref<1x64xi32, #tpu.memory_space<vmem>> -> memref<64xi32, #tpu.memory_space<vmem>>
    %dma_start3A_88 = arith.constant 0 : i32
    %dma_start3A_89 = arith.constant 0 : i32
    %dma_start3A_90 = tpu.memref_slice %arg2[%arg0, %dma_start3A_88, %dma_start3A_89] : memref<2x10240x64xf32, #tpu.memory_space<hbm>> -> memref<1x10240x64xf32, #tpu.memory_space<hbm>>
    %dma_start3A_91 = tpu.memref_squeeze %dma_start3A_90 : memref<1x10240x64xf32, #tpu.memory_space<hbm>> -> memref<10240x64xf32, #tpu.memory_space<hbm>>
    %dma_start3A_92 = arith.constant 0 : i32
    %dma_start3A_93 = arith.constant 0 : i32
    %dma_start3A_94 = tpu.memref_slice %dma_start3A_91[%dma_start3A_92, %dma_start3A_93] : memref<10240x64xf32, #tpu.memory_space<hbm>> -> memref<10240x64xf32, #tpu.memory_space<hbm>>
    tpu.enqueue_indirect_dma source(%dma_start3A_94 : memref<10240x64xf32, #tpu.memory_space<hbm>>) target(%dma_start3A_84 : memref<64x64xf32, #tpu.memory_space<vmem>>) offsets(%dma_start3A_87 : memref<64xi32, #tpu.memory_space<vmem>>) semaphore(%arg11 : memref<!tpu.dma_semaphore, #tpu.memory_space<semaphore_mem>>)
    %dma_start3A_95 = arith.constant 4 : i32
    %dma_start3A_96 = arith.constant 4 : i32
    %dma_start3A_97 = arith.constant 0 : i32
    %dma_start3A_98 = arith.constant 0 : i32
    %dma_start3A_99 = tpu.memref_slice %arg9[%dma_start3A_96, %dma_start3A_97, %dma_start3A_98] : memref<10x64x64xf32, #tpu.memory_space<vmem>> -> memref<1x64x64xf32, #tpu.memory_space<vmem>>
    %dma_start3A_100 = tpu.memref_squeeze %dma_start3A_99 : memref<1x64x64xf32, #tpu.memory_space<vmem>> -> memref<64x64xf32, #tpu.memory_space<vmem>>
    %dma_start3A_101 = arith.constant 0 : i32
    %dma_start3A_102 = tpu.memref_slice %arg7[%dma_start3A_95, %dma_start3A_101] : memref<320x64xi32, #tpu.memory_space<vmem>> -> memref<1x64xi32, #tpu.memory_space<vmem>>
    %dma_start3A_103 = tpu.memref_squeeze %dma_start3A_102 : memref<1x64xi32, #tpu.memory_space<vmem>> -> memref<64xi32, #tpu.memory_space<vmem>>
    %dma_start3A_104 = arith.constant 0 : i32
    %dma_start3A_105 = arith.constant 0 : i32
    %dma_start3A_106 = tpu.memref_slice %arg2[%arg0, %dma_start3A_104, %dma_start3A_105] : memref<2x10240x64xf32, #tpu.memory_space<hbm>> -> memref<1x10240x64xf32, #tpu.memory_space<hbm>>
    %dma_start3A_107 = tpu.memref_squeeze %dma_start3A_106 : memref<1x10240x64xf32, #tpu.memory_space<hbm>> -> memref<10240x64xf32, #tpu.memory_space<hbm>>
    %dma_start3A_108 = arith.constant 0 : i32
    %dma_start3A_109 = arith.constant 0 : i32
    %dma_start3A_110 = tpu.memref_slice %dma_start3A_107[%dma_start3A_108, %dma_start3A_109] : memref<10240x64xf32, #tpu.memory_space<hbm>> -> memref<10240x64xf32, #tpu.memory_space<hbm>>
    tpu.enqueue_indirect_dma source(%dma_start3A_110 : memref<10240x64xf32, #tpu.memory_space<hbm>>) target(%dma_start3A_100 : memref<64x64xf32, #tpu.memory_space<vmem>>) offsets(%dma_start3A_103 : memref<64xi32, #tpu.memory_space<vmem>>) semaphore(%arg11 : memref<!tpu.dma_semaphore, #tpu.memory_space<semaphore_mem>>)
    "tpu.region"() ({
      %run_scoped3A = tpu.sem_alloc : memref<!tpu.dma_semaphore, #tpu.memory_space<semaphore_mem>>
      %dma_start3A_177 = arith.constant 0 : i32
      %dma_start3A_178 = tpu.memref_slice %arg10[%mul3A_0, %dma_start3A_177] : memref<10240x64xf32, #tpu.memory_space<vmem_shared>> -> memref<640x64xf32, #tpu.memory_space<vmem_shared>>
      %dma_start3A_179 = arith.constant 0 : i32
      %dma_start3A_180 = tpu.memref_slice %arg5[%mul3A_0, %dma_start3A_179] : memref<10240x64xf32, #tpu.memory_space<hbm>> -> memref<640x64xf32, #tpu.memory_space<hbm>>
      tpu.enqueue_dma source(%dma_start3A_180 : memref<640x64xf32, #tpu.memory_space<hbm>>) target(%dma_start3A_178 : memref<640x64xf32, #tpu.memory_space<vmem_shared>>) target_semaphore(%run_scoped3A : memref<!tpu.dma_semaphore, #tpu.memory_space<semaphore_mem>>)
      %dma_wait3A_181 = arith.constant 0 : i32
      %dma_wait3A_182 = tpu.memref_slice %arg10[%mul3A_0, %dma_wait3A_181] : memref<10240x64xf32, #tpu.memory_space<vmem_shared>> -> memref<640x64xf32, #tpu.memory_space<vmem_shared>>
      %dma_wait3A_183 = arith.constant 0 : i32
      %dma_wait3A_184 = tpu.memref_slice %arg5[%mul3A_0, %dma_wait3A_183] : memref<10240x64xf32, #tpu.memory_space<hbm>> -> memref<640x64xf32, #tpu.memory_space<hbm>>
      tpu.wait_dma2 semaphore(%run_scoped3A : memref<!tpu.dma_semaphore, #tpu.memory_space<semaphore_mem>>) src(%dma_wait3A_184 : memref<640x64xf32, #tpu.memory_space<hbm>>) dst(%dma_wait3A_182 : memref<640x64xf32, #tpu.memory_space<vmem_shared>>)
      tpu.yield
    }) : () -> ()
    %barrier3A = arith.constant 0 : index
    tpu.barrier barrier_id(%barrier3A)
    %scan3A = arith.constant 0 : i32
    %scan3A_111 = arith.constant 0 : i32
    %scan3A_112 = arith.constant 32 : i32
    %scan3A_113 = arith.addi %scan3A_111, %scan3A_112 : i32
    %scan3A_114 = arith.constant 1 : i32
    scf.for %scan3A_177 = %scan3A_111 to %scan3A_113 step %scan3A_114  : i32 {
      %mul3A_178 = arith.constant 2 : i32
      %mul3A_179 = arith.muli %scan3A_177, %mul3A_178 : i32
      %mul3A_180 = arith.constant 5 : i32
      %mul3A_181 = arith.muli %mul3A_179, %mul3A_180 : i32
      %gt3A = arith.constant 0 : i32
      %gt3A_182 = arith.cmpi sgt, %scan3A_177, %gt3A : i32
      %convert_element_type3A = arith.extui %gt3A_182 : i1 to i32
      %cond3A = arith.constant 0 : i32
      %cond3A_183 = arith.cmpi ne, %convert_element_type3A, %cond3A : i32
      scf.if %cond3A_183 {
        %dma_wait3A_714 = arith.constant 5 : i32
        %dma_wait3A_715 = arith.constant 0 : i32
        %dma_wait3A_716 = arith.constant 0 : i32
        %dma_wait3A_717 = arith.constant 0 : i32
        %dma_wait3A_718 = tpu.memref_slice %arg9[%dma_wait3A_714, %dma_wait3A_716, %dma_wait3A_717] : memref<10x64x64xf32, #tpu.memory_space<vmem>> -> memref<1x64x64xf32, #tpu.memory_space<vmem>>
        %dma_wait3A_719 = tpu.memref_squeeze %dma_wait3A_718 : memref<1x64x64xf32, #tpu.memory_space<vmem>> -> memref<64x64xf32, #tpu.memory_space<vmem>>
        %dma_wait3A_720 = arith.constant 0 : i32
        %dma_wait3A_721 = tpu.memref_slice %arg8[%dma_wait3A_715, %dma_wait3A_720] : memref<320x64xi32, #tpu.memory_space<vmem>> -> memref<1x64xi32, #tpu.memory_space<vmem>>
        %dma_wait3A_722 = tpu.memref_squeeze %dma_wait3A_721 : memref<1x64xi32, #tpu.memory_space<vmem>> -> memref<64xi32, #tpu.memory_space<vmem>>
        %dma_wait3A_723 = arith.constant 0 : i32
        %dma_wait3A_724 = arith.constant 0 : i32
        %dma_wait3A_725 = tpu.memref_slice %arg10[%dma_wait3A_723, %dma_wait3A_724] : memref<10240x64xf32, #tpu.memory_space<vmem_shared>> -> memref<10240x64xf32, #tpu.memory_space<vmem_shared>>
        tpu.wait_indirect_dma semaphore(%arg14 : memref<!tpu.dma_semaphore, #tpu.memory_space<semaphore_mem>>) src(%dma_wait3A_719 : memref<64x64xf32, #tpu.memory_space<vmem>>) dst(%dma_wait3A_725 : memref<10240x64xf32, #tpu.memory_space<vmem_shared>>)
        %dma_wait3A_726 = arith.constant 6 : i32
        %dma_wait3A_727 = arith.constant 0 : i32
        %dma_wait3A_728 = arith.constant 0 : i32
        %dma_wait3A_729 = arith.constant 0 : i32
        %dma_wait3A_730 = tpu.memref_slice %arg9[%dma_wait3A_726, %dma_wait3A_728, %dma_wait3A_729] : memref<10x64x64xf32, #tpu.memory_space<vmem>> -> memref<1x64x64xf32, #tpu.memory_space<vmem>>
        %dma_wait3A_731 = tpu.memref_squeeze %dma_wait3A_730 : memref<1x64x64xf32, #tpu.memory_space<vmem>> -> memref<64x64xf32, #tpu.memory_space<vmem>>
        %dma_wait3A_732 = arith.constant 0 : i32
        %dma_wait3A_733 = tpu.memref_slice %arg8[%dma_wait3A_727, %dma_wait3A_732] : memref<320x64xi32, #tpu.memory_space<vmem>> -> memref<1x64xi32, #tpu.memory_space<vmem>>
        %dma_wait3A_734 = tpu.memref_squeeze %dma_wait3A_733 : memref<1x64xi32, #tpu.memory_space<vmem>> -> memref<64xi32, #tpu.memory_space<vmem>>
        %dma_wait3A_735 = arith.constant 0 : i32
        %dma_wait3A_736 = arith.constant 0 : i32
        %dma_wait3A_737 = tpu.memref_slice %arg10[%dma_wait3A_735, %dma_wait3A_736] : memref<10240x64xf32, #tpu.memory_space<vmem_shared>> -> memref<10240x64xf32, #tpu.memory_space<vmem_shared>>
        tpu.wait_indirect_dma semaphore(%arg14 : memref<!tpu.dma_semaphore, #tpu.memory_space<semaphore_mem>>) src(%dma_wait3A_731 : memref<64x64xf32, #tpu.memory_space<vmem>>) dst(%dma_wait3A_737 : memref<10240x64xf32, #tpu.memory_space<vmem_shared>>)
        %dma_wait3A_738 = arith.constant 7 : i32
        %dma_wait3A_739 = arith.constant 0 : i32
        %dma_wait3A_740 = arith.constant 0 : i32
        %dma_wait3A_741 = arith.constant 0 : i32
        %dma_wait3A_742 = tpu.memref_slice %arg9[%dma_wait3A_738, %dma_wait3A_740, %dma_wait3A_741] : memref<10x64x64xf32, #tpu.memory_space<vmem>> -> memref<1x64x64xf32, #tpu.memory_space<vmem>>
        %dma_wait3A_743 = tpu.memref_squeeze %dma_wait3A_742 : memref<1x64x64xf32, #tpu.memory_space<vmem>> -> memref<64x64xf32, #tpu.memory_space<vmem>>
        %dma_wait3A_744 = arith.constant 0 : i32
        %dma_wait3A_745 = tpu.memref_slice %arg8[%dma_wait3A_739, %dma_wait3A_744] : memref<320x64xi32, #tpu.memory_space<vmem>> -> memref<1x64xi32, #tpu.memory_space<vmem>>
        %dma_wait3A_746 = tpu.memref_squeeze %dma_wait3A_745 : memref<1x64xi32, #tpu.memory_space<vmem>> -> memref<64xi32, #tpu.memory_space<vmem>>
        %dma_wait3A_747 = arith.constant 0 : i32
        %dma_wait3A_748 = arith.constant 0 : i32
        %dma_wait3A_749 = tpu.memref_slice %arg10[%dma_wait3A_747, %dma_wait3A_748] : memref<10240x64xf32, #tpu.memory_space<vmem_shared>> -> memref<10240x64xf32, #tpu.memory_space<vmem_shared>>
        tpu.wait_indirect_dma semaphore(%arg14 : memref<!tpu.dma_semaphore, #tpu.memory_space<semaphore_mem>>) src(%dma_wait3A_743 : memref<64x64xf32, #tpu.memory_space<vmem>>) dst(%dma_wait3A_749 : memref<10240x64xf32, #tpu.memory_space<vmem_shared>>)
        %dma_wait3A_750 = arith.constant 8 : i32
        %dma_wait3A_751 = arith.constant 0 : i32
        %dma_wait3A_752 = arith.constant 0 : i32
        %dma_wait3A_753 = arith.constant 0 : i32
        %dma_wait3A_754 = tpu.memref_slice %arg9[%dma_wait3A_750, %dma_wait3A_752, %dma_wait3A_753] : memref<10x64x64xf32, #tpu.memory_space<vmem>> -> memref<1x64x64xf32, #tpu.memory_space<vmem>>
        %dma_wait3A_755 = tpu.memref_squeeze %dma_wait3A_754 : memref<1x64x64xf32, #tpu.memory_space<vmem>> -> memref<64x64xf32, #tpu.memory_space<vmem>>
        %dma_wait3A_756 = arith.constant 0 : i32
        %dma_wait3A_757 = tpu.memref_slice %arg8[%dma_wait3A_751, %dma_wait3A_756] : memref<320x64xi32, #tpu.memory_space<vmem>> -> memref<1x64xi32, #tpu.memory_space<vmem>>
        %dma_wait3A_758 = tpu.memref_squeeze %dma_wait3A_757 : memref<1x64xi32, #tpu.memory_space<vmem>> -> memref<64xi32, #tpu.memory_space<vmem>>
        %dma_wait3A_759 = arith.constant 0 : i32
        %dma_wait3A_760 = arith.constant 0 : i32
        %dma_wait3A_761 = tpu.memref_slice %arg10[%dma_wait3A_759, %dma_wait3A_760] : memref<10240x64xf32, #tpu.memory_space<vmem_shared>> -> memref<10240x64xf32, #tpu.memory_space<vmem_shared>>
        tpu.wait_indirect_dma semaphore(%arg14 : memref<!tpu.dma_semaphore, #tpu.memory_space<semaphore_mem>>) src(%dma_wait3A_755 : memref<64x64xf32, #tpu.memory_space<vmem>>) dst(%dma_wait3A_761 : memref<10240x64xf32, #tpu.memory_space<vmem_shared>>)
        %dma_wait3A_762 = arith.constant 9 : i32
        %dma_wait3A_763 = arith.constant 0 : i32
        %dma_wait3A_764 = arith.constant 0 : i32
        %dma_wait3A_765 = arith.constant 0 : i32
        %dma_wait3A_766 = tpu.memref_slice %arg9[%dma_wait3A_762, %dma_wait3A_764, %dma_wait3A_765] : memref<10x64x64xf32, #tpu.memory_space<vmem>> -> memref<1x64x64xf32, #tpu.memory_space<vmem>>
        %dma_wait3A_767 = tpu.memref_squeeze %dma_wait3A_766 : memref<1x64x64xf32, #tpu.memory_space<vmem>> -> memref<64x64xf32, #tpu.memory_space<vmem>>
        %dma_wait3A_768 = arith.constant 0 : i32
        %dma_wait3A_769 = tpu.memref_slice %arg8[%dma_wait3A_763, %dma_wait3A_768] : memref<320x64xi32, #tpu.memory_space<vmem>> -> memref<1x64xi32, #tpu.memory_space<vmem>>
        %dma_wait3A_770 = tpu.memref_squeeze %dma_wait3A_769 : memref<1x64xi32, #tpu.memory_space<vmem>> -> memref<64xi32, #tpu.memory_space<vmem>>
        %dma_wait3A_771 = arith.constant 0 : i32
        %dma_wait3A_772 = arith.constant 0 : i32
        %dma_wait3A_773 = tpu.memref_slice %arg10[%dma_wait3A_771, %dma_wait3A_772] : memref<10240x64xf32, #tpu.memory_space<vmem_shared>> -> memref<10240x64xf32, #tpu.memory_space<vmem_shared>>
        tpu.wait_indirect_dma semaphore(%arg14 : memref<!tpu.dma_semaphore, #tpu.memory_space<semaphore_mem>>) src(%dma_wait3A_767 : memref<64x64xf32, #tpu.memory_space<vmem>>) dst(%dma_wait3A_773 : memref<10240x64xf32, #tpu.memory_space<vmem_shared>>)
      } else {
      }
      %add3A = arith.constant 5 : i32
      %add3A_184 = arith.addi %mul3A_181, %add3A : i32
      %add3A_185 = arith.constant 0 : i32
      %add3A_186 = arith.addi %add3A_184, %add3A_185 : i32
      %dma_start3A_187 = arith.constant 5 : i32
      %dma_start3A_188 = arith.constant 0 : i32
      %dma_start3A_189 = arith.constant 0 : i32
      %dma_start3A_190 = tpu.memref_slice %arg9[%dma_start3A_187, %dma_start3A_188, %dma_start3A_189] : memref<10x64x64xf32, #tpu.memory_space<vmem>> -> memref<1x64x64xf32, #tpu.memory_space<vmem>>
      %dma_start3A_191 = tpu.memref_squeeze %dma_start3A_190 : memref<1x64x64xf32, #tpu.memory_space<vmem>> -> memref<64x64xf32, #tpu.memory_space<vmem>>
      %dma_start3A_192 = arith.constant 0 : i32
      %dma_start3A_193 = tpu.memref_slice %arg7[%add3A_186, %dma_start3A_192] : memref<320x64xi32, #tpu.memory_space<vmem>> -> memref<1x64xi32, #tpu.memory_space<vmem>>
      %dma_start3A_194 = tpu.memref_squeeze %dma_start3A_193 : memref<1x64xi32, #tpu.memory_space<vmem>> -> memref<64xi32, #tpu.memory_space<vmem>>
      %dma_start3A_195 = arith.constant 0 : i32
      %dma_start3A_196 = arith.constant 0 : i32
      %dma_start3A_197 = tpu.memref_slice %arg2[%arg0, %dma_start3A_195, %dma_start3A_196] : memref<2x10240x64xf32, #tpu.memory_space<hbm>> -> memref<1x10240x64xf32, #tpu.memory_space<hbm>>
      %dma_start3A_198 = tpu.memref_squeeze %dma_start3A_197 : memref<1x10240x64xf32, #tpu.memory_space<hbm>> -> memref<10240x64xf32, #tpu.memory_space<hbm>>
      %dma_start3A_199 = arith.constant 0 : i32
      %dma_start3A_200 = arith.constant 0 : i32
      %dma_start3A_201 = tpu.memref_slice %dma_start3A_198[%dma_start3A_199, %dma_start3A_200] : memref<10240x64xf32, #tpu.memory_space<hbm>> -> memref<10240x64xf32, #tpu.memory_space<hbm>>
      tpu.enqueue_indirect_dma source(%dma_start3A_201 : memref<10240x64xf32, #tpu.memory_space<hbm>>) target(%dma_start3A_191 : memref<64x64xf32, #tpu.memory_space<vmem>>) offsets(%dma_start3A_194 : memref<64xi32, #tpu.memory_space<vmem>>) semaphore(%arg12 : memref<!tpu.dma_semaphore, #tpu.memory_space<semaphore_mem>>)
      %add3A_202 = arith.constant 5 : i32
      %add3A_203 = arith.addi %mul3A_181, %add3A_202 : i32
      %add3A_204 = arith.constant 1 : i32
      %add3A_205 = arith.addi %add3A_203, %add3A_204 : i32
      %dma_start3A_206 = arith.constant 6 : i32
      %dma_start3A_207 = arith.constant 0 : i32
      %dma_start3A_208 = arith.constant 0 : i32
      %dma_start3A_209 = tpu.memref_slice %arg9[%dma_start3A_206, %dma_start3A_207, %dma_start3A_208] : memref<10x64x64xf32, #tpu.memory_space<vmem>> -> memref<1x64x64xf32, #tpu.memory_space<vmem>>
      %dma_start3A_210 = tpu.memref_squeeze %dma_start3A_209 : memref<1x64x64xf32, #tpu.memory_space<vmem>> -> memref<64x64xf32, #tpu.memory_space<vmem>>
      %dma_start3A_211 = arith.constant 0 : i32
      %dma_start3A_212 = tpu.memref_slice %arg7[%add3A_205, %dma_start3A_211] : memref<320x64xi32, #tpu.memory_space<vmem>> -> memref<1x64xi32, #tpu.memory_space<vmem>>
      %dma_start3A_213 = tpu.memref_squeeze %dma_start3A_212 : memref<1x64xi32, #tpu.memory_space<vmem>> -> memref<64xi32, #tpu.memory_space<vmem>>
      %dma_start3A_214 = arith.constant 0 : i32
      %dma_start3A_215 = arith.constant 0 : i32
      %dma_start3A_216 = tpu.memref_slice %arg2[%arg0, %dma_start3A_214, %dma_start3A_215] : memref<2x10240x64xf32, #tpu.memory_space<hbm>> -> memref<1x10240x64xf32, #tpu.memory_space<hbm>>
      %dma_start3A_217 = tpu.memref_squeeze %dma_start3A_216 : memref<1x10240x64xf32, #tpu.memory_space<hbm>> -> memref<10240x64xf32, #tpu.memory_space<hbm>>
      %dma_start3A_218 = arith.constant 0 : i32
      %dma_start3A_219 = arith.constant 0 : i32
      %dma_start3A_220 = tpu.memref_slice %dma_start3A_217[%dma_start3A_218, %dma_start3A_219] : memref<10240x64xf32, #tpu.memory_space<hbm>> -> memref<10240x64xf32, #tpu.memory_space<hbm>>
      tpu.enqueue_indirect_dma source(%dma_start3A_220 : memref<10240x64xf32, #tpu.memory_space<hbm>>) target(%dma_start3A_210 : memref<64x64xf32, #tpu.memory_space<vmem>>) offsets(%dma_start3A_213 : memref<64xi32, #tpu.memory_space<vmem>>) semaphore(%arg12 : memref<!tpu.dma_semaphore, #tpu.memory_space<semaphore_mem>>)
      %add3A_221 = arith.constant 5 : i32
      %add3A_222 = arith.addi %mul3A_181, %add3A_221 : i32
      %add3A_223 = arith.constant 2 : i32
      %add3A_224 = arith.addi %add3A_222, %add3A_223 : i32
      %dma_start3A_225 = arith.constant 7 : i32
      %dma_start3A_226 = arith.constant 0 : i32
      %dma_start3A_227 = arith.constant 0 : i32
      %dma_start3A_228 = tpu.memref_slice %arg9[%dma_start3A_225, %dma_start3A_226, %dma_start3A_227] : memref<10x64x64xf32, #tpu.memory_space<vmem>> -> memref<1x64x64xf32, #tpu.memory_space<vmem>>
      %dma_start3A_229 = tpu.memref_squeeze %dma_start3A_228 : memref<1x64x64xf32, #tpu.memory_space<vmem>> -> memref<64x64xf32, #tpu.memory_space<vmem>>
      %dma_start3A_230 = arith.constant 0 : i32
      %dma_start3A_231 = tpu.memref_slice %arg7[%add3A_224, %dma_start3A_230] : memref<320x64xi32, #tpu.memory_space<vmem>> -> memref<1x64xi32, #tpu.memory_space<vmem>>
      %dma_start3A_232 = tpu.memref_squeeze %dma_start3A_231 : memref<1x64xi32, #tpu.memory_space<vmem>> -> memref<64xi32, #tpu.memory_space<vmem>>
      %dma_start3A_233 = arith.constant 0 : i32
      %dma_start3A_234 = arith.constant 0 : i32
      %dma_start3A_235 = tpu.memref_slice %arg2[%arg0, %dma_start3A_233, %dma_start3A_234] : memref<2x10240x64xf32, #tpu.memory_space<hbm>> -> memref<1x10240x64xf32, #tpu.memory_space<hbm>>
      %dma_start3A_236 = tpu.memref_squeeze %dma_start3A_235 : memref<1x10240x64xf32, #tpu.memory_space<hbm>> -> memref<10240x64xf32, #tpu.memory_space<hbm>>
      %dma_start3A_237 = arith.constant 0 : i32
      %dma_start3A_238 = arith.constant 0 : i32
      %dma_start3A_239 = tpu.memref_slice %dma_start3A_236[%dma_start3A_237, %dma_start3A_238] : memref<10240x64xf32, #tpu.memory_space<hbm>> -> memref<10240x64xf32, #tpu.memory_space<hbm>>
      tpu.enqueue_indirect_dma source(%dma_start3A_239 : memref<10240x64xf32, #tpu.memory_space<hbm>>) target(%dma_start3A_229 : memref<64x64xf32, #tpu.memory_space<vmem>>) offsets(%dma_start3A_232 : memref<64xi32, #tpu.memory_space<vmem>>) semaphore(%arg12 : memref<!tpu.dma_semaphore, #tpu.memory_space<semaphore_mem>>)
      %add3A_240 = arith.constant 5 : i32
      %add3A_241 = arith.addi %mul3A_181, %add3A_240 : i32
      %add3A_242 = arith.constant 3 : i32
      %add3A_243 = arith.addi %add3A_241, %add3A_242 : i32
      %dma_start3A_244 = arith.constant 8 : i32
      %dma_start3A_245 = arith.constant 0 : i32
      %dma_start3A_246 = arith.constant 0 : i32
      %dma_start3A_247 = tpu.memref_slice %arg9[%dma_start3A_244, %dma_start3A_245, %dma_start3A_246] : memref<10x64x64xf32, #tpu.memory_space<vmem>> -> memref<1x64x64xf32, #tpu.memory_space<vmem>>
      %dma_start3A_248 = tpu.memref_squeeze %dma_start3A_247 : memref<1x64x64xf32, #tpu.memory_space<vmem>> -> memref<64x64xf32, #tpu.memory_space<vmem>>
      %dma_start3A_249 = arith.constant 0 : i32
      %dma_start3A_250 = tpu.memref_slice %arg7[%add3A_243, %dma_start3A_249] : memref<320x64xi32, #tpu.memory_space<vmem>> -> memref<1x64xi32, #tpu.memory_space<vmem>>
      %dma_start3A_251 = tpu.memref_squeeze %dma_start3A_250 : memref<1x64xi32, #tpu.memory_space<vmem>> -> memref<64xi32, #tpu.memory_space<vmem>>
      %dma_start3A_252 = arith.constant 0 : i32
      %dma_start3A_253 = arith.constant 0 : i32
      %dma_start3A_254 = tpu.memref_slice %arg2[%arg0, %dma_start3A_252, %dma_start3A_253] : memref<2x10240x64xf32, #tpu.memory_space<hbm>> -> memref<1x10240x64xf32, #tpu.memory_space<hbm>>
      %dma_start3A_255 = tpu.memref_squeeze %dma_start3A_254 : memref<1x10240x64xf32, #tpu.memory_space<hbm>> -> memref<10240x64xf32, #tpu.memory_space<hbm>>
      %dma_start3A_256 = arith.constant 0 : i32
      %dma_start3A_257 = arith.constant 0 : i32
      %dma_start3A_258 = tpu.memref_slice %dma_start3A_255[%dma_start3A_256, %dma_start3A_257] : memref<10240x64xf32, #tpu.memory_space<hbm>> -> memref<10240x64xf32, #tpu.memory_space<hbm>>
      tpu.enqueue_indirect_dma source(%dma_start3A_258 : memref<10240x64xf32, #tpu.memory_space<hbm>>) target(%dma_start3A_248 : memref<64x64xf32, #tpu.memory_space<vmem>>) offsets(%dma_start3A_251 : memref<64xi32, #tpu.memory_space<vmem>>) semaphore(%arg12 : memref<!tpu.dma_semaphore, #tpu.memory_space<semaphore_mem>>)
      %add3A_259 = arith.constant 5 : i32
      %add3A_260 = arith.addi %mul3A_181, %add3A_259 : i32
      %add3A_261 = arith.constant 4 : i32
      %add3A_262 = arith.addi %add3A_260, %add3A_261 : i32
      %dma_start3A_263 = arith.constant 9 : i32
      %dma_start3A_264 = arith.constant 0 : i32
      %dma_start3A_265 = arith.constant 0 : i32
      %dma_start3A_266 = tpu.memref_slice %arg9[%dma_start3A_263, %dma_start3A_264, %dma_start3A_265] : memref<10x64x64xf32, #tpu.memory_space<vmem>> -> memref<1x64x64xf32, #tpu.memory_space<vmem>>
      %dma_start3A_267 = tpu.memref_squeeze %dma_start3A_266 : memref<1x64x64xf32, #tpu.memory_space<vmem>> -> memref<64x64xf32, #tpu.memory_space<vmem>>
      %dma_start3A_268 = arith.constant 0 : i32
      %dma_start3A_269 = tpu.memref_slice %arg7[%add3A_262, %dma_start3A_268] : memref<320x64xi32, #tpu.memory_space<vmem>> -> memref<1x64xi32, #tpu.memory_space<vmem>>
      %dma_start3A_270 = tpu.memref_squeeze %dma_start3A_269 : memref<1x64xi32, #tpu.memory_space<vmem>> -> memref<64xi32, #tpu.memory_space<vmem>>
      %dma_start3A_271 = arith.constant 0 : i32
      %dma_start3A_272 = arith.constant 0 : i32
      %dma_start3A_273 = tpu.memref_slice %arg2[%arg0, %dma_start3A_271, %dma_start3A_272] : memref<2x10240x64xf32, #tpu.memory_space<hbm>> -> memref<1x10240x64xf32, #tpu.memory_space<hbm>>
      %dma_start3A_274 = tpu.memref_squeeze %dma_start3A_273 : memref<1x10240x64xf32, #tpu.memory_space<hbm>> -> memref<10240x64xf32, #tpu.memory_space<hbm>>
      %dma_start3A_275 = arith.constant 0 : i32
      %dma_start3A_276 = arith.constant 0 : i32
      %dma_start3A_277 = tpu.memref_slice %dma_start3A_274[%dma_start3A_275, %dma_start3A_276] : memref<10240x64xf32, #tpu.memory_space<hbm>> -> memref<10240x64xf32, #tpu.memory_space<hbm>>
      tpu.enqueue_indirect_dma source(%dma_start3A_277 : memref<10240x64xf32, #tpu.memory_space<hbm>>) target(%dma_start3A_267 : memref<64x64xf32, #tpu.memory_space<vmem>>) offsets(%dma_start3A_270 : memref<64xi32, #tpu.memory_space<vmem>>) semaphore(%arg12 : memref<!tpu.dma_semaphore, #tpu.memory_space<semaphore_mem>>)
      %dma_wait3A_278 = arith.constant 0 : i32
      %dma_wait3A_279 = arith.constant 0 : i32
      %dma_wait3A_280 = arith.constant 0 : i32
      %dma_wait3A_281 = tpu.memref_slice %arg9[%dma_wait3A_278, %dma_wait3A_279, %dma_wait3A_280] : memref<10x64x64xf32, #tpu.memory_space<vmem>> -> memref<1x64x64xf32, #tpu.memory_space<vmem>>
      %dma_wait3A_282 = tpu.memref_squeeze %dma_wait3A_281 : memref<1x64x64xf32, #tpu.memory_space<vmem>> -> memref<64x64xf32, #tpu.memory_space<vmem>>
      %dma_wait3A_283 = arith.constant 0 : i32
      %dma_wait3A_284 = arith.constant 0 : i32
      %dma_wait3A_285 = tpu.memref_slice %arg2[%arg0, %dma_wait3A_283, %dma_wait3A_284] : memref<2x10240x64xf32, #tpu.memory_space<hbm>> -> memref<1x10240x64xf32, #tpu.memory_space<hbm>>
      %dma_wait3A_286 = tpu.memref_squeeze %dma_wait3A_285 : memref<1x10240x64xf32, #tpu.memory_space<hbm>> -> memref<10240x64xf32, #tpu.memory_space<hbm>>
      %dma_wait3A_287 = arith.constant 0 : i32
      %dma_wait3A_288 = arith.constant 0 : i32
      %dma_wait3A_289 = tpu.memref_slice %dma_wait3A_286[%dma_wait3A_287, %dma_wait3A_288] : memref<10240x64xf32, #tpu.memory_space<hbm>> -> memref<64x64xf32, #tpu.memory_space<hbm>>
      %dma_wait3A_290 = arith.constant 0 : i32
      %dma_wait3A_291 = arith.constant 0 : i32
      %dma_wait3A_292 = tpu.memref_slice %arg9[%dma_wait3A_278, %dma_wait3A_290, %dma_wait3A_291] : memref<10x64x64xf32, #tpu.memory_space<vmem>> -> memref<1x64x64xf32, #tpu.memory_space<vmem>>
      %dma_wait3A_293 = tpu.memref_squeeze %dma_wait3A_292 : memref<1x64x64xf32, #tpu.memory_space<vmem>> -> memref<64x64xf32, #tpu.memory_space<vmem>>
      %dma_wait3A_294 = arith.constant 0 : i32
      %dma_wait3A_295 = arith.constant 0 : i32
      %dma_wait3A_296 = tpu.memref_slice %arg2[%arg0, %dma_wait3A_294, %dma_wait3A_295] : memref<2x10240x64xf32, #tpu.memory_space<hbm>> -> memref<1x10240x64xf32, #tpu.memory_space<hbm>>
      %dma_wait3A_297 = tpu.memref_squeeze %dma_wait3A_296 : memref<1x10240x64xf32, #tpu.memory_space<hbm>> -> memref<10240x64xf32, #tpu.memory_space<hbm>>
      %dma_wait3A_298 = arith.constant 0 : i32
      %dma_wait3A_299 = arith.constant 0 : i32
      %dma_wait3A_300 = tpu.memref_slice %dma_wait3A_297[%dma_wait3A_298, %dma_wait3A_299] : memref<10240x64xf32, #tpu.memory_space<hbm>> -> memref<64x64xf32, #tpu.memory_space<hbm>>
      tpu.wait_dma2 semaphore(%arg11 : memref<!tpu.dma_semaphore, #tpu.memory_space<semaphore_mem>>) src(%dma_wait3A_300 : memref<64x64xf32, #tpu.memory_space<hbm>>) dst(%dma_wait3A_293 : memref<64x64xf32, #tpu.memory_space<vmem>>)
      %dma_wait3A_301 = arith.constant 1 : i32
      %dma_wait3A_302 = arith.constant 0 : i32
      %dma_wait3A_303 = arith.constant 0 : i32
      %dma_wait3A_304 = tpu.memref_slice %arg9[%dma_wait3A_301, %dma_wait3A_302, %dma_wait3A_303] : memref<10x64x64xf32, #tpu.memory_space<vmem>> -> memref<1x64x64xf32, #tpu.memory_space<vmem>>
      %dma_wait3A_305 = tpu.memref_squeeze %dma_wait3A_304 : memref<1x64x64xf32, #tpu.memory_space<vmem>> -> memref<64x64xf32, #tpu.memory_space<vmem>>
      %dma_wait3A_306 = arith.constant 0 : i32
      %dma_wait3A_307 = arith.constant 0 : i32
      %dma_wait3A_308 = tpu.memref_slice %arg2[%arg0, %dma_wait3A_306, %dma_wait3A_307] : memref<2x10240x64xf32, #tpu.memory_space<hbm>> -> memref<1x10240x64xf32, #tpu.memory_space<hbm>>
      %dma_wait3A_309 = tpu.memref_squeeze %dma_wait3A_308 : memref<1x10240x64xf32, #tpu.memory_space<hbm>> -> memref<10240x64xf32, #tpu.memory_space<hbm>>
      %dma_wait3A_310 = arith.constant 0 : i32
      %dma_wait3A_311 = arith.constant 0 : i32
      %dma_wait3A_312 = tpu.memref_slice %dma_wait3A_309[%dma_wait3A_310, %dma_wait3A_311] : memref<10240x64xf32, #tpu.memory_space<hbm>> -> memref<64x64xf32, #tpu.memory_space<hbm>>
      %dma_wait3A_313 = arith.constant 0 : i32
      %dma_wait3A_314 = arith.constant 0 : i32
      %dma_wait3A_315 = tpu.memref_slice %arg9[%dma_wait3A_301, %dma_wait3A_313, %dma_wait3A_314] : memref<10x64x64xf32, #tpu.memory_space<vmem>> -> memref<1x64x64xf32, #tpu.memory_space<vmem>>
      %dma_wait3A_316 = tpu.memref_squeeze %dma_wait3A_315 : memref<1x64x64xf32, #tpu.memory_space<vmem>> -> memref<64x64xf32, #tpu.memory_space<vmem>>
      %dma_wait3A_317 = arith.constant 0 : i32
      %dma_wait3A_318 = arith.constant 0 : i32
      %dma_wait3A_319 = tpu.memref_slice %arg2[%arg0, %dma_wait3A_317, %dma_wait3A_318] : memref<2x10240x64xf32, #tpu.memory_space<hbm>> -> memref<1x10240x64xf32, #tpu.memory_space<hbm>>
      %dma_wait3A_320 = tpu.memref_squeeze %dma_wait3A_319 : memref<1x10240x64xf32, #tpu.memory_space<hbm>> -> memref<10240x64xf32, #tpu.memory_space<hbm>>
      %dma_wait3A_321 = arith.constant 0 : i32
      %dma_wait3A_322 = arith.constant 0 : i32
      %dma_wait3A_323 = tpu.memref_slice %dma_wait3A_320[%dma_wait3A_321, %dma_wait3A_322] : memref<10240x64xf32, #tpu.memory_space<hbm>> -> memref<64x64xf32, #tpu.memory_space<hbm>>
      tpu.wait_dma2 semaphore(%arg11 : memref<!tpu.dma_semaphore, #tpu.memory_space<semaphore_mem>>) src(%dma_wait3A_323 : memref<64x64xf32, #tpu.memory_space<hbm>>) dst(%dma_wait3A_316 : memref<64x64xf32, #tpu.memory_space<vmem>>)
      %dma_wait3A_324 = arith.constant 2 : i32
      %dma_wait3A_325 = arith.constant 0 : i32
      %dma_wait3A_326 = arith.constant 0 : i32
      %dma_wait3A_327 = tpu.memref_slice %arg9[%dma_wait3A_324, %dma_wait3A_325, %dma_wait3A_326] : memref<10x64x64xf32, #tpu.memory_space<vmem>> -> memref<1x64x64xf32, #tpu.memory_space<vmem>>
      %dma_wait3A_328 = tpu.memref_squeeze %dma_wait3A_327 : memref<1x64x64xf32, #tpu.memory_space<vmem>> -> memref<64x64xf32, #tpu.memory_space<vmem>>
      %dma_wait3A_329 = arith.constant 0 : i32
      %dma_wait3A_330 = arith.constant 0 : i32
      %dma_wait3A_331 = tpu.memref_slice %arg2[%arg0, %dma_wait3A_329, %dma_wait3A_330] : memref<2x10240x64xf32, #tpu.memory_space<hbm>> -> memref<1x10240x64xf32, #tpu.memory_space<hbm>>
      %dma_wait3A_332 = tpu.memref_squeeze %dma_wait3A_331 : memref<1x10240x64xf32, #tpu.memory_space<hbm>> -> memref<10240x64xf32, #tpu.memory_space<hbm>>
      %dma_wait3A_333 = arith.constant 0 : i32
      %dma_wait3A_334 = arith.constant 0 : i32
      %dma_wait3A_335 = tpu.memref_slice %dma_wait3A_332[%dma_wait3A_333, %dma_wait3A_334] : memref<10240x64xf32, #tpu.memory_space<hbm>> -> memref<64x64xf32, #tpu.memory_space<hbm>>
      %dma_wait3A_336 = arith.constant 0 : i32
      %dma_wait3A_337 = arith.constant 0 : i32
      %dma_wait3A_338 = tpu.memref_slice %arg9[%dma_wait3A_324, %dma_wait3A_336, %dma_wait3A_337] : memref<10x64x64xf32, #tpu.memory_space<vmem>> -> memref<1x64x64xf32, #tpu.memory_space<vmem>>
      %dma_wait3A_339 = tpu.memref_squeeze %dma_wait3A_338 : memref<1x64x64xf32, #tpu.memory_space<vmem>> -> memref<64x64xf32, #tpu.memory_space<vmem>>
      %dma_wait3A_340 = arith.constant 0 : i32
      %dma_wait3A_341 = arith.constant 0 : i32
      %dma_wait3A_342 = tpu.memref_slice %arg2[%arg0, %dma_wait3A_340, %dma_wait3A_341] : memref<2x10240x64xf32, #tpu.memory_space<hbm>> -> memref<1x10240x64xf32, #tpu.memory_space<hbm>>
      %dma_wait3A_343 = tpu.memref_squeeze %dma_wait3A_342 : memref<1x10240x64xf32, #tpu.memory_space<hbm>> -> memref<10240x64xf32, #tpu.memory_space<hbm>>
      %dma_wait3A_344 = arith.constant 0 : i32
      %dma_wait3A_345 = arith.constant 0 : i32
      %dma_wait3A_346 = tpu.memref_slice %dma_wait3A_343[%dma_wait3A_344, %dma_wait3A_345] : memref<10240x64xf32, #tpu.memory_space<hbm>> -> memref<64x64xf32, #tpu.memory_space<hbm>>
      tpu.wait_dma2 semaphore(%arg11 : memref<!tpu.dma_semaphore, #tpu.memory_space<semaphore_mem>>) src(%dma_wait3A_346 : memref<64x64xf32, #tpu.memory_space<hbm>>) dst(%dma_wait3A_339 : memref<64x64xf32, #tpu.memory_space<vmem>>)
      %dma_wait3A_347 = arith.constant 3 : i32
      %dma_wait3A_348 = arith.constant 0 : i32
      %dma_wait3A_349 = arith.constant 0 : i32
      %dma_wait3A_350 = tpu.memref_slice %arg9[%dma_wait3A_347, %dma_wait3A_348, %dma_wait3A_349] : memref<10x64x64xf32, #tpu.memory_space<vmem>> -> memref<1x64x64xf32, #tpu.memory_space<vmem>>
      %dma_wait3A_351 = tpu.memref_squeeze %dma_wait3A_350 : memref<1x64x64xf32, #tpu.memory_space<vmem>> -> memref<64x64xf32, #tpu.memory_space<vmem>>
      %dma_wait3A_352 = arith.constant 0 : i32
      %dma_wait3A_353 = arith.constant 0 : i32
      %dma_wait3A_354 = tpu.memref_slice %arg2[%arg0, %dma_wait3A_352, %dma_wait3A_353] : memref<2x10240x64xf32, #tpu.memory_space<hbm>> -> memref<1x10240x64xf32, #tpu.memory_space<hbm>>
      %dma_wait3A_355 = tpu.memref_squeeze %dma_wait3A_354 : memref<1x10240x64xf32, #tpu.memory_space<hbm>> -> memref<10240x64xf32, #tpu.memory_space<hbm>>
      %dma_wait3A_356 = arith.constant 0 : i32
      %dma_wait3A_357 = arith.constant 0 : i32
      %dma_wait3A_358 = tpu.memref_slice %dma_wait3A_355[%dma_wait3A_356, %dma_wait3A_357] : memref<10240x64xf32, #tpu.memory_space<hbm>> -> memref<64x64xf32, #tpu.memory_space<hbm>>
      %dma_wait3A_359 = arith.constant 0 : i32
      %dma_wait3A_360 = arith.constant 0 : i32
      %dma_wait3A_361 = tpu.memref_slice %arg9[%dma_wait3A_347, %dma_wait3A_359, %dma_wait3A_360] : memref<10x64x64xf32, #tpu.memory_space<vmem>> -> memref<1x64x64xf32, #tpu.memory_space<vmem>>
      %dma_wait3A_362 = tpu.memref_squeeze %dma_wait3A_361 : memref<1x64x64xf32, #tpu.memory_space<vmem>> -> memref<64x64xf32, #tpu.memory_space<vmem>>
      %dma_wait3A_363 = arith.constant 0 : i32
      %dma_wait3A_364 = arith.constant 0 : i32
      %dma_wait3A_365 = tpu.memref_slice %arg2[%arg0, %dma_wait3A_363, %dma_wait3A_364] : memref<2x10240x64xf32, #tpu.memory_space<hbm>> -> memref<1x10240x64xf32, #tpu.memory_space<hbm>>
      %dma_wait3A_366 = tpu.memref_squeeze %dma_wait3A_365 : memref<1x10240x64xf32, #tpu.memory_space<hbm>> -> memref<10240x64xf32, #tpu.memory_space<hbm>>
      %dma_wait3A_367 = arith.constant 0 : i32
      %dma_wait3A_368 = arith.constant 0 : i32
      %dma_wait3A_369 = tpu.memref_slice %dma_wait3A_366[%dma_wait3A_367, %dma_wait3A_368] : memref<10240x64xf32, #tpu.memory_space<hbm>> -> memref<64x64xf32, #tpu.memory_space<hbm>>
      tpu.wait_dma2 semaphore(%arg11 : memref<!tpu.dma_semaphore, #tpu.memory_space<semaphore_mem>>) src(%dma_wait3A_369 : memref<64x64xf32, #tpu.memory_space<hbm>>) dst(%dma_wait3A_362 : memref<64x64xf32, #tpu.memory_space<vmem>>)
      %dma_wait3A_370 = arith.constant 4 : i32
      %dma_wait3A_371 = arith.constant 0 : i32
      %dma_wait3A_372 = arith.constant 0 : i32
      %dma_wait3A_373 = tpu.memref_slice %arg9[%dma_wait3A_370, %dma_wait3A_371, %dma_wait3A_372] : memref<10x64x64xf32, #tpu.memory_space<vmem>> -> memref<1x64x64xf32, #tpu.memory_space<vmem>>
      %dma_wait3A_374 = tpu.memref_squeeze %dma_wait3A_373 : memref<1x64x64xf32, #tpu.memory_space<vmem>> -> memref<64x64xf32, #tpu.memory_space<vmem>>
      %dma_wait3A_375 = arith.constant 0 : i32
      %dma_wait3A_376 = arith.constant 0 : i32
      %dma_wait3A_377 = tpu.memref_slice %arg2[%arg0, %dma_wait3A_375, %dma_wait3A_376] : memref<2x10240x64xf32, #tpu.memory_space<hbm>> -> memref<1x10240x64xf32, #tpu.memory_space<hbm>>
      %dma_wait3A_378 = tpu.memref_squeeze %dma_wait3A_377 : memref<1x10240x64xf32, #tpu.memory_space<hbm>> -> memref<10240x64xf32, #tpu.memory_space<hbm>>
      %dma_wait3A_379 = arith.constant 0 : i32
      %dma_wait3A_380 = arith.constant 0 : i32
      %dma_wait3A_381 = tpu.memref_slice %dma_wait3A_378[%dma_wait3A_379, %dma_wait3A_380] : memref<10240x64xf32, #tpu.memory_space<hbm>> -> memref<64x64xf32, #tpu.memory_space<hbm>>
      %dma_wait3A_382 = arith.constant 0 : i32
      %dma_wait3A_383 = arith.constant 0 : i32
      %dma_wait3A_384 = tpu.memref_slice %arg9[%dma_wait3A_370, %dma_wait3A_382, %dma_wait3A_383] : memref<10x64x64xf32, #tpu.memory_space<vmem>> -> memref<1x64x64xf32, #tpu.memory_space<vmem>>
      %dma_wait3A_385 = tpu.memref_squeeze %dma_wait3A_384 : memref<1x64x64xf32, #tpu.memory_space<vmem>> -> memref<64x64xf32, #tpu.memory_space<vmem>>
      %dma_wait3A_386 = arith.constant 0 : i32
      %dma_wait3A_387 = arith.constant 0 : i32
      %dma_wait3A_388 = tpu.memref_slice %arg2[%arg0, %dma_wait3A_386, %dma_wait3A_387] : memref<2x10240x64xf32, #tpu.memory_space<hbm>> -> memref<1x10240x64xf32, #tpu.memory_space<hbm>>
      %dma_wait3A_389 = tpu.memref_squeeze %dma_wait3A_388 : memref<1x10240x64xf32, #tpu.memory_space<hbm>> -> memref<10240x64xf32, #tpu.memory_space<hbm>>
      %dma_wait3A_390 = arith.constant 0 : i32
      %dma_wait3A_391 = arith.constant 0 : i32
      %dma_wait3A_392 = tpu.memref_slice %dma_wait3A_389[%dma_wait3A_390, %dma_wait3A_391] : memref<10240x64xf32, #tpu.memory_space<hbm>> -> memref<64x64xf32, #tpu.memory_space<hbm>>
      tpu.wait_dma2 semaphore(%arg11 : memref<!tpu.dma_semaphore, #tpu.memory_space<semaphore_mem>>) src(%dma_wait3A_392 : memref<64x64xf32, #tpu.memory_space<hbm>>) dst(%dma_wait3A_385 : memref<64x64xf32, #tpu.memory_space<vmem>>)
      %add3A_393 = arith.constant 0 : i32
      %add3A_394 = arith.addi %mul3A_181, %add3A_393 : i32
      %dma_start3A_395 = arith.constant 0 : i32
      %dma_start3A_396 = arith.constant 0 : i32
      %dma_start3A_397 = arith.constant 0 : i32
      %dma_start3A_398 = tpu.memref_slice %arg9[%dma_start3A_395, %dma_start3A_396, %dma_start3A_397] : memref<10x64x64xf32, #tpu.memory_space<vmem>> -> memref<1x64x64xf32, #tpu.memory_space<vmem>>
      %dma_start3A_399 = tpu.memref_squeeze %dma_start3A_398 : memref<1x64x64xf32, #tpu.memory_space<vmem>> -> memref<64x64xf32, #tpu.memory_space<vmem>>
      %dma_start3A_400 = arith.constant 0 : i32
      %dma_start3A_401 = tpu.memref_slice %arg8[%add3A_394, %dma_start3A_400] : memref<320x64xi32, #tpu.memory_space<vmem>> -> memref<1x64xi32, #tpu.memory_space<vmem>>
      %dma_start3A_402 = tpu.memref_squeeze %dma_start3A_401 : memref<1x64xi32, #tpu.memory_space<vmem>> -> memref<64xi32, #tpu.memory_space<vmem>>
      %dma_start3A_403 = arith.constant 0 : i32
      %dma_start3A_404 = arith.constant 0 : i32
      %dma_start3A_405 = tpu.memref_slice %arg10[%dma_start3A_403, %dma_start3A_404] : memref<10240x64xf32, #tpu.memory_space<vmem_shared>> -> memref<10240x64xf32, #tpu.memory_space<vmem_shared>>
      tpu.enqueue_indirect_dma source(%dma_start3A_399 : memref<64x64xf32, #tpu.memory_space<vmem>>) target(%dma_start3A_405 : memref<10240x64xf32, #tpu.memory_space<vmem_shared>>) offsets(%dma_start3A_402 : memref<64xi32, #tpu.memory_space<vmem>>) semaphore(%arg13 : memref<!tpu.dma_semaphore, #tpu.memory_space<semaphore_mem>>) {add = true}
      %add3A_406 = arith.constant 1 : i32
      %add3A_407 = arith.addi %mul3A_181, %add3A_406 : i32
      %dma_start3A_408 = arith.constant 1 : i32
      %dma_start3A_409 = arith.constant 0 : i32
      %dma_start3A_410 = arith.constant 0 : i32
      %dma_start3A_411 = tpu.memref_slice %arg9[%dma_start3A_408, %dma_start3A_409, %dma_start3A_410] : memref<10x64x64xf32, #tpu.memory_space<vmem>> -> memref<1x64x64xf32, #tpu.memory_space<vmem>>
      %dma_start3A_412 = tpu.memref_squeeze %dma_start3A_411 : memref<1x64x64xf32, #tpu.memory_space<vmem>> -> memref<64x64xf32, #tpu.memory_space<vmem>>
      %dma_start3A_413 = arith.constant 0 : i32
      %dma_start3A_414 = tpu.memref_slice %arg8[%add3A_407, %dma_start3A_413] : memref<320x64xi32, #tpu.memory_space<vmem>> -> memref<1x64xi32, #tpu.memory_space<vmem>>
      %dma_start3A_415 = tpu.memref_squeeze %dma_start3A_414 : memref<1x64xi32, #tpu.memory_space<vmem>> -> memref<64xi32, #tpu.memory_space<vmem>>
      %dma_start3A_416 = arith.constant 0 : i32
      %dma_start3A_417 = arith.constant 0 : i32
      %dma_start3A_418 = tpu.memref_slice %arg10[%dma_start3A_416, %dma_start3A_417] : memref<10240x64xf32, #tpu.memory_space<vmem_shared>> -> memref<10240x64xf32, #tpu.memory_space<vmem_shared>>
      tpu.enqueue_indirect_dma source(%dma_start3A_412 : memref<64x64xf32, #tpu.memory_space<vmem>>) target(%dma_start3A_418 : memref<10240x64xf32, #tpu.memory_space<vmem_shared>>) offsets(%dma_start3A_415 : memref<64xi32, #tpu.memory_space<vmem>>) semaphore(%arg13 : memref<!tpu.dma_semaphore, #tpu.memory_space<semaphore_mem>>) {add = true}
      %add3A_419 = arith.constant 2 : i32
      %add3A_420 = arith.addi %mul3A_181, %add3A_419 : i32
      %dma_start3A_421 = arith.constant 2 : i32
      %dma_start3A_422 = arith.constant 0 : i32
      %dma_start3A_423 = arith.constant 0 : i32
      %dma_start3A_424 = tpu.memref_slice %arg9[%dma_start3A_421, %dma_start3A_422, %dma_start3A_423] : memref<10x64x64xf32, #tpu.memory_space<vmem>> -> memref<1x64x64xf32, #tpu.memory_space<vmem>>
      %dma_start3A_425 = tpu.memref_squeeze %dma_start3A_424 : memref<1x64x64xf32, #tpu.memory_space<vmem>> -> memref<64x64xf32, #tpu.memory_space<vmem>>
      %dma_start3A_426 = arith.constant 0 : i32
      %dma_start3A_427 = tpu.memref_slice %arg8[%add3A_420, %dma_start3A_426] : memref<320x64xi32, #tpu.memory_space<vmem>> -> memref<1x64xi32, #tpu.memory_space<vmem>>
      %dma_start3A_428 = tpu.memref_squeeze %dma_start3A_427 : memref<1x64xi32, #tpu.memory_space<vmem>> -> memref<64xi32, #tpu.memory_space<vmem>>
      %dma_start3A_429 = arith.constant 0 : i32
      %dma_start3A_430 = arith.constant 0 : i32
      %dma_start3A_431 = tpu.memref_slice %arg10[%dma_start3A_429, %dma_start3A_430] : memref<10240x64xf32, #tpu.memory_space<vmem_shared>> -> memref<10240x64xf32, #tpu.memory_space<vmem_shared>>
      tpu.enqueue_indirect_dma source(%dma_start3A_425 : memref<64x64xf32, #tpu.memory_space<vmem>>) target(%dma_start3A_431 : memref<10240x64xf32, #tpu.memory_space<vmem_shared>>) offsets(%dma_start3A_428 : memref<64xi32, #tpu.memory_space<vmem>>) semaphore(%arg13 : memref<!tpu.dma_semaphore, #tpu.memory_space<semaphore_mem>>) {add = true}
      %add3A_432 = arith.constant 3 : i32
      %add3A_433 = arith.addi %mul3A_181, %add3A_432 : i32
      %dma_start3A_434 = arith.constant 3 : i32
      %dma_start3A_435 = arith.constant 0 : i32
      %dma_start3A_436 = arith.constant 0 : i32
      %dma_start3A_437 = tpu.memref_slice %arg9[%dma_start3A_434, %dma_start3A_435, %dma_start3A_436] : memref<10x64x64xf32, #tpu.memory_space<vmem>> -> memref<1x64x64xf32, #tpu.memory_space<vmem>>
      %dma_start3A_438 = tpu.memref_squeeze %dma_start3A_437 : memref<1x64x64xf32, #tpu.memory_space<vmem>> -> memref<64x64xf32, #tpu.memory_space<vmem>>
      %dma_start3A_439 = arith.constant 0 : i32
      %dma_start3A_440 = tpu.memref_slice %arg8[%add3A_433, %dma_start3A_439] : memref<320x64xi32, #tpu.memory_space<vmem>> -> memref<1x64xi32, #tpu.memory_space<vmem>>
      %dma_start3A_441 = tpu.memref_squeeze %dma_start3A_440 : memref<1x64xi32, #tpu.memory_space<vmem>> -> memref<64xi32, #tpu.memory_space<vmem>>
      %dma_start3A_442 = arith.constant 0 : i32
      %dma_start3A_443 = arith.constant 0 : i32
      %dma_start3A_444 = tpu.memref_slice %arg10[%dma_start3A_442, %dma_start3A_443] : memref<10240x64xf32, #tpu.memory_space<vmem_shared>> -> memref<10240x64xf32, #tpu.memory_space<vmem_shared>>
      tpu.enqueue_indirect_dma source(%dma_start3A_438 : memref<64x64xf32, #tpu.memory_space<vmem>>) target(%dma_start3A_444 : memref<10240x64xf32, #tpu.memory_space<vmem_shared>>) offsets(%dma_start3A_441 : memref<64xi32, #tpu.memory_space<vmem>>) semaphore(%arg13 : memref<!tpu.dma_semaphore, #tpu.memory_space<semaphore_mem>>) {add = true}
      %add3A_445 = arith.constant 4 : i32
      %add3A_446 = arith.addi %mul3A_181, %add3A_445 : i32
      %dma_start3A_447 = arith.constant 4 : i32
      %dma_start3A_448 = arith.constant 0 : i32
      %dma_start3A_449 = arith.constant 0 : i32
      %dma_start3A_450 = tpu.memref_slice %arg9[%dma_start3A_447, %dma_start3A_448, %dma_start3A_449] : memref<10x64x64xf32, #tpu.memory_space<vmem>> -> memref<1x64x64xf32, #tpu.memory_space<vmem>>
      %dma_start3A_451 = tpu.memref_squeeze %dma_start3A_450 : memref<1x64x64xf32, #tpu.memory_space<vmem>> -> memref<64x64xf32, #tpu.memory_space<vmem>>
      %dma_start3A_452 = arith.constant 0 : i32
      %dma_start3A_453 = tpu.memref_slice %arg8[%add3A_446, %dma_start3A_452] : memref<320x64xi32, #tpu.memory_space<vmem>> -> memref<1x64xi32, #tpu.memory_space<vmem>>
      %dma_start3A_454 = tpu.memref_squeeze %dma_start3A_453 : memref<1x64xi32, #tpu.memory_space<vmem>> -> memref<64xi32, #tpu.memory_space<vmem>>
      %dma_start3A_455 = arith.constant 0 : i32
      %dma_start3A_456 = arith.constant 0 : i32
      %dma_start3A_457 = tpu.memref_slice %arg10[%dma_start3A_455, %dma_start3A_456] : memref<10240x64xf32, #tpu.memory_space<vmem_shared>> -> memref<10240x64xf32, #tpu.memory_space<vmem_shared>>
      tpu.enqueue_indirect_dma source(%dma_start3A_451 : memref<64x64xf32, #tpu.memory_space<vmem>>) target(%dma_start3A_457 : memref<10240x64xf32, #tpu.memory_space<vmem_shared>>) offsets(%dma_start3A_454 : memref<64xi32, #tpu.memory_space<vmem>>) semaphore(%arg13 : memref<!tpu.dma_semaphore, #tpu.memory_space<semaphore_mem>>) {add = true}
      %dma_wait3A_458 = arith.constant 0 : i32
      %dma_wait3A_459 = arith.constant 0 : i32
      %dma_wait3A_460 = arith.constant 0 : i32
      %dma_wait3A_461 = arith.constant 0 : i32
      %dma_wait3A_462 = tpu.memref_slice %arg9[%dma_wait3A_458, %dma_wait3A_460, %dma_wait3A_461] : memref<10x64x64xf32, #tpu.memory_space<vmem>> -> memref<1x64x64xf32, #tpu.memory_space<vmem>>
      %dma_wait3A_463 = tpu.memref_squeeze %dma_wait3A_462 : memref<1x64x64xf32, #tpu.memory_space<vmem>> -> memref<64x64xf32, #tpu.memory_space<vmem>>
      %dma_wait3A_464 = arith.constant 0 : i32
      %dma_wait3A_465 = tpu.memref_slice %arg8[%dma_wait3A_459, %dma_wait3A_464] : memref<320x64xi32, #tpu.memory_space<vmem>> -> memref<1x64xi32, #tpu.memory_space<vmem>>
      %dma_wait3A_466 = tpu.memref_squeeze %dma_wait3A_465 : memref<1x64xi32, #tpu.memory_space<vmem>> -> memref<64xi32, #tpu.memory_space<vmem>>
      %dma_wait3A_467 = arith.constant 0 : i32
      %dma_wait3A_468 = arith.constant 0 : i32
      %dma_wait3A_469 = tpu.memref_slice %arg10[%dma_wait3A_467, %dma_wait3A_468] : memref<10240x64xf32, #tpu.memory_space<vmem_shared>> -> memref<10240x64xf32, #tpu.memory_space<vmem_shared>>
      tpu.wait_indirect_dma semaphore(%arg13 : memref<!tpu.dma_semaphore, #tpu.memory_space<semaphore_mem>>) src(%dma_wait3A_463 : memref<64x64xf32, #tpu.memory_space<vmem>>) dst(%dma_wait3A_469 : memref<10240x64xf32, #tpu.memory_space<vmem_shared>>)
      %dma_wait3A_470 = arith.constant 1 : i32
      %dma_wait3A_471 = arith.constant 0 : i32
      %dma_wait3A_472 = arith.constant 0 : i32
      %dma_wait3A_473 = arith.constant 0 : i32
      %dma_wait3A_474 = tpu.memref_slice %arg9[%dma_wait3A_470, %dma_wait3A_472, %dma_wait3A_473] : memref<10x64x64xf32, #tpu.memory_space<vmem>> -> memref<1x64x64xf32, #tpu.memory_space<vmem>>
      %dma_wait3A_475 = tpu.memref_squeeze %dma_wait3A_474 : memref<1x64x64xf32, #tpu.memory_space<vmem>> -> memref<64x64xf32, #tpu.memory_space<vmem>>
      %dma_wait3A_476 = arith.constant 0 : i32
      %dma_wait3A_477 = tpu.memref_slice %arg8[%dma_wait3A_471, %dma_wait3A_476] : memref<320x64xi32, #tpu.memory_space<vmem>> -> memref<1x64xi32, #tpu.memory_space<vmem>>
      %dma_wait3A_478 = tpu.memref_squeeze %dma_wait3A_477 : memref<1x64xi32, #tpu.memory_space<vmem>> -> memref<64xi32, #tpu.memory_space<vmem>>
      %dma_wait3A_479 = arith.constant 0 : i32
      %dma_wait3A_480 = arith.constant 0 : i32
      %dma_wait3A_481 = tpu.memref_slice %arg10[%dma_wait3A_479, %dma_wait3A_480] : memref<10240x64xf32, #tpu.memory_space<vmem_shared>> -> memref<10240x64xf32, #tpu.memory_space<vmem_shared>>
      tpu.wait_indirect_dma semaphore(%arg13 : memref<!tpu.dma_semaphore, #tpu.memory_space<semaphore_mem>>) src(%dma_wait3A_475 : memref<64x64xf32, #tpu.memory_space<vmem>>) dst(%dma_wait3A_481 : memref<10240x64xf32, #tpu.memory_space<vmem_shared>>)
      %dma_wait3A_482 = arith.constant 2 : i32
      %dma_wait3A_483 = arith.constant 0 : i32
      %dma_wait3A_484 = arith.constant 0 : i32
      %dma_wait3A_485 = arith.constant 0 : i32
      %dma_wait3A_486 = tpu.memref_slice %arg9[%dma_wait3A_482, %dma_wait3A_484, %dma_wait3A_485] : memref<10x64x64xf32, #tpu.memory_space<vmem>> -> memref<1x64x64xf32, #tpu.memory_space<vmem>>
      %dma_wait3A_487 = tpu.memref_squeeze %dma_wait3A_486 : memref<1x64x64xf32, #tpu.memory_space<vmem>> -> memref<64x64xf32, #tpu.memory_space<vmem>>
      %dma_wait3A_488 = arith.constant 0 : i32
      %dma_wait3A_489 = tpu.memref_slice %arg8[%dma_wait3A_483, %dma_wait3A_488] : memref<320x64xi32, #tpu.memory_space<vmem>> -> memref<1x64xi32, #tpu.memory_space<vmem>>
      %dma_wait3A_490 = tpu.memref_squeeze %dma_wait3A_489 : memref<1x64xi32, #tpu.memory_space<vmem>> -> memref<64xi32, #tpu.memory_space<vmem>>
      %dma_wait3A_491 = arith.constant 0 : i32
      %dma_wait3A_492 = arith.constant 0 : i32
      %dma_wait3A_493 = tpu.memref_slice %arg10[%dma_wait3A_491, %dma_wait3A_492] : memref<10240x64xf32, #tpu.memory_space<vmem_shared>> -> memref<10240x64xf32, #tpu.memory_space<vmem_shared>>
      tpu.wait_indirect_dma semaphore(%arg13 : memref<!tpu.dma_semaphore, #tpu.memory_space<semaphore_mem>>) src(%dma_wait3A_487 : memref<64x64xf32, #tpu.memory_space<vmem>>) dst(%dma_wait3A_493 : memref<10240x64xf32, #tpu.memory_space<vmem_shared>>)
      %dma_wait3A_494 = arith.constant 3 : i32
      %dma_wait3A_495 = arith.constant 0 : i32
      %dma_wait3A_496 = arith.constant 0 : i32
      %dma_wait3A_497 = arith.constant 0 : i32
      %dma_wait3A_498 = tpu.memref_slice %arg9[%dma_wait3A_494, %dma_wait3A_496, %dma_wait3A_497] : memref<10x64x64xf32, #tpu.memory_space<vmem>> -> memref<1x64x64xf32, #tpu.memory_space<vmem>>
      %dma_wait3A_499 = tpu.memref_squeeze %dma_wait3A_498 : memref<1x64x64xf32, #tpu.memory_space<vmem>> -> memref<64x64xf32, #tpu.memory_space<vmem>>
      %dma_wait3A_500 = arith.constant 0 : i32
      %dma_wait3A_501 = tpu.memref_slice %arg8[%dma_wait3A_495, %dma_wait3A_500] : memref<320x64xi32, #tpu.memory_space<vmem>> -> memref<1x64xi32, #tpu.memory_space<vmem>>
      %dma_wait3A_502 = tpu.memref_squeeze %dma_wait3A_501 : memref<1x64xi32, #tpu.memory_space<vmem>> -> memref<64xi32, #tpu.memory_space<vmem>>
      %dma_wait3A_503 = arith.constant 0 : i32
      %dma_wait3A_504 = arith.constant 0 : i32
      %dma_wait3A_505 = tpu.memref_slice %arg10[%dma_wait3A_503, %dma_wait3A_504] : memref<10240x64xf32, #tpu.memory_space<vmem_shared>> -> memref<10240x64xf32, #tpu.memory_space<vmem_shared>>
      tpu.wait_indirect_dma semaphore(%arg13 : memref<!tpu.dma_semaphore, #tpu.memory_space<semaphore_mem>>) src(%dma_wait3A_499 : memref<64x64xf32, #tpu.memory_space<vmem>>) dst(%dma_wait3A_505 : memref<10240x64xf32, #tpu.memory_space<vmem_shared>>)
      %dma_wait3A_506 = arith.constant 4 : i32
      %dma_wait3A_507 = arith.constant 0 : i32
      %dma_wait3A_508 = arith.constant 0 : i32
      %dma_wait3A_509 = arith.constant 0 : i32
      %dma_wait3A_510 = tpu.memref_slice %arg9[%dma_wait3A_506, %dma_wait3A_508, %dma_wait3A_509] : memref<10x64x64xf32, #tpu.memory_space<vmem>> -> memref<1x64x64xf32, #tpu.memory_space<vmem>>
      %dma_wait3A_511 = tpu.memref_squeeze %dma_wait3A_510 : memref<1x64x64xf32, #tpu.memory_space<vmem>> -> memref<64x64xf32, #tpu.memory_space<vmem>>
      %dma_wait3A_512 = arith.constant 0 : i32
      %dma_wait3A_513 = tpu.memref_slice %arg8[%dma_wait3A_507, %dma_wait3A_512] : memref<320x64xi32, #tpu.memory_space<vmem>> -> memref<1x64xi32, #tpu.memory_space<vmem>>
      %dma_wait3A_514 = tpu.memref_squeeze %dma_wait3A_513 : memref<1x64xi32, #tpu.memory_space<vmem>> -> memref<64xi32, #tpu.memory_space<vmem>>
      %dma_wait3A_515 = arith.constant 0 : i32
      %dma_wait3A_516 = arith.constant 0 : i32
      %dma_wait3A_517 = tpu.memref_slice %arg10[%dma_wait3A_515, %dma_wait3A_516] : memref<10240x64xf32, #tpu.memory_space<vmem_shared>> -> memref<10240x64xf32, #tpu.memory_space<vmem_shared>>
      tpu.wait_indirect_dma semaphore(%arg13 : memref<!tpu.dma_semaphore, #tpu.memory_space<semaphore_mem>>) src(%dma_wait3A_511 : memref<64x64xf32, #tpu.memory_space<vmem>>) dst(%dma_wait3A_517 : memref<10240x64xf32, #tpu.memory_space<vmem_shared>>)
      %add3A_518 = arith.constant 10 : i32
      %add3A_519 = arith.addi %mul3A_181, %add3A_518 : i32
      %lt3A = arith.constant 320 : i32
      %lt3A_520 = arith.cmpi slt, %add3A_519, %lt3A : i32
      %convert_element_type3A_521 = arith.extui %lt3A_520 : i1 to i32
      %cond3A_522 = arith.constant 0 : i32
      %cond3A_523 = arith.cmpi ne, %convert_element_type3A_521, %cond3A_522 : i32
      scf.if %cond3A_523 {
        %add3A_714 = arith.constant 10 : i32
        %add3A_715 = arith.addi %mul3A_181, %add3A_714 : i32
        %add3A_716 = arith.constant 0 : i32
        %add3A_717 = arith.addi %add3A_715, %add3A_716 : i32
        %dma_start3A_718 = arith.constant 0 : i32
        %dma_start3A_719 = arith.constant 0 : i32
        %dma_start3A_720 = arith.constant 0 : i32
        %dma_start3A_721 = tpu.memref_slice %arg9[%dma_start3A_718, %dma_start3A_719, %dma_start3A_720] : memref<10x64x64xf32, #tpu.memory_space<vmem>> -> memref<1x64x64xf32, #tpu.memory_space<vmem>>
        %dma_start3A_722 = tpu.memref_squeeze %dma_start3A_721 : memref<1x64x64xf32, #tpu.memory_space<vmem>> -> memref<64x64xf32, #tpu.memory_space<vmem>>
        %dma_start3A_723 = arith.constant 0 : i32
        %dma_start3A_724 = tpu.memref_slice %arg7[%add3A_717, %dma_start3A_723] : memref<320x64xi32, #tpu.memory_space<vmem>> -> memref<1x64xi32, #tpu.memory_space<vmem>>
        %dma_start3A_725 = tpu.memref_squeeze %dma_start3A_724 : memref<1x64xi32, #tpu.memory_space<vmem>> -> memref<64xi32, #tpu.memory_space<vmem>>
        %dma_start3A_726 = arith.constant 0 : i32
        %dma_start3A_727 = arith.constant 0 : i32
        %dma_start3A_728 = tpu.memref_slice %arg2[%arg0, %dma_start3A_726, %dma_start3A_727] : memref<2x10240x64xf32, #tpu.memory_space<hbm>> -> memref<1x10240x64xf32, #tpu.memory_space<hbm>>
        %dma_start3A_729 = tpu.memref_squeeze %dma_start3A_728 : memref<1x10240x64xf32, #tpu.memory_space<hbm>> -> memref<10240x64xf32, #tpu.memory_space<hbm>>
        %dma_start3A_730 = arith.constant 0 : i32
        %dma_start3A_731 = arith.constant 0 : i32
        %dma_start3A_732 = tpu.memref_slice %dma_start3A_729[%dma_start3A_730, %dma_start3A_731] : memref<10240x64xf32, #tpu.memory_space<hbm>> -> memref<10240x64xf32, #tpu.memory_space<hbm>>
        tpu.enqueue_indirect_dma source(%dma_start3A_732 : memref<10240x64xf32, #tpu.memory_space<hbm>>) target(%dma_start3A_722 : memref<64x64xf32, #tpu.memory_space<vmem>>) offsets(%dma_start3A_725 : memref<64xi32, #tpu.memory_space<vmem>>) semaphore(%arg11 : memref<!tpu.dma_semaphore, #tpu.memory_space<semaphore_mem>>)
        %add3A_733 = arith.constant 10 : i32
        %add3A_734 = arith.addi %mul3A_181, %add3A_733 : i32
        %add3A_735 = arith.constant 1 : i32
        %add3A_736 = arith.addi %add3A_734, %add3A_735 : i32
        %dma_start3A_737 = arith.constant 1 : i32
        %dma_start3A_738 = arith.constant 0 : i32
        %dma_start3A_739 = arith.constant 0 : i32
        %dma_start3A_740 = tpu.memref_slice %arg9[%dma_start3A_737, %dma_start3A_738, %dma_start3A_739] : memref<10x64x64xf32, #tpu.memory_space<vmem>> -> memref<1x64x64xf32, #tpu.memory_space<vmem>>
        %dma_start3A_741 = tpu.memref_squeeze %dma_start3A_740 : memref<1x64x64xf32, #tpu.memory_space<vmem>> -> memref<64x64xf32, #tpu.memory_space<vmem>>
        %dma_start3A_742 = arith.constant 0 : i32
        %dma_start3A_743 = tpu.memref_slice %arg7[%add3A_736, %dma_start3A_742] : memref<320x64xi32, #tpu.memory_space<vmem>> -> memref<1x64xi32, #tpu.memory_space<vmem>>
        %dma_start3A_744 = tpu.memref_squeeze %dma_start3A_743 : memref<1x64xi32, #tpu.memory_space<vmem>> -> memref<64xi32, #tpu.memory_space<vmem>>
        %dma_start3A_745 = arith.constant 0 : i32
        %dma_start3A_746 = arith.constant 0 : i32
        %dma_start3A_747 = tpu.memref_slice %arg2[%arg0, %dma_start3A_745, %dma_start3A_746] : memref<2x10240x64xf32, #tpu.memory_space<hbm>> -> memref<1x10240x64xf32, #tpu.memory_space<hbm>>
        %dma_start3A_748 = tpu.memref_squeeze %dma_start3A_747 : memref<1x10240x64xf32, #tpu.memory_space<hbm>> -> memref<10240x64xf32, #tpu.memory_space<hbm>>
        %dma_start3A_749 = arith.constant 0 : i32
        %dma_start3A_750 = arith.constant 0 : i32
        %dma_start3A_751 = tpu.memref_slice %dma_start3A_748[%dma_start3A_749, %dma_start3A_750] : memref<10240x64xf32, #tpu.memory_space<hbm>> -> memref<10240x64xf32, #tpu.memory_space<hbm>>
        tpu.enqueue_indirect_dma source(%dma_start3A_751 : memref<10240x64xf32, #tpu.memory_space<hbm>>) target(%dma_start3A_741 : memref<64x64xf32, #tpu.memory_space<vmem>>) offsets(%dma_start3A_744 : memref<64xi32, #tpu.memory_space<vmem>>) semaphore(%arg11 : memref<!tpu.dma_semaphore, #tpu.memory_space<semaphore_mem>>)
        %add3A_752 = arith.constant 10 : i32
        %add3A_753 = arith.addi %mul3A_181, %add3A_752 : i32
        %add3A_754 = arith.constant 2 : i32
        %add3A_755 = arith.addi %add3A_753, %add3A_754 : i32
        %dma_start3A_756 = arith.constant 2 : i32
        %dma_start3A_757 = arith.constant 0 : i32
        %dma_start3A_758 = arith.constant 0 : i32
        %dma_start3A_759 = tpu.memref_slice %arg9[%dma_start3A_756, %dma_start3A_757, %dma_start3A_758] : memref<10x64x64xf32, #tpu.memory_space<vmem>> -> memref<1x64x64xf32, #tpu.memory_space<vmem>>
        %dma_start3A_760 = tpu.memref_squeeze %dma_start3A_759 : memref<1x64x64xf32, #tpu.memory_space<vmem>> -> memref<64x64xf32, #tpu.memory_space<vmem>>
        %dma_start3A_761 = arith.constant 0 : i32
        %dma_start3A_762 = tpu.memref_slice %arg7[%add3A_755, %dma_start3A_761] : memref<320x64xi32, #tpu.memory_space<vmem>> -> memref<1x64xi32, #tpu.memory_space<vmem>>
        %dma_start3A_763 = tpu.memref_squeeze %dma_start3A_762 : memref<1x64xi32, #tpu.memory_space<vmem>> -> memref<64xi32, #tpu.memory_space<vmem>>
        %dma_start3A_764 = arith.constant 0 : i32
        %dma_start3A_765 = arith.constant 0 : i32
        %dma_start3A_766 = tpu.memref_slice %arg2[%arg0, %dma_start3A_764, %dma_start3A_765] : memref<2x10240x64xf32, #tpu.memory_space<hbm>> -> memref<1x10240x64xf32, #tpu.memory_space<hbm>>
        %dma_start3A_767 = tpu.memref_squeeze %dma_start3A_766 : memref<1x10240x64xf32, #tpu.memory_space<hbm>> -> memref<10240x64xf32, #tpu.memory_space<hbm>>
        %dma_start3A_768 = arith.constant 0 : i32
        %dma_start3A_769 = arith.constant 0 : i32
        %dma_start3A_770 = tpu.memref_slice %dma_start3A_767[%dma_start3A_768, %dma_start3A_769] : memref<10240x64xf32, #tpu.memory_space<hbm>> -> memref<10240x64xf32, #tpu.memory_space<hbm>>
        tpu.enqueue_indirect_dma source(%dma_start3A_770 : memref<10240x64xf32, #tpu.memory_space<hbm>>) target(%dma_start3A_760 : memref<64x64xf32, #tpu.memory_space<vmem>>) offsets(%dma_start3A_763 : memref<64xi32, #tpu.memory_space<vmem>>) semaphore(%arg11 : memref<!tpu.dma_semaphore, #tpu.memory_space<semaphore_mem>>)
        %add3A_771 = arith.constant 10 : i32
        %add3A_772 = arith.addi %mul3A_181, %add3A_771 : i32
        %add3A_773 = arith.constant 3 : i32
        %add3A_774 = arith.addi %add3A_772, %add3A_773 : i32
        %dma_start3A_775 = arith.constant 3 : i32
        %dma_start3A_776 = arith.constant 0 : i32
        %dma_start3A_777 = arith.constant 0 : i32
        %dma_start3A_778 = tpu.memref_slice %arg9[%dma_start3A_775, %dma_start3A_776, %dma_start3A_777] : memref<10x64x64xf32, #tpu.memory_space<vmem>> -> memref<1x64x64xf32, #tpu.memory_space<vmem>>
        %dma_start3A_779 = tpu.memref_squeeze %dma_start3A_778 : memref<1x64x64xf32, #tpu.memory_space<vmem>> -> memref<64x64xf32, #tpu.memory_space<vmem>>
        %dma_start3A_780 = arith.constant 0 : i32
        %dma_start3A_781 = tpu.memref_slice %arg7[%add3A_774, %dma_start3A_780] : memref<320x64xi32, #tpu.memory_space<vmem>> -> memref<1x64xi32, #tpu.memory_space<vmem>>
        %dma_start3A_782 = tpu.memref_squeeze %dma_start3A_781 : memref<1x64xi32, #tpu.memory_space<vmem>> -> memref<64xi32, #tpu.memory_space<vmem>>
        %dma_start3A_783 = arith.constant 0 : i32
        %dma_start3A_784 = arith.constant 0 : i32
        %dma_start3A_785 = tpu.memref_slice %arg2[%arg0, %dma_start3A_783, %dma_start3A_784] : memref<2x10240x64xf32, #tpu.memory_space<hbm>> -> memref<1x10240x64xf32, #tpu.memory_space<hbm>>
        %dma_start3A_786 = tpu.memref_squeeze %dma_start3A_785 : memref<1x10240x64xf32, #tpu.memory_space<hbm>> -> memref<10240x64xf32, #tpu.memory_space<hbm>>
        %dma_start3A_787 = arith.constant 0 : i32
        %dma_start3A_788 = arith.constant 0 : i32
        %dma_start3A_789 = tpu.memref_slice %dma_start3A_786[%dma_start3A_787, %dma_start3A_788] : memref<10240x64xf32, #tpu.memory_space<hbm>> -> memref<10240x64xf32, #tpu.memory_space<hbm>>
        tpu.enqueue_indirect_dma source(%dma_start3A_789 : memref<10240x64xf32, #tpu.memory_space<hbm>>) target(%dma_start3A_779 : memref<64x64xf32, #tpu.memory_space<vmem>>) offsets(%dma_start3A_782 : memref<64xi32, #tpu.memory_space<vmem>>) semaphore(%arg11 : memref<!tpu.dma_semaphore, #tpu.memory_space<semaphore_mem>>)
        %add3A_790 = arith.constant 10 : i32
        %add3A_791 = arith.addi %mul3A_181, %add3A_790 : i32
        %add3A_792 = arith.constant 4 : i32
        %add3A_793 = arith.addi %add3A_791, %add3A_792 : i32
        %dma_start3A_794 = arith.constant 4 : i32
        %dma_start3A_795 = arith.constant 0 : i32
        %dma_start3A_796 = arith.constant 0 : i32
        %dma_start3A_797 = tpu.memref_slice %arg9[%dma_start3A_794, %dma_start3A_795, %dma_start3A_796] : memref<10x64x64xf32, #tpu.memory_space<vmem>> -> memref<1x64x64xf32, #tpu.memory_space<vmem>>
        %dma_start3A_798 = tpu.memref_squeeze %dma_start3A_797 : memref<1x64x64xf32, #tpu.memory_space<vmem>> -> memref<64x64xf32, #tpu.memory_space<vmem>>
        %dma_start3A_799 = arith.constant 0 : i32
        %dma_start3A_800 = tpu.memref_slice %arg7[%add3A_793, %dma_start3A_799] : memref<320x64xi32, #tpu.memory_space<vmem>> -> memref<1x64xi32, #tpu.memory_space<vmem>>
        %dma_start3A_801 = tpu.memref_squeeze %dma_start3A_800 : memref<1x64xi32, #tpu.memory_space<vmem>> -> memref<64xi32, #tpu.memory_space<vmem>>
        %dma_start3A_802 = arith.constant 0 : i32
        %dma_start3A_803 = arith.constant 0 : i32
        %dma_start3A_804 = tpu.memref_slice %arg2[%arg0, %dma_start3A_802, %dma_start3A_803] : memref<2x10240x64xf32, #tpu.memory_space<hbm>> -> memref<1x10240x64xf32, #tpu.memory_space<hbm>>
        %dma_start3A_805 = tpu.memref_squeeze %dma_start3A_804 : memref<1x10240x64xf32, #tpu.memory_space<hbm>> -> memref<10240x64xf32, #tpu.memory_space<hbm>>
        %dma_start3A_806 = arith.constant 0 : i32
        %dma_start3A_807 = arith.constant 0 : i32
        %dma_start3A_808 = tpu.memref_slice %dma_start3A_805[%dma_start3A_806, %dma_start3A_807] : memref<10240x64xf32, #tpu.memory_space<hbm>> -> memref<10240x64xf32, #tpu.memory_space<hbm>>
        tpu.enqueue_indirect_dma source(%dma_start3A_808 : memref<10240x64xf32, #tpu.memory_space<hbm>>) target(%dma_start3A_798 : memref<64x64xf32, #tpu.memory_space<vmem>>) offsets(%dma_start3A_801 : memref<64xi32, #tpu.memory_space<vmem>>) semaphore(%arg11 : memref<!tpu.dma_semaphore, #tpu.memory_space<semaphore_mem>>)
      } else {
      }
      %dma_wait3A_524 = arith.constant 5 : i32
      %dma_wait3A_525 = arith.constant 0 : i32
      %dma_wait3A_526 = arith.constant 0 : i32
      %dma_wait3A_527 = tpu.memref_slice %arg9[%dma_wait3A_524, %dma_wait3A_525, %dma_wait3A_526] : memref<10x64x64xf32, #tpu.memory_space<vmem>> -> memref<1x64x64xf32, #tpu.memory_space<vmem>>
      %dma_wait3A_528 = tpu.memref_squeeze %dma_wait3A_527 : memref<1x64x64xf32, #tpu.memory_space<vmem>> -> memref<64x64xf32, #tpu.memory_space<vmem>>
      %dma_wait3A_529 = arith.constant 0 : i32
      %dma_wait3A_530 = arith.constant 0 : i32
      %dma_wait3A_531 = tpu.memref_slice %arg2[%arg0, %dma_wait3A_529, %dma_wait3A_530] : memref<2x10240x64xf32, #tpu.memory_space<hbm>> -> memref<1x10240x64xf32, #tpu.memory_space<hbm>>
      %dma_wait3A_532 = tpu.memref_squeeze %dma_wait3A_531 : memref<1x10240x64xf32, #tpu.memory_space<hbm>> -> memref<10240x64xf32, #tpu.memory_space<hbm>>
      %dma_wait3A_533 = arith.constant 0 : i32
      %dma_wait3A_534 = arith.constant 0 : i32
      %dma_wait3A_535 = tpu.memref_slice %dma_wait3A_532[%dma_wait3A_533, %dma_wait3A_534] : memref<10240x64xf32, #tpu.memory_space<hbm>> -> memref<64x64xf32, #tpu.memory_space<hbm>>
      %dma_wait3A_536 = arith.constant 0 : i32
      %dma_wait3A_537 = arith.constant 0 : i32
      %dma_wait3A_538 = tpu.memref_slice %arg9[%dma_wait3A_524, %dma_wait3A_536, %dma_wait3A_537] : memref<10x64x64xf32, #tpu.memory_space<vmem>> -> memref<1x64x64xf32, #tpu.memory_space<vmem>>
      %dma_wait3A_539 = tpu.memref_squeeze %dma_wait3A_538 : memref<1x64x64xf32, #tpu.memory_space<vmem>> -> memref<64x64xf32, #tpu.memory_space<vmem>>
      %dma_wait3A_540 = arith.constant 0 : i32
      %dma_wait3A_541 = arith.constant 0 : i32
      %dma_wait3A_542 = tpu.memref_slice %arg2[%arg0, %dma_wait3A_540, %dma_wait3A_541] : memref<2x10240x64xf32, #tpu.memory_space<hbm>> -> memref<1x10240x64xf32, #tpu.memory_space<hbm>>
      %dma_wait3A_543 = tpu.memref_squeeze %dma_wait3A_542 : memref<1x10240x64xf32, #tpu.memory_space<hbm>> -> memref<10240x64xf32, #tpu.memory_space<hbm>>
      %dma_wait3A_544 = arith.constant 0 : i32
      %dma_wait3A_545 = arith.constant 0 : i32
      %dma_wait3A_546 = tpu.memref_slice %dma_wait3A_543[%dma_wait3A_544, %dma_wait3A_545] : memref<10240x64xf32, #tpu.memory_space<hbm>> -> memref<64x64xf32, #tpu.memory_space<hbm>>
      tpu.wait_dma2 semaphore(%arg12 : memref<!tpu.dma_semaphore, #tpu.memory_space<semaphore_mem>>) src(%dma_wait3A_546 : memref<64x64xf32, #tpu.memory_space<hbm>>) dst(%dma_wait3A_539 : memref<64x64xf32, #tpu.memory_space<vmem>>)
      %dma_wait3A_547 = arith.constant 6 : i32
      %dma_wait3A_548 = arith.constant 0 : i32
      %dma_wait3A_549 = arith.constant 0 : i32
      %dma_wait3A_550 = tpu.memref_slice %arg9[%dma_wait3A_547, %dma_wait3A_548, %dma_wait3A_549] : memref<10x64x64xf32, #tpu.memory_space<vmem>> -> memref<1x64x64xf32, #tpu.memory_space<vmem>>
      %dma_wait3A_551 = tpu.memref_squeeze %dma_wait3A_550 : memref<1x64x64xf32, #tpu.memory_space<vmem>> -> memref<64x64xf32, #tpu.memory_space<vmem>>
      %dma_wait3A_552 = arith.constant 0 : i32
      %dma_wait3A_553 = arith.constant 0 : i32
      %dma_wait3A_554 = tpu.memref_slice %arg2[%arg0, %dma_wait3A_552, %dma_wait3A_553] : memref<2x10240x64xf32, #tpu.memory_space<hbm>> -> memref<1x10240x64xf32, #tpu.memory_space<hbm>>
      %dma_wait3A_555 = tpu.memref_squeeze %dma_wait3A_554 : memref<1x10240x64xf32, #tpu.memory_space<hbm>> -> memref<10240x64xf32, #tpu.memory_space<hbm>>
      %dma_wait3A_556 = arith.constant 0 : i32
      %dma_wait3A_557 = arith.constant 0 : i32
      %dma_wait3A_558 = tpu.memref_slice %dma_wait3A_555[%dma_wait3A_556, %dma_wait3A_557] : memref<10240x64xf32, #tpu.memory_space<hbm>> -> memref<64x64xf32, #tpu.memory_space<hbm>>
      %dma_wait3A_559 = arith.constant 0 : i32
      %dma_wait3A_560 = arith.constant 0 : i32
      %dma_wait3A_561 = tpu.memref_slice %arg9[%dma_wait3A_547, %dma_wait3A_559, %dma_wait3A_560] : memref<10x64x64xf32, #tpu.memory_space<vmem>> -> memref<1x64x64xf32, #tpu.memory_space<vmem>>
      %dma_wait3A_562 = tpu.memref_squeeze %dma_wait3A_561 : memref<1x64x64xf32, #tpu.memory_space<vmem>> -> memref<64x64xf32, #tpu.memory_space<vmem>>
      %dma_wait3A_563 = arith.constant 0 : i32
      %dma_wait3A_564 = arith.constant 0 : i32
      %dma_wait3A_565 = tpu.memref_slice %arg2[%arg0, %dma_wait3A_563, %dma_wait3A_564] : memref<2x10240x64xf32, #tpu.memory_space<hbm>> -> memref<1x10240x64xf32, #tpu.memory_space<hbm>>
      %dma_wait3A_566 = tpu.memref_squeeze %dma_wait3A_565 : memref<1x10240x64xf32, #tpu.memory_space<hbm>> -> memref<10240x64xf32, #tpu.memory_space<hbm>>
      %dma_wait3A_567 = arith.constant 0 : i32
      %dma_wait3A_568 = arith.constant 0 : i32
      %dma_wait3A_569 = tpu.memref_slice %dma_wait3A_566[%dma_wait3A_567, %dma_wait3A_568] : memref<10240x64xf32, #tpu.memory_space<hbm>> -> memref<64x64xf32, #tpu.memory_space<hbm>>
      tpu.wait_dma2 semaphore(%arg12 : memref<!tpu.dma_semaphore, #tpu.memory_space<semaphore_mem>>) src(%dma_wait3A_569 : memref<64x64xf32, #tpu.memory_space<hbm>>) dst(%dma_wait3A_562 : memref<64x64xf32, #tpu.memory_space<vmem>>)
      %dma_wait3A_570 = arith.constant 7 : i32
      %dma_wait3A_571 = arith.constant 0 : i32
      %dma_wait3A_572 = arith.constant 0 : i32
      %dma_wait3A_573 = tpu.memref_slice %arg9[%dma_wait3A_570, %dma_wait3A_571, %dma_wait3A_572] : memref<10x64x64xf32, #tpu.memory_space<vmem>> -> memref<1x64x64xf32, #tpu.memory_space<vmem>>
      %dma_wait3A_574 = tpu.memref_squeeze %dma_wait3A_573 : memref<1x64x64xf32, #tpu.memory_space<vmem>> -> memref<64x64xf32, #tpu.memory_space<vmem>>
      %dma_wait3A_575 = arith.constant 0 : i32
      %dma_wait3A_576 = arith.constant 0 : i32
      %dma_wait3A_577 = tpu.memref_slice %arg2[%arg0, %dma_wait3A_575, %dma_wait3A_576] : memref<2x10240x64xf32, #tpu.memory_space<hbm>> -> memref<1x10240x64xf32, #tpu.memory_space<hbm>>
      %dma_wait3A_578 = tpu.memref_squeeze %dma_wait3A_577 : memref<1x10240x64xf32, #tpu.memory_space<hbm>> -> memref<10240x64xf32, #tpu.memory_space<hbm>>
      %dma_wait3A_579 = arith.constant 0 : i32
      %dma_wait3A_580 = arith.constant 0 : i32
      %dma_wait3A_581 = tpu.memref_slice %dma_wait3A_578[%dma_wait3A_579, %dma_wait3A_580] : memref<10240x64xf32, #tpu.memory_space<hbm>> -> memref<64x64xf32, #tpu.memory_space<hbm>>
      %dma_wait3A_582 = arith.constant 0 : i32
      %dma_wait3A_583 = arith.constant 0 : i32
      %dma_wait3A_584 = tpu.memref_slice %arg9[%dma_wait3A_570, %dma_wait3A_582, %dma_wait3A_583] : memref<10x64x64xf32, #tpu.memory_space<vmem>> -> memref<1x64x64xf32, #tpu.memory_space<vmem>>
      %dma_wait3A_585 = tpu.memref_squeeze %dma_wait3A_584 : memref<1x64x64xf32, #tpu.memory_space<vmem>> -> memref<64x64xf32, #tpu.memory_space<vmem>>
      %dma_wait3A_586 = arith.constant 0 : i32
      %dma_wait3A_587 = arith.constant 0 : i32
      %dma_wait3A_588 = tpu.memref_slice %arg2[%arg0, %dma_wait3A_586, %dma_wait3A_587] : memref<2x10240x64xf32, #tpu.memory_space<hbm>> -> memref<1x10240x64xf32, #tpu.memory_space<hbm>>
      %dma_wait3A_589 = tpu.memref_squeeze %dma_wait3A_588 : memref<1x10240x64xf32, #tpu.memory_space<hbm>> -> memref<10240x64xf32, #tpu.memory_space<hbm>>
      %dma_wait3A_590 = arith.constant 0 : i32
      %dma_wait3A_591 = arith.constant 0 : i32
      %dma_wait3A_592 = tpu.memref_slice %dma_wait3A_589[%dma_wait3A_590, %dma_wait3A_591] : memref<10240x64xf32, #tpu.memory_space<hbm>> -> memref<64x64xf32, #tpu.memory_space<hbm>>
      tpu.wait_dma2 semaphore(%arg12 : memref<!tpu.dma_semaphore, #tpu.memory_space<semaphore_mem>>) src(%dma_wait3A_592 : memref<64x64xf32, #tpu.memory_space<hbm>>) dst(%dma_wait3A_585 : memref<64x64xf32, #tpu.memory_space<vmem>>)
      %dma_wait3A_593 = arith.constant 8 : i32
      %dma_wait3A_594 = arith.constant 0 : i32
      %dma_wait3A_595 = arith.constant 0 : i32
      %dma_wait3A_596 = tpu.memref_slice %arg9[%dma_wait3A_593, %dma_wait3A_594, %dma_wait3A_595] : memref<10x64x64xf32, #tpu.memory_space<vmem>> -> memref<1x64x64xf32, #tpu.memory_space<vmem>>
      %dma_wait3A_597 = tpu.memref_squeeze %dma_wait3A_596 : memref<1x64x64xf32, #tpu.memory_space<vmem>> -> memref<64x64xf32, #tpu.memory_space<vmem>>
      %dma_wait3A_598 = arith.constant 0 : i32
      %dma_wait3A_599 = arith.constant 0 : i32
      %dma_wait3A_600 = tpu.memref_slice %arg2[%arg0, %dma_wait3A_598, %dma_wait3A_599] : memref<2x10240x64xf32, #tpu.memory_space<hbm>> -> memref<1x10240x64xf32, #tpu.memory_space<hbm>>
      %dma_wait3A_601 = tpu.memref_squeeze %dma_wait3A_600 : memref<1x10240x64xf32, #tpu.memory_space<hbm>> -> memref<10240x64xf32, #tpu.memory_space<hbm>>
      %dma_wait3A_602 = arith.constant 0 : i32
      %dma_wait3A_603 = arith.constant 0 : i32
      %dma_wait3A_604 = tpu.memref_slice %dma_wait3A_601[%dma_wait3A_602, %dma_wait3A_603] : memref<10240x64xf32, #tpu.memory_space<hbm>> -> memref<64x64xf32, #tpu.memory_space<hbm>>
      %dma_wait3A_605 = arith.constant 0 : i32
      %dma_wait3A_606 = arith.constant 0 : i32
      %dma_wait3A_607 = tpu.memref_slice %arg9[%dma_wait3A_593, %dma_wait3A_605, %dma_wait3A_606] : memref<10x64x64xf32, #tpu.memory_space<vmem>> -> memref<1x64x64xf32, #tpu.memory_space<vmem>>
      %dma_wait3A_608 = tpu.memref_squeeze %dma_wait3A_607 : memref<1x64x64xf32, #tpu.memory_space<vmem>> -> memref<64x64xf32, #tpu.memory_space<vmem>>
      %dma_wait3A_609 = arith.constant 0 : i32
      %dma_wait3A_610 = arith.constant 0 : i32
      %dma_wait3A_611 = tpu.memref_slice %arg2[%arg0, %dma_wait3A_609, %dma_wait3A_610] : memref<2x10240x64xf32, #tpu.memory_space<hbm>> -> memref<1x10240x64xf32, #tpu.memory_space<hbm>>
      %dma_wait3A_612 = tpu.memref_squeeze %dma_wait3A_611 : memref<1x10240x64xf32, #tpu.memory_space<hbm>> -> memref<10240x64xf32, #tpu.memory_space<hbm>>
      %dma_wait3A_613 = arith.constant 0 : i32
      %dma_wait3A_614 = arith.constant 0 : i32
      %dma_wait3A_615 = tpu.memref_slice %dma_wait3A_612[%dma_wait3A_613, %dma_wait3A_614] : memref<10240x64xf32, #tpu.memory_space<hbm>> -> memref<64x64xf32, #tpu.memory_space<hbm>>
      tpu.wait_dma2 semaphore(%arg12 : memref<!tpu.dma_semaphore, #tpu.memory_space<semaphore_mem>>) src(%dma_wait3A_615 : memref<64x64xf32, #tpu.memory_space<hbm>>) dst(%dma_wait3A_608 : memref<64x64xf32, #tpu.memory_space<vmem>>)
      %dma_wait3A_616 = arith.constant 9 : i32
      %dma_wait3A_617 = arith.constant 0 : i32
      %dma_wait3A_618 = arith.constant 0 : i32
      %dma_wait3A_619 = tpu.memref_slice %arg9[%dma_wait3A_616, %dma_wait3A_617, %dma_wait3A_618] : memref<10x64x64xf32, #tpu.memory_space<vmem>> -> memref<1x64x64xf32, #tpu.memory_space<vmem>>
      %dma_wait3A_620 = tpu.memref_squeeze %dma_wait3A_619 : memref<1x64x64xf32, #tpu.memory_space<vmem>> -> memref<64x64xf32, #tpu.memory_space<vmem>>
      %dma_wait3A_621 = arith.constant 0 : i32
      %dma_wait3A_622 = arith.constant 0 : i32
      %dma_wait3A_623 = tpu.memref_slice %arg2[%arg0, %dma_wait3A_621, %dma_wait3A_622] : memref<2x10240x64xf32, #tpu.memory_space<hbm>> -> memref<1x10240x64xf32, #tpu.memory_space<hbm>>
      %dma_wait3A_624 = tpu.memref_squeeze %dma_wait3A_623 : memref<1x10240x64xf32, #tpu.memory_space<hbm>> -> memref<10240x64xf32, #tpu.memory_space<hbm>>
      %dma_wait3A_625 = arith.constant 0 : i32
      %dma_wait3A_626 = arith.constant 0 : i32
      %dma_wait3A_627 = tpu.memref_slice %dma_wait3A_624[%dma_wait3A_625, %dma_wait3A_626] : memref<10240x64xf32, #tpu.memory_space<hbm>> -> memref<64x64xf32, #tpu.memory_space<hbm>>
      %dma_wait3A_628 = arith.constant 0 : i32
      %dma_wait3A_629 = arith.constant 0 : i32
      %dma_wait3A_630 = tpu.memref_slice %arg9[%dma_wait3A_616, %dma_wait3A_628, %dma_wait3A_629] : memref<10x64x64xf32, #tpu.memory_space<vmem>> -> memref<1x64x64xf32, #tpu.memory_space<vmem>>
      %dma_wait3A_631 = tpu.memref_squeeze %dma_wait3A_630 : memref<1x64x64xf32, #tpu.memory_space<vmem>> -> memref<64x64xf32, #tpu.memory_space<vmem>>
      %dma_wait3A_632 = arith.constant 0 : i32
      %dma_wait3A_633 = arith.constant 0 : i32
      %dma_wait3A_634 = tpu.memref_slice %arg2[%arg0, %dma_wait3A_632, %dma_wait3A_633] : memref<2x10240x64xf32, #tpu.memory_space<hbm>> -> memref<1x10240x64xf32, #tpu.memory_space<hbm>>
      %dma_wait3A_635 = tpu.memref_squeeze %dma_wait3A_634 : memref<1x10240x64xf32, #tpu.memory_space<hbm>> -> memref<10240x64xf32, #tpu.memory_space<hbm>>
      %dma_wait3A_636 = arith.constant 0 : i32
      %dma_wait3A_637 = arith.constant 0 : i32
      %dma_wait3A_638 = tpu.memref_slice %dma_wait3A_635[%dma_wait3A_636, %dma_wait3A_637] : memref<10240x64xf32, #tpu.memory_space<hbm>> -> memref<64x64xf32, #tpu.memory_space<hbm>>
      tpu.wait_dma2 semaphore(%arg12 : memref<!tpu.dma_semaphore, #tpu.memory_space<semaphore_mem>>) src(%dma_wait3A_638 : memref<64x64xf32, #tpu.memory_space<hbm>>) dst(%dma_wait3A_631 : memref<64x64xf32, #tpu.memory_space<vmem>>)
      %add3A_639 = arith.constant 5 : i32
      %add3A_640 = arith.addi %mul3A_181, %add3A_639 : i32
      %add3A_641 = arith.constant 0 : i32
      %add3A_642 = arith.addi %add3A_640, %add3A_641 : i32
      %dma_start3A_643 = arith.constant 5 : i32
      %dma_start3A_644 = arith.constant 0 : i32
      %dma_start3A_645 = arith.constant 0 : i32
      %dma_start3A_646 = tpu.memref_slice %arg9[%dma_start3A_643, %dma_start3A_644, %dma_start3A_645] : memref<10x64x64xf32, #tpu.memory_space<vmem>> -> memref<1x64x64xf32, #tpu.memory_space<vmem>>
      %dma_start3A_647 = tpu.memref_squeeze %dma_start3A_646 : memref<1x64x64xf32, #tpu.memory_space<vmem>> -> memref<64x64xf32, #tpu.memory_space<vmem>>
      %dma_start3A_648 = arith.constant 0 : i32
      %dma_start3A_649 = tpu.memref_slice %arg8[%add3A_642, %dma_start3A_648] : memref<320x64xi32, #tpu.memory_space<vmem>> -> memref<1x64xi32, #tpu.memory_space<vmem>>
      %dma_start3A_650 = tpu.memref_squeeze %dma_start3A_649 : memref<1x64xi32, #tpu.memory_space<vmem>> -> memref<64xi32, #tpu.memory_space<vmem>>
      %dma_start3A_651 = arith.constant 0 : i32
      %dma_start3A_652 = arith.constant 0 : i32
      %dma_start3A_653 = tpu.memref_slice %arg10[%dma_start3A_651, %dma_start3A_652] : memref<10240x64xf32, #tpu.memory_space<vmem_shared>> -> memref<10240x64xf32, #tpu.memory_space<vmem_shared>>
      tpu.enqueue_indirect_dma source(%dma_start3A_647 : memref<64x64xf32, #tpu.memory_space<vmem>>) target(%dma_start3A_653 : memref<10240x64xf32, #tpu.memory_space<vmem_shared>>) offsets(%dma_start3A_650 : memref<64xi32, #tpu.memory_space<vmem>>) semaphore(%arg14 : memref<!tpu.dma_semaphore, #tpu.memory_space<semaphore_mem>>) {add = true}
      %add3A_654 = arith.constant 5 : i32
      %add3A_655 = arith.addi %mul3A_181, %add3A_654 : i32
      %add3A_656 = arith.constant 1 : i32
      %add3A_657 = arith.addi %add3A_655, %add3A_656 : i32
      %dma_start3A_658 = arith.constant 6 : i32
      %dma_start3A_659 = arith.constant 0 : i32
      %dma_start3A_660 = arith.constant 0 : i32
      %dma_start3A_661 = tpu.memref_slice %arg9[%dma_start3A_658, %dma_start3A_659, %dma_start3A_660] : memref<10x64x64xf32, #tpu.memory_space<vmem>> -> memref<1x64x64xf32, #tpu.memory_space<vmem>>
      %dma_start3A_662 = tpu.memref_squeeze %dma_start3A_661 : memref<1x64x64xf32, #tpu.memory_space<vmem>> -> memref<64x64xf32, #tpu.memory_space<vmem>>
      %dma_start3A_663 = arith.constant 0 : i32
      %dma_start3A_664 = tpu.memref_slice %arg8[%add3A_657, %dma_start3A_663] : memref<320x64xi32, #tpu.memory_space<vmem>> -> memref<1x64xi32, #tpu.memory_space<vmem>>
      %dma_start3A_665 = tpu.memref_squeeze %dma_start3A_664 : memref<1x64xi32, #tpu.memory_space<vmem>> -> memref<64xi32, #tpu.memory_space<vmem>>
      %dma_start3A_666 = arith.constant 0 : i32
      %dma_start3A_667 = arith.constant 0 : i32
      %dma_start3A_668 = tpu.memref_slice %arg10[%dma_start3A_666, %dma_start3A_667] : memref<10240x64xf32, #tpu.memory_space<vmem_shared>> -> memref<10240x64xf32, #tpu.memory_space<vmem_shared>>
      tpu.enqueue_indirect_dma source(%dma_start3A_662 : memref<64x64xf32, #tpu.memory_space<vmem>>) target(%dma_start3A_668 : memref<10240x64xf32, #tpu.memory_space<vmem_shared>>) offsets(%dma_start3A_665 : memref<64xi32, #tpu.memory_space<vmem>>) semaphore(%arg14 : memref<!tpu.dma_semaphore, #tpu.memory_space<semaphore_mem>>) {add = true}
      %add3A_669 = arith.constant 5 : i32
      %add3A_670 = arith.addi %mul3A_181, %add3A_669 : i32
      %add3A_671 = arith.constant 2 : i32
      %add3A_672 = arith.addi %add3A_670, %add3A_671 : i32
      %dma_start3A_673 = arith.constant 7 : i32
      %dma_start3A_674 = arith.constant 0 : i32
      %dma_start3A_675 = arith.constant 0 : i32
      %dma_start3A_676 = tpu.memref_slice %arg9[%dma_start3A_673, %dma_start3A_674, %dma_start3A_675] : memref<10x64x64xf32, #tpu.memory_space<vmem>> -> memref<1x64x64xf32, #tpu.memory_space<vmem>>
      %dma_start3A_677 = tpu.memref_squeeze %dma_start3A_676 : memref<1x64x64xf32, #tpu.memory_space<vmem>> -> memref<64x64xf32, #tpu.memory_space<vmem>>
      %dma_start3A_678 = arith.constant 0 : i32
      %dma_start3A_679 = tpu.memref_slice %arg8[%add3A_672, %dma_start3A_678] : memref<320x64xi32, #tpu.memory_space<vmem>> -> memref<1x64xi32, #tpu.memory_space<vmem>>
      %dma_start3A_680 = tpu.memref_squeeze %dma_start3A_679 : memref<1x64xi32, #tpu.memory_space<vmem>> -> memref<64xi32, #tpu.memory_space<vmem>>
      %dma_start3A_681 = arith.constant 0 : i32
      %dma_start3A_682 = arith.constant 0 : i32
      %dma_start3A_683 = tpu.memref_slice %arg10[%dma_start3A_681, %dma_start3A_682] : memref<10240x64xf32, #tpu.memory_space<vmem_shared>> -> memref<10240x64xf32, #tpu.memory_space<vmem_shared>>
      tpu.enqueue_indirect_dma source(%dma_start3A_677 : memref<64x64xf32, #tpu.memory_space<vmem>>) target(%dma_start3A_683 : memref<10240x64xf32, #tpu.memory_space<vmem_shared>>) offsets(%dma_start3A_680 : memref<64xi32, #tpu.memory_space<vmem>>) semaphore(%arg14 : memref<!tpu.dma_semaphore, #tpu.memory_space<semaphore_mem>>) {add = true}
      %add3A_684 = arith.constant 5 : i32
      %add3A_685 = arith.addi %mul3A_181, %add3A_684 : i32
      %add3A_686 = arith.constant 3 : i32
      %add3A_687 = arith.addi %add3A_685, %add3A_686 : i32
      %dma_start3A_688 = arith.constant 8 : i32
      %dma_start3A_689 = arith.constant 0 : i32
      %dma_start3A_690 = arith.constant 0 : i32
      %dma_start3A_691 = tpu.memref_slice %arg9[%dma_start3A_688, %dma_start3A_689, %dma_start3A_690] : memref<10x64x64xf32, #tpu.memory_space<vmem>> -> memref<1x64x64xf32, #tpu.memory_space<vmem>>
      %dma_start3A_692 = tpu.memref_squeeze %dma_start3A_691 : memref<1x64x64xf32, #tpu.memory_space<vmem>> -> memref<64x64xf32, #tpu.memory_space<vmem>>
      %dma_start3A_693 = arith.constant 0 : i32
      %dma_start3A_694 = tpu.memref_slice %arg8[%add3A_687, %dma_start3A_693] : memref<320x64xi32, #tpu.memory_space<vmem>> -> memref<1x64xi32, #tpu.memory_space<vmem>>
      %dma_start3A_695 = tpu.memref_squeeze %dma_start3A_694 : memref<1x64xi32, #tpu.memory_space<vmem>> -> memref<64xi32, #tpu.memory_space<vmem>>
      %dma_start3A_696 = arith.constant 0 : i32
      %dma_start3A_697 = arith.constant 0 : i32
      %dma_start3A_698 = tpu.memref_slice %arg10[%dma_start3A_696, %dma_start3A_697] : memref<10240x64xf32, #tpu.memory_space<vmem_shared>> -> memref<10240x64xf32, #tpu.memory_space<vmem_shared>>
      tpu.enqueue_indirect_dma source(%dma_start3A_692 : memref<64x64xf32, #tpu.memory_space<vmem>>) target(%dma_start3A_698 : memref<10240x64xf32, #tpu.memory_space<vmem_shared>>) offsets(%dma_start3A_695 : memref<64xi32, #tpu.memory_space<vmem>>) semaphore(%arg14 : memref<!tpu.dma_semaphore, #tpu.memory_space<semaphore_mem>>) {add = true}
      %add3A_699 = arith.constant 5 : i32
      %add3A_700 = arith.addi %mul3A_181, %add3A_699 : i32
      %add3A_701 = arith.constant 4 : i32
      %add3A_702 = arith.addi %add3A_700, %add3A_701 : i32
      %dma_start3A_703 = arith.constant 9 : i32
      %dma_start3A_704 = arith.constant 0 : i32
      %dma_start3A_705 = arith.constant 0 : i32
      %dma_start3A_706 = tpu.memref_slice %arg9[%dma_start3A_703, %dma_start3A_704, %dma_start3A_705] : memref<10x64x64xf32, #tpu.memory_space<vmem>> -> memref<1x64x64xf32, #tpu.memory_space<vmem>>
      %dma_start3A_707 = tpu.memref_squeeze %dma_start3A_706 : memref<1x64x64xf32, #tpu.memory_space<vmem>> -> memref<64x64xf32, #tpu.memory_space<vmem>>
      %dma_start3A_708 = arith.constant 0 : i32
      %dma_start3A_709 = tpu.memref_slice %arg8[%add3A_702, %dma_start3A_708] : memref<320x64xi32, #tpu.memory_space<vmem>> -> memref<1x64xi32, #tpu.memory_space<vmem>>
      %dma_start3A_710 = tpu.memref_squeeze %dma_start3A_709 : memref<1x64xi32, #tpu.memory_space<vmem>> -> memref<64xi32, #tpu.memory_space<vmem>>
      %dma_start3A_711 = arith.constant 0 : i32
      %dma_start3A_712 = arith.constant 0 : i32
      %dma_start3A_713 = tpu.memref_slice %arg10[%dma_start3A_711, %dma_start3A_712] : memref<10240x64xf32, #tpu.memory_space<vmem_shared>> -> memref<10240x64xf32, #tpu.memory_space<vmem_shared>>
      tpu.enqueue_indirect_dma source(%dma_start3A_707 : memref<64x64xf32, #tpu.memory_space<vmem>>) target(%dma_start3A_713 : memref<10240x64xf32, #tpu.memory_space<vmem_shared>>) offsets(%dma_start3A_710 : memref<64xi32, #tpu.memory_space<vmem>>) semaphore(%arg14 : memref<!tpu.dma_semaphore, #tpu.memory_space<semaphore_mem>>) {add = true}
    }
    %scan3A_115 = arith.constant 32 : i32
    %dma_wait3A_116 = arith.constant 5 : i32
    %dma_wait3A_117 = arith.constant 0 : i32
    %dma_wait3A_118 = arith.constant 0 : i32
    %dma_wait3A_119 = arith.constant 0 : i32
    %dma_wait3A_120 = tpu.memref_slice %arg9[%dma_wait3A_116, %dma_wait3A_118, %dma_wait3A_119] : memref<10x64x64xf32, #tpu.memory_space<vmem>> -> memref<1x64x64xf32, #tpu.memory_space<vmem>>
    %dma_wait3A_121 = tpu.memref_squeeze %dma_wait3A_120 : memref<1x64x64xf32, #tpu.memory_space<vmem>> -> memref<64x64xf32, #tpu.memory_space<vmem>>
    %dma_wait3A_122 = arith.constant 0 : i32
    %dma_wait3A_123 = tpu.memref_slice %arg8[%dma_wait3A_117, %dma_wait3A_122] : memref<320x64xi32, #tpu.memory_space<vmem>> -> memref<1x64xi32, #tpu.memory_space<vmem>>
    %dma_wait3A_124 = tpu.memref_squeeze %dma_wait3A_123 : memref<1x64xi32, #tpu.memory_space<vmem>> -> memref<64xi32, #tpu.memory_space<vmem>>
    %dma_wait3A_125 = arith.constant 0 : i32
    %dma_wait3A_126 = arith.constant 0 : i32
    %dma_wait3A_127 = tpu.memref_slice %arg10[%dma_wait3A_125, %dma_wait3A_126] : memref<10240x64xf32, #tpu.memory_space<vmem_shared>> -> memref<10240x64xf32, #tpu.memory_space<vmem_shared>>
    tpu.wait_indirect_dma semaphore(%arg14 : memref<!tpu.dma_semaphore, #tpu.memory_space<semaphore_mem>>) src(%dma_wait3A_121 : memref<64x64xf32, #tpu.memory_space<vmem>>) dst(%dma_wait3A_127 : memref<10240x64xf32, #tpu.memory_space<vmem_shared>>)
    %dma_wait3A_128 = arith.constant 6 : i32
    %dma_wait3A_129 = arith.constant 0 : i32
    %dma_wait3A_130 = arith.constant 0 : i32
    %dma_wait3A_131 = arith.constant 0 : i32
    %dma_wait3A_132 = tpu.memref_slice %arg9[%dma_wait3A_128, %dma_wait3A_130, %dma_wait3A_131] : memref<10x64x64xf32, #tpu.memory_space<vmem>> -> memref<1x64x64xf32, #tpu.memory_space<vmem>>
    %dma_wait3A_133 = tpu.memref_squeeze %dma_wait3A_132 : memref<1x64x64xf32, #tpu.memory_space<vmem>> -> memref<64x64xf32, #tpu.memory_space<vmem>>
    %dma_wait3A_134 = arith.constant 0 : i32
    %dma_wait3A_135 = tpu.memref_slice %arg8[%dma_wait3A_129, %dma_wait3A_134] : memref<320x64xi32, #tpu.memory_space<vmem>> -> memref<1x64xi32, #tpu.memory_space<vmem>>
    %dma_wait3A_136 = tpu.memref_squeeze %dma_wait3A_135 : memref<1x64xi32, #tpu.memory_space<vmem>> -> memref<64xi32, #tpu.memory_space<vmem>>
    %dma_wait3A_137 = arith.constant 0 : i32
    %dma_wait3A_138 = arith.constant 0 : i32
    %dma_wait3A_139 = tpu.memref_slice %arg10[%dma_wait3A_137, %dma_wait3A_138] : memref<10240x64xf32, #tpu.memory_space<vmem_shared>> -> memref<10240x64xf32, #tpu.memory_space<vmem_shared>>
    tpu.wait_indirect_dma semaphore(%arg14 : memref<!tpu.dma_semaphore, #tpu.memory_space<semaphore_mem>>) src(%dma_wait3A_133 : memref<64x64xf32, #tpu.memory_space<vmem>>) dst(%dma_wait3A_139 : memref<10240x64xf32, #tpu.memory_space<vmem_shared>>)
    %dma_wait3A_140 = arith.constant 7 : i32
    %dma_wait3A_141 = arith.constant 0 : i32
    %dma_wait3A_142 = arith.constant 0 : i32
    %dma_wait3A_143 = arith.constant 0 : i32
    %dma_wait3A_144 = tpu.memref_slice %arg9[%dma_wait3A_140, %dma_wait3A_142, %dma_wait3A_143] : memref<10x64x64xf32, #tpu.memory_space<vmem>> -> memref<1x64x64xf32, #tpu.memory_space<vmem>>
    %dma_wait3A_145 = tpu.memref_squeeze %dma_wait3A_144 : memref<1x64x64xf32, #tpu.memory_space<vmem>> -> memref<64x64xf32, #tpu.memory_space<vmem>>
    %dma_wait3A_146 = arith.constant 0 : i32
    %dma_wait3A_147 = tpu.memref_slice %arg8[%dma_wait3A_141, %dma_wait3A_146] : memref<320x64xi32, #tpu.memory_space<vmem>> -> memref<1x64xi32, #tpu.memory_space<vmem>>
    %dma_wait3A_148 = tpu.memref_squeeze %dma_wait3A_147 : memref<1x64xi32, #tpu.memory_space<vmem>> -> memref<64xi32, #tpu.memory_space<vmem>>
    %dma_wait3A_149 = arith.constant 0 : i32
    %dma_wait3A_150 = arith.constant 0 : i32
    %dma_wait3A_151 = tpu.memref_slice %arg10[%dma_wait3A_149, %dma_wait3A_150] : memref<10240x64xf32, #tpu.memory_space<vmem_shared>> -> memref<10240x64xf32, #tpu.memory_space<vmem_shared>>
    tpu.wait_indirect_dma semaphore(%arg14 : memref<!tpu.dma_semaphore, #tpu.memory_space<semaphore_mem>>) src(%dma_wait3A_145 : memref<64x64xf32, #tpu.memory_space<vmem>>) dst(%dma_wait3A_151 : memref<10240x64xf32, #tpu.memory_space<vmem_shared>>)
    %dma_wait3A_152 = arith.constant 8 : i32
    %dma_wait3A_153 = arith.constant 0 : i32
    %dma_wait3A_154 = arith.constant 0 : i32
    %dma_wait3A_155 = arith.constant 0 : i32
    %dma_wait3A_156 = tpu.memref_slice %arg9[%dma_wait3A_152, %dma_wait3A_154, %dma_wait3A_155] : memref<10x64x64xf32, #tpu.memory_space<vmem>> -> memref<1x64x64xf32, #tpu.memory_space<vmem>>
    %dma_wait3A_157 = tpu.memref_squeeze %dma_wait3A_156 : memref<1x64x64xf32, #tpu.memory_space<vmem>> -> memref<64x64xf32, #tpu.memory_space<vmem>>
    %dma_wait3A_158 = arith.constant 0 : i32
    %dma_wait3A_159 = tpu.memref_slice %arg8[%dma_wait3A_153, %dma_wait3A_158] : memref<320x64xi32, #tpu.memory_space<vmem>> -> memref<1x64xi32, #tpu.memory_space<vmem>>
    %dma_wait3A_160 = tpu.memref_squeeze %dma_wait3A_159 : memref<1x64xi32, #tpu.memory_space<vmem>> -> memref<64xi32, #tpu.memory_space<vmem>>
    %dma_wait3A_161 = arith.constant 0 : i32
    %dma_wait3A_162 = arith.constant 0 : i32
    %dma_wait3A_163 = tpu.memref_slice %arg10[%dma_wait3A_161, %dma_wait3A_162] : memref<10240x64xf32, #tpu.memory_space<vmem_shared>> -> memref<10240x64xf32, #tpu.memory_space<vmem_shared>>
    tpu.wait_indirect_dma semaphore(%arg14 : memref<!tpu.dma_semaphore, #tpu.memory_space<semaphore_mem>>) src(%dma_wait3A_157 : memref<64x64xf32, #tpu.memory_space<vmem>>) dst(%dma_wait3A_163 : memref<10240x64xf32, #tpu.memory_space<vmem_shared>>)
    %dma_wait3A_164 = arith.constant 9 : i32
    %dma_wait3A_165 = arith.constant 0 : i32
    %dma_wait3A_166 = arith.constant 0 : i32
    %dma_wait3A_167 = arith.constant 0 : i32
    %dma_wait3A_168 = tpu.memref_slice %arg9[%dma_wait3A_164, %dma_wait3A_166, %dma_wait3A_167] : memref<10x64x64xf32, #tpu.memory_space<vmem>> -> memref<1x64x64xf32, #tpu.memory_space<vmem>>
    %dma_wait3A_169 = tpu.memref_squeeze %dma_wait3A_168 : memref<1x64x64xf32, #tpu.memory_space<vmem>> -> memref<64x64xf32, #tpu.memory_space<vmem>>
    %dma_wait3A_170 = arith.constant 0 : i32
    %dma_wait3A_171 = tpu.memref_slice %arg8[%dma_wait3A_165, %dma_wait3A_170] : memref<320x64xi32, #tpu.memory_space<vmem>> -> memref<1x64xi32, #tpu.memory_space<vmem>>
    %dma_wait3A_172 = tpu.memref_squeeze %dma_wait3A_171 : memref<1x64xi32, #tpu.memory_space<vmem>> -> memref<64xi32, #tpu.memory_space<vmem>>
    %dma_wait3A_173 = arith.constant 0 : i32
    %dma_wait3A_174 = arith.constant 0 : i32
    %dma_wait3A_175 = tpu.memref_slice %arg10[%dma_wait3A_173, %dma_wait3A_174] : memref<10240x64xf32, #tpu.memory_space<vmem_shared>> -> memref<10240x64xf32, #tpu.memory_space<vmem_shared>>
    tpu.wait_indirect_dma semaphore(%arg14 : memref<!tpu.dma_semaphore, #tpu.memory_space<semaphore_mem>>) src(%dma_wait3A_169 : memref<64x64xf32, #tpu.memory_space<vmem>>) dst(%dma_wait3A_175 : memref<10240x64xf32, #tpu.memory_space<vmem_shared>>)
    %barrier3A_176 = arith.constant 0 : index
    tpu.barrier barrier_id(%barrier3A_176)
    "tpu.region"() ({
      %run_scoped3A = tpu.sem_alloc : memref<!tpu.dma_semaphore, #tpu.memory_space<semaphore_mem>>
      %dma_start3A_177 = arith.constant 0 : i32
      %dma_start3A_178 = tpu.memref_slice %arg6[%arg0, %mul3A_0, %dma_start3A_177] : memref<2x10240x64xf32, #tpu.memory_space<hbm>> -> memref<1x640x64xf32, #tpu.memory_space<hbm>>
      %dma_start3A_179 = tpu.memref_squeeze %dma_start3A_178 : memref<1x640x64xf32, #tpu.memory_space<hbm>> -> memref<640x64xf32, #tpu.memory_space<hbm>>
      %dma_start3A_180 = arith.constant 0 : i32
      %dma_start3A_181 = tpu.memref_slice %arg10[%mul3A_0, %dma_start3A_180] : memref<10240x64xf32, #tpu.memory_space<vmem_shared>> -> memref<640x64xf32, #tpu.memory_space<vmem_shared>>
      tpu.enqueue_dma source(%dma_start3A_181 : memref<640x64xf32, #tpu.memory_space<vmem_shared>>) target(%dma_start3A_179 : memref<640x64xf32, #tpu.memory_space<hbm>>) target_semaphore(%run_scoped3A : memref<!tpu.dma_semaphore, #tpu.memory_space<semaphore_mem>>)
      %dma_wait3A_182 = arith.constant 0 : i32
      %dma_wait3A_183 = tpu.memref_slice %arg6[%arg0, %mul3A_0, %dma_wait3A_182] : memref<2x10240x64xf32, #tpu.memory_space<hbm>> -> memref<1x640x64xf32, #tpu.memory_space<hbm>>
      %dma_wait3A_184 = tpu.memref_squeeze %dma_wait3A_183 : memref<1x640x64xf32, #tpu.memory_space<hbm>> -> memref<640x64xf32, #tpu.memory_space<hbm>>
      %dma_wait3A_185 = arith.constant 0 : i32
      %dma_wait3A_186 = tpu.memref_slice %arg10[%mul3A_0, %dma_wait3A_185] : memref<10240x64xf32, #tpu.memory_space<vmem_shared>> -> memref<640x64xf32, #tpu.memory_space<vmem_shared>>
      tpu.wait_dma2 semaphore(%run_scoped3A : memref<!tpu.dma_semaphore, #tpu.memory_space<semaphore_mem>>) src(%dma_wait3A_186 : memref<640x64xf32, #tpu.memory_space<vmem_shared>>) dst(%dma_wait3A_184 : memref<640x64xf32, #tpu.memory_space<hbm>>)
      tpu.yield
    }) : () -> ()
    return
  }
}

#map = affine_map<(d0, d1) -> (0, 0, 0)>
#map1 = affine_map<(d0, d1) -> (0, 0)>
module attributes {stable_mosaic.version = 14 : i64} {
  func.func @_sc_stage1_body(%arg0: i32, %arg1: i32, %arg2: memref<2x10240x64xf32, #tpu.memory_space<hbm>>, %arg3: memref<16x320x64xi32, #tpu.memory_space<hbm>>, %arg4: memref<16x320x64xi32, #tpu.memory_space<hbm>>, %arg5: memref<10240x64xf32, #tpu.memory_space<hbm>>, %arg6: memref<2x10240x64xf32, #tpu.memory_space<hbm>>, %arg7: memref<16x10240xf32, #tpu.memory_space<hbm>>, %arg8: memref<16x10240xf32, #tpu.memory_space<hbm>>, %arg9: memref<320x64xi32, #tpu.memory_space<vmem>>, %arg10: memref<320x64xi32, #tpu.memory_space<vmem>>, %arg11: memref<8x64x64xf32, #tpu.memory_space<vmem>>, %arg12: memref<10240xf32, #tpu.memory_space<vmem>>, %arg13: memref<10240x64xf32, #tpu.memory_space<vmem_shared>>, %arg14: memref<!tpu.dma_semaphore, #tpu.memory_space<semaphore_mem>>, %arg15: memref<!tpu.dma_semaphore, #tpu.memory_space<semaphore_mem>>, %arg16: memref<!tpu.dma_semaphore, #tpu.memory_space<semaphore_mem>>, %arg17: memref<!tpu.dma_semaphore, #tpu.memory_space<semaphore_mem>>, %arg18: memref<!tpu.dma_semaphore, #tpu.memory_space<semaphore_mem>>) attributes {dimension_semantics = [#tpu.dimension_semantics<core_parallel>, #tpu.dimension_semantics<subcore_parallel>], iteration_bounds = array<i64: 2, 16>, scalar_prefetch = 0 : i64, scratch_operands = 10 : i64, tpu.core_type = #tpu.core_type<sc_vector_subcore>, window_params = [{transform_indices = #map}, {transform_indices = #map}, {transform_indices = #map}, {transform_indices = #map1}, {transform_indices = #map}, {transform_indices = #map1}, {transform_indices = #map1}]} {
    %mul3A = arith.constant 640 : i32
    %mul3A_0 = arith.muli %arg1, %mul3A : i32
    %dma_start3A = arith.constant 0 : i32
    %dma_start3A_1 = arith.constant 0 : i32
    %dma_start3A_2 = tpu.memref_slice %arg3[%arg1, %dma_start3A, %dma_start3A_1] : memref<16x320x64xi32, #tpu.memory_space<hbm>> -> memref<1x320x64xi32, #tpu.memory_space<hbm>>
    %dma_start3A_3 = tpu.memref_squeeze %dma_start3A_2 : memref<1x320x64xi32, #tpu.memory_space<hbm>> -> memref<320x64xi32, #tpu.memory_space<hbm>>
    %dma_start3A_4 = arith.constant 0 : i32
    %dma_start3A_5 = arith.constant 0 : i32
    %dma_start3A_6 = tpu.memref_slice %arg3[%arg1, %dma_start3A_4, %dma_start3A_5] : memref<16x320x64xi32, #tpu.memory_space<hbm>> -> memref<1x320x64xi32, #tpu.memory_space<hbm>>
    %dma_start3A_7 = tpu.memref_squeeze %dma_start3A_6 : memref<1x320x64xi32, #tpu.memory_space<hbm>> -> memref<320x64xi32, #tpu.memory_space<hbm>>
    tpu.enqueue_dma source(%dma_start3A_7 : memref<320x64xi32, #tpu.memory_space<hbm>>) target(%arg9 : memref<320x64xi32, #tpu.memory_space<vmem>>) target_semaphore(%arg18 : memref<!tpu.dma_semaphore, #tpu.memory_space<semaphore_mem>>)
    %dma_start3A_8 = arith.constant 0 : i32
    %dma_start3A_9 = arith.constant 0 : i32
    %dma_start3A_10 = tpu.memref_slice %arg4[%arg1, %dma_start3A_8, %dma_start3A_9] : memref<16x320x64xi32, #tpu.memory_space<hbm>> -> memref<1x320x64xi32, #tpu.memory_space<hbm>>
    %dma_start3A_11 = tpu.memref_squeeze %dma_start3A_10 : memref<1x320x64xi32, #tpu.memory_space<hbm>> -> memref<320x64xi32, #tpu.memory_space<hbm>>
    %dma_start3A_12 = arith.constant 0 : i32
    %dma_start3A_13 = arith.constant 0 : i32
    %dma_start3A_14 = tpu.memref_slice %arg4[%arg1, %dma_start3A_12, %dma_start3A_13] : memref<16x320x64xi32, #tpu.memory_space<hbm>> -> memref<1x320x64xi32, #tpu.memory_space<hbm>>
    %dma_start3A_15 = tpu.memref_squeeze %dma_start3A_14 : memref<1x320x64xi32, #tpu.memory_space<hbm>> -> memref<320x64xi32, #tpu.memory_space<hbm>>
    tpu.enqueue_dma source(%dma_start3A_15 : memref<320x64xi32, #tpu.memory_space<hbm>>) target(%arg10 : memref<320x64xi32, #tpu.memory_space<vmem>>) target_semaphore(%arg18 : memref<!tpu.dma_semaphore, #tpu.memory_space<semaphore_mem>>)
    %dma_wait3A = arith.constant 0 : i32
    %dma_wait3A_16 = arith.constant 0 : i32
    %dma_wait3A_17 = tpu.memref_slice %arg3[%arg1, %dma_wait3A, %dma_wait3A_16] : memref<16x320x64xi32, #tpu.memory_space<hbm>> -> memref<1x320x64xi32, #tpu.memory_space<hbm>>
    %dma_wait3A_18 = tpu.memref_squeeze %dma_wait3A_17 : memref<1x320x64xi32, #tpu.memory_space<hbm>> -> memref<320x64xi32, #tpu.memory_space<hbm>>
    %dma_wait3A_19 = arith.constant 0 : i32
    %dma_wait3A_20 = arith.constant 0 : i32
    %dma_wait3A_21 = tpu.memref_slice %arg3[%arg1, %dma_wait3A_19, %dma_wait3A_20] : memref<16x320x64xi32, #tpu.memory_space<hbm>> -> memref<1x320x64xi32, #tpu.memory_space<hbm>>
    %dma_wait3A_22 = tpu.memref_squeeze %dma_wait3A_21 : memref<1x320x64xi32, #tpu.memory_space<hbm>> -> memref<320x64xi32, #tpu.memory_space<hbm>>
    tpu.wait_dma2 semaphore(%arg18 : memref<!tpu.dma_semaphore, #tpu.memory_space<semaphore_mem>>) src(%dma_wait3A_22 : memref<320x64xi32, #tpu.memory_space<hbm>>) dst(%arg9 : memref<320x64xi32, #tpu.memory_space<vmem>>)
    %dma_wait3A_23 = arith.constant 0 : i32
    %dma_wait3A_24 = arith.constant 0 : i32
    %dma_wait3A_25 = tpu.memref_slice %arg4[%arg1, %dma_wait3A_23, %dma_wait3A_24] : memref<16x320x64xi32, #tpu.memory_space<hbm>> -> memref<1x320x64xi32, #tpu.memory_space<hbm>>
    %dma_wait3A_26 = tpu.memref_squeeze %dma_wait3A_25 : memref<1x320x64xi32, #tpu.memory_space<hbm>> -> memref<320x64xi32, #tpu.memory_space<hbm>>
    %dma_wait3A_27 = arith.constant 0 : i32
    %dma_wait3A_28 = arith.constant 0 : i32
    %dma_wait3A_29 = tpu.memref_slice %arg4[%arg1, %dma_wait3A_27, %dma_wait3A_28] : memref<16x320x64xi32, #tpu.memory_space<hbm>> -> memref<1x320x64xi32, #tpu.memory_space<hbm>>
    %dma_wait3A_30 = tpu.memref_squeeze %dma_wait3A_29 : memref<1x320x64xi32, #tpu.memory_space<hbm>> -> memref<320x64xi32, #tpu.memory_space<hbm>>
    tpu.wait_dma2 semaphore(%arg18 : memref<!tpu.dma_semaphore, #tpu.memory_space<semaphore_mem>>) src(%dma_wait3A_30 : memref<320x64xi32, #tpu.memory_space<hbm>>) dst(%arg10 : memref<320x64xi32, #tpu.memory_space<vmem>>)
    %dma_start3A_31 = arith.constant 0 : i32
    %dma_start3A_32 = arith.constant 0 : i32
    %dma_start3A_33 = arith.constant 0 : i32
    %dma_start3A_34 = arith.constant 0 : i32
    %dma_start3A_35 = tpu.memref_slice %arg11[%dma_start3A_32, %dma_start3A_33, %dma_start3A_34] : memref<8x64x64xf32, #tpu.memory_space<vmem>> -> memref<1x64x64xf32, #tpu.memory_space<vmem>>
    %dma_start3A_36 = tpu.memref_squeeze %dma_start3A_35 : memref<1x64x64xf32, #tpu.memory_space<vmem>> -> memref<64x64xf32, #tpu.memory_space<vmem>>
    %dma_start3A_37 = arith.constant 0 : i32
    %dma_start3A_38 = tpu.memref_slice %arg9[%dma_start3A_31, %dma_start3A_37] : memref<320x64xi32, #tpu.memory_space<vmem>> -> memref<1x64xi32, #tpu.memory_space<vmem>>
    %dma_start3A_39 = tpu.memref_squeeze %dma_start3A_38 : memref<1x64xi32, #tpu.memory_space<vmem>> -> memref<64xi32, #tpu.memory_space<vmem>>
    %dma_start3A_40 = arith.constant 0 : i32
    %dma_start3A_41 = arith.constant 0 : i32
    %dma_start3A_42 = tpu.memref_slice %arg2[%arg0, %dma_start3A_40, %dma_start3A_41] : memref<2x10240x64xf32, #tpu.memory_space<hbm>> -> memref<1x10240x64xf32, #tpu.memory_space<hbm>>
    %dma_start3A_43 = tpu.memref_squeeze %dma_start3A_42 : memref<1x10240x64xf32, #tpu.memory_space<hbm>> -> memref<10240x64xf32, #tpu.memory_space<hbm>>
    %dma_start3A_44 = arith.constant 0 : i32
    %dma_start3A_45 = arith.constant 0 : i32
    %dma_start3A_46 = tpu.memref_slice %dma_start3A_43[%dma_start3A_44, %dma_start3A_45] : memref<10240x64xf32, #tpu.memory_space<hbm>> -> memref<10240x64xf32, #tpu.memory_space<hbm>>
    tpu.enqueue_indirect_dma source(%dma_start3A_46 : memref<10240x64xf32, #tpu.memory_space<hbm>>) target(%dma_start3A_36 : memref<64x64xf32, #tpu.memory_space<vmem>>) offsets(%dma_start3A_39 : memref<64xi32, #tpu.memory_space<vmem>>) semaphore(%arg14 : memref<!tpu.dma_semaphore, #tpu.memory_space<semaphore_mem>>)
    %dma_start3A_47 = arith.constant 1 : i32
    %dma_start3A_48 = arith.constant 1 : i32
    %dma_start3A_49 = arith.constant 0 : i32
    %dma_start3A_50 = arith.constant 0 : i32
    %dma_start3A_51 = tpu.memref_slice %arg11[%dma_start3A_48, %dma_start3A_49, %dma_start3A_50] : memref<8x64x64xf32, #tpu.memory_space<vmem>> -> memref<1x64x64xf32, #tpu.memory_space<vmem>>
    %dma_start3A_52 = tpu.memref_squeeze %dma_start3A_51 : memref<1x64x64xf32, #tpu.memory_space<vmem>> -> memref<64x64xf32, #tpu.memory_space<vmem>>
    %dma_start3A_53 = arith.constant 0 : i32
    %dma_start3A_54 = tpu.memref_slice %arg9[%dma_start3A_47, %dma_start3A_53] : memref<320x64xi32, #tpu.memory_space<vmem>> -> memref<1x64xi32, #tpu.memory_space<vmem>>
    %dma_start3A_55 = tpu.memref_squeeze %dma_start3A_54 : memref<1x64xi32, #tpu.memory_space<vmem>> -> memref<64xi32, #tpu.memory_space<vmem>>
    %dma_start3A_56 = arith.constant 0 : i32
    %dma_start3A_57 = arith.constant 0 : i32
    %dma_start3A_58 = tpu.memref_slice %arg2[%arg0, %dma_start3A_56, %dma_start3A_57] : memref<2x10240x64xf32, #tpu.memory_space<hbm>> -> memref<1x10240x64xf32, #tpu.memory_space<hbm>>
    %dma_start3A_59 = tpu.memref_squeeze %dma_start3A_58 : memref<1x10240x64xf32, #tpu.memory_space<hbm>> -> memref<10240x64xf32, #tpu.memory_space<hbm>>
    %dma_start3A_60 = arith.constant 0 : i32
    %dma_start3A_61 = arith.constant 0 : i32
    %dma_start3A_62 = tpu.memref_slice %dma_start3A_59[%dma_start3A_60, %dma_start3A_61] : memref<10240x64xf32, #tpu.memory_space<hbm>> -> memref<10240x64xf32, #tpu.memory_space<hbm>>
    tpu.enqueue_indirect_dma source(%dma_start3A_62 : memref<10240x64xf32, #tpu.memory_space<hbm>>) target(%dma_start3A_52 : memref<64x64xf32, #tpu.memory_space<vmem>>) offsets(%dma_start3A_55 : memref<64xi32, #tpu.memory_space<vmem>>) semaphore(%arg14 : memref<!tpu.dma_semaphore, #tpu.memory_space<semaphore_mem>>)
    %dma_start3A_63 = arith.constant 2 : i32
    %dma_start3A_64 = arith.constant 2 : i32
    %dma_start3A_65 = arith.constant 0 : i32
    %dma_start3A_66 = arith.constant 0 : i32
    %dma_start3A_67 = tpu.memref_slice %arg11[%dma_start3A_64, %dma_start3A_65, %dma_start3A_66] : memref<8x64x64xf32, #tpu.memory_space<vmem>> -> memref<1x64x64xf32, #tpu.memory_space<vmem>>
    %dma_start3A_68 = tpu.memref_squeeze %dma_start3A_67 : memref<1x64x64xf32, #tpu.memory_space<vmem>> -> memref<64x64xf32, #tpu.memory_space<vmem>>
    %dma_start3A_69 = arith.constant 0 : i32
    %dma_start3A_70 = tpu.memref_slice %arg9[%dma_start3A_63, %dma_start3A_69] : memref<320x64xi32, #tpu.memory_space<vmem>> -> memref<1x64xi32, #tpu.memory_space<vmem>>
    %dma_start3A_71 = tpu.memref_squeeze %dma_start3A_70 : memref<1x64xi32, #tpu.memory_space<vmem>> -> memref<64xi32, #tpu.memory_space<vmem>>
    %dma_start3A_72 = arith.constant 0 : i32
    %dma_start3A_73 = arith.constant 0 : i32
    %dma_start3A_74 = tpu.memref_slice %arg2[%arg0, %dma_start3A_72, %dma_start3A_73] : memref<2x10240x64xf32, #tpu.memory_space<hbm>> -> memref<1x10240x64xf32, #tpu.memory_space<hbm>>
    %dma_start3A_75 = tpu.memref_squeeze %dma_start3A_74 : memref<1x10240x64xf32, #tpu.memory_space<hbm>> -> memref<10240x64xf32, #tpu.memory_space<hbm>>
    %dma_start3A_76 = arith.constant 0 : i32
    %dma_start3A_77 = arith.constant 0 : i32
    %dma_start3A_78 = tpu.memref_slice %dma_start3A_75[%dma_start3A_76, %dma_start3A_77] : memref<10240x64xf32, #tpu.memory_space<hbm>> -> memref<10240x64xf32, #tpu.memory_space<hbm>>
    tpu.enqueue_indirect_dma source(%dma_start3A_78 : memref<10240x64xf32, #tpu.memory_space<hbm>>) target(%dma_start3A_68 : memref<64x64xf32, #tpu.memory_space<vmem>>) offsets(%dma_start3A_71 : memref<64xi32, #tpu.memory_space<vmem>>) semaphore(%arg14 : memref<!tpu.dma_semaphore, #tpu.memory_space<semaphore_mem>>)
    %dma_start3A_79 = arith.constant 3 : i32
    %dma_start3A_80 = arith.constant 3 : i32
    %dma_start3A_81 = arith.constant 0 : i32
    %dma_start3A_82 = arith.constant 0 : i32
    %dma_start3A_83 = tpu.memref_slice %arg11[%dma_start3A_80, %dma_start3A_81, %dma_start3A_82] : memref<8x64x64xf32, #tpu.memory_space<vmem>> -> memref<1x64x64xf32, #tpu.memory_space<vmem>>
    %dma_start3A_84 = tpu.memref_squeeze %dma_start3A_83 : memref<1x64x64xf32, #tpu.memory_space<vmem>> -> memref<64x64xf32, #tpu.memory_space<vmem>>
    %dma_start3A_85 = arith.constant 0 : i32
    %dma_start3A_86 = tpu.memref_slice %arg9[%dma_start3A_79, %dma_start3A_85] : memref<320x64xi32, #tpu.memory_space<vmem>> -> memref<1x64xi32, #tpu.memory_space<vmem>>
    %dma_start3A_87 = tpu.memref_squeeze %dma_start3A_86 : memref<1x64xi32, #tpu.memory_space<vmem>> -> memref<64xi32, #tpu.memory_space<vmem>>
    %dma_start3A_88 = arith.constant 0 : i32
    %dma_start3A_89 = arith.constant 0 : i32
    %dma_start3A_90 = tpu.memref_slice %arg2[%arg0, %dma_start3A_88, %dma_start3A_89] : memref<2x10240x64xf32, #tpu.memory_space<hbm>> -> memref<1x10240x64xf32, #tpu.memory_space<hbm>>
    %dma_start3A_91 = tpu.memref_squeeze %dma_start3A_90 : memref<1x10240x64xf32, #tpu.memory_space<hbm>> -> memref<10240x64xf32, #tpu.memory_space<hbm>>
    %dma_start3A_92 = arith.constant 0 : i32
    %dma_start3A_93 = arith.constant 0 : i32
    %dma_start3A_94 = tpu.memref_slice %dma_start3A_91[%dma_start3A_92, %dma_start3A_93] : memref<10240x64xf32, #tpu.memory_space<hbm>> -> memref<10240x64xf32, #tpu.memory_space<hbm>>
    tpu.enqueue_indirect_dma source(%dma_start3A_94 : memref<10240x64xf32, #tpu.memory_space<hbm>>) target(%dma_start3A_84 : memref<64x64xf32, #tpu.memory_space<vmem>>) offsets(%dma_start3A_87 : memref<64xi32, #tpu.memory_space<vmem>>) semaphore(%arg14 : memref<!tpu.dma_semaphore, #tpu.memory_space<semaphore_mem>>)
    "tpu.region"() ({
      %run_scoped3A = tpu.sem_alloc : memref<!tpu.dma_semaphore, #tpu.memory_space<semaphore_mem>>
      %dma_start3A_120 = arith.constant 0 : i32
      %dma_start3A_121 = tpu.memref_slice %arg13[%mul3A_0, %dma_start3A_120] : memref<10240x64xf32, #tpu.memory_space<vmem_shared>> -> memref<640x64xf32, #tpu.memory_space<vmem_shared>>
      %dma_start3A_122 = arith.constant 0 : i32
      %dma_start3A_123 = tpu.memref_slice %arg5[%mul3A_0, %dma_start3A_122] : memref<10240x64xf32, #tpu.memory_space<hbm>> -> memref<640x64xf32, #tpu.memory_space<hbm>>
      tpu.enqueue_dma source(%dma_start3A_123 : memref<640x64xf32, #tpu.memory_space<hbm>>) target(%dma_start3A_121 : memref<640x64xf32, #tpu.memory_space<vmem_shared>>) target_semaphore(%run_scoped3A : memref<!tpu.dma_semaphore, #tpu.memory_space<semaphore_mem>>)
      %dma_wait3A_124 = arith.constant 0 : i32
      %dma_wait3A_125 = tpu.memref_slice %arg13[%mul3A_0, %dma_wait3A_124] : memref<10240x64xf32, #tpu.memory_space<vmem_shared>> -> memref<640x64xf32, #tpu.memory_space<vmem_shared>>
      %dma_wait3A_126 = arith.constant 0 : i32
      %dma_wait3A_127 = tpu.memref_slice %arg5[%mul3A_0, %dma_wait3A_126] : memref<10240x64xf32, #tpu.memory_space<hbm>> -> memref<640x64xf32, #tpu.memory_space<hbm>>
      tpu.wait_dma2 semaphore(%run_scoped3A : memref<!tpu.dma_semaphore, #tpu.memory_space<semaphore_mem>>) src(%dma_wait3A_127 : memref<640x64xf32, #tpu.memory_space<hbm>>) dst(%dma_wait3A_125 : memref<640x64xf32, #tpu.memory_space<vmem_shared>>)
      tpu.yield
    }) : () -> ()
    %broadcast_in_dim3A = arith.constant 0.000000e+00 : f32
    %broadcast_in_dim3A_95 = vector.broadcast %broadcast_in_dim3A : f32 to vector<16xf32>
    %scan3A = arith.constant 0 : i32
    %scan3A_96 = arith.constant 0 : i32
    %scan3A_97 = arith.constant 640 : i32
    %scan3A_98 = arith.addi %scan3A_96, %scan3A_97 : i32
    %scan3A_99 = arith.constant 1 : i32
    scf.for %scan3A_120 = %scan3A_96 to %scan3A_98 step %scan3A_99  : i32 {
      %mul3A_121 = arith.constant 16 : i32
      %mul3A_122 = arith.muli %scan3A_120, %mul3A_121 : i32
      %swap3A = arith.index_cast %mul3A_122 : i32 to index
      %swap3A_123 = tpu.vector_load %arg12[%swap3A] {strides = array<i32>} : memref<10240xf32, #tpu.memory_space<vmem>>, vector<16xf32>,
      tpu.vector_store %arg12[%swap3A], %broadcast_in_dim3A_95 {strides = array<i32>} : memref<10240xf32, #tpu.memory_space<vmem>>, vector<16xf32>,
    }
    %scan3A_100 = arith.constant 640 : i32
    %barrier3A = arith.constant 0 : index
    tpu.barrier barrier_id(%barrier3A)
    %broadcast_in_dim3A_101 = arith.constant 1.000000e+00 : f32
    %broadcast_in_dim3A_102 = vector.broadcast %broadcast_in_dim3A_101 : f32 to vector<16xf32>
    %eq3A = arith.constant 0 : i32
    %eq3A_103 = arith.cmpi eq, %arg0, %eq3A : i32
    %convert_element_type3A = arith.extui %eq3A_103 : i1 to i32
    %cond3A = arith.constant 0 : i32
    %cond3A_104 = arith.cmpi ne, %convert_element_type3A, %cond3A : i32
    scf.if %cond3A_104 {
      %scan3A_120 = arith.constant 0 : i32
      %scan3A_121 = arith.constant 0 : i32
      %scan3A_122 = arith.constant 40 : i32
      %scan3A_123 = arith.addi %scan3A_121, %scan3A_122 : i32
      %scan3A_124 = arith.constant 1 : i32
      scf.for %scan3A_174 = %scan3A_121 to %scan3A_123 step %scan3A_124  : i32 {
        %mul3A_175 = arith.constant 2 : i32
        %mul3A_176 = arith.muli %scan3A_174, %mul3A_175 : i32
        %mul3A_177 = arith.constant 4 : i32
        %mul3A_178 = arith.muli %mul3A_176, %mul3A_177 : i32
        %gt3A = arith.constant 0 : i32
        %gt3A_179 = arith.cmpi sgt, %scan3A_174, %gt3A : i32
        %convert_element_type3A_180 = arith.extui %gt3A_179 : i1 to i32
        %cond3A_181 = arith.constant 0 : i32
        %cond3A_182 = arith.cmpi ne, %convert_element_type3A_180, %cond3A_181 : i32
        scf.if %cond3A_182 {
          %dma_wait3A_767 = arith.constant 4 : i32
          %dma_wait3A_768 = arith.constant 0 : i32
          %dma_wait3A_769 = arith.constant 0 : i32
          %dma_wait3A_770 = arith.constant 0 : i32
          %dma_wait3A_771 = tpu.memref_slice %arg11[%dma_wait3A_767, %dma_wait3A_769, %dma_wait3A_770] : memref<8x64x64xf32, #tpu.memory_space<vmem>> -> memref<1x64x64xf32, #tpu.memory_space<vmem>>
          %dma_wait3A_772 = tpu.memref_squeeze %dma_wait3A_771 : memref<1x64x64xf32, #tpu.memory_space<vmem>> -> memref<64x64xf32, #tpu.memory_space<vmem>>
          %dma_wait3A_773 = arith.constant 0 : i32
          %dma_wait3A_774 = tpu.memref_slice %arg10[%dma_wait3A_768, %dma_wait3A_773] : memref<320x64xi32, #tpu.memory_space<vmem>> -> memref<1x64xi32, #tpu.memory_space<vmem>>
          %dma_wait3A_775 = tpu.memref_squeeze %dma_wait3A_774 : memref<1x64xi32, #tpu.memory_space<vmem>> -> memref<64xi32, #tpu.memory_space<vmem>>
          %dma_wait3A_776 = arith.constant 0 : i32
          %dma_wait3A_777 = arith.constant 0 : i32
          %dma_wait3A_778 = tpu.memref_slice %arg13[%dma_wait3A_776, %dma_wait3A_777] : memref<10240x64xf32, #tpu.memory_space<vmem_shared>> -> memref<10240x64xf32, #tpu.memory_space<vmem_shared>>
          tpu.wait_indirect_dma semaphore(%arg17 : memref<!tpu.dma_semaphore, #tpu.memory_space<semaphore_mem>>) src(%dma_wait3A_772 : memref<64x64xf32, #tpu.memory_space<vmem>>) dst(%dma_wait3A_778 : memref<10240x64xf32, #tpu.memory_space<vmem_shared>>)
          %dma_wait3A_779 = arith.constant 5 : i32
          %dma_wait3A_780 = arith.constant 0 : i32
          %dma_wait3A_781 = arith.constant 0 : i32
          %dma_wait3A_782 = arith.constant 0 : i32
          %dma_wait3A_783 = tpu.memref_slice %arg11[%dma_wait3A_779, %dma_wait3A_781, %dma_wait3A_782] : memref<8x64x64xf32, #tpu.memory_space<vmem>> -> memref<1x64x64xf32, #tpu.memory_space<vmem>>
          %dma_wait3A_784 = tpu.memref_squeeze %dma_wait3A_783 : memref<1x64x64xf32, #tpu.memory_space<vmem>> -> memref<64x64xf32, #tpu.memory_space<vmem>>
          %dma_wait3A_785 = arith.constant 0 : i32
          %dma_wait3A_786 = tpu.memref_slice %arg10[%dma_wait3A_780, %dma_wait3A_785] : memref<320x64xi32, #tpu.memory_space<vmem>> -> memref<1x64xi32, #tpu.memory_space<vmem>>
          %dma_wait3A_787 = tpu.memref_squeeze %dma_wait3A_786 : memref<1x64xi32, #tpu.memory_space<vmem>> -> memref<64xi32, #tpu.memory_space<vmem>>
          %dma_wait3A_788 = arith.constant 0 : i32
          %dma_wait3A_789 = arith.constant 0 : i32
          %dma_wait3A_790 = tpu.memref_slice %arg13[%dma_wait3A_788, %dma_wait3A_789] : memref<10240x64xf32, #tpu.memory_space<vmem_shared>> -> memref<10240x64xf32, #tpu.memory_space<vmem_shared>>
          tpu.wait_indirect_dma semaphore(%arg17 : memref<!tpu.dma_semaphore, #tpu.memory_space<semaphore_mem>>) src(%dma_wait3A_784 : memref<64x64xf32, #tpu.memory_space<vmem>>) dst(%dma_wait3A_790 : memref<10240x64xf32, #tpu.memory_space<vmem_shared>>)
          %dma_wait3A_791 = arith.constant 6 : i32
          %dma_wait3A_792 = arith.constant 0 : i32
          %dma_wait3A_793 = arith.constant 0 : i32
          %dma_wait3A_794 = arith.constant 0 : i32
          %dma_wait3A_795 = tpu.memref_slice %arg11[%dma_wait3A_791, %dma_wait3A_793, %dma_wait3A_794] : memref<8x64x64xf32, #tpu.memory_space<vmem>> -> memref<1x64x64xf32, #tpu.memory_space<vmem>>
          %dma_wait3A_796 = tpu.memref_squeeze %dma_wait3A_795 : memref<1x64x64xf32, #tpu.memory_space<vmem>> -> memref<64x64xf32, #tpu.memory_space<vmem>>
          %dma_wait3A_797 = arith.constant 0 : i32
          %dma_wait3A_798 = tpu.memref_slice %arg10[%dma_wait3A_792, %dma_wait3A_797] : memref<320x64xi32, #tpu.memory_space<vmem>> -> memref<1x64xi32, #tpu.memory_space<vmem>>
          %dma_wait3A_799 = tpu.memref_squeeze %dma_wait3A_798 : memref<1x64xi32, #tpu.memory_space<vmem>> -> memref<64xi32, #tpu.memory_space<vmem>>
          %dma_wait3A_800 = arith.constant 0 : i32
          %dma_wait3A_801 = arith.constant 0 : i32
          %dma_wait3A_802 = tpu.memref_slice %arg13[%dma_wait3A_800, %dma_wait3A_801] : memref<10240x64xf32, #tpu.memory_space<vmem_shared>> -> memref<10240x64xf32, #tpu.memory_space<vmem_shared>>
          tpu.wait_indirect_dma semaphore(%arg17 : memref<!tpu.dma_semaphore, #tpu.memory_space<semaphore_mem>>) src(%dma_wait3A_796 : memref<64x64xf32, #tpu.memory_space<vmem>>) dst(%dma_wait3A_802 : memref<10240x64xf32, #tpu.memory_space<vmem_shared>>)
          %dma_wait3A_803 = arith.constant 7 : i32
          %dma_wait3A_804 = arith.constant 0 : i32
          %dma_wait3A_805 = arith.constant 0 : i32
          %dma_wait3A_806 = arith.constant 0 : i32
          %dma_wait3A_807 = tpu.memref_slice %arg11[%dma_wait3A_803, %dma_wait3A_805, %dma_wait3A_806] : memref<8x64x64xf32, #tpu.memory_space<vmem>> -> memref<1x64x64xf32, #tpu.memory_space<vmem>>
          %dma_wait3A_808 = tpu.memref_squeeze %dma_wait3A_807 : memref<1x64x64xf32, #tpu.memory_space<vmem>> -> memref<64x64xf32, #tpu.memory_space<vmem>>
          %dma_wait3A_809 = arith.constant 0 : i32
          %dma_wait3A_810 = tpu.memref_slice %arg10[%dma_wait3A_804, %dma_wait3A_809] : memref<320x64xi32, #tpu.memory_space<vmem>> -> memref<1x64xi32, #tpu.memory_space<vmem>>
          %dma_wait3A_811 = tpu.memref_squeeze %dma_wait3A_810 : memref<1x64xi32, #tpu.memory_space<vmem>> -> memref<64xi32, #tpu.memory_space<vmem>>
          %dma_wait3A_812 = arith.constant 0 : i32
          %dma_wait3A_813 = arith.constant 0 : i32
          %dma_wait3A_814 = tpu.memref_slice %arg13[%dma_wait3A_812, %dma_wait3A_813] : memref<10240x64xf32, #tpu.memory_space<vmem_shared>> -> memref<10240x64xf32, #tpu.memory_space<vmem_shared>>
          tpu.wait_indirect_dma semaphore(%arg17 : memref<!tpu.dma_semaphore, #tpu.memory_space<semaphore_mem>>) src(%dma_wait3A_808 : memref<64x64xf32, #tpu.memory_space<vmem>>) dst(%dma_wait3A_814 : memref<10240x64xf32, #tpu.memory_space<vmem_shared>>)
        } else {
        }
        %add3A = arith.constant 4 : i32
        %add3A_183 = arith.addi %mul3A_178, %add3A : i32
        %add3A_184 = arith.constant 0 : i32
        %add3A_185 = arith.addi %add3A_183, %add3A_184 : i32
        %dma_start3A_186 = arith.constant 4 : i32
        %dma_start3A_187 = arith.constant 0 : i32
        %dma_start3A_188 = arith.constant 0 : i32
        %dma_start3A_189 = tpu.memref_slice %arg11[%dma_start3A_186, %dma_start3A_187, %dma_start3A_188] : memref<8x64x64xf32, #tpu.memory_space<vmem>> -> memref<1x64x64xf32, #tpu.memory_space<vmem>>
        %dma_start3A_190 = tpu.memref_squeeze %dma_start3A_189 : memref<1x64x64xf32, #tpu.memory_space<vmem>> -> memref<64x64xf32, #tpu.memory_space<vmem>>
        %dma_start3A_191 = arith.constant 0 : i32
        %dma_start3A_192 = tpu.memref_slice %arg9[%add3A_185, %dma_start3A_191] : memref<320x64xi32, #tpu.memory_space<vmem>> -> memref<1x64xi32, #tpu.memory_space<vmem>>
        %dma_start3A_193 = tpu.memref_squeeze %dma_start3A_192 : memref<1x64xi32, #tpu.memory_space<vmem>> -> memref<64xi32, #tpu.memory_space<vmem>>
        %dma_start3A_194 = arith.constant 0 : i32
        %dma_start3A_195 = arith.constant 0 : i32
        %dma_start3A_196 = tpu.memref_slice %arg2[%arg0, %dma_start3A_194, %dma_start3A_195] : memref<2x10240x64xf32, #tpu.memory_space<hbm>> -> memref<1x10240x64xf32, #tpu.memory_space<hbm>>
        %dma_start3A_197 = tpu.memref_squeeze %dma_start3A_196 : memref<1x10240x64xf32, #tpu.memory_space<hbm>> -> memref<10240x64xf32, #tpu.memory_space<hbm>>
        %dma_start3A_198 = arith.constant 0 : i32
        %dma_start3A_199 = arith.constant 0 : i32
        %dma_start3A_200 = tpu.memref_slice %dma_start3A_197[%dma_start3A_198, %dma_start3A_199] : memref<10240x64xf32, #tpu.memory_space<hbm>> -> memref<10240x64xf32, #tpu.memory_space<hbm>>
        tpu.enqueue_indirect_dma source(%dma_start3A_200 : memref<10240x64xf32, #tpu.memory_space<hbm>>) target(%dma_start3A_190 : memref<64x64xf32, #tpu.memory_space<vmem>>) offsets(%dma_start3A_193 : memref<64xi32, #tpu.memory_space<vmem>>) semaphore(%arg15 : memref<!tpu.dma_semaphore, #tpu.memory_space<semaphore_mem>>)
        %add3A_201 = arith.constant 4 : i32
        %add3A_202 = arith.addi %mul3A_178, %add3A_201 : i32
        %add3A_203 = arith.constant 1 : i32
        %add3A_204 = arith.addi %add3A_202, %add3A_203 : i32
        %dma_start3A_205 = arith.constant 5 : i32
        %dma_start3A_206 = arith.constant 0 : i32
        %dma_start3A_207 = arith.constant 0 : i32
        %dma_start3A_208 = tpu.memref_slice %arg11[%dma_start3A_205, %dma_start3A_206, %dma_start3A_207] : memref<8x64x64xf32, #tpu.memory_space<vmem>> -> memref<1x64x64xf32, #tpu.memory_space<vmem>>
        %dma_start3A_209 = tpu.memref_squeeze %dma_start3A_208 : memref<1x64x64xf32, #tpu.memory_space<vmem>> -> memref<64x64xf32, #tpu.memory_space<vmem>>
        %dma_start3A_210 = arith.constant 0 : i32
        %dma_start3A_211 = tpu.memref_slice %arg9[%add3A_204, %dma_start3A_210] : memref<320x64xi32, #tpu.memory_space<vmem>> -> memref<1x64xi32, #tpu.memory_space<vmem>>
        %dma_start3A_212 = tpu.memref_squeeze %dma_start3A_211 : memref<1x64xi32, #tpu.memory_space<vmem>> -> memref<64xi32, #tpu.memory_space<vmem>>
        %dma_start3A_213 = arith.constant 0 : i32
        %dma_start3A_214 = arith.constant 0 : i32
        %dma_start3A_215 = tpu.memref_slice %arg2[%arg0, %dma_start3A_213, %dma_start3A_214] : memref<2x10240x64xf32, #tpu.memory_space<hbm>> -> memref<1x10240x64xf32, #tpu.memory_space<hbm>>
        %dma_start3A_216 = tpu.memref_squeeze %dma_start3A_215 : memref<1x10240x64xf32, #tpu.memory_space<hbm>> -> memref<10240x64xf32, #tpu.memory_space<hbm>>
        %dma_start3A_217 = arith.constant 0 : i32
        %dma_start3A_218 = arith.constant 0 : i32
        %dma_start3A_219 = tpu.memref_slice %dma_start3A_216[%dma_start3A_217, %dma_start3A_218] : memref<10240x64xf32, #tpu.memory_space<hbm>> -> memref<10240x64xf32, #tpu.memory_space<hbm>>
        tpu.enqueue_indirect_dma source(%dma_start3A_219 : memref<10240x64xf32, #tpu.memory_space<hbm>>) target(%dma_start3A_209 : memref<64x64xf32, #tpu.memory_space<vmem>>) offsets(%dma_start3A_212 : memref<64xi32, #tpu.memory_space<vmem>>) semaphore(%arg15 : memref<!tpu.dma_semaphore, #tpu.memory_space<semaphore_mem>>)
        %add3A_220 = arith.constant 4 : i32
        %add3A_221 = arith.addi %mul3A_178, %add3A_220 : i32
        %add3A_222 = arith.constant 2 : i32
        %add3A_223 = arith.addi %add3A_221, %add3A_222 : i32
        %dma_start3A_224 = arith.constant 6 : i32
        %dma_start3A_225 = arith.constant 0 : i32
        %dma_start3A_226 = arith.constant 0 : i32
        %dma_start3A_227 = tpu.memref_slice %arg11[%dma_start3A_224, %dma_start3A_225, %dma_start3A_226] : memref<8x64x64xf32, #tpu.memory_space<vmem>> -> memref<1x64x64xf32, #tpu.memory_space<vmem>>
        %dma_start3A_228 = tpu.memref_squeeze %dma_start3A_227 : memref<1x64x64xf32, #tpu.memory_space<vmem>> -> memref<64x64xf32, #tpu.memory_space<vmem>>
        %dma_start3A_229 = arith.constant 0 : i32
        %dma_start3A_230 = tpu.memref_slice %arg9[%add3A_223, %dma_start3A_229] : memref<320x64xi32, #tpu.memory_space<vmem>> -> memref<1x64xi32, #tpu.memory_space<vmem>>
        %dma_start3A_231 = tpu.memref_squeeze %dma_start3A_230 : memref<1x64xi32, #tpu.memory_space<vmem>> -> memref<64xi32, #tpu.memory_space<vmem>>
        %dma_start3A_232 = arith.constant 0 : i32
        %dma_start3A_233 = arith.constant 0 : i32
        %dma_start3A_234 = tpu.memref_slice %arg2[%arg0, %dma_start3A_232, %dma_start3A_233] : memref<2x10240x64xf32, #tpu.memory_space<hbm>> -> memref<1x10240x64xf32, #tpu.memory_space<hbm>>
        %dma_start3A_235 = tpu.memref_squeeze %dma_start3A_234 : memref<1x10240x64xf32, #tpu.memory_space<hbm>> -> memref<10240x64xf32, #tpu.memory_space<hbm>>
        %dma_start3A_236 = arith.constant 0 : i32
        %dma_start3A_237 = arith.constant 0 : i32
        %dma_start3A_238 = tpu.memref_slice %dma_start3A_235[%dma_start3A_236, %dma_start3A_237] : memref<10240x64xf32, #tpu.memory_space<hbm>> -> memref<10240x64xf32, #tpu.memory_space<hbm>>
        tpu.enqueue_indirect_dma source(%dma_start3A_238 : memref<10240x64xf32, #tpu.memory_space<hbm>>) target(%dma_start3A_228 : memref<64x64xf32, #tpu.memory_space<vmem>>) offsets(%dma_start3A_231 : memref<64xi32, #tpu.memory_space<vmem>>) semaphore(%arg15 : memref<!tpu.dma_semaphore, #tpu.memory_space<semaphore_mem>>)
        %add3A_239 = arith.constant 4 : i32
        %add3A_240 = arith.addi %mul3A_178, %add3A_239 : i32
        %add3A_241 = arith.constant 3 : i32
        %add3A_242 = arith.addi %add3A_240, %add3A_241 : i32
        %dma_start3A_243 = arith.constant 7 : i32
        %dma_start3A_244 = arith.constant 0 : i32
        %dma_start3A_245 = arith.constant 0 : i32
        %dma_start3A_246 = tpu.memref_slice %arg11[%dma_start3A_243, %dma_start3A_244, %dma_start3A_245] : memref<8x64x64xf32, #tpu.memory_space<vmem>> -> memref<1x64x64xf32, #tpu.memory_space<vmem>>
        %dma_start3A_247 = tpu.memref_squeeze %dma_start3A_246 : memref<1x64x64xf32, #tpu.memory_space<vmem>> -> memref<64x64xf32, #tpu.memory_space<vmem>>
        %dma_start3A_248 = arith.constant 0 : i32
        %dma_start3A_249 = tpu.memref_slice %arg9[%add3A_242, %dma_start3A_248] : memref<320x64xi32, #tpu.memory_space<vmem>> -> memref<1x64xi32, #tpu.memory_space<vmem>>
        %dma_start3A_250 = tpu.memref_squeeze %dma_start3A_249 : memref<1x64xi32, #tpu.memory_space<vmem>> -> memref<64xi32, #tpu.memory_space<vmem>>
        %dma_start3A_251 = arith.constant 0 : i32
        %dma_start3A_252 = arith.constant 0 : i32
        %dma_start3A_253 = tpu.memref_slice %arg2[%arg0, %dma_start3A_251, %dma_start3A_252] : memref<2x10240x64xf32, #tpu.memory_space<hbm>> -> memref<1x10240x64xf32, #tpu.memory_space<hbm>>
        %dma_start3A_254 = tpu.memref_squeeze %dma_start3A_253 : memref<1x10240x64xf32, #tpu.memory_space<hbm>> -> memref<10240x64xf32, #tpu.memory_space<hbm>>
        %dma_start3A_255 = arith.constant 0 : i32
        %dma_start3A_256 = arith.constant 0 : i32
        %dma_start3A_257 = tpu.memref_slice %dma_start3A_254[%dma_start3A_255, %dma_start3A_256] : memref<10240x64xf32, #tpu.memory_space<hbm>> -> memref<10240x64xf32, #tpu.memory_space<hbm>>
        tpu.enqueue_indirect_dma source(%dma_start3A_257 : memref<10240x64xf32, #tpu.memory_space<hbm>>) target(%dma_start3A_247 : memref<64x64xf32, #tpu.memory_space<vmem>>) offsets(%dma_start3A_250 : memref<64xi32, #tpu.memory_space<vmem>>) semaphore(%arg15 : memref<!tpu.dma_semaphore, #tpu.memory_space<semaphore_mem>>)
        %add3A_258 = arith.constant 0 : i32
        %add3A_259 = arith.addi %mul3A_178, %add3A_258 : i32
        %get3A = arith.index_cast %add3A_259 : i32 to index
        %get3A_260 = arith.constant 0 : index
        %get3A_261 = tpu.vector_load %arg9[%get3A, %get3A_260] {strides = array<i32>} : memref<320x64xi32, #tpu.memory_space<vmem>>, vector<16xi32>,
        tpu.vector_store_idx %arg12[%get3A_261], %broadcast_in_dim3A_102 {add = true} : memref<10240xf32, #tpu.memory_space<vmem>>[vector<16xi32>], vector<16xf32>,
        %add3A_262 = arith.constant 0 : i32
        %add3A_263 = arith.addi %mul3A_178, %add3A_262 : i32
        %get3A_264 = arith.index_cast %add3A_263 : i32 to index
        %get3A_265 = arith.constant 16 : index
        %get3A_266 = tpu.vector_load %arg9[%get3A_264, %get3A_265] {strides = array<i32>} : memref<320x64xi32, #tpu.memory_space<vmem>>, vector<16xi32>,
        tpu.vector_store_idx %arg12[%get3A_266], %broadcast_in_dim3A_102 {add = true} : memref<10240xf32, #tpu.memory_space<vmem>>[vector<16xi32>], vector<16xf32>,
        %add3A_267 = arith.constant 0 : i32
        %add3A_268 = arith.addi %mul3A_178, %add3A_267 : i32
        %get3A_269 = arith.index_cast %add3A_268 : i32 to index
        %get3A_270 = arith.constant 32 : index
        %get3A_271 = tpu.vector_load %arg9[%get3A_269, %get3A_270] {strides = array<i32>} : memref<320x64xi32, #tpu.memory_space<vmem>>, vector<16xi32>,
        tpu.vector_store_idx %arg12[%get3A_271], %broadcast_in_dim3A_102 {add = true} : memref<10240xf32, #tpu.memory_space<vmem>>[vector<16xi32>], vector<16xf32>,
        %add3A_272 = arith.constant 0 : i32
        %add3A_273 = arith.addi %mul3A_178, %add3A_272 : i32
        %get3A_274 = arith.index_cast %add3A_273 : i32 to index
        %get3A_275 = arith.constant 48 : index
        %get3A_276 = tpu.vector_load %arg9[%get3A_274, %get3A_275] {strides = array<i32>} : memref<320x64xi32, #tpu.memory_space<vmem>>, vector<16xi32>,
        tpu.vector_store_idx %arg12[%get3A_276], %broadcast_in_dim3A_102 {add = true} : memref<10240xf32, #tpu.memory_space<vmem>>[vector<16xi32>], vector<16xf32>,
        %add3A_277 = arith.constant 1 : i32
        %add3A_278 = arith.addi %mul3A_178, %add3A_277 : i32
        %get3A_279 = arith.index_cast %add3A_278 : i32 to index
        %get3A_280 = arith.constant 0 : index
        %get3A_281 = tpu.vector_load %arg9[%get3A_279, %get3A_280] {strides = array<i32>} : memref<320x64xi32, #tpu.memory_space<vmem>>, vector<16xi32>,
        tpu.vector_store_idx %arg12[%get3A_281], %broadcast_in_dim3A_102 {add = true} : memref<10240xf32, #tpu.memory_space<vmem>>[vector<16xi32>], vector<16xf32>,
        %add3A_282 = arith.constant 1 : i32
        %add3A_283 = arith.addi %mul3A_178, %add3A_282 : i32
        %get3A_284 = arith.index_cast %add3A_283 : i32 to index
        %get3A_285 = arith.constant 16 : index
        %get3A_286 = tpu.vector_load %arg9[%get3A_284, %get3A_285] {strides = array<i32>} : memref<320x64xi32, #tpu.memory_space<vmem>>, vector<16xi32>,
        tpu.vector_store_idx %arg12[%get3A_286], %broadcast_in_dim3A_102 {add = true} : memref<10240xf32, #tpu.memory_space<vmem>>[vector<16xi32>], vector<16xf32>,
        %add3A_287 = arith.constant 1 : i32
        %add3A_288 = arith.addi %mul3A_178, %add3A_287 : i32
        %get3A_289 = arith.index_cast %add3A_288 : i32 to index
        %get3A_290 = arith.constant 32 : index
        %get3A_291 = tpu.vector_load %arg9[%get3A_289, %get3A_290] {strides = array<i32>} : memref<320x64xi32, #tpu.memory_space<vmem>>, vector<16xi32>,
        tpu.vector_store_idx %arg12[%get3A_291], %broadcast_in_dim3A_102 {add = true} : memref<10240xf32, #tpu.memory_space<vmem>>[vector<16xi32>], vector<16xf32>,
        %add3A_292 = arith.constant 1 : i32
        %add3A_293 = arith.addi %mul3A_178, %add3A_292 : i32
        %get3A_294 = arith.index_cast %add3A_293 : i32 to index
        %get3A_295 = arith.constant 48 : index
        %get3A_296 = tpu.vector_load %arg9[%get3A_294, %get3A_295] {strides = array<i32>} : memref<320x64xi32, #tpu.memory_space<vmem>>, vector<16xi32>,
        tpu.vector_store_idx %arg12[%get3A_296], %broadcast_in_dim3A_102 {add = true} : memref<10240xf32, #tpu.memory_space<vmem>>[vector<16xi32>], vector<16xf32>,
        %add3A_297 = arith.constant 2 : i32
        %add3A_298 = arith.addi %mul3A_178, %add3A_297 : i32
        %get3A_299 = arith.index_cast %add3A_298 : i32 to index
        %get3A_300 = arith.constant 0 : index
        %get3A_301 = tpu.vector_load %arg9[%get3A_299, %get3A_300] {strides = array<i32>} : memref<320x64xi32, #tpu.memory_space<vmem>>, vector<16xi32>,
        tpu.vector_store_idx %arg12[%get3A_301], %broadcast_in_dim3A_102 {add = true} : memref<10240xf32, #tpu.memory_space<vmem>>[vector<16xi32>], vector<16xf32>,
        %add3A_302 = arith.constant 2 : i32
        %add3A_303 = arith.addi %mul3A_178, %add3A_302 : i32
        %get3A_304 = arith.index_cast %add3A_303 : i32 to index
        %get3A_305 = arith.constant 16 : index
        %get3A_306 = tpu.vector_load %arg9[%get3A_304, %get3A_305] {strides = array<i32>} : memref<320x64xi32, #tpu.memory_space<vmem>>, vector<16xi32>,
        tpu.vector_store_idx %arg12[%get3A_306], %broadcast_in_dim3A_102 {add = true} : memref<10240xf32, #tpu.memory_space<vmem>>[vector<16xi32>], vector<16xf32>,
        %add3A_307 = arith.constant 2 : i32
        %add3A_308 = arith.addi %mul3A_178, %add3A_307 : i32
        %get3A_309 = arith.index_cast %add3A_308 : i32 to index
        %get3A_310 = arith.constant 32 : index
        %get3A_311 = tpu.vector_load %arg9[%get3A_309, %get3A_310] {strides = array<i32>} : memref<320x64xi32, #tpu.memory_space<vmem>>, vector<16xi32>,
        tpu.vector_store_idx %arg12[%get3A_311], %broadcast_in_dim3A_102 {add = true} : memref<10240xf32, #tpu.memory_space<vmem>>[vector<16xi32>], vector<16xf32>,
        %add3A_312 = arith.constant 2 : i32
        %add3A_313 = arith.addi %mul3A_178, %add3A_312 : i32
        %get3A_314 = arith.index_cast %add3A_313 : i32 to index
        %get3A_315 = arith.constant 48 : index
        %get3A_316 = tpu.vector_load %arg9[%get3A_314, %get3A_315] {strides = array<i32>} : memref<320x64xi32, #tpu.memory_space<vmem>>, vector<16xi32>,
        tpu.vector_store_idx %arg12[%get3A_316], %broadcast_in_dim3A_102 {add = true} : memref<10240xf32, #tpu.memory_space<vmem>>[vector<16xi32>], vector<16xf32>,
        %add3A_317 = arith.constant 3 : i32
        %add3A_318 = arith.addi %mul3A_178, %add3A_317 : i32
        %get3A_319 = arith.index_cast %add3A_318 : i32 to index
        %get3A_320 = arith.constant 0 : index
        %get3A_321 = tpu.vector_load %arg9[%get3A_319, %get3A_320] {strides = array<i32>} : memref<320x64xi32, #tpu.memory_space<vmem>>, vector<16xi32>,
        tpu.vector_store_idx %arg12[%get3A_321], %broadcast_in_dim3A_102 {add = true} : memref<10240xf32, #tpu.memory_space<vmem>>[vector<16xi32>], vector<16xf32>,
        %add3A_322 = arith.constant 3 : i32
        %add3A_323 = arith.addi %mul3A_178, %add3A_322 : i32
        %get3A_324 = arith.index_cast %add3A_323 : i32 to index
        %get3A_325 = arith.constant 16 : index
        %get3A_326 = tpu.vector_load %arg9[%get3A_324, %get3A_325] {strides = array<i32>} : memref<320x64xi32, #tpu.memory_space<vmem>>, vector<16xi32>,
        tpu.vector_store_idx %arg12[%get3A_326], %broadcast_in_dim3A_102 {add = true} : memref<10240xf32, #tpu.memory_space<vmem>>[vector<16xi32>], vector<16xf32>,
        %add3A_327 = arith.constant 3 : i32
        %add3A_328 = arith.addi %mul3A_178, %add3A_327 : i32
        %get3A_329 = arith.index_cast %add3A_328 : i32 to index
        %get3A_330 = arith.constant 32 : index
        %get3A_331 = tpu.vector_load %arg9[%get3A_329, %get3A_330] {strides = array<i32>} : memref<320x64xi32, #tpu.memory_space<vmem>>, vector<16xi32>,
        tpu.vector_store_idx %arg12[%get3A_331], %broadcast_in_dim3A_102 {add = true} : memref<10240xf32, #tpu.memory_space<vmem>>[vector<16xi32>], vector<16xf32>,
        %add3A_332 = arith.constant 3 : i32
        %add3A_333 = arith.addi %mul3A_178, %add3A_332 : i32
        %get3A_334 = arith.index_cast %add3A_333 : i32 to index
        %get3A_335 = arith.constant 48 : index
        %get3A_336 = tpu.vector_load %arg9[%get3A_334, %get3A_335] {strides = array<i32>} : memref<320x64xi32, #tpu.memory_space<vmem>>, vector<16xi32>,
        tpu.vector_store_idx %arg12[%get3A_336], %broadcast_in_dim3A_102 {add = true} : memref<10240xf32, #tpu.memory_space<vmem>>[vector<16xi32>], vector<16xf32>,
        %add3A_337 = arith.constant 4 : i32
        %add3A_338 = arith.addi %mul3A_178, %add3A_337 : i32
        %get3A_339 = arith.index_cast %add3A_338 : i32 to index
        %get3A_340 = arith.constant 0 : index
        %get3A_341 = tpu.vector_load %arg9[%get3A_339, %get3A_340] {strides = array<i32>} : memref<320x64xi32, #tpu.memory_space<vmem>>, vector<16xi32>,
        tpu.vector_store_idx %arg12[%get3A_341], %broadcast_in_dim3A_102 {add = true} : memref<10240xf32, #tpu.memory_space<vmem>>[vector<16xi32>], vector<16xf32>,
        %add3A_342 = arith.constant 4 : i32
        %add3A_343 = arith.addi %mul3A_178, %add3A_342 : i32
        %get3A_344 = arith.index_cast %add3A_343 : i32 to index
        %get3A_345 = arith.constant 16 : index
        %get3A_346 = tpu.vector_load %arg9[%get3A_344, %get3A_345] {strides = array<i32>} : memref<320x64xi32, #tpu.memory_space<vmem>>, vector<16xi32>,
        tpu.vector_store_idx %arg12[%get3A_346], %broadcast_in_dim3A_102 {add = true} : memref<10240xf32, #tpu.memory_space<vmem>>[vector<16xi32>], vector<16xf32>,
        %add3A_347 = arith.constant 4 : i32
        %add3A_348 = arith.addi %mul3A_178, %add3A_347 : i32
        %get3A_349 = arith.index_cast %add3A_348 : i32 to index
        %get3A_350 = arith.constant 32 : index
        %get3A_351 = tpu.vector_load %arg9[%get3A_349, %get3A_350] {strides = array<i32>} : memref<320x64xi32, #tpu.memory_space<vmem>>, vector<16xi32>,
        tpu.vector_store_idx %arg12[%get3A_351], %broadcast_in_dim3A_102 {add = true} : memref<10240xf32, #tpu.memory_space<vmem>>[vector<16xi32>], vector<16xf32>,
        %add3A_352 = arith.constant 4 : i32
        %add3A_353 = arith.addi %mul3A_178, %add3A_352 : i32
        %get3A_354 = arith.index_cast %add3A_353 : i32 to index
        %get3A_355 = arith.constant 48 : index
        %get3A_356 = tpu.vector_load %arg9[%get3A_354, %get3A_355] {strides = array<i32>} : memref<320x64xi32, #tpu.memory_space<vmem>>, vector<16xi32>,
        tpu.vector_store_idx %arg12[%get3A_356], %broadcast_in_dim3A_102 {add = true} : memref<10240xf32, #tpu.memory_space<vmem>>[vector<16xi32>], vector<16xf32>,
        %add3A_357 = arith.constant 5 : i32
        %add3A_358 = arith.addi %mul3A_178, %add3A_357 : i32
        %get3A_359 = arith.index_cast %add3A_358 : i32 to index
        %get3A_360 = arith.constant 0 : index
        %get3A_361 = tpu.vector_load %arg9[%get3A_359, %get3A_360] {strides = array<i32>} : memref<320x64xi32, #tpu.memory_space<vmem>>, vector<16xi32>,
        tpu.vector_store_idx %arg12[%get3A_361], %broadcast_in_dim3A_102 {add = true} : memref<10240xf32, #tpu.memory_space<vmem>>[vector<16xi32>], vector<16xf32>,
        %add3A_362 = arith.constant 5 : i32
        %add3A_363 = arith.addi %mul3A_178, %add3A_362 : i32
        %get3A_364 = arith.index_cast %add3A_363 : i32 to index
        %get3A_365 = arith.constant 16 : index
        %get3A_366 = tpu.vector_load %arg9[%get3A_364, %get3A_365] {strides = array<i32>} : memref<320x64xi32, #tpu.memory_space<vmem>>, vector<16xi32>,
        tpu.vector_store_idx %arg12[%get3A_366], %broadcast_in_dim3A_102 {add = true} : memref<10240xf32, #tpu.memory_space<vmem>>[vector<16xi32>], vector<16xf32>,
        %add3A_367 = arith.constant 5 : i32
        %add3A_368 = arith.addi %mul3A_178, %add3A_367 : i32
        %get3A_369 = arith.index_cast %add3A_368 : i32 to index
        %get3A_370 = arith.constant 32 : index
        %get3A_371 = tpu.vector_load %arg9[%get3A_369, %get3A_370] {strides = array<i32>} : memref<320x64xi32, #tpu.memory_space<vmem>>, vector<16xi32>,
        tpu.vector_store_idx %arg12[%get3A_371], %broadcast_in_dim3A_102 {add = true} : memref<10240xf32, #tpu.memory_space<vmem>>[vector<16xi32>], vector<16xf32>,
        %add3A_372 = arith.constant 5 : i32
        %add3A_373 = arith.addi %mul3A_178, %add3A_372 : i32
        %get3A_374 = arith.index_cast %add3A_373 : i32 to index
        %get3A_375 = arith.constant 48 : index
        %get3A_376 = tpu.vector_load %arg9[%get3A_374, %get3A_375] {strides = array<i32>} : memref<320x64xi32, #tpu.memory_space<vmem>>, vector<16xi32>,
        tpu.vector_store_idx %arg12[%get3A_376], %broadcast_in_dim3A_102 {add = true} : memref<10240xf32, #tpu.memory_space<vmem>>[vector<16xi32>], vector<16xf32>,
        %add3A_377 = arith.constant 6 : i32
        %add3A_378 = arith.addi %mul3A_178, %add3A_377 : i32
        %get3A_379 = arith.index_cast %add3A_378 : i32 to index
        %get3A_380 = arith.constant 0 : index
        %get3A_381 = tpu.vector_load %arg9[%get3A_379, %get3A_380] {strides = array<i32>} : memref<320x64xi32, #tpu.memory_space<vmem>>, vector<16xi32>,
        tpu.vector_store_idx %arg12[%get3A_381], %broadcast_in_dim3A_102 {add = true} : memref<10240xf32, #tpu.memory_space<vmem>>[vector<16xi32>], vector<16xf32>,
        %add3A_382 = arith.constant 6 : i32
        %add3A_383 = arith.addi %mul3A_178, %add3A_382 : i32
        %get3A_384 = arith.index_cast %add3A_383 : i32 to index
        %get3A_385 = arith.constant 16 : index
        %get3A_386 = tpu.vector_load %arg9[%get3A_384, %get3A_385] {strides = array<i32>} : memref<320x64xi32, #tpu.memory_space<vmem>>, vector<16xi32>,
        tpu.vector_store_idx %arg12[%get3A_386], %broadcast_in_dim3A_102 {add = true} : memref<10240xf32, #tpu.memory_space<vmem>>[vector<16xi32>], vector<16xf32>,
        %add3A_387 = arith.constant 6 : i32
        %add3A_388 = arith.addi %mul3A_178, %add3A_387 : i32
        %get3A_389 = arith.index_cast %add3A_388 : i32 to index
        %get3A_390 = arith.constant 32 : index
        %get3A_391 = tpu.vector_load %arg9[%get3A_389, %get3A_390] {strides = array<i32>} : memref<320x64xi32, #tpu.memory_space<vmem>>, vector<16xi32>,
        tpu.vector_store_idx %arg12[%get3A_391], %broadcast_in_dim3A_102 {add = true} : memref<10240xf32, #tpu.memory_space<vmem>>[vector<16xi32>], vector<16xf32>,
        %add3A_392 = arith.constant 6 : i32
        %add3A_393 = arith.addi %mul3A_178, %add3A_392 : i32
        %get3A_394 = arith.index_cast %add3A_393 : i32 to index
        %get3A_395 = arith.constant 48 : index
        %get3A_396 = tpu.vector_load %arg9[%get3A_394, %get3A_395] {strides = array<i32>} : memref<320x64xi32, #tpu.memory_space<vmem>>, vector<16xi32>,
        tpu.vector_store_idx %arg12[%get3A_396], %broadcast_in_dim3A_102 {add = true} : memref<10240xf32, #tpu.memory_space<vmem>>[vector<16xi32>], vector<16xf32>,
        %add3A_397 = arith.constant 7 : i32
        %add3A_398 = arith.addi %mul3A_178, %add3A_397 : i32
        %get3A_399 = arith.index_cast %add3A_398 : i32 to index
        %get3A_400 = arith.constant 0 : index
        %get3A_401 = tpu.vector_load %arg9[%get3A_399, %get3A_400] {strides = array<i32>} : memref<320x64xi32, #tpu.memory_space<vmem>>, vector<16xi32>,
        tpu.vector_store_idx %arg12[%get3A_401], %broadcast_in_dim3A_102 {add = true} : memref<10240xf32, #tpu.memory_space<vmem>>[vector<16xi32>], vector<16xf32>,
        %add3A_402 = arith.constant 7 : i32
        %add3A_403 = arith.addi %mul3A_178, %add3A_402 : i32
        %get3A_404 = arith.index_cast %add3A_403 : i32 to index
        %get3A_405 = arith.constant 16 : index
        %get3A_406 = tpu.vector_load %arg9[%get3A_404, %get3A_405] {strides = array<i32>} : memref<320x64xi32, #tpu.memory_space<vmem>>, vector<16xi32>,
        tpu.vector_store_idx %arg12[%get3A_406], %broadcast_in_dim3A_102 {add = true} : memref<10240xf32, #tpu.memory_space<vmem>>[vector<16xi32>], vector<16xf32>,
        %add3A_407 = arith.constant 7 : i32
        %add3A_408 = arith.addi %mul3A_178, %add3A_407 : i32
        %get3A_409 = arith.index_cast %add3A_408 : i32 to index
        %get3A_410 = arith.constant 32 : index
        %get3A_411 = tpu.vector_load %arg9[%get3A_409, %get3A_410] {strides = array<i32>} : memref<320x64xi32, #tpu.memory_space<vmem>>, vector<16xi32>,
        tpu.vector_store_idx %arg12[%get3A_411], %broadcast_in_dim3A_102 {add = true} : memref<10240xf32, #tpu.memory_space<vmem>>[vector<16xi32>], vector<16xf32>,
        %add3A_412 = arith.constant 7 : i32
        %add3A_413 = arith.addi %mul3A_178, %add3A_412 : i32
        %get3A_414 = arith.index_cast %add3A_413 : i32 to index
        %get3A_415 = arith.constant 48 : index
        %get3A_416 = tpu.vector_load %arg9[%get3A_414, %get3A_415] {strides = array<i32>} : memref<320x64xi32, #tpu.memory_space<vmem>>, vector<16xi32>,
        tpu.vector_store_idx %arg12[%get3A_416], %broadcast_in_dim3A_102 {add = true} : memref<10240xf32, #tpu.memory_space<vmem>>[vector<16xi32>], vector<16xf32>,
        %dma_wait3A_417 = arith.constant 0 : i32
        %dma_wait3A_418 = arith.constant 0 : i32
        %dma_wait3A_419 = arith.constant 0 : i32
        %dma_wait3A_420 = tpu.memref_slice %arg11[%dma_wait3A_417, %dma_wait3A_418, %dma_wait3A_419] : memref<8x64x64xf32, #tpu.memory_space<vmem>> -> memref<1x64x64xf32, #tpu.memory_space<vmem>>
        %dma_wait3A_421 = tpu.memref_squeeze %dma_wait3A_420 : memref<1x64x64xf32, #tpu.memory_space<vmem>> -> memref<64x64xf32, #tpu.memory_space<vmem>>
        %dma_wait3A_422 = arith.constant 0 : i32
        %dma_wait3A_423 = arith.constant 0 : i32
        %dma_wait3A_424 = tpu.memref_slice %arg2[%arg0, %dma_wait3A_422, %dma_wait3A_423] : memref<2x10240x64xf32, #tpu.memory_space<hbm>> -> memref<1x10240x64xf32, #tpu.memory_space<hbm>>
        %dma_wait3A_425 = tpu.memref_squeeze %dma_wait3A_424 : memref<1x10240x64xf32, #tpu.memory_space<hbm>> -> memref<10240x64xf32, #tpu.memory_space<hbm>>
        %dma_wait3A_426 = arith.constant 0 : i32
        %dma_wait3A_427 = arith.constant 0 : i32
        %dma_wait3A_428 = tpu.memref_slice %dma_wait3A_425[%dma_wait3A_426, %dma_wait3A_427] : memref<10240x64xf32, #tpu.memory_space<hbm>> -> memref<64x64xf32, #tpu.memory_space<hbm>>
        %dma_wait3A_429 = arith.constant 0 : i32
        %dma_wait3A_430 = arith.constant 0 : i32
        %dma_wait3A_431 = tpu.memref_slice %arg11[%dma_wait3A_417, %dma_wait3A_429, %dma_wait3A_430] : memref<8x64x64xf32, #tpu.memory_space<vmem>> -> memref<1x64x64xf32, #tpu.memory_space<vmem>>
        %dma_wait3A_432 = tpu.memref_squeeze %dma_wait3A_431 : memref<1x64x64xf32, #tpu.memory_space<vmem>> -> memref<64x64xf32, #tpu.memory_space<vmem>>
        %dma_wait3A_433 = arith.constant 0 : i32
        %dma_wait3A_434 = arith.constant 0 : i32
        %dma_wait3A_435 = tpu.memref_slice %arg2[%arg0, %dma_wait3A_433, %dma_wait3A_434] : memref<2x10240x64xf32, #tpu.memory_space<hbm>> -> memref<1x10240x64xf32, #tpu.memory_space<hbm>>
        %dma_wait3A_436 = tpu.memref_squeeze %dma_wait3A_435 : memref<1x10240x64xf32, #tpu.memory_space<hbm>> -> memref<10240x64xf32, #tpu.memory_space<hbm>>
        %dma_wait3A_437 = arith.constant 0 : i32
        %dma_wait3A_438 = arith.constant 0 : i32
        %dma_wait3A_439 = tpu.memref_slice %dma_wait3A_436[%dma_wait3A_437, %dma_wait3A_438] : memref<10240x64xf32, #tpu.memory_space<hbm>> -> memref<64x64xf32, #tpu.memory_space<hbm>>
        tpu.wait_dma2 semaphore(%arg14 : memref<!tpu.dma_semaphore, #tpu.memory_space<semaphore_mem>>) src(%dma_wait3A_439 : memref<64x64xf32, #tpu.memory_space<hbm>>) dst(%dma_wait3A_432 : memref<64x64xf32, #tpu.memory_space<vmem>>)
        %dma_wait3A_440 = arith.constant 1 : i32
        %dma_wait3A_441 = arith.constant 0 : i32
        %dma_wait3A_442 = arith.constant 0 : i32
        %dma_wait3A_443 = tpu.memref_slice %arg11[%dma_wait3A_440, %dma_wait3A_441, %dma_wait3A_442] : memref<8x64x64xf32, #tpu.memory_space<vmem>> -> memref<1x64x64xf32, #tpu.memory_space<vmem>>
        %dma_wait3A_444 = tpu.memref_squeeze %dma_wait3A_443 : memref<1x64x64xf32, #tpu.memory_space<vmem>> -> memref<64x64xf32, #tpu.memory_space<vmem>>
        %dma_wait3A_445 = arith.constant 0 : i32
        %dma_wait3A_446 = arith.constant 0 : i32
        %dma_wait3A_447 = tpu.memref_slice %arg2[%arg0, %dma_wait3A_445, %dma_wait3A_446] : memref<2x10240x64xf32, #tpu.memory_space<hbm>> -> memref<1x10240x64xf32, #tpu.memory_space<hbm>>
        %dma_wait3A_448 = tpu.memref_squeeze %dma_wait3A_447 : memref<1x10240x64xf32, #tpu.memory_space<hbm>> -> memref<10240x64xf32, #tpu.memory_space<hbm>>
        %dma_wait3A_449 = arith.constant 0 : i32
        %dma_wait3A_450 = arith.constant 0 : i32
        %dma_wait3A_451 = tpu.memref_slice %dma_wait3A_448[%dma_wait3A_449, %dma_wait3A_450] : memref<10240x64xf32, #tpu.memory_space<hbm>> -> memref<64x64xf32, #tpu.memory_space<hbm>>
        %dma_wait3A_452 = arith.constant 0 : i32
        %dma_wait3A_453 = arith.constant 0 : i32
        %dma_wait3A_454 = tpu.memref_slice %arg11[%dma_wait3A_440, %dma_wait3A_452, %dma_wait3A_453] : memref<8x64x64xf32, #tpu.memory_space<vmem>> -> memref<1x64x64xf32, #tpu.memory_space<vmem>>
        %dma_wait3A_455 = tpu.memref_squeeze %dma_wait3A_454 : memref<1x64x64xf32, #tpu.memory_space<vmem>> -> memref<64x64xf32, #tpu.memory_space<vmem>>
        %dma_wait3A_456 = arith.constant 0 : i32
        %dma_wait3A_457 = arith.constant 0 : i32
        %dma_wait3A_458 = tpu.memref_slice %arg2[%arg0, %dma_wait3A_456, %dma_wait3A_457] : memref<2x10240x64xf32, #tpu.memory_space<hbm>> -> memref<1x10240x64xf32, #tpu.memory_space<hbm>>
        %dma_wait3A_459 = tpu.memref_squeeze %dma_wait3A_458 : memref<1x10240x64xf32, #tpu.memory_space<hbm>> -> memref<10240x64xf32, #tpu.memory_space<hbm>>
        %dma_wait3A_460 = arith.constant 0 : i32
        %dma_wait3A_461 = arith.constant 0 : i32
        %dma_wait3A_462 = tpu.memref_slice %dma_wait3A_459[%dma_wait3A_460, %dma_wait3A_461] : memref<10240x64xf32, #tpu.memory_space<hbm>> -> memref<64x64xf32, #tpu.memory_space<hbm>>
        tpu.wait_dma2 semaphore(%arg14 : memref<!tpu.dma_semaphore, #tpu.memory_space<semaphore_mem>>) src(%dma_wait3A_462 : memref<64x64xf32, #tpu.memory_space<hbm>>) dst(%dma_wait3A_455 : memref<64x64xf32, #tpu.memory_space<vmem>>)
        %dma_wait3A_463 = arith.constant 2 : i32
        %dma_wait3A_464 = arith.constant 0 : i32
        %dma_wait3A_465 = arith.constant 0 : i32
        %dma_wait3A_466 = tpu.memref_slice %arg11[%dma_wait3A_463, %dma_wait3A_464, %dma_wait3A_465] : memref<8x64x64xf32, #tpu.memory_space<vmem>> -> memref<1x64x64xf32, #tpu.memory_space<vmem>>
        %dma_wait3A_467 = tpu.memref_squeeze %dma_wait3A_466 : memref<1x64x64xf32, #tpu.memory_space<vmem>> -> memref<64x64xf32, #tpu.memory_space<vmem>>
        %dma_wait3A_468 = arith.constant 0 : i32
        %dma_wait3A_469 = arith.constant 0 : i32
        %dma_wait3A_470 = tpu.memref_slice %arg2[%arg0, %dma_wait3A_468, %dma_wait3A_469] : memref<2x10240x64xf32, #tpu.memory_space<hbm>> -> memref<1x10240x64xf32, #tpu.memory_space<hbm>>
        %dma_wait3A_471 = tpu.memref_squeeze %dma_wait3A_470 : memref<1x10240x64xf32, #tpu.memory_space<hbm>> -> memref<10240x64xf32, #tpu.memory_space<hbm>>
        %dma_wait3A_472 = arith.constant 0 : i32
        %dma_wait3A_473 = arith.constant 0 : i32
        %dma_wait3A_474 = tpu.memref_slice %dma_wait3A_471[%dma_wait3A_472, %dma_wait3A_473] : memref<10240x64xf32, #tpu.memory_space<hbm>> -> memref<64x64xf32, #tpu.memory_space<hbm>>
        %dma_wait3A_475 = arith.constant 0 : i32
        %dma_wait3A_476 = arith.constant 0 : i32
        %dma_wait3A_477 = tpu.memref_slice %arg11[%dma_wait3A_463, %dma_wait3A_475, %dma_wait3A_476] : memref<8x64x64xf32, #tpu.memory_space<vmem>> -> memref<1x64x64xf32, #tpu.memory_space<vmem>>
        %dma_wait3A_478 = tpu.memref_squeeze %dma_wait3A_477 : memref<1x64x64xf32, #tpu.memory_space<vmem>> -> memref<64x64xf32, #tpu.memory_space<vmem>>
        %dma_wait3A_479 = arith.constant 0 : i32
        %dma_wait3A_480 = arith.constant 0 : i32
        %dma_wait3A_481 = tpu.memref_slice %arg2[%arg0, %dma_wait3A_479, %dma_wait3A_480] : memref<2x10240x64xf32, #tpu.memory_space<hbm>> -> memref<1x10240x64xf32, #tpu.memory_space<hbm>>
        %dma_wait3A_482 = tpu.memref_squeeze %dma_wait3A_481 : memref<1x10240x64xf32, #tpu.memory_space<hbm>> -> memref<10240x64xf32, #tpu.memory_space<hbm>>
        %dma_wait3A_483 = arith.constant 0 : i32
        %dma_wait3A_484 = arith.constant 0 : i32
        %dma_wait3A_485 = tpu.memref_slice %dma_wait3A_482[%dma_wait3A_483, %dma_wait3A_484] : memref<10240x64xf32, #tpu.memory_space<hbm>> -> memref<64x64xf32, #tpu.memory_space<hbm>>
        tpu.wait_dma2 semaphore(%arg14 : memref<!tpu.dma_semaphore, #tpu.memory_space<semaphore_mem>>) src(%dma_wait3A_485 : memref<64x64xf32, #tpu.memory_space<hbm>>) dst(%dma_wait3A_478 : memref<64x64xf32, #tpu.memory_space<vmem>>)
        %dma_wait3A_486 = arith.constant 3 : i32
        %dma_wait3A_487 = arith.constant 0 : i32
        %dma_wait3A_488 = arith.constant 0 : i32
        %dma_wait3A_489 = tpu.memref_slice %arg11[%dma_wait3A_486, %dma_wait3A_487, %dma_wait3A_488] : memref<8x64x64xf32, #tpu.memory_space<vmem>> -> memref<1x64x64xf32, #tpu.memory_space<vmem>>
        %dma_wait3A_490 = tpu.memref_squeeze %dma_wait3A_489 : memref<1x64x64xf32, #tpu.memory_space<vmem>> -> memref<64x64xf32, #tpu.memory_space<vmem>>
        %dma_wait3A_491 = arith.constant 0 : i32
        %dma_wait3A_492 = arith.constant 0 : i32
        %dma_wait3A_493 = tpu.memref_slice %arg2[%arg0, %dma_wait3A_491, %dma_wait3A_492] : memref<2x10240x64xf32, #tpu.memory_space<hbm>> -> memref<1x10240x64xf32, #tpu.memory_space<hbm>>
        %dma_wait3A_494 = tpu.memref_squeeze %dma_wait3A_493 : memref<1x10240x64xf32, #tpu.memory_space<hbm>> -> memref<10240x64xf32, #tpu.memory_space<hbm>>
        %dma_wait3A_495 = arith.constant 0 : i32
        %dma_wait3A_496 = arith.constant 0 : i32
        %dma_wait3A_497 = tpu.memref_slice %dma_wait3A_494[%dma_wait3A_495, %dma_wait3A_496] : memref<10240x64xf32, #tpu.memory_space<hbm>> -> memref<64x64xf32, #tpu.memory_space<hbm>>
        %dma_wait3A_498 = arith.constant 0 : i32
        %dma_wait3A_499 = arith.constant 0 : i32
        %dma_wait3A_500 = tpu.memref_slice %arg11[%dma_wait3A_486, %dma_wait3A_498, %dma_wait3A_499] : memref<8x64x64xf32, #tpu.memory_space<vmem>> -> memref<1x64x64xf32, #tpu.memory_space<vmem>>
        %dma_wait3A_501 = tpu.memref_squeeze %dma_wait3A_500 : memref<1x64x64xf32, #tpu.memory_space<vmem>> -> memref<64x64xf32, #tpu.memory_space<vmem>>
        %dma_wait3A_502 = arith.constant 0 : i32
        %dma_wait3A_503 = arith.constant 0 : i32
        %dma_wait3A_504 = tpu.memref_slice %arg2[%arg0, %dma_wait3A_502, %dma_wait3A_503] : memref<2x10240x64xf32, #tpu.memory_space<hbm>> -> memref<1x10240x64xf32, #tpu.memory_space<hbm>>
        %dma_wait3A_505 = tpu.memref_squeeze %dma_wait3A_504 : memref<1x10240x64xf32, #tpu.memory_space<hbm>> -> memref<10240x64xf32, #tpu.memory_space<hbm>>
        %dma_wait3A_506 = arith.constant 0 : i32
        %dma_wait3A_507 = arith.constant 0 : i32
        %dma_wait3A_508 = tpu.memref_slice %dma_wait3A_505[%dma_wait3A_506, %dma_wait3A_507] : memref<10240x64xf32, #tpu.memory_space<hbm>> -> memref<64x64xf32, #tpu.memory_space<hbm>>
        tpu.wait_dma2 semaphore(%arg14 : memref<!tpu.dma_semaphore, #tpu.memory_space<semaphore_mem>>) src(%dma_wait3A_508 : memref<64x64xf32, #tpu.memory_space<hbm>>) dst(%dma_wait3A_501 : memref<64x64xf32, #tpu.memory_space<vmem>>)
        %add3A_509 = arith.constant 0 : i32
        %add3A_510 = arith.addi %mul3A_178, %add3A_509 : i32
        %dma_start3A_511 = arith.constant 0 : i32
        %dma_start3A_512 = arith.constant 0 : i32
        %dma_start3A_513 = arith.constant 0 : i32
        %dma_start3A_514 = tpu.memref_slice %arg11[%dma_start3A_511, %dma_start3A_512, %dma_start3A_513] : memref<8x64x64xf32, #tpu.memory_space<vmem>> -> memref<1x64x64xf32, #tpu.memory_space<vmem>>
        %dma_start3A_515 = tpu.memref_squeeze %dma_start3A_514 : memref<1x64x64xf32, #tpu.memory_space<vmem>> -> memref<64x64xf32, #tpu.memory_space<vmem>>
        %dma_start3A_516 = arith.constant 0 : i32
        %dma_start3A_517 = tpu.memref_slice %arg10[%add3A_510, %dma_start3A_516] : memref<320x64xi32, #tpu.memory_space<vmem>> -> memref<1x64xi32, #tpu.memory_space<vmem>>
        %dma_start3A_518 = tpu.memref_squeeze %dma_start3A_517 : memref<1x64xi32, #tpu.memory_space<vmem>> -> memref<64xi32, #tpu.memory_space<vmem>>
        %dma_start3A_519 = arith.constant 0 : i32
        %dma_start3A_520 = arith.constant 0 : i32
        %dma_start3A_521 = tpu.memref_slice %arg13[%dma_start3A_519, %dma_start3A_520] : memref<10240x64xf32, #tpu.memory_space<vmem_shared>> -> memref<10240x64xf32, #tpu.memory_space<vmem_shared>>
        tpu.enqueue_indirect_dma source(%dma_start3A_515 : memref<64x64xf32, #tpu.memory_space<vmem>>) target(%dma_start3A_521 : memref<10240x64xf32, #tpu.memory_space<vmem_shared>>) offsets(%dma_start3A_518 : memref<64xi32, #tpu.memory_space<vmem>>) semaphore(%arg16 : memref<!tpu.dma_semaphore, #tpu.memory_space<semaphore_mem>>) {add = true}
        %add3A_522 = arith.constant 1 : i32
        %add3A_523 = arith.addi %mul3A_178, %add3A_522 : i32
        %dma_start3A_524 = arith.constant 1 : i32
        %dma_start3A_525 = arith.constant 0 : i32
        %dma_start3A_526 = arith.constant 0 : i32
        %dma_start3A_527 = tpu.memref_slice %arg11[%dma_start3A_524, %dma_start3A_525, %dma_start3A_526] : memref<8x64x64xf32, #tpu.memory_space<vmem>> -> memref<1x64x64xf32, #tpu.memory_space<vmem>>
        %dma_start3A_528 = tpu.memref_squeeze %dma_start3A_527 : memref<1x64x64xf32, #tpu.memory_space<vmem>> -> memref<64x64xf32, #tpu.memory_space<vmem>>
        %dma_start3A_529 = arith.constant 0 : i32
        %dma_start3A_530 = tpu.memref_slice %arg10[%add3A_523, %dma_start3A_529] : memref<320x64xi32, #tpu.memory_space<vmem>> -> memref<1x64xi32, #tpu.memory_space<vmem>>
        %dma_start3A_531 = tpu.memref_squeeze %dma_start3A_530 : memref<1x64xi32, #tpu.memory_space<vmem>> -> memref<64xi32, #tpu.memory_space<vmem>>
        %dma_start3A_532 = arith.constant 0 : i32
        %dma_start3A_533 = arith.constant 0 : i32
        %dma_start3A_534 = tpu.memref_slice %arg13[%dma_start3A_532, %dma_start3A_533] : memref<10240x64xf32, #tpu.memory_space<vmem_shared>> -> memref<10240x64xf32, #tpu.memory_space<vmem_shared>>
        tpu.enqueue_indirect_dma source(%dma_start3A_528 : memref<64x64xf32, #tpu.memory_space<vmem>>) target(%dma_start3A_534 : memref<10240x64xf32, #tpu.memory_space<vmem_shared>>) offsets(%dma_start3A_531 : memref<64xi32, #tpu.memory_space<vmem>>) semaphore(%arg16 : memref<!tpu.dma_semaphore, #tpu.memory_space<semaphore_mem>>) {add = true}
        %add3A_535 = arith.constant 2 : i32
        %add3A_536 = arith.addi %mul3A_178, %add3A_535 : i32
        %dma_start3A_537 = arith.constant 2 : i32
        %dma_start3A_538 = arith.constant 0 : i32
        %dma_start3A_539 = arith.constant 0 : i32
        %dma_start3A_540 = tpu.memref_slice %arg11[%dma_start3A_537, %dma_start3A_538, %dma_start3A_539] : memref<8x64x64xf32, #tpu.memory_space<vmem>> -> memref<1x64x64xf32, #tpu.memory_space<vmem>>
        %dma_start3A_541 = tpu.memref_squeeze %dma_start3A_540 : memref<1x64x64xf32, #tpu.memory_space<vmem>> -> memref<64x64xf32, #tpu.memory_space<vmem>>
        %dma_start3A_542 = arith.constant 0 : i32
        %dma_start3A_543 = tpu.memref_slice %arg10[%add3A_536, %dma_start3A_542] : memref<320x64xi32, #tpu.memory_space<vmem>> -> memref<1x64xi32, #tpu.memory_space<vmem>>
        %dma_start3A_544 = tpu.memref_squeeze %dma_start3A_543 : memref<1x64xi32, #tpu.memory_space<vmem>> -> memref<64xi32, #tpu.memory_space<vmem>>
        %dma_start3A_545 = arith.constant 0 : i32
        %dma_start3A_546 = arith.constant 0 : i32
        %dma_start3A_547 = tpu.memref_slice %arg13[%dma_start3A_545, %dma_start3A_546] : memref<10240x64xf32, #tpu.memory_space<vmem_shared>> -> memref<10240x64xf32, #tpu.memory_space<vmem_shared>>
        tpu.enqueue_indirect_dma source(%dma_start3A_541 : memref<64x64xf32, #tpu.memory_space<vmem>>) target(%dma_start3A_547 : memref<10240x64xf32, #tpu.memory_space<vmem_shared>>) offsets(%dma_start3A_544 : memref<64xi32, #tpu.memory_space<vmem>>) semaphore(%arg16 : memref<!tpu.dma_semaphore, #tpu.memory_space<semaphore_mem>>) {add = true}
        %add3A_548 = arith.constant 3 : i32
        %add3A_549 = arith.addi %mul3A_178, %add3A_548 : i32
        %dma_start3A_550 = arith.constant 3 : i32
        %dma_start3A_551 = arith.constant 0 : i32
        %dma_start3A_552 = arith.constant 0 : i32
        %dma_start3A_553 = tpu.memref_slice %arg11[%dma_start3A_550, %dma_start3A_551, %dma_start3A_552] : memref<8x64x64xf32, #tpu.memory_space<vmem>> -> memref<1x64x64xf32, #tpu.memory_space<vmem>>
        %dma_start3A_554 = tpu.memref_squeeze %dma_start3A_553 : memref<1x64x64xf32, #tpu.memory_space<vmem>> -> memref<64x64xf32, #tpu.memory_space<vmem>>
        %dma_start3A_555 = arith.constant 0 : i32
        %dma_start3A_556 = tpu.memref_slice %arg10[%add3A_549, %dma_start3A_555] : memref<320x64xi32, #tpu.memory_space<vmem>> -> memref<1x64xi32, #tpu.memory_space<vmem>>
        %dma_start3A_557 = tpu.memref_squeeze %dma_start3A_556 : memref<1x64xi32, #tpu.memory_space<vmem>> -> memref<64xi32, #tpu.memory_space<vmem>>
        %dma_start3A_558 = arith.constant 0 : i32
        %dma_start3A_559 = arith.constant 0 : i32
        %dma_start3A_560 = tpu.memref_slice %arg13[%dma_start3A_558, %dma_start3A_559] : memref<10240x64xf32, #tpu.memory_space<vmem_shared>> -> memref<10240x64xf32, #tpu.memory_space<vmem_shared>>
        tpu.enqueue_indirect_dma source(%dma_start3A_554 : memref<64x64xf32, #tpu.memory_space<vmem>>) target(%dma_start3A_560 : memref<10240x64xf32, #tpu.memory_space<vmem_shared>>) offsets(%dma_start3A_557 : memref<64xi32, #tpu.memory_space<vmem>>) semaphore(%arg16 : memref<!tpu.dma_semaphore, #tpu.memory_space<semaphore_mem>>) {add = true}
        %dma_wait3A_561 = arith.constant 0 : i32
        %dma_wait3A_562 = arith.constant 0 : i32
        %dma_wait3A_563 = arith.constant 0 : i32
        %dma_wait3A_564 = arith.constant 0 : i32
        %dma_wait3A_565 = tpu.memref_slice %arg11[%dma_wait3A_561, %dma_wait3A_563, %dma_wait3A_564] : memref<8x64x64xf32, #tpu.memory_space<vmem>> -> memref<1x64x64xf32, #tpu.memory_space<vmem>>
        %dma_wait3A_566 = tpu.memref_squeeze %dma_wait3A_565 : memref<1x64x64xf32, #tpu.memory_space<vmem>> -> memref<64x64xf32, #tpu.memory_space<vmem>>
        %dma_wait3A_567 = arith.constant 0 : i32
        %dma_wait3A_568 = tpu.memref_slice %arg10[%dma_wait3A_562, %dma_wait3A_567] : memref<320x64xi32, #tpu.memory_space<vmem>> -> memref<1x64xi32, #tpu.memory_space<vmem>>
        %dma_wait3A_569 = tpu.memref_squeeze %dma_wait3A_568 : memref<1x64xi32, #tpu.memory_space<vmem>> -> memref<64xi32, #tpu.memory_space<vmem>>
        %dma_wait3A_570 = arith.constant 0 : i32
        %dma_wait3A_571 = arith.constant 0 : i32
        %dma_wait3A_572 = tpu.memref_slice %arg13[%dma_wait3A_570, %dma_wait3A_571] : memref<10240x64xf32, #tpu.memory_space<vmem_shared>> -> memref<10240x64xf32, #tpu.memory_space<vmem_shared>>
        tpu.wait_indirect_dma semaphore(%arg16 : memref<!tpu.dma_semaphore, #tpu.memory_space<semaphore_mem>>) src(%dma_wait3A_566 : memref<64x64xf32, #tpu.memory_space<vmem>>) dst(%dma_wait3A_572 : memref<10240x64xf32, #tpu.memory_space<vmem_shared>>)
        %dma_wait3A_573 = arith.constant 1 : i32
        %dma_wait3A_574 = arith.constant 0 : i32
        %dma_wait3A_575 = arith.constant 0 : i32
        %dma_wait3A_576 = arith.constant 0 : i32
        %dma_wait3A_577 = tpu.memref_slice %arg11[%dma_wait3A_573, %dma_wait3A_575, %dma_wait3A_576] : memref<8x64x64xf32, #tpu.memory_space<vmem>> -> memref<1x64x64xf32, #tpu.memory_space<vmem>>
        %dma_wait3A_578 = tpu.memref_squeeze %dma_wait3A_577 : memref<1x64x64xf32, #tpu.memory_space<vmem>> -> memref<64x64xf32, #tpu.memory_space<vmem>>
        %dma_wait3A_579 = arith.constant 0 : i32
        %dma_wait3A_580 = tpu.memref_slice %arg10[%dma_wait3A_574, %dma_wait3A_579] : memref<320x64xi32, #tpu.memory_space<vmem>> -> memref<1x64xi32, #tpu.memory_space<vmem>>
        %dma_wait3A_581 = tpu.memref_squeeze %dma_wait3A_580 : memref<1x64xi32, #tpu.memory_space<vmem>> -> memref<64xi32, #tpu.memory_space<vmem>>
        %dma_wait3A_582 = arith.constant 0 : i32
        %dma_wait3A_583 = arith.constant 0 : i32
        %dma_wait3A_584 = tpu.memref_slice %arg13[%dma_wait3A_582, %dma_wait3A_583] : memref<10240x64xf32, #tpu.memory_space<vmem_shared>> -> memref<10240x64xf32, #tpu.memory_space<vmem_shared>>
        tpu.wait_indirect_dma semaphore(%arg16 : memref<!tpu.dma_semaphore, #tpu.memory_space<semaphore_mem>>) src(%dma_wait3A_578 : memref<64x64xf32, #tpu.memory_space<vmem>>) dst(%dma_wait3A_584 : memref<10240x64xf32, #tpu.memory_space<vmem_shared>>)
        %dma_wait3A_585 = arith.constant 2 : i32
        %dma_wait3A_586 = arith.constant 0 : i32
        %dma_wait3A_587 = arith.constant 0 : i32
        %dma_wait3A_588 = arith.constant 0 : i32
        %dma_wait3A_589 = tpu.memref_slice %arg11[%dma_wait3A_585, %dma_wait3A_587, %dma_wait3A_588] : memref<8x64x64xf32, #tpu.memory_space<vmem>> -> memref<1x64x64xf32, #tpu.memory_space<vmem>>
        %dma_wait3A_590 = tpu.memref_squeeze %dma_wait3A_589 : memref<1x64x64xf32, #tpu.memory_space<vmem>> -> memref<64x64xf32, #tpu.memory_space<vmem>>
        %dma_wait3A_591 = arith.constant 0 : i32
        %dma_wait3A_592 = tpu.memref_slice %arg10[%dma_wait3A_586, %dma_wait3A_591] : memref<320x64xi32, #tpu.memory_space<vmem>> -> memref<1x64xi32, #tpu.memory_space<vmem>>
        %dma_wait3A_593 = tpu.memref_squeeze %dma_wait3A_592 : memref<1x64xi32, #tpu.memory_space<vmem>> -> memref<64xi32, #tpu.memory_space<vmem>>
        %dma_wait3A_594 = arith.constant 0 : i32
        %dma_wait3A_595 = arith.constant 0 : i32
        %dma_wait3A_596 = tpu.memref_slice %arg13[%dma_wait3A_594, %dma_wait3A_595] : memref<10240x64xf32, #tpu.memory_space<vmem_shared>> -> memref<10240x64xf32, #tpu.memory_space<vmem_shared>>
        tpu.wait_indirect_dma semaphore(%arg16 : memref<!tpu.dma_semaphore, #tpu.memory_space<semaphore_mem>>) src(%dma_wait3A_590 : memref<64x64xf32, #tpu.memory_space<vmem>>) dst(%dma_wait3A_596 : memref<10240x64xf32, #tpu.memory_space<vmem_shared>>)
        %dma_wait3A_597 = arith.constant 3 : i32
        %dma_wait3A_598 = arith.constant 0 : i32
        %dma_wait3A_599 = arith.constant 0 : i32
        %dma_wait3A_600 = arith.constant 0 : i32
        %dma_wait3A_601 = tpu.memref_slice %arg11[%dma_wait3A_597, %dma_wait3A_599, %dma_wait3A_600] : memref<8x64x64xf32, #tpu.memory_space<vmem>> -> memref<1x64x64xf32, #tpu.memory_space<vmem>>
        %dma_wait3A_602 = tpu.memref_squeeze %dma_wait3A_601 : memref<1x64x64xf32, #tpu.memory_space<vmem>> -> memref<64x64xf32, #tpu.memory_space<vmem>>
        %dma_wait3A_603 = arith.constant 0 : i32
        %dma_wait3A_604 = tpu.memref_slice %arg10[%dma_wait3A_598, %dma_wait3A_603] : memref<320x64xi32, #tpu.memory_space<vmem>> -> memref<1x64xi32, #tpu.memory_space<vmem>>
        %dma_wait3A_605 = tpu.memref_squeeze %dma_wait3A_604 : memref<1x64xi32, #tpu.memory_space<vmem>> -> memref<64xi32, #tpu.memory_space<vmem>>
        %dma_wait3A_606 = arith.constant 0 : i32
        %dma_wait3A_607 = arith.constant 0 : i32
        %dma_wait3A_608 = tpu.memref_slice %arg13[%dma_wait3A_606, %dma_wait3A_607] : memref<10240x64xf32, #tpu.memory_space<vmem_shared>> -> memref<10240x64xf32, #tpu.memory_space<vmem_shared>>
        tpu.wait_indirect_dma semaphore(%arg16 : memref<!tpu.dma_semaphore, #tpu.memory_space<semaphore_mem>>) src(%dma_wait3A_602 : memref<64x64xf32, #tpu.memory_space<vmem>>) dst(%dma_wait3A_608 : memref<10240x64xf32, #tpu.memory_space<vmem_shared>>)
        %add3A_609 = arith.constant 8 : i32
        %add3A_610 = arith.addi %mul3A_178, %add3A_609 : i32
        %lt3A = arith.constant 320 : i32
        %lt3A_611 = arith.cmpi slt, %add3A_610, %lt3A : i32
        %convert_element_type3A_612 = arith.extui %lt3A_611 : i1 to i32
        %cond3A_613 = arith.constant 0 : i32
        %cond3A_614 = arith.cmpi ne, %convert_element_type3A_612, %cond3A_613 : i32
        scf.if %cond3A_614 {
          %add3A_767 = arith.constant 8 : i32
          %add3A_768 = arith.addi %mul3A_178, %add3A_767 : i32
          %add3A_769 = arith.constant 0 : i32
          %add3A_770 = arith.addi %add3A_768, %add3A_769 : i32
          %dma_start3A_771 = arith.constant 0 : i32
          %dma_start3A_772 = arith.constant 0 : i32
          %dma_start3A_773 = arith.constant 0 : i32
          %dma_start3A_774 = tpu.memref_slice %arg11[%dma_start3A_771, %dma_start3A_772, %dma_start3A_773] : memref<8x64x64xf32, #tpu.memory_space<vmem>> -> memref<1x64x64xf32, #tpu.memory_space<vmem>>
          %dma_start3A_775 = tpu.memref_squeeze %dma_start3A_774 : memref<1x64x64xf32, #tpu.memory_space<vmem>> -> memref<64x64xf32, #tpu.memory_space<vmem>>
          %dma_start3A_776 = arith.constant 0 : i32
          %dma_start3A_777 = tpu.memref_slice %arg9[%add3A_770, %dma_start3A_776] : memref<320x64xi32, #tpu.memory_space<vmem>> -> memref<1x64xi32, #tpu.memory_space<vmem>>
          %dma_start3A_778 = tpu.memref_squeeze %dma_start3A_777 : memref<1x64xi32, #tpu.memory_space<vmem>> -> memref<64xi32, #tpu.memory_space<vmem>>
          %dma_start3A_779 = arith.constant 0 : i32
          %dma_start3A_780 = arith.constant 0 : i32
          %dma_start3A_781 = tpu.memref_slice %arg2[%arg0, %dma_start3A_779, %dma_start3A_780] : memref<2x10240x64xf32, #tpu.memory_space<hbm>> -> memref<1x10240x64xf32, #tpu.memory_space<hbm>>
          %dma_start3A_782 = tpu.memref_squeeze %dma_start3A_781 : memref<1x10240x64xf32, #tpu.memory_space<hbm>> -> memref<10240x64xf32, #tpu.memory_space<hbm>>
          %dma_start3A_783 = arith.constant 0 : i32
          %dma_start3A_784 = arith.constant 0 : i32
          %dma_start3A_785 = tpu.memref_slice %dma_start3A_782[%dma_start3A_783, %dma_start3A_784] : memref<10240x64xf32, #tpu.memory_space<hbm>> -> memref<10240x64xf32, #tpu.memory_space<hbm>>
          tpu.enqueue_indirect_dma source(%dma_start3A_785 : memref<10240x64xf32, #tpu.memory_space<hbm>>) target(%dma_start3A_775 : memref<64x64xf32, #tpu.memory_space<vmem>>) offsets(%dma_start3A_778 : memref<64xi32, #tpu.memory_space<vmem>>) semaphore(%arg14 : memref<!tpu.dma_semaphore, #tpu.memory_space<semaphore_mem>>)
          %add3A_786 = arith.constant 8 : i32
          %add3A_787 = arith.addi %mul3A_178, %add3A_786 : i32
          %add3A_788 = arith.constant 1 : i32
          %add3A_789 = arith.addi %add3A_787, %add3A_788 : i32
          %dma_start3A_790 = arith.constant 1 : i32
          %dma_start3A_791 = arith.constant 0 : i32
          %dma_start3A_792 = arith.constant 0 : i32
          %dma_start3A_793 = tpu.memref_slice %arg11[%dma_start3A_790, %dma_start3A_791, %dma_start3A_792] : memref<8x64x64xf32, #tpu.memory_space<vmem>> -> memref<1x64x64xf32, #tpu.memory_space<vmem>>
          %dma_start3A_794 = tpu.memref_squeeze %dma_start3A_793 : memref<1x64x64xf32, #tpu.memory_space<vmem>> -> memref<64x64xf32, #tpu.memory_space<vmem>>
          %dma_start3A_795 = arith.constant 0 : i32
          %dma_start3A_796 = tpu.memref_slice %arg9[%add3A_789, %dma_start3A_795] : memref<320x64xi32, #tpu.memory_space<vmem>> -> memref<1x64xi32, #tpu.memory_space<vmem>>
          %dma_start3A_797 = tpu.memref_squeeze %dma_start3A_796 : memref<1x64xi32, #tpu.memory_space<vmem>> -> memref<64xi32, #tpu.memory_space<vmem>>
          %dma_start3A_798 = arith.constant 0 : i32
          %dma_start3A_799 = arith.constant 0 : i32
          %dma_start3A_800 = tpu.memref_slice %arg2[%arg0, %dma_start3A_798, %dma_start3A_799] : memref<2x10240x64xf32, #tpu.memory_space<hbm>> -> memref<1x10240x64xf32, #tpu.memory_space<hbm>>
          %dma_start3A_801 = tpu.memref_squeeze %dma_start3A_800 : memref<1x10240x64xf32, #tpu.memory_space<hbm>> -> memref<10240x64xf32, #tpu.memory_space<hbm>>
          %dma_start3A_802 = arith.constant 0 : i32
          %dma_start3A_803 = arith.constant 0 : i32
          %dma_start3A_804 = tpu.memref_slice %dma_start3A_801[%dma_start3A_802, %dma_start3A_803] : memref<10240x64xf32, #tpu.memory_space<hbm>> -> memref<10240x64xf32, #tpu.memory_space<hbm>>
          tpu.enqueue_indirect_dma source(%dma_start3A_804 : memref<10240x64xf32, #tpu.memory_space<hbm>>) target(%dma_start3A_794 : memref<64x64xf32, #tpu.memory_space<vmem>>) offsets(%dma_start3A_797 : memref<64xi32, #tpu.memory_space<vmem>>) semaphore(%arg14 : memref<!tpu.dma_semaphore, #tpu.memory_space<semaphore_mem>>)
          %add3A_805 = arith.constant 8 : i32
          %add3A_806 = arith.addi %mul3A_178, %add3A_805 : i32
          %add3A_807 = arith.constant 2 : i32
          %add3A_808 = arith.addi %add3A_806, %add3A_807 : i32
          %dma_start3A_809 = arith.constant 2 : i32
          %dma_start3A_810 = arith.constant 0 : i32
          %dma_start3A_811 = arith.constant 0 : i32
          %dma_start3A_812 = tpu.memref_slice %arg11[%dma_start3A_809, %dma_start3A_810, %dma_start3A_811] : memref<8x64x64xf32, #tpu.memory_space<vmem>> -> memref<1x64x64xf32, #tpu.memory_space<vmem>>
          %dma_start3A_813 = tpu.memref_squeeze %dma_start3A_812 : memref<1x64x64xf32, #tpu.memory_space<vmem>> -> memref<64x64xf32, #tpu.memory_space<vmem>>
          %dma_start3A_814 = arith.constant 0 : i32
          %dma_start3A_815 = tpu.memref_slice %arg9[%add3A_808, %dma_start3A_814] : memref<320x64xi32, #tpu.memory_space<vmem>> -> memref<1x64xi32, #tpu.memory_space<vmem>>
          %dma_start3A_816 = tpu.memref_squeeze %dma_start3A_815 : memref<1x64xi32, #tpu.memory_space<vmem>> -> memref<64xi32, #tpu.memory_space<vmem>>
          %dma_start3A_817 = arith.constant 0 : i32
          %dma_start3A_818 = arith.constant 0 : i32
          %dma_start3A_819 = tpu.memref_slice %arg2[%arg0, %dma_start3A_817, %dma_start3A_818] : memref<2x10240x64xf32, #tpu.memory_space<hbm>> -> memref<1x10240x64xf32, #tpu.memory_space<hbm>>
          %dma_start3A_820 = tpu.memref_squeeze %dma_start3A_819 : memref<1x10240x64xf32, #tpu.memory_space<hbm>> -> memref<10240x64xf32, #tpu.memory_space<hbm>>
          %dma_start3A_821 = arith.constant 0 : i32
          %dma_start3A_822 = arith.constant 0 : i32
          %dma_start3A_823 = tpu.memref_slice %dma_start3A_820[%dma_start3A_821, %dma_start3A_822] : memref<10240x64xf32, #tpu.memory_space<hbm>> -> memref<10240x64xf32, #tpu.memory_space<hbm>>
          tpu.enqueue_indirect_dma source(%dma_start3A_823 : memref<10240x64xf32, #tpu.memory_space<hbm>>) target(%dma_start3A_813 : memref<64x64xf32, #tpu.memory_space<vmem>>) offsets(%dma_start3A_816 : memref<64xi32, #tpu.memory_space<vmem>>) semaphore(%arg14 : memref<!tpu.dma_semaphore, #tpu.memory_space<semaphore_mem>>)
          %add3A_824 = arith.constant 8 : i32
          %add3A_825 = arith.addi %mul3A_178, %add3A_824 : i32
          %add3A_826 = arith.constant 3 : i32
          %add3A_827 = arith.addi %add3A_825, %add3A_826 : i32
          %dma_start3A_828 = arith.constant 3 : i32
          %dma_start3A_829 = arith.constant 0 : i32
          %dma_start3A_830 = arith.constant 0 : i32
          %dma_start3A_831 = tpu.memref_slice %arg11[%dma_start3A_828, %dma_start3A_829, %dma_start3A_830] : memref<8x64x64xf32, #tpu.memory_space<vmem>> -> memref<1x64x64xf32, #tpu.memory_space<vmem>>
          %dma_start3A_832 = tpu.memref_squeeze %dma_start3A_831 : memref<1x64x64xf32, #tpu.memory_space<vmem>> -> memref<64x64xf32, #tpu.memory_space<vmem>>
          %dma_start3A_833 = arith.constant 0 : i32
          %dma_start3A_834 = tpu.memref_slice %arg9[%add3A_827, %dma_start3A_833] : memref<320x64xi32, #tpu.memory_space<vmem>> -> memref<1x64xi32, #tpu.memory_space<vmem>>
          %dma_start3A_835 = tpu.memref_squeeze %dma_start3A_834 : memref<1x64xi32, #tpu.memory_space<vmem>> -> memref<64xi32, #tpu.memory_space<vmem>>
          %dma_start3A_836 = arith.constant 0 : i32
          %dma_start3A_837 = arith.constant 0 : i32
          %dma_start3A_838 = tpu.memref_slice %arg2[%arg0, %dma_start3A_836, %dma_start3A_837] : memref<2x10240x64xf32, #tpu.memory_space<hbm>> -> memref<1x10240x64xf32, #tpu.memory_space<hbm>>
          %dma_start3A_839 = tpu.memref_squeeze %dma_start3A_838 : memref<1x10240x64xf32, #tpu.memory_space<hbm>> -> memref<10240x64xf32, #tpu.memory_space<hbm>>
          %dma_start3A_840 = arith.constant 0 : i32
          %dma_start3A_841 = arith.constant 0 : i32
          %dma_start3A_842 = tpu.memref_slice %dma_start3A_839[%dma_start3A_840, %dma_start3A_841] : memref<10240x64xf32, #tpu.memory_space<hbm>> -> memref<10240x64xf32, #tpu.memory_space<hbm>>
          tpu.enqueue_indirect_dma source(%dma_start3A_842 : memref<10240x64xf32, #tpu.memory_space<hbm>>) target(%dma_start3A_832 : memref<64x64xf32, #tpu.memory_space<vmem>>) offsets(%dma_start3A_835 : memref<64xi32, #tpu.memory_space<vmem>>) semaphore(%arg14 : memref<!tpu.dma_semaphore, #tpu.memory_space<semaphore_mem>>)
        } else {
        }
        %dma_wait3A_615 = arith.constant 4 : i32
        %dma_wait3A_616 = arith.constant 0 : i32
        %dma_wait3A_617 = arith.constant 0 : i32
        %dma_wait3A_618 = tpu.memref_slice %arg11[%dma_wait3A_615, %dma_wait3A_616, %dma_wait3A_617] : memref<8x64x64xf32, #tpu.memory_space<vmem>> -> memref<1x64x64xf32, #tpu.memory_space<vmem>>
        %dma_wait3A_619 = tpu.memref_squeeze %dma_wait3A_618 : memref<1x64x64xf32, #tpu.memory_space<vmem>> -> memref<64x64xf32, #tpu.memory_space<vmem>>
        %dma_wait3A_620 = arith.constant 0 : i32
        %dma_wait3A_621 = arith.constant 0 : i32
        %dma_wait3A_622 = tpu.memref_slice %arg2[%arg0, %dma_wait3A_620, %dma_wait3A_621] : memref<2x10240x64xf32, #tpu.memory_space<hbm>> -> memref<1x10240x64xf32, #tpu.memory_space<hbm>>
        %dma_wait3A_623 = tpu.memref_squeeze %dma_wait3A_622 : memref<1x10240x64xf32, #tpu.memory_space<hbm>> -> memref<10240x64xf32, #tpu.memory_space<hbm>>
        %dma_wait3A_624 = arith.constant 0 : i32
        %dma_wait3A_625 = arith.constant 0 : i32
        %dma_wait3A_626 = tpu.memref_slice %dma_wait3A_623[%dma_wait3A_624, %dma_wait3A_625] : memref<10240x64xf32, #tpu.memory_space<hbm>> -> memref<64x64xf32, #tpu.memory_space<hbm>>
        %dma_wait3A_627 = arith.constant 0 : i32
        %dma_wait3A_628 = arith.constant 0 : i32
        %dma_wait3A_629 = tpu.memref_slice %arg11[%dma_wait3A_615, %dma_wait3A_627, %dma_wait3A_628] : memref<8x64x64xf32, #tpu.memory_space<vmem>> -> memref<1x64x64xf32, #tpu.memory_space<vmem>>
        %dma_wait3A_630 = tpu.memref_squeeze %dma_wait3A_629 : memref<1x64x64xf32, #tpu.memory_space<vmem>> -> memref<64x64xf32, #tpu.memory_space<vmem>>
        %dma_wait3A_631 = arith.constant 0 : i32
        %dma_wait3A_632 = arith.constant 0 : i32
        %dma_wait3A_633 = tpu.memref_slice %arg2[%arg0, %dma_wait3A_631, %dma_wait3A_632] : memref<2x10240x64xf32, #tpu.memory_space<hbm>> -> memref<1x10240x64xf32, #tpu.memory_space<hbm>>
        %dma_wait3A_634 = tpu.memref_squeeze %dma_wait3A_633 : memref<1x10240x64xf32, #tpu.memory_space<hbm>> -> memref<10240x64xf32, #tpu.memory_space<hbm>>
        %dma_wait3A_635 = arith.constant 0 : i32
        %dma_wait3A_636 = arith.constant 0 : i32
        %dma_wait3A_637 = tpu.memref_slice %dma_wait3A_634[%dma_wait3A_635, %dma_wait3A_636] : memref<10240x64xf32, #tpu.memory_space<hbm>> -> memref<64x64xf32, #tpu.memory_space<hbm>>
        tpu.wait_dma2 semaphore(%arg15 : memref<!tpu.dma_semaphore, #tpu.memory_space<semaphore_mem>>) src(%dma_wait3A_637 : memref<64x64xf32, #tpu.memory_space<hbm>>) dst(%dma_wait3A_630 : memref<64x64xf32, #tpu.memory_space<vmem>>)
        %dma_wait3A_638 = arith.constant 5 : i32
        %dma_wait3A_639 = arith.constant 0 : i32
        %dma_wait3A_640 = arith.constant 0 : i32
        %dma_wait3A_641 = tpu.memref_slice %arg11[%dma_wait3A_638, %dma_wait3A_639, %dma_wait3A_640] : memref<8x64x64xf32, #tpu.memory_space<vmem>> -> memref<1x64x64xf32, #tpu.memory_space<vmem>>
        %dma_wait3A_642 = tpu.memref_squeeze %dma_wait3A_641 : memref<1x64x64xf32, #tpu.memory_space<vmem>> -> memref<64x64xf32, #tpu.memory_space<vmem>>
        %dma_wait3A_643 = arith.constant 0 : i32
        %dma_wait3A_644 = arith.constant 0 : i32
        %dma_wait3A_645 = tpu.memref_slice %arg2[%arg0, %dma_wait3A_643, %dma_wait3A_644] : memref<2x10240x64xf32, #tpu.memory_space<hbm>> -> memref<1x10240x64xf32, #tpu.memory_space<hbm>>
        %dma_wait3A_646 = tpu.memref_squeeze %dma_wait3A_645 : memref<1x10240x64xf32, #tpu.memory_space<hbm>> -> memref<10240x64xf32, #tpu.memory_space<hbm>>
        %dma_wait3A_647 = arith.constant 0 : i32
        %dma_wait3A_648 = arith.constant 0 : i32
        %dma_wait3A_649 = tpu.memref_slice %dma_wait3A_646[%dma_wait3A_647, %dma_wait3A_648] : memref<10240x64xf32, #tpu.memory_space<hbm>> -> memref<64x64xf32, #tpu.memory_space<hbm>>
        %dma_wait3A_650 = arith.constant 0 : i32
        %dma_wait3A_651 = arith.constant 0 : i32
        %dma_wait3A_652 = tpu.memref_slice %arg11[%dma_wait3A_638, %dma_wait3A_650, %dma_wait3A_651] : memref<8x64x64xf32, #tpu.memory_space<vmem>> -> memref<1x64x64xf32, #tpu.memory_space<vmem>>
        %dma_wait3A_653 = tpu.memref_squeeze %dma_wait3A_652 : memref<1x64x64xf32, #tpu.memory_space<vmem>> -> memref<64x64xf32, #tpu.memory_space<vmem>>
        %dma_wait3A_654 = arith.constant 0 : i32
        %dma_wait3A_655 = arith.constant 0 : i32
        %dma_wait3A_656 = tpu.memref_slice %arg2[%arg0, %dma_wait3A_654, %dma_wait3A_655] : memref<2x10240x64xf32, #tpu.memory_space<hbm>> -> memref<1x10240x64xf32, #tpu.memory_space<hbm>>
        %dma_wait3A_657 = tpu.memref_squeeze %dma_wait3A_656 : memref<1x10240x64xf32, #tpu.memory_space<hbm>> -> memref<10240x64xf32, #tpu.memory_space<hbm>>
        %dma_wait3A_658 = arith.constant 0 : i32
        %dma_wait3A_659 = arith.constant 0 : i32
        %dma_wait3A_660 = tpu.memref_slice %dma_wait3A_657[%dma_wait3A_658, %dma_wait3A_659] : memref<10240x64xf32, #tpu.memory_space<hbm>> -> memref<64x64xf32, #tpu.memory_space<hbm>>
        tpu.wait_dma2 semaphore(%arg15 : memref<!tpu.dma_semaphore, #tpu.memory_space<semaphore_mem>>) src(%dma_wait3A_660 : memref<64x64xf32, #tpu.memory_space<hbm>>) dst(%dma_wait3A_653 : memref<64x64xf32, #tpu.memory_space<vmem>>)
        %dma_wait3A_661 = arith.constant 6 : i32
        %dma_wait3A_662 = arith.constant 0 : i32
        %dma_wait3A_663 = arith.constant 0 : i32
        %dma_wait3A_664 = tpu.memref_slice %arg11[%dma_wait3A_661, %dma_wait3A_662, %dma_wait3A_663] : memref<8x64x64xf32, #tpu.memory_space<vmem>> -> memref<1x64x64xf32, #tpu.memory_space<vmem>>
        %dma_wait3A_665 = tpu.memref_squeeze %dma_wait3A_664 : memref<1x64x64xf32, #tpu.memory_space<vmem>> -> memref<64x64xf32, #tpu.memory_space<vmem>>
        %dma_wait3A_666 = arith.constant 0 : i32
        %dma_wait3A_667 = arith.constant 0 : i32
        %dma_wait3A_668 = tpu.memref_slice %arg2[%arg0, %dma_wait3A_666, %dma_wait3A_667] : memref<2x10240x64xf32, #tpu.memory_space<hbm>> -> memref<1x10240x64xf32, #tpu.memory_space<hbm>>
        %dma_wait3A_669 = tpu.memref_squeeze %dma_wait3A_668 : memref<1x10240x64xf32, #tpu.memory_space<hbm>> -> memref<10240x64xf32, #tpu.memory_space<hbm>>
        %dma_wait3A_670 = arith.constant 0 : i32
        %dma_wait3A_671 = arith.constant 0 : i32
        %dma_wait3A_672 = tpu.memref_slice %dma_wait3A_669[%dma_wait3A_670, %dma_wait3A_671] : memref<10240x64xf32, #tpu.memory_space<hbm>> -> memref<64x64xf32, #tpu.memory_space<hbm>>
        %dma_wait3A_673 = arith.constant 0 : i32
        %dma_wait3A_674 = arith.constant 0 : i32
        %dma_wait3A_675 = tpu.memref_slice %arg11[%dma_wait3A_661, %dma_wait3A_673, %dma_wait3A_674] : memref<8x64x64xf32, #tpu.memory_space<vmem>> -> memref<1x64x64xf32, #tpu.memory_space<vmem>>
        %dma_wait3A_676 = tpu.memref_squeeze %dma_wait3A_675 : memref<1x64x64xf32, #tpu.memory_space<vmem>> -> memref<64x64xf32, #tpu.memory_space<vmem>>
        %dma_wait3A_677 = arith.constant 0 : i32
        %dma_wait3A_678 = arith.constant 0 : i32
        %dma_wait3A_679 = tpu.memref_slice %arg2[%arg0, %dma_wait3A_677, %dma_wait3A_678] : memref<2x10240x64xf32, #tpu.memory_space<hbm>> -> memref<1x10240x64xf32, #tpu.memory_space<hbm>>
        %dma_wait3A_680 = tpu.memref_squeeze %dma_wait3A_679 : memref<1x10240x64xf32, #tpu.memory_space<hbm>> -> memref<10240x64xf32, #tpu.memory_space<hbm>>
        %dma_wait3A_681 = arith.constant 0 : i32
        %dma_wait3A_682 = arith.constant 0 : i32
        %dma_wait3A_683 = tpu.memref_slice %dma_wait3A_680[%dma_wait3A_681, %dma_wait3A_682] : memref<10240x64xf32, #tpu.memory_space<hbm>> -> memref<64x64xf32, #tpu.memory_space<hbm>>
        tpu.wait_dma2 semaphore(%arg15 : memref<!tpu.dma_semaphore, #tpu.memory_space<semaphore_mem>>) src(%dma_wait3A_683 : memref<64x64xf32, #tpu.memory_space<hbm>>) dst(%dma_wait3A_676 : memref<64x64xf32, #tpu.memory_space<vmem>>)
        %dma_wait3A_684 = arith.constant 7 : i32
        %dma_wait3A_685 = arith.constant 0 : i32
        %dma_wait3A_686 = arith.constant 0 : i32
        %dma_wait3A_687 = tpu.memref_slice %arg11[%dma_wait3A_684, %dma_wait3A_685, %dma_wait3A_686] : memref<8x64x64xf32, #tpu.memory_space<vmem>> -> memref<1x64x64xf32, #tpu.memory_space<vmem>>
        %dma_wait3A_688 = tpu.memref_squeeze %dma_wait3A_687 : memref<1x64x64xf32, #tpu.memory_space<vmem>> -> memref<64x64xf32, #tpu.memory_space<vmem>>
        %dma_wait3A_689 = arith.constant 0 : i32
        %dma_wait3A_690 = arith.constant 0 : i32
        %dma_wait3A_691 = tpu.memref_slice %arg2[%arg0, %dma_wait3A_689, %dma_wait3A_690] : memref<2x10240x64xf32, #tpu.memory_space<hbm>> -> memref<1x10240x64xf32, #tpu.memory_space<hbm>>
        %dma_wait3A_692 = tpu.memref_squeeze %dma_wait3A_691 : memref<1x10240x64xf32, #tpu.memory_space<hbm>> -> memref<10240x64xf32, #tpu.memory_space<hbm>>
        %dma_wait3A_693 = arith.constant 0 : i32
        %dma_wait3A_694 = arith.constant 0 : i32
        %dma_wait3A_695 = tpu.memref_slice %dma_wait3A_692[%dma_wait3A_693, %dma_wait3A_694] : memref<10240x64xf32, #tpu.memory_space<hbm>> -> memref<64x64xf32, #tpu.memory_space<hbm>>
        %dma_wait3A_696 = arith.constant 0 : i32
        %dma_wait3A_697 = arith.constant 0 : i32
        %dma_wait3A_698 = tpu.memref_slice %arg11[%dma_wait3A_684, %dma_wait3A_696, %dma_wait3A_697] : memref<8x64x64xf32, #tpu.memory_space<vmem>> -> memref<1x64x64xf32, #tpu.memory_space<vmem>>
        %dma_wait3A_699 = tpu.memref_squeeze %dma_wait3A_698 : memref<1x64x64xf32, #tpu.memory_space<vmem>> -> memref<64x64xf32, #tpu.memory_space<vmem>>
        %dma_wait3A_700 = arith.constant 0 : i32
        %dma_wait3A_701 = arith.constant 0 : i32
        %dma_wait3A_702 = tpu.memref_slice %arg2[%arg0, %dma_wait3A_700, %dma_wait3A_701] : memref<2x10240x64xf32, #tpu.memory_space<hbm>> -> memref<1x10240x64xf32, #tpu.memory_space<hbm>>
        %dma_wait3A_703 = tpu.memref_squeeze %dma_wait3A_702 : memref<1x10240x64xf32, #tpu.memory_space<hbm>> -> memref<10240x64xf32, #tpu.memory_space<hbm>>
        %dma_wait3A_704 = arith.constant 0 : i32
        %dma_wait3A_705 = arith.constant 0 : i32
        %dma_wait3A_706 = tpu.memref_slice %dma_wait3A_703[%dma_wait3A_704, %dma_wait3A_705] : memref<10240x64xf32, #tpu.memory_space<hbm>> -> memref<64x64xf32, #tpu.memory_space<hbm>>
        tpu.wait_dma2 semaphore(%arg15 : memref<!tpu.dma_semaphore, #tpu.memory_space<semaphore_mem>>) src(%dma_wait3A_706 : memref<64x64xf32, #tpu.memory_space<hbm>>) dst(%dma_wait3A_699 : memref<64x64xf32, #tpu.memory_space<vmem>>)
        %add3A_707 = arith.constant 4 : i32
        %add3A_708 = arith.addi %mul3A_178, %add3A_707 : i32
        %add3A_709 = arith.constant 0 : i32
        %add3A_710 = arith.addi %add3A_708, %add3A_709 : i32
        %dma_start3A_711 = arith.constant 4 : i32
        %dma_start3A_712 = arith.constant 0 : i32
        %dma_start3A_713 = arith.constant 0 : i32
        %dma_start3A_714 = tpu.memref_slice %arg11[%dma_start3A_711, %dma_start3A_712, %dma_start3A_713] : memref<8x64x64xf32, #tpu.memory_space<vmem>> -> memref<1x64x64xf32, #tpu.memory_space<vmem>>
        %dma_start3A_715 = tpu.memref_squeeze %dma_start3A_714 : memref<1x64x64xf32, #tpu.memory_space<vmem>> -> memref<64x64xf32, #tpu.memory_space<vmem>>
        %dma_start3A_716 = arith.constant 0 : i32
        %dma_start3A_717 = tpu.memref_slice %arg10[%add3A_710, %dma_start3A_716] : memref<320x64xi32, #tpu.memory_space<vmem>> -> memref<1x64xi32, #tpu.memory_space<vmem>>
        %dma_start3A_718 = tpu.memref_squeeze %dma_start3A_717 : memref<1x64xi32, #tpu.memory_space<vmem>> -> memref<64xi32, #tpu.memory_space<vmem>>
        %dma_start3A_719 = arith.constant 0 : i32
        %dma_start3A_720 = arith.constant 0 : i32
        %dma_start3A_721 = tpu.memref_slice %arg13[%dma_start3A_719, %dma_start3A_720] : memref<10240x64xf32, #tpu.memory_space<vmem_shared>> -> memref<10240x64xf32, #tpu.memory_space<vmem_shared>>
        tpu.enqueue_indirect_dma source(%dma_start3A_715 : memref<64x64xf32, #tpu.memory_space<vmem>>) target(%dma_start3A_721 : memref<10240x64xf32, #tpu.memory_space<vmem_shared>>) offsets(%dma_start3A_718 : memref<64xi32, #tpu.memory_space<vmem>>) semaphore(%arg17 : memref<!tpu.dma_semaphore, #tpu.memory_space<semaphore_mem>>) {add = true}
        %add3A_722 = arith.constant 4 : i32
        %add3A_723 = arith.addi %mul3A_178, %add3A_722 : i32
        %add3A_724 = arith.constant 1 : i32
        %add3A_725 = arith.addi %add3A_723, %add3A_724 : i32
        %dma_start3A_726 = arith.constant 5 : i32
        %dma_start3A_727 = arith.constant 0 : i32
        %dma_start3A_728 = arith.constant 0 : i32
        %dma_start3A_729 = tpu.memref_slice %arg11[%dma_start3A_726, %dma_start3A_727, %dma_start3A_728] : memref<8x64x64xf32, #tpu.memory_space<vmem>> -> memref<1x64x64xf32, #tpu.memory_space<vmem>>
        %dma_start3A_730 = tpu.memref_squeeze %dma_start3A_729 : memref<1x64x64xf32, #tpu.memory_space<vmem>> -> memref<64x64xf32, #tpu.memory_space<vmem>>
        %dma_start3A_731 = arith.constant 0 : i32
        %dma_start3A_732 = tpu.memref_slice %arg10[%add3A_725, %dma_start3A_731] : memref<320x64xi32, #tpu.memory_space<vmem>> -> memref<1x64xi32, #tpu.memory_space<vmem>>
        %dma_start3A_733 = tpu.memref_squeeze %dma_start3A_732 : memref<1x64xi32, #tpu.memory_space<vmem>> -> memref<64xi32, #tpu.memory_space<vmem>>
        %dma_start3A_734 = arith.constant 0 : i32
        %dma_start3A_735 = arith.constant 0 : i32
        %dma_start3A_736 = tpu.memref_slice %arg13[%dma_start3A_734, %dma_start3A_735] : memref<10240x64xf32, #tpu.memory_space<vmem_shared>> -> memref<10240x64xf32, #tpu.memory_space<vmem_shared>>
        tpu.enqueue_indirect_dma source(%dma_start3A_730 : memref<64x64xf32, #tpu.memory_space<vmem>>) target(%dma_start3A_736 : memref<10240x64xf32, #tpu.memory_space<vmem_shared>>) offsets(%dma_start3A_733 : memref<64xi32, #tpu.memory_space<vmem>>) semaphore(%arg17 : memref<!tpu.dma_semaphore, #tpu.memory_space<semaphore_mem>>) {add = true}
        %add3A_737 = arith.constant 4 : i32
        %add3A_738 = arith.addi %mul3A_178, %add3A_737 : i32
        %add3A_739 = arith.constant 2 : i32
        %add3A_740 = arith.addi %add3A_738, %add3A_739 : i32
        %dma_start3A_741 = arith.constant 6 : i32
        %dma_start3A_742 = arith.constant 0 : i32
        %dma_start3A_743 = arith.constant 0 : i32
        %dma_start3A_744 = tpu.memref_slice %arg11[%dma_start3A_741, %dma_start3A_742, %dma_start3A_743] : memref<8x64x64xf32, #tpu.memory_space<vmem>> -> memref<1x64x64xf32, #tpu.memory_space<vmem>>
        %dma_start3A_745 = tpu.memref_squeeze %dma_start3A_744 : memref<1x64x64xf32, #tpu.memory_space<vmem>> -> memref<64x64xf32, #tpu.memory_space<vmem>>
        %dma_start3A_746 = arith.constant 0 : i32
        %dma_start3A_747 = tpu.memref_slice %arg10[%add3A_740, %dma_start3A_746] : memref<320x64xi32, #tpu.memory_space<vmem>> -> memref<1x64xi32, #tpu.memory_space<vmem>>
        %dma_start3A_748 = tpu.memref_squeeze %dma_start3A_747 : memref<1x64xi32, #tpu.memory_space<vmem>> -> memref<64xi32, #tpu.memory_space<vmem>>
        %dma_start3A_749 = arith.constant 0 : i32
        %dma_start3A_750 = arith.constant 0 : i32
        %dma_start3A_751 = tpu.memref_slice %arg13[%dma_start3A_749, %dma_start3A_750] : memref<10240x64xf32, #tpu.memory_space<vmem_shared>> -> memref<10240x64xf32, #tpu.memory_space<vmem_shared>>
        tpu.enqueue_indirect_dma source(%dma_start3A_745 : memref<64x64xf32, #tpu.memory_space<vmem>>) target(%dma_start3A_751 : memref<10240x64xf32, #tpu.memory_space<vmem_shared>>) offsets(%dma_start3A_748 : memref<64xi32, #tpu.memory_space<vmem>>) semaphore(%arg17 : memref<!tpu.dma_semaphore, #tpu.memory_space<semaphore_mem>>) {add = true}
        %add3A_752 = arith.constant 4 : i32
        %add3A_753 = arith.addi %mul3A_178, %add3A_752 : i32
        %add3A_754 = arith.constant 3 : i32
        %add3A_755 = arith.addi %add3A_753, %add3A_754 : i32
        %dma_start3A_756 = arith.constant 7 : i32
        %dma_start3A_757 = arith.constant 0 : i32
        %dma_start3A_758 = arith.constant 0 : i32
        %dma_start3A_759 = tpu.memref_slice %arg11[%dma_start3A_756, %dma_start3A_757, %dma_start3A_758] : memref<8x64x64xf32, #tpu.memory_space<vmem>> -> memref<1x64x64xf32, #tpu.memory_space<vmem>>
        %dma_start3A_760 = tpu.memref_squeeze %dma_start3A_759 : memref<1x64x64xf32, #tpu.memory_space<vmem>> -> memref<64x64xf32, #tpu.memory_space<vmem>>
        %dma_start3A_761 = arith.constant 0 : i32
        %dma_start3A_762 = tpu.memref_slice %arg10[%add3A_755, %dma_start3A_761] : memref<320x64xi32, #tpu.memory_space<vmem>> -> memref<1x64xi32, #tpu.memory_space<vmem>>
        %dma_start3A_763 = tpu.memref_squeeze %dma_start3A_762 : memref<1x64xi32, #tpu.memory_space<vmem>> -> memref<64xi32, #tpu.memory_space<vmem>>
        %dma_start3A_764 = arith.constant 0 : i32
        %dma_start3A_765 = arith.constant 0 : i32
        %dma_start3A_766 = tpu.memref_slice %arg13[%dma_start3A_764, %dma_start3A_765] : memref<10240x64xf32, #tpu.memory_space<vmem_shared>> -> memref<10240x64xf32, #tpu.memory_space<vmem_shared>>
        tpu.enqueue_indirect_dma source(%dma_start3A_760 : memref<64x64xf32, #tpu.memory_space<vmem>>) target(%dma_start3A_766 : memref<10240x64xf32, #tpu.memory_space<vmem_shared>>) offsets(%dma_start3A_763 : memref<64xi32, #tpu.memory_space<vmem>>) semaphore(%arg17 : memref<!tpu.dma_semaphore, #tpu.memory_space<semaphore_mem>>) {add = true}
      }
      %scan3A_125 = arith.constant 40 : i32
      %dma_wait3A_126 = arith.constant 4 : i32
      %dma_wait3A_127 = arith.constant 0 : i32
      %dma_wait3A_128 = arith.constant 0 : i32
      %dma_wait3A_129 = arith.constant 0 : i32
      %dma_wait3A_130 = tpu.memref_slice %arg11[%dma_wait3A_126, %dma_wait3A_128, %dma_wait3A_129] : memref<8x64x64xf32, #tpu.memory_space<vmem>> -> memref<1x64x64xf32, #tpu.memory_space<vmem>>
      %dma_wait3A_131 = tpu.memref_squeeze %dma_wait3A_130 : memref<1x64x64xf32, #tpu.memory_space<vmem>> -> memref<64x64xf32, #tpu.memory_space<vmem>>
      %dma_wait3A_132 = arith.constant 0 : i32
      %dma_wait3A_133 = tpu.memref_slice %arg10[%dma_wait3A_127, %dma_wait3A_132] : memref<320x64xi32, #tpu.memory_space<vmem>> -> memref<1x64xi32, #tpu.memory_space<vmem>>
      %dma_wait3A_134 = tpu.memref_squeeze %dma_wait3A_133 : memref<1x64xi32, #tpu.memory_space<vmem>> -> memref<64xi32, #tpu.memory_space<vmem>>
      %dma_wait3A_135 = arith.constant 0 : i32
      %dma_wait3A_136 = arith.constant 0 : i32
      %dma_wait3A_137 = tpu.memref_slice %arg13[%dma_wait3A_135, %dma_wait3A_136] : memref<10240x64xf32, #tpu.memory_space<vmem_shared>> -> memref<10240x64xf32, #tpu.memory_space<vmem_shared>>
      tpu.wait_indirect_dma semaphore(%arg17 : memref<!tpu.dma_semaphore, #tpu.memory_space<semaphore_mem>>) src(%dma_wait3A_131 : memref<64x64xf32, #tpu.memory_space<vmem>>) dst(%dma_wait3A_137 : memref<10240x64xf32, #tpu.memory_space<vmem_shared>>)
      %dma_wait3A_138 = arith.constant 5 : i32
      %dma_wait3A_139 = arith.constant 0 : i32
      %dma_wait3A_140 = arith.constant 0 : i32
      %dma_wait3A_141 = arith.constant 0 : i32
      %dma_wait3A_142 = tpu.memref_slice %arg11[%dma_wait3A_138, %dma_wait3A_140, %dma_wait3A_141] : memref<8x64x64xf32, #tpu.memory_space<vmem>> -> memref<1x64x64xf32, #tpu.memory_space<vmem>>
      %dma_wait3A_143 = tpu.memref_squeeze %dma_wait3A_142 : memref<1x64x64xf32, #tpu.memory_space<vmem>> -> memref<64x64xf32, #tpu.memory_space<vmem>>
      %dma_wait3A_144 = arith.constant 0 : i32
      %dma_wait3A_145 = tpu.memref_slice %arg10[%dma_wait3A_139, %dma_wait3A_144] : memref<320x64xi32, #tpu.memory_space<vmem>> -> memref<1x64xi32, #tpu.memory_space<vmem>>
      %dma_wait3A_146 = tpu.memref_squeeze %dma_wait3A_145 : memref<1x64xi32, #tpu.memory_space<vmem>> -> memref<64xi32, #tpu.memory_space<vmem>>
      %dma_wait3A_147 = arith.constant 0 : i32
      %dma_wait3A_148 = arith.constant 0 : i32
      %dma_wait3A_149 = tpu.memref_slice %arg13[%dma_wait3A_147, %dma_wait3A_148] : memref<10240x64xf32, #tpu.memory_space<vmem_shared>> -> memref<10240x64xf32, #tpu.memory_space<vmem_shared>>
      tpu.wait_indirect_dma semaphore(%arg17 : memref<!tpu.dma_semaphore, #tpu.memory_space<semaphore_mem>>) src(%dma_wait3A_143 : memref<64x64xf32, #tpu.memory_space<vmem>>) dst(%dma_wait3A_149 : memref<10240x64xf32, #tpu.memory_space<vmem_shared>>)
      %dma_wait3A_150 = arith.constant 6 : i32
      %dma_wait3A_151 = arith.constant 0 : i32
      %dma_wait3A_152 = arith.constant 0 : i32
      %dma_wait3A_153 = arith.constant 0 : i32
      %dma_wait3A_154 = tpu.memref_slice %arg11[%dma_wait3A_150, %dma_wait3A_152, %dma_wait3A_153] : memref<8x64x64xf32, #tpu.memory_space<vmem>> -> memref<1x64x64xf32, #tpu.memory_space<vmem>>
      %dma_wait3A_155 = tpu.memref_squeeze %dma_wait3A_154 : memref<1x64x64xf32, #tpu.memory_space<vmem>> -> memref<64x64xf32, #tpu.memory_space<vmem>>
      %dma_wait3A_156 = arith.constant 0 : i32
      %dma_wait3A_157 = tpu.memref_slice %arg10[%dma_wait3A_151, %dma_wait3A_156] : memref<320x64xi32, #tpu.memory_space<vmem>> -> memref<1x64xi32, #tpu.memory_space<vmem>>
      %dma_wait3A_158 = tpu.memref_squeeze %dma_wait3A_157 : memref<1x64xi32, #tpu.memory_space<vmem>> -> memref<64xi32, #tpu.memory_space<vmem>>
      %dma_wait3A_159 = arith.constant 0 : i32
      %dma_wait3A_160 = arith.constant 0 : i32
      %dma_wait3A_161 = tpu.memref_slice %arg13[%dma_wait3A_159, %dma_wait3A_160] : memref<10240x64xf32, #tpu.memory_space<vmem_shared>> -> memref<10240x64xf32, #tpu.memory_space<vmem_shared>>
      tpu.wait_indirect_dma semaphore(%arg17 : memref<!tpu.dma_semaphore, #tpu.memory_space<semaphore_mem>>) src(%dma_wait3A_155 : memref<64x64xf32, #tpu.memory_space<vmem>>) dst(%dma_wait3A_161 : memref<10240x64xf32, #tpu.memory_space<vmem_shared>>)
      %dma_wait3A_162 = arith.constant 7 : i32
      %dma_wait3A_163 = arith.constant 0 : i32
      %dma_wait3A_164 = arith.constant 0 : i32
      %dma_wait3A_165 = arith.constant 0 : i32
      %dma_wait3A_166 = tpu.memref_slice %arg11[%dma_wait3A_162, %dma_wait3A_164, %dma_wait3A_165] : memref<8x64x64xf32, #tpu.memory_space<vmem>> -> memref<1x64x64xf32, #tpu.memory_space<vmem>>
      %dma_wait3A_167 = tpu.memref_squeeze %dma_wait3A_166 : memref<1x64x64xf32, #tpu.memory_space<vmem>> -> memref<64x64xf32, #tpu.memory_space<vmem>>
      %dma_wait3A_168 = arith.constant 0 : i32
      %dma_wait3A_169 = tpu.memref_slice %arg10[%dma_wait3A_163, %dma_wait3A_168] : memref<320x64xi32, #tpu.memory_space<vmem>> -> memref<1x64xi32, #tpu.memory_space<vmem>>
      %dma_wait3A_170 = tpu.memref_squeeze %dma_wait3A_169 : memref<1x64xi32, #tpu.memory_space<vmem>> -> memref<64xi32, #tpu.memory_space<vmem>>
      %dma_wait3A_171 = arith.constant 0 : i32
      %dma_wait3A_172 = arith.constant 0 : i32
      %dma_wait3A_173 = tpu.memref_slice %arg13[%dma_wait3A_171, %dma_wait3A_172] : memref<10240x64xf32, #tpu.memory_space<vmem_shared>> -> memref<10240x64xf32, #tpu.memory_space<vmem_shared>>
      tpu.wait_indirect_dma semaphore(%arg17 : memref<!tpu.dma_semaphore, #tpu.memory_space<semaphore_mem>>) src(%dma_wait3A_167 : memref<64x64xf32, #tpu.memory_space<vmem>>) dst(%dma_wait3A_173 : memref<10240x64xf32, #tpu.memory_space<vmem_shared>>)
    } else {
    }
    %ne3A = arith.constant 0 : i32
    %ne3A_105 = arith.cmpi ne, %arg0, %ne3A : i32
    %convert_element_type3A_106 = arith.extui %ne3A_105 : i1 to i32
    %cond3A_107 = arith.constant 0 : i32
    %cond3A_108 = arith.cmpi ne, %convert_element_type3A_106, %cond3A_107 : i32
    scf.if %cond3A_108 {
      %scan3A_120 = arith.constant 0 : i32
      %scan3A_121 = arith.constant 0 : i32
      %scan3A_122 = arith.constant 40 : i32
      %scan3A_123 = arith.addi %scan3A_121, %scan3A_122 : i32
      %scan3A_124 = arith.constant 1 : i32
      scf.for %scan3A_174 = %scan3A_121 to %scan3A_123 step %scan3A_124  : i32 {
        %mul3A_175 = arith.constant 2 : i32
        %mul3A_176 = arith.muli %scan3A_174, %mul3A_175 : i32
        %mul3A_177 = arith.constant 4 : i32
        %mul3A_178 = arith.muli %mul3A_176, %mul3A_177 : i32
        %gt3A = arith.constant 0 : i32
        %gt3A_179 = arith.cmpi sgt, %scan3A_174, %gt3A : i32
        %convert_element_type3A_180 = arith.extui %gt3A_179 : i1 to i32
        %cond3A_181 = arith.constant 0 : i32
        %cond3A_182 = arith.cmpi ne, %convert_element_type3A_180, %cond3A_181 : i32
        scf.if %cond3A_182 {
          %dma_wait3A_767 = arith.constant 4 : i32
          %dma_wait3A_768 = arith.constant 0 : i32
          %dma_wait3A_769 = arith.constant 0 : i32
          %dma_wait3A_770 = arith.constant 0 : i32
          %dma_wait3A_771 = tpu.memref_slice %arg11[%dma_wait3A_767, %dma_wait3A_769, %dma_wait3A_770] : memref<8x64x64xf32, #tpu.memory_space<vmem>> -> memref<1x64x64xf32, #tpu.memory_space<vmem>>
          %dma_wait3A_772 = tpu.memref_squeeze %dma_wait3A_771 : memref<1x64x64xf32, #tpu.memory_space<vmem>> -> memref<64x64xf32, #tpu.memory_space<vmem>>
          %dma_wait3A_773 = arith.constant 0 : i32
          %dma_wait3A_774 = tpu.memref_slice %arg10[%dma_wait3A_768, %dma_wait3A_773] : memref<320x64xi32, #tpu.memory_space<vmem>> -> memref<1x64xi32, #tpu.memory_space<vmem>>
          %dma_wait3A_775 = tpu.memref_squeeze %dma_wait3A_774 : memref<1x64xi32, #tpu.memory_space<vmem>> -> memref<64xi32, #tpu.memory_space<vmem>>
          %dma_wait3A_776 = arith.constant 0 : i32
          %dma_wait3A_777 = arith.constant 0 : i32
          %dma_wait3A_778 = tpu.memref_slice %arg13[%dma_wait3A_776, %dma_wait3A_777] : memref<10240x64xf32, #tpu.memory_space<vmem_shared>> -> memref<10240x64xf32, #tpu.memory_space<vmem_shared>>
          tpu.wait_indirect_dma semaphore(%arg17 : memref<!tpu.dma_semaphore, #tpu.memory_space<semaphore_mem>>) src(%dma_wait3A_772 : memref<64x64xf32, #tpu.memory_space<vmem>>) dst(%dma_wait3A_778 : memref<10240x64xf32, #tpu.memory_space<vmem_shared>>)
          %dma_wait3A_779 = arith.constant 5 : i32
          %dma_wait3A_780 = arith.constant 0 : i32
          %dma_wait3A_781 = arith.constant 0 : i32
          %dma_wait3A_782 = arith.constant 0 : i32
          %dma_wait3A_783 = tpu.memref_slice %arg11[%dma_wait3A_779, %dma_wait3A_781, %dma_wait3A_782] : memref<8x64x64xf32, #tpu.memory_space<vmem>> -> memref<1x64x64xf32, #tpu.memory_space<vmem>>
          %dma_wait3A_784 = tpu.memref_squeeze %dma_wait3A_783 : memref<1x64x64xf32, #tpu.memory_space<vmem>> -> memref<64x64xf32, #tpu.memory_space<vmem>>
          %dma_wait3A_785 = arith.constant 0 : i32
          %dma_wait3A_786 = tpu.memref_slice %arg10[%dma_wait3A_780, %dma_wait3A_785] : memref<320x64xi32, #tpu.memory_space<vmem>> -> memref<1x64xi32, #tpu.memory_space<vmem>>
          %dma_wait3A_787 = tpu.memref_squeeze %dma_wait3A_786 : memref<1x64xi32, #tpu.memory_space<vmem>> -> memref<64xi32, #tpu.memory_space<vmem>>
          %dma_wait3A_788 = arith.constant 0 : i32
          %dma_wait3A_789 = arith.constant 0 : i32
          %dma_wait3A_790 = tpu.memref_slice %arg13[%dma_wait3A_788, %dma_wait3A_789] : memref<10240x64xf32, #tpu.memory_space<vmem_shared>> -> memref<10240x64xf32, #tpu.memory_space<vmem_shared>>
          tpu.wait_indirect_dma semaphore(%arg17 : memref<!tpu.dma_semaphore, #tpu.memory_space<semaphore_mem>>) src(%dma_wait3A_784 : memref<64x64xf32, #tpu.memory_space<vmem>>) dst(%dma_wait3A_790 : memref<10240x64xf32, #tpu.memory_space<vmem_shared>>)
          %dma_wait3A_791 = arith.constant 6 : i32
          %dma_wait3A_792 = arith.constant 0 : i32
          %dma_wait3A_793 = arith.constant 0 : i32
          %dma_wait3A_794 = arith.constant 0 : i32
          %dma_wait3A_795 = tpu.memref_slice %arg11[%dma_wait3A_791, %dma_wait3A_793, %dma_wait3A_794] : memref<8x64x64xf32, #tpu.memory_space<vmem>> -> memref<1x64x64xf32, #tpu.memory_space<vmem>>
          %dma_wait3A_796 = tpu.memref_squeeze %dma_wait3A_795 : memref<1x64x64xf32, #tpu.memory_space<vmem>> -> memref<64x64xf32, #tpu.memory_space<vmem>>
          %dma_wait3A_797 = arith.constant 0 : i32
          %dma_wait3A_798 = tpu.memref_slice %arg10[%dma_wait3A_792, %dma_wait3A_797] : memref<320x64xi32, #tpu.memory_space<vmem>> -> memref<1x64xi32, #tpu.memory_space<vmem>>
          %dma_wait3A_799 = tpu.memref_squeeze %dma_wait3A_798 : memref<1x64xi32, #tpu.memory_space<vmem>> -> memref<64xi32, #tpu.memory_space<vmem>>
          %dma_wait3A_800 = arith.constant 0 : i32
          %dma_wait3A_801 = arith.constant 0 : i32
          %dma_wait3A_802 = tpu.memref_slice %arg13[%dma_wait3A_800, %dma_wait3A_801] : memref<10240x64xf32, #tpu.memory_space<vmem_shared>> -> memref<10240x64xf32, #tpu.memory_space<vmem_shared>>
          tpu.wait_indirect_dma semaphore(%arg17 : memref<!tpu.dma_semaphore, #tpu.memory_space<semaphore_mem>>) src(%dma_wait3A_796 : memref<64x64xf32, #tpu.memory_space<vmem>>) dst(%dma_wait3A_802 : memref<10240x64xf32, #tpu.memory_space<vmem_shared>>)
          %dma_wait3A_803 = arith.constant 7 : i32
          %dma_wait3A_804 = arith.constant 0 : i32
          %dma_wait3A_805 = arith.constant 0 : i32
          %dma_wait3A_806 = arith.constant 0 : i32
          %dma_wait3A_807 = tpu.memref_slice %arg11[%dma_wait3A_803, %dma_wait3A_805, %dma_wait3A_806] : memref<8x64x64xf32, #tpu.memory_space<vmem>> -> memref<1x64x64xf32, #tpu.memory_space<vmem>>
          %dma_wait3A_808 = tpu.memref_squeeze %dma_wait3A_807 : memref<1x64x64xf32, #tpu.memory_space<vmem>> -> memref<64x64xf32, #tpu.memory_space<vmem>>
          %dma_wait3A_809 = arith.constant 0 : i32
          %dma_wait3A_810 = tpu.memref_slice %arg10[%dma_wait3A_804, %dma_wait3A_809] : memref<320x64xi32, #tpu.memory_space<vmem>> -> memref<1x64xi32, #tpu.memory_space<vmem>>
          %dma_wait3A_811 = tpu.memref_squeeze %dma_wait3A_810 : memref<1x64xi32, #tpu.memory_space<vmem>> -> memref<64xi32, #tpu.memory_space<vmem>>
          %dma_wait3A_812 = arith.constant 0 : i32
          %dma_wait3A_813 = arith.constant 0 : i32
          %dma_wait3A_814 = tpu.memref_slice %arg13[%dma_wait3A_812, %dma_wait3A_813] : memref<10240x64xf32, #tpu.memory_space<vmem_shared>> -> memref<10240x64xf32, #tpu.memory_space<vmem_shared>>
          tpu.wait_indirect_dma semaphore(%arg17 : memref<!tpu.dma_semaphore, #tpu.memory_space<semaphore_mem>>) src(%dma_wait3A_808 : memref<64x64xf32, #tpu.memory_space<vmem>>) dst(%dma_wait3A_814 : memref<10240x64xf32, #tpu.memory_space<vmem_shared>>)
        } else {
        }
        %add3A = arith.constant 4 : i32
        %add3A_183 = arith.addi %mul3A_178, %add3A : i32
        %add3A_184 = arith.constant 0 : i32
        %add3A_185 = arith.addi %add3A_183, %add3A_184 : i32
        %dma_start3A_186 = arith.constant 4 : i32
        %dma_start3A_187 = arith.constant 0 : i32
        %dma_start3A_188 = arith.constant 0 : i32
        %dma_start3A_189 = tpu.memref_slice %arg11[%dma_start3A_186, %dma_start3A_187, %dma_start3A_188] : memref<8x64x64xf32, #tpu.memory_space<vmem>> -> memref<1x64x64xf32, #tpu.memory_space<vmem>>
        %dma_start3A_190 = tpu.memref_squeeze %dma_start3A_189 : memref<1x64x64xf32, #tpu.memory_space<vmem>> -> memref<64x64xf32, #tpu.memory_space<vmem>>
        %dma_start3A_191 = arith.constant 0 : i32
        %dma_start3A_192 = tpu.memref_slice %arg9[%add3A_185, %dma_start3A_191] : memref<320x64xi32, #tpu.memory_space<vmem>> -> memref<1x64xi32, #tpu.memory_space<vmem>>
        %dma_start3A_193 = tpu.memref_squeeze %dma_start3A_192 : memref<1x64xi32, #tpu.memory_space<vmem>> -> memref<64xi32, #tpu.memory_space<vmem>>
        %dma_start3A_194 = arith.constant 0 : i32
        %dma_start3A_195 = arith.constant 0 : i32
        %dma_start3A_196 = tpu.memref_slice %arg2[%arg0, %dma_start3A_194, %dma_start3A_195] : memref<2x10240x64xf32, #tpu.memory_space<hbm>> -> memref<1x10240x64xf32, #tpu.memory_space<hbm>>
        %dma_start3A_197 = tpu.memref_squeeze %dma_start3A_196 : memref<1x10240x64xf32, #tpu.memory_space<hbm>> -> memref<10240x64xf32, #tpu.memory_space<hbm>>
        %dma_start3A_198 = arith.constant 0 : i32
        %dma_start3A_199 = arith.constant 0 : i32
        %dma_start3A_200 = tpu.memref_slice %dma_start3A_197[%dma_start3A_198, %dma_start3A_199] : memref<10240x64xf32, #tpu.memory_space<hbm>> -> memref<10240x64xf32, #tpu.memory_space<hbm>>
        tpu.enqueue_indirect_dma source(%dma_start3A_200 : memref<10240x64xf32, #tpu.memory_space<hbm>>) target(%dma_start3A_190 : memref<64x64xf32, #tpu.memory_space<vmem>>) offsets(%dma_start3A_193 : memref<64xi32, #tpu.memory_space<vmem>>) semaphore(%arg15 : memref<!tpu.dma_semaphore, #tpu.memory_space<semaphore_mem>>)
        %add3A_201 = arith.constant 4 : i32
        %add3A_202 = arith.addi %mul3A_178, %add3A_201 : i32
        %add3A_203 = arith.constant 1 : i32
        %add3A_204 = arith.addi %add3A_202, %add3A_203 : i32
        %dma_start3A_205 = arith.constant 5 : i32
        %dma_start3A_206 = arith.constant 0 : i32
        %dma_start3A_207 = arith.constant 0 : i32
        %dma_start3A_208 = tpu.memref_slice %arg11[%dma_start3A_205, %dma_start3A_206, %dma_start3A_207] : memref<8x64x64xf32, #tpu.memory_space<vmem>> -> memref<1x64x64xf32, #tpu.memory_space<vmem>>
        %dma_start3A_209 = tpu.memref_squeeze %dma_start3A_208 : memref<1x64x64xf32, #tpu.memory_space<vmem>> -> memref<64x64xf32, #tpu.memory_space<vmem>>
        %dma_start3A_210 = arith.constant 0 : i32
        %dma_start3A_211 = tpu.memref_slice %arg9[%add3A_204, %dma_start3A_210] : memref<320x64xi32, #tpu.memory_space<vmem>> -> memref<1x64xi32, #tpu.memory_space<vmem>>
        %dma_start3A_212 = tpu.memref_squeeze %dma_start3A_211 : memref<1x64xi32, #tpu.memory_space<vmem>> -> memref<64xi32, #tpu.memory_space<vmem>>
        %dma_start3A_213 = arith.constant 0 : i32
        %dma_start3A_214 = arith.constant 0 : i32
        %dma_start3A_215 = tpu.memref_slice %arg2[%arg0, %dma_start3A_213, %dma_start3A_214] : memref<2x10240x64xf32, #tpu.memory_space<hbm>> -> memref<1x10240x64xf32, #tpu.memory_space<hbm>>
        %dma_start3A_216 = tpu.memref_squeeze %dma_start3A_215 : memref<1x10240x64xf32, #tpu.memory_space<hbm>> -> memref<10240x64xf32, #tpu.memory_space<hbm>>
        %dma_start3A_217 = arith.constant 0 : i32
        %dma_start3A_218 = arith.constant 0 : i32
        %dma_start3A_219 = tpu.memref_slice %dma_start3A_216[%dma_start3A_217, %dma_start3A_218] : memref<10240x64xf32, #tpu.memory_space<hbm>> -> memref<10240x64xf32, #tpu.memory_space<hbm>>
        tpu.enqueue_indirect_dma source(%dma_start3A_219 : memref<10240x64xf32, #tpu.memory_space<hbm>>) target(%dma_start3A_209 : memref<64x64xf32, #tpu.memory_space<vmem>>) offsets(%dma_start3A_212 : memref<64xi32, #tpu.memory_space<vmem>>) semaphore(%arg15 : memref<!tpu.dma_semaphore, #tpu.memory_space<semaphore_mem>>)
        %add3A_220 = arith.constant 4 : i32
        %add3A_221 = arith.addi %mul3A_178, %add3A_220 : i32
        %add3A_222 = arith.constant 2 : i32
        %add3A_223 = arith.addi %add3A_221, %add3A_222 : i32
        %dma_start3A_224 = arith.constant 6 : i32
        %dma_start3A_225 = arith.constant 0 : i32
        %dma_start3A_226 = arith.constant 0 : i32
        %dma_start3A_227 = tpu.memref_slice %arg11[%dma_start3A_224, %dma_start3A_225, %dma_start3A_226] : memref<8x64x64xf32, #tpu.memory_space<vmem>> -> memref<1x64x64xf32, #tpu.memory_space<vmem>>
        %dma_start3A_228 = tpu.memref_squeeze %dma_start3A_227 : memref<1x64x64xf32, #tpu.memory_space<vmem>> -> memref<64x64xf32, #tpu.memory_space<vmem>>
        %dma_start3A_229 = arith.constant 0 : i32
        %dma_start3A_230 = tpu.memref_slice %arg9[%add3A_223, %dma_start3A_229] : memref<320x64xi32, #tpu.memory_space<vmem>> -> memref<1x64xi32, #tpu.memory_space<vmem>>
        %dma_start3A_231 = tpu.memref_squeeze %dma_start3A_230 : memref<1x64xi32, #tpu.memory_space<vmem>> -> memref<64xi32, #tpu.memory_space<vmem>>
        %dma_start3A_232 = arith.constant 0 : i32
        %dma_start3A_233 = arith.constant 0 : i32
        %dma_start3A_234 = tpu.memref_slice %arg2[%arg0, %dma_start3A_232, %dma_start3A_233] : memref<2x10240x64xf32, #tpu.memory_space<hbm>> -> memref<1x10240x64xf32, #tpu.memory_space<hbm>>
        %dma_start3A_235 = tpu.memref_squeeze %dma_start3A_234 : memref<1x10240x64xf32, #tpu.memory_space<hbm>> -> memref<10240x64xf32, #tpu.memory_space<hbm>>
        %dma_start3A_236 = arith.constant 0 : i32
        %dma_start3A_237 = arith.constant 0 : i32
        %dma_start3A_238 = tpu.memref_slice %dma_start3A_235[%dma_start3A_236, %dma_start3A_237] : memref<10240x64xf32, #tpu.memory_space<hbm>> -> memref<10240x64xf32, #tpu.memory_space<hbm>>
        tpu.enqueue_indirect_dma source(%dma_start3A_238 : memref<10240x64xf32, #tpu.memory_space<hbm>>) target(%dma_start3A_228 : memref<64x64xf32, #tpu.memory_space<vmem>>) offsets(%dma_start3A_231 : memref<64xi32, #tpu.memory_space<vmem>>) semaphore(%arg15 : memref<!tpu.dma_semaphore, #tpu.memory_space<semaphore_mem>>)
        %add3A_239 = arith.constant 4 : i32
        %add3A_240 = arith.addi %mul3A_178, %add3A_239 : i32
        %add3A_241 = arith.constant 3 : i32
        %add3A_242 = arith.addi %add3A_240, %add3A_241 : i32
        %dma_start3A_243 = arith.constant 7 : i32
        %dma_start3A_244 = arith.constant 0 : i32
        %dma_start3A_245 = arith.constant 0 : i32
        %dma_start3A_246 = tpu.memref_slice %arg11[%dma_start3A_243, %dma_start3A_244, %dma_start3A_245] : memref<8x64x64xf32, #tpu.memory_space<vmem>> -> memref<1x64x64xf32, #tpu.memory_space<vmem>>
        %dma_start3A_247 = tpu.memref_squeeze %dma_start3A_246 : memref<1x64x64xf32, #tpu.memory_space<vmem>> -> memref<64x64xf32, #tpu.memory_space<vmem>>
        %dma_start3A_248 = arith.constant 0 : i32
        %dma_start3A_249 = tpu.memref_slice %arg9[%add3A_242, %dma_start3A_248] : memref<320x64xi32, #tpu.memory_space<vmem>> -> memref<1x64xi32, #tpu.memory_space<vmem>>
        %dma_start3A_250 = tpu.memref_squeeze %dma_start3A_249 : memref<1x64xi32, #tpu.memory_space<vmem>> -> memref<64xi32, #tpu.memory_space<vmem>>
        %dma_start3A_251 = arith.constant 0 : i32
        %dma_start3A_252 = arith.constant 0 : i32
        %dma_start3A_253 = tpu.memref_slice %arg2[%arg0, %dma_start3A_251, %dma_start3A_252] : memref<2x10240x64xf32, #tpu.memory_space<hbm>> -> memref<1x10240x64xf32, #tpu.memory_space<hbm>>
        %dma_start3A_254 = tpu.memref_squeeze %dma_start3A_253 : memref<1x10240x64xf32, #tpu.memory_space<hbm>> -> memref<10240x64xf32, #tpu.memory_space<hbm>>
        %dma_start3A_255 = arith.constant 0 : i32
        %dma_start3A_256 = arith.constant 0 : i32
        %dma_start3A_257 = tpu.memref_slice %dma_start3A_254[%dma_start3A_255, %dma_start3A_256] : memref<10240x64xf32, #tpu.memory_space<hbm>> -> memref<10240x64xf32, #tpu.memory_space<hbm>>
        tpu.enqueue_indirect_dma source(%dma_start3A_257 : memref<10240x64xf32, #tpu.memory_space<hbm>>) target(%dma_start3A_247 : memref<64x64xf32, #tpu.memory_space<vmem>>) offsets(%dma_start3A_250 : memref<64xi32, #tpu.memory_space<vmem>>) semaphore(%arg15 : memref<!tpu.dma_semaphore, #tpu.memory_space<semaphore_mem>>)
        %add3A_258 = arith.constant 0 : i32
        %add3A_259 = arith.addi %mul3A_178, %add3A_258 : i32
        %get3A = arith.index_cast %add3A_259 : i32 to index
        %get3A_260 = arith.constant 0 : index
        %get3A_261 = tpu.vector_load %arg10[%get3A, %get3A_260] {strides = array<i32>} : memref<320x64xi32, #tpu.memory_space<vmem>>, vector<16xi32>,
        tpu.vector_store_idx %arg12[%get3A_261], %broadcast_in_dim3A_102 {add = true} : memref<10240xf32, #tpu.memory_space<vmem>>[vector<16xi32>], vector<16xf32>,
        %add3A_262 = arith.constant 0 : i32
        %add3A_263 = arith.addi %mul3A_178, %add3A_262 : i32
        %get3A_264 = arith.index_cast %add3A_263 : i32 to index
        %get3A_265 = arith.constant 16 : index
        %get3A_266 = tpu.vector_load %arg10[%get3A_264, %get3A_265] {strides = array<i32>} : memref<320x64xi32, #tpu.memory_space<vmem>>, vector<16xi32>,
        tpu.vector_store_idx %arg12[%get3A_266], %broadcast_in_dim3A_102 {add = true} : memref<10240xf32, #tpu.memory_space<vmem>>[vector<16xi32>], vector<16xf32>,
        %add3A_267 = arith.constant 0 : i32
        %add3A_268 = arith.addi %mul3A_178, %add3A_267 : i32
        %get3A_269 = arith.index_cast %add3A_268 : i32 to index
        %get3A_270 = arith.constant 32 : index
        %get3A_271 = tpu.vector_load %arg10[%get3A_269, %get3A_270] {strides = array<i32>} : memref<320x64xi32, #tpu.memory_space<vmem>>, vector<16xi32>,
        tpu.vector_store_idx %arg12[%get3A_271], %broadcast_in_dim3A_102 {add = true} : memref<10240xf32, #tpu.memory_space<vmem>>[vector<16xi32>], vector<16xf32>,
        %add3A_272 = arith.constant 0 : i32
        %add3A_273 = arith.addi %mul3A_178, %add3A_272 : i32
        %get3A_274 = arith.index_cast %add3A_273 : i32 to index
        %get3A_275 = arith.constant 48 : index
        %get3A_276 = tpu.vector_load %arg10[%get3A_274, %get3A_275] {strides = array<i32>} : memref<320x64xi32, #tpu.memory_space<vmem>>, vector<16xi32>,
        tpu.vector_store_idx %arg12[%get3A_276], %broadcast_in_dim3A_102 {add = true} : memref<10240xf32, #tpu.memory_space<vmem>>[vector<16xi32>], vector<16xf32>,
        %add3A_277 = arith.constant 1 : i32
        %add3A_278 = arith.addi %mul3A_178, %add3A_277 : i32
        %get3A_279 = arith.index_cast %add3A_278 : i32 to index
        %get3A_280 = arith.constant 0 : index
        %get3A_281 = tpu.vector_load %arg10[%get3A_279, %get3A_280] {strides = array<i32>} : memref<320x64xi32, #tpu.memory_space<vmem>>, vector<16xi32>,
        tpu.vector_store_idx %arg12[%get3A_281], %broadcast_in_dim3A_102 {add = true} : memref<10240xf32, #tpu.memory_space<vmem>>[vector<16xi32>], vector<16xf32>,
        %add3A_282 = arith.constant 1 : i32
        %add3A_283 = arith.addi %mul3A_178, %add3A_282 : i32
        %get3A_284 = arith.index_cast %add3A_283 : i32 to index
        %get3A_285 = arith.constant 16 : index
        %get3A_286 = tpu.vector_load %arg10[%get3A_284, %get3A_285] {strides = array<i32>} : memref<320x64xi32, #tpu.memory_space<vmem>>, vector<16xi32>,
        tpu.vector_store_idx %arg12[%get3A_286], %broadcast_in_dim3A_102 {add = true} : memref<10240xf32, #tpu.memory_space<vmem>>[vector<16xi32>], vector<16xf32>,
        %add3A_287 = arith.constant 1 : i32
        %add3A_288 = arith.addi %mul3A_178, %add3A_287 : i32
        %get3A_289 = arith.index_cast %add3A_288 : i32 to index
        %get3A_290 = arith.constant 32 : index
        %get3A_291 = tpu.vector_load %arg10[%get3A_289, %get3A_290] {strides = array<i32>} : memref<320x64xi32, #tpu.memory_space<vmem>>, vector<16xi32>,
        tpu.vector_store_idx %arg12[%get3A_291], %broadcast_in_dim3A_102 {add = true} : memref<10240xf32, #tpu.memory_space<vmem>>[vector<16xi32>], vector<16xf32>,
        %add3A_292 = arith.constant 1 : i32
        %add3A_293 = arith.addi %mul3A_178, %add3A_292 : i32
        %get3A_294 = arith.index_cast %add3A_293 : i32 to index
        %get3A_295 = arith.constant 48 : index
        %get3A_296 = tpu.vector_load %arg10[%get3A_294, %get3A_295] {strides = array<i32>} : memref<320x64xi32, #tpu.memory_space<vmem>>, vector<16xi32>,
        tpu.vector_store_idx %arg12[%get3A_296], %broadcast_in_dim3A_102 {add = true} : memref<10240xf32, #tpu.memory_space<vmem>>[vector<16xi32>], vector<16xf32>,
        %add3A_297 = arith.constant 2 : i32
        %add3A_298 = arith.addi %mul3A_178, %add3A_297 : i32
        %get3A_299 = arith.index_cast %add3A_298 : i32 to index
        %get3A_300 = arith.constant 0 : index
        %get3A_301 = tpu.vector_load %arg10[%get3A_299, %get3A_300] {strides = array<i32>} : memref<320x64xi32, #tpu.memory_space<vmem>>, vector<16xi32>,
        tpu.vector_store_idx %arg12[%get3A_301], %broadcast_in_dim3A_102 {add = true} : memref<10240xf32, #tpu.memory_space<vmem>>[vector<16xi32>], vector<16xf32>,
        %add3A_302 = arith.constant 2 : i32
        %add3A_303 = arith.addi %mul3A_178, %add3A_302 : i32
        %get3A_304 = arith.index_cast %add3A_303 : i32 to index
        %get3A_305 = arith.constant 16 : index
        %get3A_306 = tpu.vector_load %arg10[%get3A_304, %get3A_305] {strides = array<i32>} : memref<320x64xi32, #tpu.memory_space<vmem>>, vector<16xi32>,
        tpu.vector_store_idx %arg12[%get3A_306], %broadcast_in_dim3A_102 {add = true} : memref<10240xf32, #tpu.memory_space<vmem>>[vector<16xi32>], vector<16xf32>,
        %add3A_307 = arith.constant 2 : i32
        %add3A_308 = arith.addi %mul3A_178, %add3A_307 : i32
        %get3A_309 = arith.index_cast %add3A_308 : i32 to index
        %get3A_310 = arith.constant 32 : index
        %get3A_311 = tpu.vector_load %arg10[%get3A_309, %get3A_310] {strides = array<i32>} : memref<320x64xi32, #tpu.memory_space<vmem>>, vector<16xi32>,
        tpu.vector_store_idx %arg12[%get3A_311], %broadcast_in_dim3A_102 {add = true} : memref<10240xf32, #tpu.memory_space<vmem>>[vector<16xi32>], vector<16xf32>,
        %add3A_312 = arith.constant 2 : i32
        %add3A_313 = arith.addi %mul3A_178, %add3A_312 : i32
        %get3A_314 = arith.index_cast %add3A_313 : i32 to index
        %get3A_315 = arith.constant 48 : index
        %get3A_316 = tpu.vector_load %arg10[%get3A_314, %get3A_315] {strides = array<i32>} : memref<320x64xi32, #tpu.memory_space<vmem>>, vector<16xi32>,
        tpu.vector_store_idx %arg12[%get3A_316], %broadcast_in_dim3A_102 {add = true} : memref<10240xf32, #tpu.memory_space<vmem>>[vector<16xi32>], vector<16xf32>,
        %add3A_317 = arith.constant 3 : i32
        %add3A_318 = arith.addi %mul3A_178, %add3A_317 : i32
        %get3A_319 = arith.index_cast %add3A_318 : i32 to index
        %get3A_320 = arith.constant 0 : index
        %get3A_321 = tpu.vector_load %arg10[%get3A_319, %get3A_320] {strides = array<i32>} : memref<320x64xi32, #tpu.memory_space<vmem>>, vector<16xi32>,
        tpu.vector_store_idx %arg12[%get3A_321], %broadcast_in_dim3A_102 {add = true} : memref<10240xf32, #tpu.memory_space<vmem>>[vector<16xi32>], vector<16xf32>,
        %add3A_322 = arith.constant 3 : i32
        %add3A_323 = arith.addi %mul3A_178, %add3A_322 : i32
        %get3A_324 = arith.index_cast %add3A_323 : i32 to index
        %get3A_325 = arith.constant 16 : index
        %get3A_326 = tpu.vector_load %arg10[%get3A_324, %get3A_325] {strides = array<i32>} : memref<320x64xi32, #tpu.memory_space<vmem>>, vector<16xi32>,
        tpu.vector_store_idx %arg12[%get3A_326], %broadcast_in_dim3A_102 {add = true} : memref<10240xf32, #tpu.memory_space<vmem>>[vector<16xi32>], vector<16xf32>,
        %add3A_327 = arith.constant 3 : i32
        %add3A_328 = arith.addi %mul3A_178, %add3A_327 : i32
        %get3A_329 = arith.index_cast %add3A_328 : i32 to index
        %get3A_330 = arith.constant 32 : index
        %get3A_331 = tpu.vector_load %arg10[%get3A_329, %get3A_330] {strides = array<i32>} : memref<320x64xi32, #tpu.memory_space<vmem>>, vector<16xi32>,
        tpu.vector_store_idx %arg12[%get3A_331], %broadcast_in_dim3A_102 {add = true} : memref<10240xf32, #tpu.memory_space<vmem>>[vector<16xi32>], vector<16xf32>,
        %add3A_332 = arith.constant 3 : i32
        %add3A_333 = arith.addi %mul3A_178, %add3A_332 : i32
        %get3A_334 = arith.index_cast %add3A_333 : i32 to index
        %get3A_335 = arith.constant 48 : index
        %get3A_336 = tpu.vector_load %arg10[%get3A_334, %get3A_335] {strides = array<i32>} : memref<320x64xi32, #tpu.memory_space<vmem>>, vector<16xi32>,
        tpu.vector_store_idx %arg12[%get3A_336], %broadcast_in_dim3A_102 {add = true} : memref<10240xf32, #tpu.memory_space<vmem>>[vector<16xi32>], vector<16xf32>,
        %add3A_337 = arith.constant 4 : i32
        %add3A_338 = arith.addi %mul3A_178, %add3A_337 : i32
        %get3A_339 = arith.index_cast %add3A_338 : i32 to index
        %get3A_340 = arith.constant 0 : index
        %get3A_341 = tpu.vector_load %arg10[%get3A_339, %get3A_340] {strides = array<i32>} : memref<320x64xi32, #tpu.memory_space<vmem>>, vector<16xi32>,
        tpu.vector_store_idx %arg12[%get3A_341], %broadcast_in_dim3A_102 {add = true} : memref<10240xf32, #tpu.memory_space<vmem>>[vector<16xi32>], vector<16xf32>,
        %add3A_342 = arith.constant 4 : i32
        %add3A_343 = arith.addi %mul3A_178, %add3A_342 : i32
        %get3A_344 = arith.index_cast %add3A_343 : i32 to index
        %get3A_345 = arith.constant 16 : index
        %get3A_346 = tpu.vector_load %arg10[%get3A_344, %get3A_345] {strides = array<i32>} : memref<320x64xi32, #tpu.memory_space<vmem>>, vector<16xi32>,
        tpu.vector_store_idx %arg12[%get3A_346], %broadcast_in_dim3A_102 {add = true} : memref<10240xf32, #tpu.memory_space<vmem>>[vector<16xi32>], vector<16xf32>,
        %add3A_347 = arith.constant 4 : i32
        %add3A_348 = arith.addi %mul3A_178, %add3A_347 : i32
        %get3A_349 = arith.index_cast %add3A_348 : i32 to index
        %get3A_350 = arith.constant 32 : index
        %get3A_351 = tpu.vector_load %arg10[%get3A_349, %get3A_350] {strides = array<i32>} : memref<320x64xi32, #tpu.memory_space<vmem>>, vector<16xi32>,
        tpu.vector_store_idx %arg12[%get3A_351], %broadcast_in_dim3A_102 {add = true} : memref<10240xf32, #tpu.memory_space<vmem>>[vector<16xi32>], vector<16xf32>,
        %add3A_352 = arith.constant 4 : i32
        %add3A_353 = arith.addi %mul3A_178, %add3A_352 : i32
        %get3A_354 = arith.index_cast %add3A_353 : i32 to index
        %get3A_355 = arith.constant 48 : index
        %get3A_356 = tpu.vector_load %arg10[%get3A_354, %get3A_355] {strides = array<i32>} : memref<320x64xi32, #tpu.memory_space<vmem>>, vector<16xi32>,
        tpu.vector_store_idx %arg12[%get3A_356], %broadcast_in_dim3A_102 {add = true} : memref<10240xf32, #tpu.memory_space<vmem>>[vector<16xi32>], vector<16xf32>,
        %add3A_357 = arith.constant 5 : i32
        %add3A_358 = arith.addi %mul3A_178, %add3A_357 : i32
        %get3A_359 = arith.index_cast %add3A_358 : i32 to index
        %get3A_360 = arith.constant 0 : index
        %get3A_361 = tpu.vector_load %arg10[%get3A_359, %get3A_360] {strides = array<i32>} : memref<320x64xi32, #tpu.memory_space<vmem>>, vector<16xi32>,
        tpu.vector_store_idx %arg12[%get3A_361], %broadcast_in_dim3A_102 {add = true} : memref<10240xf32, #tpu.memory_space<vmem>>[vector<16xi32>], vector<16xf32>,
        %add3A_362 = arith.constant 5 : i32
        %add3A_363 = arith.addi %mul3A_178, %add3A_362 : i32
        %get3A_364 = arith.index_cast %add3A_363 : i32 to index
        %get3A_365 = arith.constant 16 : index
        %get3A_366 = tpu.vector_load %arg10[%get3A_364, %get3A_365] {strides = array<i32>} : memref<320x64xi32, #tpu.memory_space<vmem>>, vector<16xi32>,
        tpu.vector_store_idx %arg12[%get3A_366], %broadcast_in_dim3A_102 {add = true} : memref<10240xf32, #tpu.memory_space<vmem>>[vector<16xi32>], vector<16xf32>,
        %add3A_367 = arith.constant 5 : i32
        %add3A_368 = arith.addi %mul3A_178, %add3A_367 : i32
        %get3A_369 = arith.index_cast %add3A_368 : i32 to index
        %get3A_370 = arith.constant 32 : index
        %get3A_371 = tpu.vector_load %arg10[%get3A_369, %get3A_370] {strides = array<i32>} : memref<320x64xi32, #tpu.memory_space<vmem>>, vector<16xi32>,
        tpu.vector_store_idx %arg12[%get3A_371], %broadcast_in_dim3A_102 {add = true} : memref<10240xf32, #tpu.memory_space<vmem>>[vector<16xi32>], vector<16xf32>,
        %add3A_372 = arith.constant 5 : i32
        %add3A_373 = arith.addi %mul3A_178, %add3A_372 : i32
        %get3A_374 = arith.index_cast %add3A_373 : i32 to index
        %get3A_375 = arith.constant 48 : index
        %get3A_376 = tpu.vector_load %arg10[%get3A_374, %get3A_375] {strides = array<i32>} : memref<320x64xi32, #tpu.memory_space<vmem>>, vector<16xi32>,
        tpu.vector_store_idx %arg12[%get3A_376], %broadcast_in_dim3A_102 {add = true} : memref<10240xf32, #tpu.memory_space<vmem>>[vector<16xi32>], vector<16xf32>,
        %add3A_377 = arith.constant 6 : i32
        %add3A_378 = arith.addi %mul3A_178, %add3A_377 : i32
        %get3A_379 = arith.index_cast %add3A_378 : i32 to index
        %get3A_380 = arith.constant 0 : index
        %get3A_381 = tpu.vector_load %arg10[%get3A_379, %get3A_380] {strides = array<i32>} : memref<320x64xi32, #tpu.memory_space<vmem>>, vector<16xi32>,
        tpu.vector_store_idx %arg12[%get3A_381], %broadcast_in_dim3A_102 {add = true} : memref<10240xf32, #tpu.memory_space<vmem>>[vector<16xi32>], vector<16xf32>,
        %add3A_382 = arith.constant 6 : i32
        %add3A_383 = arith.addi %mul3A_178, %add3A_382 : i32
        %get3A_384 = arith.index_cast %add3A_383 : i32 to index
        %get3A_385 = arith.constant 16 : index
        %get3A_386 = tpu.vector_load %arg10[%get3A_384, %get3A_385] {strides = array<i32>} : memref<320x64xi32, #tpu.memory_space<vmem>>, vector<16xi32>,
        tpu.vector_store_idx %arg12[%get3A_386], %broadcast_in_dim3A_102 {add = true} : memref<10240xf32, #tpu.memory_space<vmem>>[vector<16xi32>], vector<16xf32>,
        %add3A_387 = arith.constant 6 : i32
        %add3A_388 = arith.addi %mul3A_178, %add3A_387 : i32
        %get3A_389 = arith.index_cast %add3A_388 : i32 to index
        %get3A_390 = arith.constant 32 : index
        %get3A_391 = tpu.vector_load %arg10[%get3A_389, %get3A_390] {strides = array<i32>} : memref<320x64xi32, #tpu.memory_space<vmem>>, vector<16xi32>,
        tpu.vector_store_idx %arg12[%get3A_391], %broadcast_in_dim3A_102 {add = true} : memref<10240xf32, #tpu.memory_space<vmem>>[vector<16xi32>], vector<16xf32>,
        %add3A_392 = arith.constant 6 : i32
        %add3A_393 = arith.addi %mul3A_178, %add3A_392 : i32
        %get3A_394 = arith.index_cast %add3A_393 : i32 to index
        %get3A_395 = arith.constant 48 : index
        %get3A_396 = tpu.vector_load %arg10[%get3A_394, %get3A_395] {strides = array<i32>} : memref<320x64xi32, #tpu.memory_space<vmem>>, vector<16xi32>,
        tpu.vector_store_idx %arg12[%get3A_396], %broadcast_in_dim3A_102 {add = true} : memref<10240xf32, #tpu.memory_space<vmem>>[vector<16xi32>], vector<16xf32>,
        %add3A_397 = arith.constant 7 : i32
        %add3A_398 = arith.addi %mul3A_178, %add3A_397 : i32
        %get3A_399 = arith.index_cast %add3A_398 : i32 to index
        %get3A_400 = arith.constant 0 : index
        %get3A_401 = tpu.vector_load %arg10[%get3A_399, %get3A_400] {strides = array<i32>} : memref<320x64xi32, #tpu.memory_space<vmem>>, vector<16xi32>,
        tpu.vector_store_idx %arg12[%get3A_401], %broadcast_in_dim3A_102 {add = true} : memref<10240xf32, #tpu.memory_space<vmem>>[vector<16xi32>], vector<16xf32>,
        %add3A_402 = arith.constant 7 : i32
        %add3A_403 = arith.addi %mul3A_178, %add3A_402 : i32
        %get3A_404 = arith.index_cast %add3A_403 : i32 to index
        %get3A_405 = arith.constant 16 : index
        %get3A_406 = tpu.vector_load %arg10[%get3A_404, %get3A_405] {strides = array<i32>} : memref<320x64xi32, #tpu.memory_space<vmem>>, vector<16xi32>,
        tpu.vector_store_idx %arg12[%get3A_406], %broadcast_in_dim3A_102 {add = true} : memref<10240xf32, #tpu.memory_space<vmem>>[vector<16xi32>], vector<16xf32>,
        %add3A_407 = arith.constant 7 : i32
        %add3A_408 = arith.addi %mul3A_178, %add3A_407 : i32
        %get3A_409 = arith.index_cast %add3A_408 : i32 to index
        %get3A_410 = arith.constant 32 : index
        %get3A_411 = tpu.vector_load %arg10[%get3A_409, %get3A_410] {strides = array<i32>} : memref<320x64xi32, #tpu.memory_space<vmem>>, vector<16xi32>,
        tpu.vector_store_idx %arg12[%get3A_411], %broadcast_in_dim3A_102 {add = true} : memref<10240xf32, #tpu.memory_space<vmem>>[vector<16xi32>], vector<16xf32>,
        %add3A_412 = arith.constant 7 : i32
        %add3A_413 = arith.addi %mul3A_178, %add3A_412 : i32
        %get3A_414 = arith.index_cast %add3A_413 : i32 to index
        %get3A_415 = arith.constant 48 : index
        %get3A_416 = tpu.vector_load %arg10[%get3A_414, %get3A_415] {strides = array<i32>} : memref<320x64xi32, #tpu.memory_space<vmem>>, vector<16xi32>,
        tpu.vector_store_idx %arg12[%get3A_416], %broadcast_in_dim3A_102 {add = true} : memref<10240xf32, #tpu.memory_space<vmem>>[vector<16xi32>], vector<16xf32>,
        %dma_wait3A_417 = arith.constant 0 : i32
        %dma_wait3A_418 = arith.constant 0 : i32
        %dma_wait3A_419 = arith.constant 0 : i32
        %dma_wait3A_420 = tpu.memref_slice %arg11[%dma_wait3A_417, %dma_wait3A_418, %dma_wait3A_419] : memref<8x64x64xf32, #tpu.memory_space<vmem>> -> memref<1x64x64xf32, #tpu.memory_space<vmem>>
        %dma_wait3A_421 = tpu.memref_squeeze %dma_wait3A_420 : memref<1x64x64xf32, #tpu.memory_space<vmem>> -> memref<64x64xf32, #tpu.memory_space<vmem>>
        %dma_wait3A_422 = arith.constant 0 : i32
        %dma_wait3A_423 = arith.constant 0 : i32
        %dma_wait3A_424 = tpu.memref_slice %arg2[%arg0, %dma_wait3A_422, %dma_wait3A_423] : memref<2x10240x64xf32, #tpu.memory_space<hbm>> -> memref<1x10240x64xf32, #tpu.memory_space<hbm>>
        %dma_wait3A_425 = tpu.memref_squeeze %dma_wait3A_424 : memref<1x10240x64xf32, #tpu.memory_space<hbm>> -> memref<10240x64xf32, #tpu.memory_space<hbm>>
        %dma_wait3A_426 = arith.constant 0 : i32
        %dma_wait3A_427 = arith.constant 0 : i32
        %dma_wait3A_428 = tpu.memref_slice %dma_wait3A_425[%dma_wait3A_426, %dma_wait3A_427] : memref<10240x64xf32, #tpu.memory_space<hbm>> -> memref<64x64xf32, #tpu.memory_space<hbm>>
        %dma_wait3A_429 = arith.constant 0 : i32
        %dma_wait3A_430 = arith.constant 0 : i32
        %dma_wait3A_431 = tpu.memref_slice %arg11[%dma_wait3A_417, %dma_wait3A_429, %dma_wait3A_430] : memref<8x64x64xf32, #tpu.memory_space<vmem>> -> memref<1x64x64xf32, #tpu.memory_space<vmem>>
        %dma_wait3A_432 = tpu.memref_squeeze %dma_wait3A_431 : memref<1x64x64xf32, #tpu.memory_space<vmem>> -> memref<64x64xf32, #tpu.memory_space<vmem>>
        %dma_wait3A_433 = arith.constant 0 : i32
        %dma_wait3A_434 = arith.constant 0 : i32
        %dma_wait3A_435 = tpu.memref_slice %arg2[%arg0, %dma_wait3A_433, %dma_wait3A_434] : memref<2x10240x64xf32, #tpu.memory_space<hbm>> -> memref<1x10240x64xf32, #tpu.memory_space<hbm>>
        %dma_wait3A_436 = tpu.memref_squeeze %dma_wait3A_435 : memref<1x10240x64xf32, #tpu.memory_space<hbm>> -> memref<10240x64xf32, #tpu.memory_space<hbm>>
        %dma_wait3A_437 = arith.constant 0 : i32
        %dma_wait3A_438 = arith.constant 0 : i32
        %dma_wait3A_439 = tpu.memref_slice %dma_wait3A_436[%dma_wait3A_437, %dma_wait3A_438] : memref<10240x64xf32, #tpu.memory_space<hbm>> -> memref<64x64xf32, #tpu.memory_space<hbm>>
        tpu.wait_dma2 semaphore(%arg14 : memref<!tpu.dma_semaphore, #tpu.memory_space<semaphore_mem>>) src(%dma_wait3A_439 : memref<64x64xf32, #tpu.memory_space<hbm>>) dst(%dma_wait3A_432 : memref<64x64xf32, #tpu.memory_space<vmem>>)
        %dma_wait3A_440 = arith.constant 1 : i32
        %dma_wait3A_441 = arith.constant 0 : i32
        %dma_wait3A_442 = arith.constant 0 : i32
        %dma_wait3A_443 = tpu.memref_slice %arg11[%dma_wait3A_440, %dma_wait3A_441, %dma_wait3A_442] : memref<8x64x64xf32, #tpu.memory_space<vmem>> -> memref<1x64x64xf32, #tpu.memory_space<vmem>>
        %dma_wait3A_444 = tpu.memref_squeeze %dma_wait3A_443 : memref<1x64x64xf32, #tpu.memory_space<vmem>> -> memref<64x64xf32, #tpu.memory_space<vmem>>
        %dma_wait3A_445 = arith.constant 0 : i32
        %dma_wait3A_446 = arith.constant 0 : i32
        %dma_wait3A_447 = tpu.memref_slice %arg2[%arg0, %dma_wait3A_445, %dma_wait3A_446] : memref<2x10240x64xf32, #tpu.memory_space<hbm>> -> memref<1x10240x64xf32, #tpu.memory_space<hbm>>
        %dma_wait3A_448 = tpu.memref_squeeze %dma_wait3A_447 : memref<1x10240x64xf32, #tpu.memory_space<hbm>> -> memref<10240x64xf32, #tpu.memory_space<hbm>>
        %dma_wait3A_449 = arith.constant 0 : i32
        %dma_wait3A_450 = arith.constant 0 : i32
        %dma_wait3A_451 = tpu.memref_slice %dma_wait3A_448[%dma_wait3A_449, %dma_wait3A_450] : memref<10240x64xf32, #tpu.memory_space<hbm>> -> memref<64x64xf32, #tpu.memory_space<hbm>>
        %dma_wait3A_452 = arith.constant 0 : i32
        %dma_wait3A_453 = arith.constant 0 : i32
        %dma_wait3A_454 = tpu.memref_slice %arg11[%dma_wait3A_440, %dma_wait3A_452, %dma_wait3A_453] : memref<8x64x64xf32, #tpu.memory_space<vmem>> -> memref<1x64x64xf32, #tpu.memory_space<vmem>>
        %dma_wait3A_455 = tpu.memref_squeeze %dma_wait3A_454 : memref<1x64x64xf32, #tpu.memory_space<vmem>> -> memref<64x64xf32, #tpu.memory_space<vmem>>
        %dma_wait3A_456 = arith.constant 0 : i32
        %dma_wait3A_457 = arith.constant 0 : i32
        %dma_wait3A_458 = tpu.memref_slice %arg2[%arg0, %dma_wait3A_456, %dma_wait3A_457] : memref<2x10240x64xf32, #tpu.memory_space<hbm>> -> memref<1x10240x64xf32, #tpu.memory_space<hbm>>
        %dma_wait3A_459 = tpu.memref_squeeze %dma_wait3A_458 : memref<1x10240x64xf32, #tpu.memory_space<hbm>> -> memref<10240x64xf32, #tpu.memory_space<hbm>>
        %dma_wait3A_460 = arith.constant 0 : i32
        %dma_wait3A_461 = arith.constant 0 : i32
        %dma_wait3A_462 = tpu.memref_slice %dma_wait3A_459[%dma_wait3A_460, %dma_wait3A_461] : memref<10240x64xf32, #tpu.memory_space<hbm>> -> memref<64x64xf32, #tpu.memory_space<hbm>>
        tpu.wait_dma2 semaphore(%arg14 : memref<!tpu.dma_semaphore, #tpu.memory_space<semaphore_mem>>) src(%dma_wait3A_462 : memref<64x64xf32, #tpu.memory_space<hbm>>) dst(%dma_wait3A_455 : memref<64x64xf32, #tpu.memory_space<vmem>>)
        %dma_wait3A_463 = arith.constant 2 : i32
        %dma_wait3A_464 = arith.constant 0 : i32
        %dma_wait3A_465 = arith.constant 0 : i32
        %dma_wait3A_466 = tpu.memref_slice %arg11[%dma_wait3A_463, %dma_wait3A_464, %dma_wait3A_465] : memref<8x64x64xf32, #tpu.memory_space<vmem>> -> memref<1x64x64xf32, #tpu.memory_space<vmem>>
        %dma_wait3A_467 = tpu.memref_squeeze %dma_wait3A_466 : memref<1x64x64xf32, #tpu.memory_space<vmem>> -> memref<64x64xf32, #tpu.memory_space<vmem>>
        %dma_wait3A_468 = arith.constant 0 : i32
        %dma_wait3A_469 = arith.constant 0 : i32
        %dma_wait3A_470 = tpu.memref_slice %arg2[%arg0, %dma_wait3A_468, %dma_wait3A_469] : memref<2x10240x64xf32, #tpu.memory_space<hbm>> -> memref<1x10240x64xf32, #tpu.memory_space<hbm>>
        %dma_wait3A_471 = tpu.memref_squeeze %dma_wait3A_470 : memref<1x10240x64xf32, #tpu.memory_space<hbm>> -> memref<10240x64xf32, #tpu.memory_space<hbm>>
        %dma_wait3A_472 = arith.constant 0 : i32
        %dma_wait3A_473 = arith.constant 0 : i32
        %dma_wait3A_474 = tpu.memref_slice %dma_wait3A_471[%dma_wait3A_472, %dma_wait3A_473] : memref<10240x64xf32, #tpu.memory_space<hbm>> -> memref<64x64xf32, #tpu.memory_space<hbm>>
        %dma_wait3A_475 = arith.constant 0 : i32
        %dma_wait3A_476 = arith.constant 0 : i32
        %dma_wait3A_477 = tpu.memref_slice %arg11[%dma_wait3A_463, %dma_wait3A_475, %dma_wait3A_476] : memref<8x64x64xf32, #tpu.memory_space<vmem>> -> memref<1x64x64xf32, #tpu.memory_space<vmem>>
        %dma_wait3A_478 = tpu.memref_squeeze %dma_wait3A_477 : memref<1x64x64xf32, #tpu.memory_space<vmem>> -> memref<64x64xf32, #tpu.memory_space<vmem>>
        %dma_wait3A_479 = arith.constant 0 : i32
        %dma_wait3A_480 = arith.constant 0 : i32
        %dma_wait3A_481 = tpu.memref_slice %arg2[%arg0, %dma_wait3A_479, %dma_wait3A_480] : memref<2x10240x64xf32, #tpu.memory_space<hbm>> -> memref<1x10240x64xf32, #tpu.memory_space<hbm>>
        %dma_wait3A_482 = tpu.memref_squeeze %dma_wait3A_481 : memref<1x10240x64xf32, #tpu.memory_space<hbm>> -> memref<10240x64xf32, #tpu.memory_space<hbm>>
        %dma_wait3A_483 = arith.constant 0 : i32
        %dma_wait3A_484 = arith.constant 0 : i32
        %dma_wait3A_485 = tpu.memref_slice %dma_wait3A_482[%dma_wait3A_483, %dma_wait3A_484] : memref<10240x64xf32, #tpu.memory_space<hbm>> -> memref<64x64xf32, #tpu.memory_space<hbm>>
        tpu.wait_dma2 semaphore(%arg14 : memref<!tpu.dma_semaphore, #tpu.memory_space<semaphore_mem>>) src(%dma_wait3A_485 : memref<64x64xf32, #tpu.memory_space<hbm>>) dst(%dma_wait3A_478 : memref<64x64xf32, #tpu.memory_space<vmem>>)
        %dma_wait3A_486 = arith.constant 3 : i32
        %dma_wait3A_487 = arith.constant 0 : i32
        %dma_wait3A_488 = arith.constant 0 : i32
        %dma_wait3A_489 = tpu.memref_slice %arg11[%dma_wait3A_486, %dma_wait3A_487, %dma_wait3A_488] : memref<8x64x64xf32, #tpu.memory_space<vmem>> -> memref<1x64x64xf32, #tpu.memory_space<vmem>>
        %dma_wait3A_490 = tpu.memref_squeeze %dma_wait3A_489 : memref<1x64x64xf32, #tpu.memory_space<vmem>> -> memref<64x64xf32, #tpu.memory_space<vmem>>
        %dma_wait3A_491 = arith.constant 0 : i32
        %dma_wait3A_492 = arith.constant 0 : i32
        %dma_wait3A_493 = tpu.memref_slice %arg2[%arg0, %dma_wait3A_491, %dma_wait3A_492] : memref<2x10240x64xf32, #tpu.memory_space<hbm>> -> memref<1x10240x64xf32, #tpu.memory_space<hbm>>
        %dma_wait3A_494 = tpu.memref_squeeze %dma_wait3A_493 : memref<1x10240x64xf32, #tpu.memory_space<hbm>> -> memref<10240x64xf32, #tpu.memory_space<hbm>>
        %dma_wait3A_495 = arith.constant 0 : i32
        %dma_wait3A_496 = arith.constant 0 : i32
        %dma_wait3A_497 = tpu.memref_slice %dma_wait3A_494[%dma_wait3A_495, %dma_wait3A_496] : memref<10240x64xf32, #tpu.memory_space<hbm>> -> memref<64x64xf32, #tpu.memory_space<hbm>>
        %dma_wait3A_498 = arith.constant 0 : i32
        %dma_wait3A_499 = arith.constant 0 : i32
        %dma_wait3A_500 = tpu.memref_slice %arg11[%dma_wait3A_486, %dma_wait3A_498, %dma_wait3A_499] : memref<8x64x64xf32, #tpu.memory_space<vmem>> -> memref<1x64x64xf32, #tpu.memory_space<vmem>>
        %dma_wait3A_501 = tpu.memref_squeeze %dma_wait3A_500 : memref<1x64x64xf32, #tpu.memory_space<vmem>> -> memref<64x64xf32, #tpu.memory_space<vmem>>
        %dma_wait3A_502 = arith.constant 0 : i32
        %dma_wait3A_503 = arith.constant 0 : i32
        %dma_wait3A_504 = tpu.memref_slice %arg2[%arg0, %dma_wait3A_502, %dma_wait3A_503] : memref<2x10240x64xf32, #tpu.memory_space<hbm>> -> memref<1x10240x64xf32, #tpu.memory_space<hbm>>
        %dma_wait3A_505 = tpu.memref_squeeze %dma_wait3A_504 : memref<1x10240x64xf32, #tpu.memory_space<hbm>> -> memref<10240x64xf32, #tpu.memory_space<hbm>>
        %dma_wait3A_506 = arith.constant 0 : i32
        %dma_wait3A_507 = arith.constant 0 : i32
        %dma_wait3A_508 = tpu.memref_slice %dma_wait3A_505[%dma_wait3A_506, %dma_wait3A_507] : memref<10240x64xf32, #tpu.memory_space<hbm>> -> memref<64x64xf32, #tpu.memory_space<hbm>>
        tpu.wait_dma2 semaphore(%arg14 : memref<!tpu.dma_semaphore, #tpu.memory_space<semaphore_mem>>) src(%dma_wait3A_508 : memref<64x64xf32, #tpu.memory_space<hbm>>) dst(%dma_wait3A_501 : memref<64x64xf32, #tpu.memory_space<vmem>>)
        %add3A_509 = arith.constant 0 : i32
        %add3A_510 = arith.addi %mul3A_178, %add3A_509 : i32
        %dma_start3A_511 = arith.constant 0 : i32
        %dma_start3A_512 = arith.constant 0 : i32
        %dma_start3A_513 = arith.constant 0 : i32
        %dma_start3A_514 = tpu.memref_slice %arg11[%dma_start3A_511, %dma_start3A_512, %dma_start3A_513] : memref<8x64x64xf32, #tpu.memory_space<vmem>> -> memref<1x64x64xf32, #tpu.memory_space<vmem>>
        %dma_start3A_515 = tpu.memref_squeeze %dma_start3A_514 : memref<1x64x64xf32, #tpu.memory_space<vmem>> -> memref<64x64xf32, #tpu.memory_space<vmem>>
        %dma_start3A_516 = arith.constant 0 : i32
        %dma_start3A_517 = tpu.memref_slice %arg10[%add3A_510, %dma_start3A_516] : memref<320x64xi32, #tpu.memory_space<vmem>> -> memref<1x64xi32, #tpu.memory_space<vmem>>
        %dma_start3A_518 = tpu.memref_squeeze %dma_start3A_517 : memref<1x64xi32, #tpu.memory_space<vmem>> -> memref<64xi32, #tpu.memory_space<vmem>>
        %dma_start3A_519 = arith.constant 0 : i32
        %dma_start3A_520 = arith.constant 0 : i32
        %dma_start3A_521 = tpu.memref_slice %arg13[%dma_start3A_519, %dma_start3A_520] : memref<10240x64xf32, #tpu.memory_space<vmem_shared>> -> memref<10240x64xf32, #tpu.memory_space<vmem_shared>>
        tpu.enqueue_indirect_dma source(%dma_start3A_515 : memref<64x64xf32, #tpu.memory_space<vmem>>) target(%dma_start3A_521 : memref<10240x64xf32, #tpu.memory_space<vmem_shared>>) offsets(%dma_start3A_518 : memref<64xi32, #tpu.memory_space<vmem>>) semaphore(%arg16 : memref<!tpu.dma_semaphore, #tpu.memory_space<semaphore_mem>>) {add = true}
        %add3A_522 = arith.constant 1 : i32
        %add3A_523 = arith.addi %mul3A_178, %add3A_522 : i32
        %dma_start3A_524 = arith.constant 1 : i32
        %dma_start3A_525 = arith.constant 0 : i32
        %dma_start3A_526 = arith.constant 0 : i32
        %dma_start3A_527 = tpu.memref_slice %arg11[%dma_start3A_524, %dma_start3A_525, %dma_start3A_526] : memref<8x64x64xf32, #tpu.memory_space<vmem>> -> memref<1x64x64xf32, #tpu.memory_space<vmem>>
        %dma_start3A_528 = tpu.memref_squeeze %dma_start3A_527 : memref<1x64x64xf32, #tpu.memory_space<vmem>> -> memref<64x64xf32, #tpu.memory_space<vmem>>
        %dma_start3A_529 = arith.constant 0 : i32
        %dma_start3A_530 = tpu.memref_slice %arg10[%add3A_523, %dma_start3A_529] : memref<320x64xi32, #tpu.memory_space<vmem>> -> memref<1x64xi32, #tpu.memory_space<vmem>>
        %dma_start3A_531 = tpu.memref_squeeze %dma_start3A_530 : memref<1x64xi32, #tpu.memory_space<vmem>> -> memref<64xi32, #tpu.memory_space<vmem>>
        %dma_start3A_532 = arith.constant 0 : i32
        %dma_start3A_533 = arith.constant 0 : i32
        %dma_start3A_534 = tpu.memref_slice %arg13[%dma_start3A_532, %dma_start3A_533] : memref<10240x64xf32, #tpu.memory_space<vmem_shared>> -> memref<10240x64xf32, #tpu.memory_space<vmem_shared>>
        tpu.enqueue_indirect_dma source(%dma_start3A_528 : memref<64x64xf32, #tpu.memory_space<vmem>>) target(%dma_start3A_534 : memref<10240x64xf32, #tpu.memory_space<vmem_shared>>) offsets(%dma_start3A_531 : memref<64xi32, #tpu.memory_space<vmem>>) semaphore(%arg16 : memref<!tpu.dma_semaphore, #tpu.memory_space<semaphore_mem>>) {add = true}
        %add3A_535 = arith.constant 2 : i32
        %add3A_536 = arith.addi %mul3A_178, %add3A_535 : i32
        %dma_start3A_537 = arith.constant 2 : i32
        %dma_start3A_538 = arith.constant 0 : i32
        %dma_start3A_539 = arith.constant 0 : i32
        %dma_start3A_540 = tpu.memref_slice %arg11[%dma_start3A_537, %dma_start3A_538, %dma_start3A_539] : memref<8x64x64xf32, #tpu.memory_space<vmem>> -> memref<1x64x64xf32, #tpu.memory_space<vmem>>
        %dma_start3A_541 = tpu.memref_squeeze %dma_start3A_540 : memref<1x64x64xf32, #tpu.memory_space<vmem>> -> memref<64x64xf32, #tpu.memory_space<vmem>>
        %dma_start3A_542 = arith.constant 0 : i32
        %dma_start3A_543 = tpu.memref_slice %arg10[%add3A_536, %dma_start3A_542] : memref<320x64xi32, #tpu.memory_space<vmem>> -> memref<1x64xi32, #tpu.memory_space<vmem>>
        %dma_start3A_544 = tpu.memref_squeeze %dma_start3A_543 : memref<1x64xi32, #tpu.memory_space<vmem>> -> memref<64xi32, #tpu.memory_space<vmem>>
        %dma_start3A_545 = arith.constant 0 : i32
        %dma_start3A_546 = arith.constant 0 : i32
        %dma_start3A_547 = tpu.memref_slice %arg13[%dma_start3A_545, %dma_start3A_546] : memref<10240x64xf32, #tpu.memory_space<vmem_shared>> -> memref<10240x64xf32, #tpu.memory_space<vmem_shared>>
        tpu.enqueue_indirect_dma source(%dma_start3A_541 : memref<64x64xf32, #tpu.memory_space<vmem>>) target(%dma_start3A_547 : memref<10240x64xf32, #tpu.memory_space<vmem_shared>>) offsets(%dma_start3A_544 : memref<64xi32, #tpu.memory_space<vmem>>) semaphore(%arg16 : memref<!tpu.dma_semaphore, #tpu.memory_space<semaphore_mem>>) {add = true}
        %add3A_548 = arith.constant 3 : i32
        %add3A_549 = arith.addi %mul3A_178, %add3A_548 : i32
        %dma_start3A_550 = arith.constant 3 : i32
        %dma_start3A_551 = arith.constant 0 : i32
        %dma_start3A_552 = arith.constant 0 : i32
        %dma_start3A_553 = tpu.memref_slice %arg11[%dma_start3A_550, %dma_start3A_551, %dma_start3A_552] : memref<8x64x64xf32, #tpu.memory_space<vmem>> -> memref<1x64x64xf32, #tpu.memory_space<vmem>>
        %dma_start3A_554 = tpu.memref_squeeze %dma_start3A_553 : memref<1x64x64xf32, #tpu.memory_space<vmem>> -> memref<64x64xf32, #tpu.memory_space<vmem>>
        %dma_start3A_555 = arith.constant 0 : i32
        %dma_start3A_556 = tpu.memref_slice %arg10[%add3A_549, %dma_start3A_555] : memref<320x64xi32, #tpu.memory_space<vmem>> -> memref<1x64xi32, #tpu.memory_space<vmem>>
        %dma_start3A_557 = tpu.memref_squeeze %dma_start3A_556 : memref<1x64xi32, #tpu.memory_space<vmem>> -> memref<64xi32, #tpu.memory_space<vmem>>
        %dma_start3A_558 = arith.constant 0 : i32
        %dma_start3A_559 = arith.constant 0 : i32
        %dma_start3A_560 = tpu.memref_slice %arg13[%dma_start3A_558, %dma_start3A_559] : memref<10240x64xf32, #tpu.memory_space<vmem_shared>> -> memref<10240x64xf32, #tpu.memory_space<vmem_shared>>
        tpu.enqueue_indirect_dma source(%dma_start3A_554 : memref<64x64xf32, #tpu.memory_space<vmem>>) target(%dma_start3A_560 : memref<10240x64xf32, #tpu.memory_space<vmem_shared>>) offsets(%dma_start3A_557 : memref<64xi32, #tpu.memory_space<vmem>>) semaphore(%arg16 : memref<!tpu.dma_semaphore, #tpu.memory_space<semaphore_mem>>) {add = true}
        %dma_wait3A_561 = arith.constant 0 : i32
        %dma_wait3A_562 = arith.constant 0 : i32
        %dma_wait3A_563 = arith.constant 0 : i32
        %dma_wait3A_564 = arith.constant 0 : i32
        %dma_wait3A_565 = tpu.memref_slice %arg11[%dma_wait3A_561, %dma_wait3A_563, %dma_wait3A_564] : memref<8x64x64xf32, #tpu.memory_space<vmem>> -> memref<1x64x64xf32, #tpu.memory_space<vmem>>
        %dma_wait3A_566 = tpu.memref_squeeze %dma_wait3A_565 : memref<1x64x64xf32, #tpu.memory_space<vmem>> -> memref<64x64xf32, #tpu.memory_space<vmem>>
        %dma_wait3A_567 = arith.constant 0 : i32
        %dma_wait3A_568 = tpu.memref_slice %arg10[%dma_wait3A_562, %dma_wait3A_567] : memref<320x64xi32, #tpu.memory_space<vmem>> -> memref<1x64xi32, #tpu.memory_space<vmem>>
        %dma_wait3A_569 = tpu.memref_squeeze %dma_wait3A_568 : memref<1x64xi32, #tpu.memory_space<vmem>> -> memref<64xi32, #tpu.memory_space<vmem>>
        %dma_wait3A_570 = arith.constant 0 : i32
        %dma_wait3A_571 = arith.constant 0 : i32
        %dma_wait3A_572 = tpu.memref_slice %arg13[%dma_wait3A_570, %dma_wait3A_571] : memref<10240x64xf32, #tpu.memory_space<vmem_shared>> -> memref<10240x64xf32, #tpu.memory_space<vmem_shared>>
        tpu.wait_indirect_dma semaphore(%arg16 : memref<!tpu.dma_semaphore, #tpu.memory_space<semaphore_mem>>) src(%dma_wait3A_566 : memref<64x64xf32, #tpu.memory_space<vmem>>) dst(%dma_wait3A_572 : memref<10240x64xf32, #tpu.memory_space<vmem_shared>>)
        %dma_wait3A_573 = arith.constant 1 : i32
        %dma_wait3A_574 = arith.constant 0 : i32
        %dma_wait3A_575 = arith.constant 0 : i32
        %dma_wait3A_576 = arith.constant 0 : i32
        %dma_wait3A_577 = tpu.memref_slice %arg11[%dma_wait3A_573, %dma_wait3A_575, %dma_wait3A_576] : memref<8x64x64xf32, #tpu.memory_space<vmem>> -> memref<1x64x64xf32, #tpu.memory_space<vmem>>
        %dma_wait3A_578 = tpu.memref_squeeze %dma_wait3A_577 : memref<1x64x64xf32, #tpu.memory_space<vmem>> -> memref<64x64xf32, #tpu.memory_space<vmem>>
        %dma_wait3A_579 = arith.constant 0 : i32
        %dma_wait3A_580 = tpu.memref_slice %arg10[%dma_wait3A_574, %dma_wait3A_579] : memref<320x64xi32, #tpu.memory_space<vmem>> -> memref<1x64xi32, #tpu.memory_space<vmem>>
        %dma_wait3A_581 = tpu.memref_squeeze %dma_wait3A_580 : memref<1x64xi32, #tpu.memory_space<vmem>> -> memref<64xi32, #tpu.memory_space<vmem>>
        %dma_wait3A_582 = arith.constant 0 : i32
        %dma_wait3A_583 = arith.constant 0 : i32
        %dma_wait3A_584 = tpu.memref_slice %arg13[%dma_wait3A_582, %dma_wait3A_583] : memref<10240x64xf32, #tpu.memory_space<vmem_shared>> -> memref<10240x64xf32, #tpu.memory_space<vmem_shared>>
        tpu.wait_indirect_dma semaphore(%arg16 : memref<!tpu.dma_semaphore, #tpu.memory_space<semaphore_mem>>) src(%dma_wait3A_578 : memref<64x64xf32, #tpu.memory_space<vmem>>) dst(%dma_wait3A_584 : memref<10240x64xf32, #tpu.memory_space<vmem_shared>>)
        %dma_wait3A_585 = arith.constant 2 : i32
        %dma_wait3A_586 = arith.constant 0 : i32
        %dma_wait3A_587 = arith.constant 0 : i32
        %dma_wait3A_588 = arith.constant 0 : i32
        %dma_wait3A_589 = tpu.memref_slice %arg11[%dma_wait3A_585, %dma_wait3A_587, %dma_wait3A_588] : memref<8x64x64xf32, #tpu.memory_space<vmem>> -> memref<1x64x64xf32, #tpu.memory_space<vmem>>
        %dma_wait3A_590 = tpu.memref_squeeze %dma_wait3A_589 : memref<1x64x64xf32, #tpu.memory_space<vmem>> -> memref<64x64xf32, #tpu.memory_space<vmem>>
        %dma_wait3A_591 = arith.constant 0 : i32
        %dma_wait3A_592 = tpu.memref_slice %arg10[%dma_wait3A_586, %dma_wait3A_591] : memref<320x64xi32, #tpu.memory_space<vmem>> -> memref<1x64xi32, #tpu.memory_space<vmem>>
        %dma_wait3A_593 = tpu.memref_squeeze %dma_wait3A_592 : memref<1x64xi32, #tpu.memory_space<vmem>> -> memref<64xi32, #tpu.memory_space<vmem>>
        %dma_wait3A_594 = arith.constant 0 : i32
        %dma_wait3A_595 = arith.constant 0 : i32
        %dma_wait3A_596 = tpu.memref_slice %arg13[%dma_wait3A_594, %dma_wait3A_595] : memref<10240x64xf32, #tpu.memory_space<vmem_shared>> -> memref<10240x64xf32, #tpu.memory_space<vmem_shared>>
        tpu.wait_indirect_dma semaphore(%arg16 : memref<!tpu.dma_semaphore, #tpu.memory_space<semaphore_mem>>) src(%dma_wait3A_590 : memref<64x64xf32, #tpu.memory_space<vmem>>) dst(%dma_wait3A_596 : memref<10240x64xf32, #tpu.memory_space<vmem_shared>>)
        %dma_wait3A_597 = arith.constant 3 : i32
        %dma_wait3A_598 = arith.constant 0 : i32
        %dma_wait3A_599 = arith.constant 0 : i32
        %dma_wait3A_600 = arith.constant 0 : i32
        %dma_wait3A_601 = tpu.memref_slice %arg11[%dma_wait3A_597, %dma_wait3A_599, %dma_wait3A_600] : memref<8x64x64xf32, #tpu.memory_space<vmem>> -> memref<1x64x64xf32, #tpu.memory_space<vmem>>
        %dma_wait3A_602 = tpu.memref_squeeze %dma_wait3A_601 : memref<1x64x64xf32, #tpu.memory_space<vmem>> -> memref<64x64xf32, #tpu.memory_space<vmem>>
        %dma_wait3A_603 = arith.constant 0 : i32
        %dma_wait3A_604 = tpu.memref_slice %arg10[%dma_wait3A_598, %dma_wait3A_603] : memref<320x64xi32, #tpu.memory_space<vmem>> -> memref<1x64xi32, #tpu.memory_space<vmem>>
        %dma_wait3A_605 = tpu.memref_squeeze %dma_wait3A_604 : memref<1x64xi32, #tpu.memory_space<vmem>> -> memref<64xi32, #tpu.memory_space<vmem>>
        %dma_wait3A_606 = arith.constant 0 : i32
        %dma_wait3A_607 = arith.constant 0 : i32
        %dma_wait3A_608 = tpu.memref_slice %arg13[%dma_wait3A_606, %dma_wait3A_607] : memref<10240x64xf32, #tpu.memory_space<vmem_shared>> -> memref<10240x64xf32, #tpu.memory_space<vmem_shared>>
        tpu.wait_indirect_dma semaphore(%arg16 : memref<!tpu.dma_semaphore, #tpu.memory_space<semaphore_mem>>) src(%dma_wait3A_602 : memref<64x64xf32, #tpu.memory_space<vmem>>) dst(%dma_wait3A_608 : memref<10240x64xf32, #tpu.memory_space<vmem_shared>>)
        %add3A_609 = arith.constant 8 : i32
        %add3A_610 = arith.addi %mul3A_178, %add3A_609 : i32
        %lt3A = arith.constant 320 : i32
        %lt3A_611 = arith.cmpi slt, %add3A_610, %lt3A : i32
        %convert_element_type3A_612 = arith.extui %lt3A_611 : i1 to i32
        %cond3A_613 = arith.constant 0 : i32
        %cond3A_614 = arith.cmpi ne, %convert_element_type3A_612, %cond3A_613 : i32
        scf.if %cond3A_614 {
          %add3A_767 = arith.constant 8 : i32
          %add3A_768 = arith.addi %mul3A_178, %add3A_767 : i32
          %add3A_769 = arith.constant 0 : i32
          %add3A_770 = arith.addi %add3A_768, %add3A_769 : i32
          %dma_start3A_771 = arith.constant 0 : i32
          %dma_start3A_772 = arith.constant 0 : i32
          %dma_start3A_773 = arith.constant 0 : i32
          %dma_start3A_774 = tpu.memref_slice %arg11[%dma_start3A_771, %dma_start3A_772, %dma_start3A_773] : memref<8x64x64xf32, #tpu.memory_space<vmem>> -> memref<1x64x64xf32, #tpu.memory_space<vmem>>
          %dma_start3A_775 = tpu.memref_squeeze %dma_start3A_774 : memref<1x64x64xf32, #tpu.memory_space<vmem>> -> memref<64x64xf32, #tpu.memory_space<vmem>>
          %dma_start3A_776 = arith.constant 0 : i32
          %dma_start3A_777 = tpu.memref_slice %arg9[%add3A_770, %dma_start3A_776] : memref<320x64xi32, #tpu.memory_space<vmem>> -> memref<1x64xi32, #tpu.memory_space<vmem>>
          %dma_start3A_778 = tpu.memref_squeeze %dma_start3A_777 : memref<1x64xi32, #tpu.memory_space<vmem>> -> memref<64xi32, #tpu.memory_space<vmem>>
          %dma_start3A_779 = arith.constant 0 : i32
          %dma_start3A_780 = arith.constant 0 : i32
          %dma_start3A_781 = tpu.memref_slice %arg2[%arg0, %dma_start3A_779, %dma_start3A_780] : memref<2x10240x64xf32, #tpu.memory_space<hbm>> -> memref<1x10240x64xf32, #tpu.memory_space<hbm>>
          %dma_start3A_782 = tpu.memref_squeeze %dma_start3A_781 : memref<1x10240x64xf32, #tpu.memory_space<hbm>> -> memref<10240x64xf32, #tpu.memory_space<hbm>>
          %dma_start3A_783 = arith.constant 0 : i32
          %dma_start3A_784 = arith.constant 0 : i32
          %dma_start3A_785 = tpu.memref_slice %dma_start3A_782[%dma_start3A_783, %dma_start3A_784] : memref<10240x64xf32, #tpu.memory_space<hbm>> -> memref<10240x64xf32, #tpu.memory_space<hbm>>
          tpu.enqueue_indirect_dma source(%dma_start3A_785 : memref<10240x64xf32, #tpu.memory_space<hbm>>) target(%dma_start3A_775 : memref<64x64xf32, #tpu.memory_space<vmem>>) offsets(%dma_start3A_778 : memref<64xi32, #tpu.memory_space<vmem>>) semaphore(%arg14 : memref<!tpu.dma_semaphore, #tpu.memory_space<semaphore_mem>>)
          %add3A_786 = arith.constant 8 : i32
          %add3A_787 = arith.addi %mul3A_178, %add3A_786 : i32
          %add3A_788 = arith.constant 1 : i32
          %add3A_789 = arith.addi %add3A_787, %add3A_788 : i32
          %dma_start3A_790 = arith.constant 1 : i32
          %dma_start3A_791 = arith.constant 0 : i32
          %dma_start3A_792 = arith.constant 0 : i32
          %dma_start3A_793 = tpu.memref_slice %arg11[%dma_start3A_790, %dma_start3A_791, %dma_start3A_792] : memref<8x64x64xf32, #tpu.memory_space<vmem>> -> memref<1x64x64xf32, #tpu.memory_space<vmem>>
          %dma_start3A_794 = tpu.memref_squeeze %dma_start3A_793 : memref<1x64x64xf32, #tpu.memory_space<vmem>> -> memref<64x64xf32, #tpu.memory_space<vmem>>
          %dma_start3A_795 = arith.constant 0 : i32
          %dma_start3A_796 = tpu.memref_slice %arg9[%add3A_789, %dma_start3A_795] : memref<320x64xi32, #tpu.memory_space<vmem>> -> memref<1x64xi32, #tpu.memory_space<vmem>>
          %dma_start3A_797 = tpu.memref_squeeze %dma_start3A_796 : memref<1x64xi32, #tpu.memory_space<vmem>> -> memref<64xi32, #tpu.memory_space<vmem>>
          %dma_start3A_798 = arith.constant 0 : i32
          %dma_start3A_799 = arith.constant 0 : i32
          %dma_start3A_800 = tpu.memref_slice %arg2[%arg0, %dma_start3A_798, %dma_start3A_799] : memref<2x10240x64xf32, #tpu.memory_space<hbm>> -> memref<1x10240x64xf32, #tpu.memory_space<hbm>>
          %dma_start3A_801 = tpu.memref_squeeze %dma_start3A_800 : memref<1x10240x64xf32, #tpu.memory_space<hbm>> -> memref<10240x64xf32, #tpu.memory_space<hbm>>
          %dma_start3A_802 = arith.constant 0 : i32
          %dma_start3A_803 = arith.constant 0 : i32
          %dma_start3A_804 = tpu.memref_slice %dma_start3A_801[%dma_start3A_802, %dma_start3A_803] : memref<10240x64xf32, #tpu.memory_space<hbm>> -> memref<10240x64xf32, #tpu.memory_space<hbm>>
          tpu.enqueue_indirect_dma source(%dma_start3A_804 : memref<10240x64xf32, #tpu.memory_space<hbm>>) target(%dma_start3A_794 : memref<64x64xf32, #tpu.memory_space<vmem>>) offsets(%dma_start3A_797 : memref<64xi32, #tpu.memory_space<vmem>>) semaphore(%arg14 : memref<!tpu.dma_semaphore, #tpu.memory_space<semaphore_mem>>)
          %add3A_805 = arith.constant 8 : i32
          %add3A_806 = arith.addi %mul3A_178, %add3A_805 : i32
          %add3A_807 = arith.constant 2 : i32
          %add3A_808 = arith.addi %add3A_806, %add3A_807 : i32
          %dma_start3A_809 = arith.constant 2 : i32
          %dma_start3A_810 = arith.constant 0 : i32
          %dma_start3A_811 = arith.constant 0 : i32
          %dma_start3A_812 = tpu.memref_slice %arg11[%dma_start3A_809, %dma_start3A_810, %dma_start3A_811] : memref<8x64x64xf32, #tpu.memory_space<vmem>> -> memref<1x64x64xf32, #tpu.memory_space<vmem>>
          %dma_start3A_813 = tpu.memref_squeeze %dma_start3A_812 : memref<1x64x64xf32, #tpu.memory_space<vmem>> -> memref<64x64xf32, #tpu.memory_space<vmem>>
          %dma_start3A_814 = arith.constant 0 : i32
          %dma_start3A_815 = tpu.memref_slice %arg9[%add3A_808, %dma_start3A_814] : memref<320x64xi32, #tpu.memory_space<vmem>> -> memref<1x64xi32, #tpu.memory_space<vmem>>
          %dma_start3A_816 = tpu.memref_squeeze %dma_start3A_815 : memref<1x64xi32, #tpu.memory_space<vmem>> -> memref<64xi32, #tpu.memory_space<vmem>>
          %dma_start3A_817 = arith.constant 0 : i32
          %dma_start3A_818 = arith.constant 0 : i32
          %dma_start3A_819 = tpu.memref_slice %arg2[%arg0, %dma_start3A_817, %dma_start3A_818] : memref<2x10240x64xf32, #tpu.memory_space<hbm>> -> memref<1x10240x64xf32, #tpu.memory_space<hbm>>
          %dma_start3A_820 = tpu.memref_squeeze %dma_start3A_819 : memref<1x10240x64xf32, #tpu.memory_space<hbm>> -> memref<10240x64xf32, #tpu.memory_space<hbm>>
          %dma_start3A_821 = arith.constant 0 : i32
          %dma_start3A_822 = arith.constant 0 : i32
          %dma_start3A_823 = tpu.memref_slice %dma_start3A_820[%dma_start3A_821, %dma_start3A_822] : memref<10240x64xf32, #tpu.memory_space<hbm>> -> memref<10240x64xf32, #tpu.memory_space<hbm>>
          tpu.enqueue_indirect_dma source(%dma_start3A_823 : memref<10240x64xf32, #tpu.memory_space<hbm>>) target(%dma_start3A_813 : memref<64x64xf32, #tpu.memory_space<vmem>>) offsets(%dma_start3A_816 : memref<64xi32, #tpu.memory_space<vmem>>) semaphore(%arg14 : memref<!tpu.dma_semaphore, #tpu.memory_space<semaphore_mem>>)
          %add3A_824 = arith.constant 8 : i32
          %add3A_825 = arith.addi %mul3A_178, %add3A_824 : i32
          %add3A_826 = arith.constant 3 : i32
          %add3A_827 = arith.addi %add3A_825, %add3A_826 : i32
          %dma_start3A_828 = arith.constant 3 : i32
          %dma_start3A_829 = arith.constant 0 : i32
          %dma_start3A_830 = arith.constant 0 : i32
          %dma_start3A_831 = tpu.memref_slice %arg11[%dma_start3A_828, %dma_start3A_829, %dma_start3A_830] : memref<8x64x64xf32, #tpu.memory_space<vmem>> -> memref<1x64x64xf32, #tpu.memory_space<vmem>>
          %dma_start3A_832 = tpu.memref_squeeze %dma_start3A_831 : memref<1x64x64xf32, #tpu.memory_space<vmem>> -> memref<64x64xf32, #tpu.memory_space<vmem>>
          %dma_start3A_833 = arith.constant 0 : i32
          %dma_start3A_834 = tpu.memref_slice %arg9[%add3A_827, %dma_start3A_833] : memref<320x64xi32, #tpu.memory_space<vmem>> -> memref<1x64xi32, #tpu.memory_space<vmem>>
          %dma_start3A_835 = tpu.memref_squeeze %dma_start3A_834 : memref<1x64xi32, #tpu.memory_space<vmem>> -> memref<64xi32, #tpu.memory_space<vmem>>
          %dma_start3A_836 = arith.constant 0 : i32
          %dma_start3A_837 = arith.constant 0 : i32
          %dma_start3A_838 = tpu.memref_slice %arg2[%arg0, %dma_start3A_836, %dma_start3A_837] : memref<2x10240x64xf32, #tpu.memory_space<hbm>> -> memref<1x10240x64xf32, #tpu.memory_space<hbm>>
          %dma_start3A_839 = tpu.memref_squeeze %dma_start3A_838 : memref<1x10240x64xf32, #tpu.memory_space<hbm>> -> memref<10240x64xf32, #tpu.memory_space<hbm>>
          %dma_start3A_840 = arith.constant 0 : i32
          %dma_start3A_841 = arith.constant 0 : i32
          %dma_start3A_842 = tpu.memref_slice %dma_start3A_839[%dma_start3A_840, %dma_start3A_841] : memref<10240x64xf32, #tpu.memory_space<hbm>> -> memref<10240x64xf32, #tpu.memory_space<hbm>>
          tpu.enqueue_indirect_dma source(%dma_start3A_842 : memref<10240x64xf32, #tpu.memory_space<hbm>>) target(%dma_start3A_832 : memref<64x64xf32, #tpu.memory_space<vmem>>) offsets(%dma_start3A_835 : memref<64xi32, #tpu.memory_space<vmem>>) semaphore(%arg14 : memref<!tpu.dma_semaphore, #tpu.memory_space<semaphore_mem>>)
        } else {
        }
        %dma_wait3A_615 = arith.constant 4 : i32
        %dma_wait3A_616 = arith.constant 0 : i32
        %dma_wait3A_617 = arith.constant 0 : i32
        %dma_wait3A_618 = tpu.memref_slice %arg11[%dma_wait3A_615, %dma_wait3A_616, %dma_wait3A_617] : memref<8x64x64xf32, #tpu.memory_space<vmem>> -> memref<1x64x64xf32, #tpu.memory_space<vmem>>
        %dma_wait3A_619 = tpu.memref_squeeze %dma_wait3A_618 : memref<1x64x64xf32, #tpu.memory_space<vmem>> -> memref<64x64xf32, #tpu.memory_space<vmem>>
        %dma_wait3A_620 = arith.constant 0 : i32
        %dma_wait3A_621 = arith.constant 0 : i32
        %dma_wait3A_622 = tpu.memref_slice %arg2[%arg0, %dma_wait3A_620, %dma_wait3A_621] : memref<2x10240x64xf32, #tpu.memory_space<hbm>> -> memref<1x10240x64xf32, #tpu.memory_space<hbm>>
        %dma_wait3A_623 = tpu.memref_squeeze %dma_wait3A_622 : memref<1x10240x64xf32, #tpu.memory_space<hbm>> -> memref<10240x64xf32, #tpu.memory_space<hbm>>
        %dma_wait3A_624 = arith.constant 0 : i32
        %dma_wait3A_625 = arith.constant 0 : i32
        %dma_wait3A_626 = tpu.memref_slice %dma_wait3A_623[%dma_wait3A_624, %dma_wait3A_625] : memref<10240x64xf32, #tpu.memory_space<hbm>> -> memref<64x64xf32, #tpu.memory_space<hbm>>
        %dma_wait3A_627 = arith.constant 0 : i32
        %dma_wait3A_628 = arith.constant 0 : i32
        %dma_wait3A_629 = tpu.memref_slice %arg11[%dma_wait3A_615, %dma_wait3A_627, %dma_wait3A_628] : memref<8x64x64xf32, #tpu.memory_space<vmem>> -> memref<1x64x64xf32, #tpu.memory_space<vmem>>
        %dma_wait3A_630 = tpu.memref_squeeze %dma_wait3A_629 : memref<1x64x64xf32, #tpu.memory_space<vmem>> -> memref<64x64xf32, #tpu.memory_space<vmem>>
        %dma_wait3A_631 = arith.constant 0 : i32
        %dma_wait3A_632 = arith.constant 0 : i32
        %dma_wait3A_633 = tpu.memref_slice %arg2[%arg0, %dma_wait3A_631, %dma_wait3A_632] : memref<2x10240x64xf32, #tpu.memory_space<hbm>> -> memref<1x10240x64xf32, #tpu.memory_space<hbm>>
        %dma_wait3A_634 = tpu.memref_squeeze %dma_wait3A_633 : memref<1x10240x64xf32, #tpu.memory_space<hbm>> -> memref<10240x64xf32, #tpu.memory_space<hbm>>
        %dma_wait3A_635 = arith.constant 0 : i32
        %dma_wait3A_636 = arith.constant 0 : i32
        %dma_wait3A_637 = tpu.memref_slice %dma_wait3A_634[%dma_wait3A_635, %dma_wait3A_636] : memref<10240x64xf32, #tpu.memory_space<hbm>> -> memref<64x64xf32, #tpu.memory_space<hbm>>
        tpu.wait_dma2 semaphore(%arg15 : memref<!tpu.dma_semaphore, #tpu.memory_space<semaphore_mem>>) src(%dma_wait3A_637 : memref<64x64xf32, #tpu.memory_space<hbm>>) dst(%dma_wait3A_630 : memref<64x64xf32, #tpu.memory_space<vmem>>)
        %dma_wait3A_638 = arith.constant 5 : i32
        %dma_wait3A_639 = arith.constant 0 : i32
        %dma_wait3A_640 = arith.constant 0 : i32
        %dma_wait3A_641 = tpu.memref_slice %arg11[%dma_wait3A_638, %dma_wait3A_639, %dma_wait3A_640] : memref<8x64x64xf32, #tpu.memory_space<vmem>> -> memref<1x64x64xf32, #tpu.memory_space<vmem>>
        %dma_wait3A_642 = tpu.memref_squeeze %dma_wait3A_641 : memref<1x64x64xf32, #tpu.memory_space<vmem>> -> memref<64x64xf32, #tpu.memory_space<vmem>>
        %dma_wait3A_643 = arith.constant 0 : i32
        %dma_wait3A_644 = arith.constant 0 : i32
        %dma_wait3A_645 = tpu.memref_slice %arg2[%arg0, %dma_wait3A_643, %dma_wait3A_644] : memref<2x10240x64xf32, #tpu.memory_space<hbm>> -> memref<1x10240x64xf32, #tpu.memory_space<hbm>>
        %dma_wait3A_646 = tpu.memref_squeeze %dma_wait3A_645 : memref<1x10240x64xf32, #tpu.memory_space<hbm>> -> memref<10240x64xf32, #tpu.memory_space<hbm>>
        %dma_wait3A_647 = arith.constant 0 : i32
        %dma_wait3A_648 = arith.constant 0 : i32
        %dma_wait3A_649 = tpu.memref_slice %dma_wait3A_646[%dma_wait3A_647, %dma_wait3A_648] : memref<10240x64xf32, #tpu.memory_space<hbm>> -> memref<64x64xf32, #tpu.memory_space<hbm>>
        %dma_wait3A_650 = arith.constant 0 : i32
        %dma_wait3A_651 = arith.constant 0 : i32
        %dma_wait3A_652 = tpu.memref_slice %arg11[%dma_wait3A_638, %dma_wait3A_650, %dma_wait3A_651] : memref<8x64x64xf32, #tpu.memory_space<vmem>> -> memref<1x64x64xf32, #tpu.memory_space<vmem>>
        %dma_wait3A_653 = tpu.memref_squeeze %dma_wait3A_652 : memref<1x64x64xf32, #tpu.memory_space<vmem>> -> memref<64x64xf32, #tpu.memory_space<vmem>>
        %dma_wait3A_654 = arith.constant 0 : i32
        %dma_wait3A_655 = arith.constant 0 : i32
        %dma_wait3A_656 = tpu.memref_slice %arg2[%arg0, %dma_wait3A_654, %dma_wait3A_655] : memref<2x10240x64xf32, #tpu.memory_space<hbm>> -> memref<1x10240x64xf32, #tpu.memory_space<hbm>>
        %dma_wait3A_657 = tpu.memref_squeeze %dma_wait3A_656 : memref<1x10240x64xf32, #tpu.memory_space<hbm>> -> memref<10240x64xf32, #tpu.memory_space<hbm>>
        %dma_wait3A_658 = arith.constant 0 : i32
        %dma_wait3A_659 = arith.constant 0 : i32
        %dma_wait3A_660 = tpu.memref_slice %dma_wait3A_657[%dma_wait3A_658, %dma_wait3A_659] : memref<10240x64xf32, #tpu.memory_space<hbm>> -> memref<64x64xf32, #tpu.memory_space<hbm>>
        tpu.wait_dma2 semaphore(%arg15 : memref<!tpu.dma_semaphore, #tpu.memory_space<semaphore_mem>>) src(%dma_wait3A_660 : memref<64x64xf32, #tpu.memory_space<hbm>>) dst(%dma_wait3A_653 : memref<64x64xf32, #tpu.memory_space<vmem>>)
        %dma_wait3A_661 = arith.constant 6 : i32
        %dma_wait3A_662 = arith.constant 0 : i32
        %dma_wait3A_663 = arith.constant 0 : i32
        %dma_wait3A_664 = tpu.memref_slice %arg11[%dma_wait3A_661, %dma_wait3A_662, %dma_wait3A_663] : memref<8x64x64xf32, #tpu.memory_space<vmem>> -> memref<1x64x64xf32, #tpu.memory_space<vmem>>
        %dma_wait3A_665 = tpu.memref_squeeze %dma_wait3A_664 : memref<1x64x64xf32, #tpu.memory_space<vmem>> -> memref<64x64xf32, #tpu.memory_space<vmem>>
        %dma_wait3A_666 = arith.constant 0 : i32
        %dma_wait3A_667 = arith.constant 0 : i32
        %dma_wait3A_668 = tpu.memref_slice %arg2[%arg0, %dma_wait3A_666, %dma_wait3A_667] : memref<2x10240x64xf32, #tpu.memory_space<hbm>> -> memref<1x10240x64xf32, #tpu.memory_space<hbm>>
        %dma_wait3A_669 = tpu.memref_squeeze %dma_wait3A_668 : memref<1x10240x64xf32, #tpu.memory_space<hbm>> -> memref<10240x64xf32, #tpu.memory_space<hbm>>
        %dma_wait3A_670 = arith.constant 0 : i32
        %dma_wait3A_671 = arith.constant 0 : i32
        %dma_wait3A_672 = tpu.memref_slice %dma_wait3A_669[%dma_wait3A_670, %dma_wait3A_671] : memref<10240x64xf32, #tpu.memory_space<hbm>> -> memref<64x64xf32, #tpu.memory_space<hbm>>
        %dma_wait3A_673 = arith.constant 0 : i32
        %dma_wait3A_674 = arith.constant 0 : i32
        %dma_wait3A_675 = tpu.memref_slice %arg11[%dma_wait3A_661, %dma_wait3A_673, %dma_wait3A_674] : memref<8x64x64xf32, #tpu.memory_space<vmem>> -> memref<1x64x64xf32, #tpu.memory_space<vmem>>
        %dma_wait3A_676 = tpu.memref_squeeze %dma_wait3A_675 : memref<1x64x64xf32, #tpu.memory_space<vmem>> -> memref<64x64xf32, #tpu.memory_space<vmem>>
        %dma_wait3A_677 = arith.constant 0 : i32
        %dma_wait3A_678 = arith.constant 0 : i32
        %dma_wait3A_679 = tpu.memref_slice %arg2[%arg0, %dma_wait3A_677, %dma_wait3A_678] : memref<2x10240x64xf32, #tpu.memory_space<hbm>> -> memref<1x10240x64xf32, #tpu.memory_space<hbm>>
        %dma_wait3A_680 = tpu.memref_squeeze %dma_wait3A_679 : memref<1x10240x64xf32, #tpu.memory_space<hbm>> -> memref<10240x64xf32, #tpu.memory_space<hbm>>
        %dma_wait3A_681 = arith.constant 0 : i32
        %dma_wait3A_682 = arith.constant 0 : i32
        %dma_wait3A_683 = tpu.memref_slice %dma_wait3A_680[%dma_wait3A_681, %dma_wait3A_682] : memref<10240x64xf32, #tpu.memory_space<hbm>> -> memref<64x64xf32, #tpu.memory_space<hbm>>
        tpu.wait_dma2 semaphore(%arg15 : memref<!tpu.dma_semaphore, #tpu.memory_space<semaphore_mem>>) src(%dma_wait3A_683 : memref<64x64xf32, #tpu.memory_space<hbm>>) dst(%dma_wait3A_676 : memref<64x64xf32, #tpu.memory_space<vmem>>)
        %dma_wait3A_684 = arith.constant 7 : i32
        %dma_wait3A_685 = arith.constant 0 : i32
        %dma_wait3A_686 = arith.constant 0 : i32
        %dma_wait3A_687 = tpu.memref_slice %arg11[%dma_wait3A_684, %dma_wait3A_685, %dma_wait3A_686] : memref<8x64x64xf32, #tpu.memory_space<vmem>> -> memref<1x64x64xf32, #tpu.memory_space<vmem>>
        %dma_wait3A_688 = tpu.memref_squeeze %dma_wait3A_687 : memref<1x64x64xf32, #tpu.memory_space<vmem>> -> memref<64x64xf32, #tpu.memory_space<vmem>>
        %dma_wait3A_689 = arith.constant 0 : i32
        %dma_wait3A_690 = arith.constant 0 : i32
        %dma_wait3A_691 = tpu.memref_slice %arg2[%arg0, %dma_wait3A_689, %dma_wait3A_690] : memref<2x10240x64xf32, #tpu.memory_space<hbm>> -> memref<1x10240x64xf32, #tpu.memory_space<hbm>>
        %dma_wait3A_692 = tpu.memref_squeeze %dma_wait3A_691 : memref<1x10240x64xf32, #tpu.memory_space<hbm>> -> memref<10240x64xf32, #tpu.memory_space<hbm>>
        %dma_wait3A_693 = arith.constant 0 : i32
        %dma_wait3A_694 = arith.constant 0 : i32
        %dma_wait3A_695 = tpu.memref_slice %dma_wait3A_692[%dma_wait3A_693, %dma_wait3A_694] : memref<10240x64xf32, #tpu.memory_space<hbm>> -> memref<64x64xf32, #tpu.memory_space<hbm>>
        %dma_wait3A_696 = arith.constant 0 : i32
        %dma_wait3A_697 = arith.constant 0 : i32
        %dma_wait3A_698 = tpu.memref_slice %arg11[%dma_wait3A_684, %dma_wait3A_696, %dma_wait3A_697] : memref<8x64x64xf32, #tpu.memory_space<vmem>> -> memref<1x64x64xf32, #tpu.memory_space<vmem>>
        %dma_wait3A_699 = tpu.memref_squeeze %dma_wait3A_698 : memref<1x64x64xf32, #tpu.memory_space<vmem>> -> memref<64x64xf32, #tpu.memory_space<vmem>>
        %dma_wait3A_700 = arith.constant 0 : i32
        %dma_wait3A_701 = arith.constant 0 : i32
        %dma_wait3A_702 = tpu.memref_slice %arg2[%arg0, %dma_wait3A_700, %dma_wait3A_701] : memref<2x10240x64xf32, #tpu.memory_space<hbm>> -> memref<1x10240x64xf32, #tpu.memory_space<hbm>>
        %dma_wait3A_703 = tpu.memref_squeeze %dma_wait3A_702 : memref<1x10240x64xf32, #tpu.memory_space<hbm>> -> memref<10240x64xf32, #tpu.memory_space<hbm>>
        %dma_wait3A_704 = arith.constant 0 : i32
        %dma_wait3A_705 = arith.constant 0 : i32
        %dma_wait3A_706 = tpu.memref_slice %dma_wait3A_703[%dma_wait3A_704, %dma_wait3A_705] : memref<10240x64xf32, #tpu.memory_space<hbm>> -> memref<64x64xf32, #tpu.memory_space<hbm>>
        tpu.wait_dma2 semaphore(%arg15 : memref<!tpu.dma_semaphore, #tpu.memory_space<semaphore_mem>>) src(%dma_wait3A_706 : memref<64x64xf32, #tpu.memory_space<hbm>>) dst(%dma_wait3A_699 : memref<64x64xf32, #tpu.memory_space<vmem>>)
        %add3A_707 = arith.constant 4 : i32
        %add3A_708 = arith.addi %mul3A_178, %add3A_707 : i32
        %add3A_709 = arith.constant 0 : i32
        %add3A_710 = arith.addi %add3A_708, %add3A_709 : i32
        %dma_start3A_711 = arith.constant 4 : i32
        %dma_start3A_712 = arith.constant 0 : i32
        %dma_start3A_713 = arith.constant 0 : i32
        %dma_start3A_714 = tpu.memref_slice %arg11[%dma_start3A_711, %dma_start3A_712, %dma_start3A_713] : memref<8x64x64xf32, #tpu.memory_space<vmem>> -> memref<1x64x64xf32, #tpu.memory_space<vmem>>
        %dma_start3A_715 = tpu.memref_squeeze %dma_start3A_714 : memref<1x64x64xf32, #tpu.memory_space<vmem>> -> memref<64x64xf32, #tpu.memory_space<vmem>>
        %dma_start3A_716 = arith.constant 0 : i32
        %dma_start3A_717 = tpu.memref_slice %arg10[%add3A_710, %dma_start3A_716] : memref<320x64xi32, #tpu.memory_space<vmem>> -> memref<1x64xi32, #tpu.memory_space<vmem>>
        %dma_start3A_718 = tpu.memref_squeeze %dma_start3A_717 : memref<1x64xi32, #tpu.memory_space<vmem>> -> memref<64xi32, #tpu.memory_space<vmem>>
        %dma_start3A_719 = arith.constant 0 : i32
        %dma_start3A_720 = arith.constant 0 : i32
        %dma_start3A_721 = tpu.memref_slice %arg13[%dma_start3A_719, %dma_start3A_720] : memref<10240x64xf32, #tpu.memory_space<vmem_shared>> -> memref<10240x64xf32, #tpu.memory_space<vmem_shared>>
        tpu.enqueue_indirect_dma source(%dma_start3A_715 : memref<64x64xf32, #tpu.memory_space<vmem>>) target(%dma_start3A_721 : memref<10240x64xf32, #tpu.memory_space<vmem_shared>>) offsets(%dma_start3A_718 : memref<64xi32, #tpu.memory_space<vmem>>) semaphore(%arg17 : memref<!tpu.dma_semaphore, #tpu.memory_space<semaphore_mem>>) {add = true}
        %add3A_722 = arith.constant 4 : i32
        %add3A_723 = arith.addi %mul3A_178, %add3A_722 : i32
        %add3A_724 = arith.constant 1 : i32
        %add3A_725 = arith.addi %add3A_723, %add3A_724 : i32
        %dma_start3A_726 = arith.constant 5 : i32
        %dma_start3A_727 = arith.constant 0 : i32
        %dma_start3A_728 = arith.constant 0 : i32
        %dma_start3A_729 = tpu.memref_slice %arg11[%dma_start3A_726, %dma_start3A_727, %dma_start3A_728] : memref<8x64x64xf32, #tpu.memory_space<vmem>> -> memref<1x64x64xf32, #tpu.memory_space<vmem>>
        %dma_start3A_730 = tpu.memref_squeeze %dma_start3A_729 : memref<1x64x64xf32, #tpu.memory_space<vmem>> -> memref<64x64xf32, #tpu.memory_space<vmem>>
        %dma_start3A_731 = arith.constant 0 : i32
        %dma_start3A_732 = tpu.memref_slice %arg10[%add3A_725, %dma_start3A_731] : memref<320x64xi32, #tpu.memory_space<vmem>> -> memref<1x64xi32, #tpu.memory_space<vmem>>
        %dma_start3A_733 = tpu.memref_squeeze %dma_start3A_732 : memref<1x64xi32, #tpu.memory_space<vmem>> -> memref<64xi32, #tpu.memory_space<vmem>>
        %dma_start3A_734 = arith.constant 0 : i32
        %dma_start3A_735 = arith.constant 0 : i32
        %dma_start3A_736 = tpu.memref_slice %arg13[%dma_start3A_734, %dma_start3A_735] : memref<10240x64xf32, #tpu.memory_space<vmem_shared>> -> memref<10240x64xf32, #tpu.memory_space<vmem_shared>>
        tpu.enqueue_indirect_dma source(%dma_start3A_730 : memref<64x64xf32, #tpu.memory_space<vmem>>) target(%dma_start3A_736 : memref<10240x64xf32, #tpu.memory_space<vmem_shared>>) offsets(%dma_start3A_733 : memref<64xi32, #tpu.memory_space<vmem>>) semaphore(%arg17 : memref<!tpu.dma_semaphore, #tpu.memory_space<semaphore_mem>>) {add = true}
        %add3A_737 = arith.constant 4 : i32
        %add3A_738 = arith.addi %mul3A_178, %add3A_737 : i32
        %add3A_739 = arith.constant 2 : i32
        %add3A_740 = arith.addi %add3A_738, %add3A_739 : i32
        %dma_start3A_741 = arith.constant 6 : i32
        %dma_start3A_742 = arith.constant 0 : i32
        %dma_start3A_743 = arith.constant 0 : i32
        %dma_start3A_744 = tpu.memref_slice %arg11[%dma_start3A_741, %dma_start3A_742, %dma_start3A_743] : memref<8x64x64xf32, #tpu.memory_space<vmem>> -> memref<1x64x64xf32, #tpu.memory_space<vmem>>
        %dma_start3A_745 = tpu.memref_squeeze %dma_start3A_744 : memref<1x64x64xf32, #tpu.memory_space<vmem>> -> memref<64x64xf32, #tpu.memory_space<vmem>>
        %dma_start3A_746 = arith.constant 0 : i32
        %dma_start3A_747 = tpu.memref_slice %arg10[%add3A_740, %dma_start3A_746] : memref<320x64xi32, #tpu.memory_space<vmem>> -> memref<1x64xi32, #tpu.memory_space<vmem>>
        %dma_start3A_748 = tpu.memref_squeeze %dma_start3A_747 : memref<1x64xi32, #tpu.memory_space<vmem>> -> memref<64xi32, #tpu.memory_space<vmem>>
        %dma_start3A_749 = arith.constant 0 : i32
        %dma_start3A_750 = arith.constant 0 : i32
        %dma_start3A_751 = tpu.memref_slice %arg13[%dma_start3A_749, %dma_start3A_750] : memref<10240x64xf32, #tpu.memory_space<vmem_shared>> -> memref<10240x64xf32, #tpu.memory_space<vmem_shared>>
        tpu.enqueue_indirect_dma source(%dma_start3A_745 : memref<64x64xf32, #tpu.memory_space<vmem>>) target(%dma_start3A_751 : memref<10240x64xf32, #tpu.memory_space<vmem_shared>>) offsets(%dma_start3A_748 : memref<64xi32, #tpu.memory_space<vmem>>) semaphore(%arg17 : memref<!tpu.dma_semaphore, #tpu.memory_space<semaphore_mem>>) {add = true}
        %add3A_752 = arith.constant 4 : i32
        %add3A_753 = arith.addi %mul3A_178, %add3A_752 : i32
        %add3A_754 = arith.constant 3 : i32
        %add3A_755 = arith.addi %add3A_753, %add3A_754 : i32
        %dma_start3A_756 = arith.constant 7 : i32
        %dma_start3A_757 = arith.constant 0 : i32
        %dma_start3A_758 = arith.constant 0 : i32
        %dma_start3A_759 = tpu.memref_slice %arg11[%dma_start3A_756, %dma_start3A_757, %dma_start3A_758] : memref<8x64x64xf32, #tpu.memory_space<vmem>> -> memref<1x64x64xf32, #tpu.memory_space<vmem>>
        %dma_start3A_760 = tpu.memref_squeeze %dma_start3A_759 : memref<1x64x64xf32, #tpu.memory_space<vmem>> -> memref<64x64xf32, #tpu.memory_space<vmem>>
        %dma_start3A_761 = arith.constant 0 : i32
        %dma_start3A_762 = tpu.memref_slice %arg10[%add3A_755, %dma_start3A_761] : memref<320x64xi32, #tpu.memory_space<vmem>> -> memref<1x64xi32, #tpu.memory_space<vmem>>
        %dma_start3A_763 = tpu.memref_squeeze %dma_start3A_762 : memref<1x64xi32, #tpu.memory_space<vmem>> -> memref<64xi32, #tpu.memory_space<vmem>>
        %dma_start3A_764 = arith.constant 0 : i32
        %dma_start3A_765 = arith.constant 0 : i32
        %dma_start3A_766 = tpu.memref_slice %arg13[%dma_start3A_764, %dma_start3A_765] : memref<10240x64xf32, #tpu.memory_space<vmem_shared>> -> memref<10240x64xf32, #tpu.memory_space<vmem_shared>>
        tpu.enqueue_indirect_dma source(%dma_start3A_760 : memref<64x64xf32, #tpu.memory_space<vmem>>) target(%dma_start3A_766 : memref<10240x64xf32, #tpu.memory_space<vmem_shared>>) offsets(%dma_start3A_763 : memref<64xi32, #tpu.memory_space<vmem>>) semaphore(%arg17 : memref<!tpu.dma_semaphore, #tpu.memory_space<semaphore_mem>>) {add = true}
      }
      %scan3A_125 = arith.constant 40 : i32
      %dma_wait3A_126 = arith.constant 4 : i32
      %dma_wait3A_127 = arith.constant 0 : i32
      %dma_wait3A_128 = arith.constant 0 : i32
      %dma_wait3A_129 = arith.constant 0 : i32
      %dma_wait3A_130 = tpu.memref_slice %arg11[%dma_wait3A_126, %dma_wait3A_128, %dma_wait3A_129] : memref<8x64x64xf32, #tpu.memory_space<vmem>> -> memref<1x64x64xf32, #tpu.memory_space<vmem>>
      %dma_wait3A_131 = tpu.memref_squeeze %dma_wait3A_130 : memref<1x64x64xf32, #tpu.memory_space<vmem>> -> memref<64x64xf32, #tpu.memory_space<vmem>>
      %dma_wait3A_132 = arith.constant 0 : i32
      %dma_wait3A_133 = tpu.memref_slice %arg10[%dma_wait3A_127, %dma_wait3A_132] : memref<320x64xi32, #tpu.memory_space<vmem>> -> memref<1x64xi32, #tpu.memory_space<vmem>>
      %dma_wait3A_134 = tpu.memref_squeeze %dma_wait3A_133 : memref<1x64xi32, #tpu.memory_space<vmem>> -> memref<64xi32, #tpu.memory_space<vmem>>
      %dma_wait3A_135 = arith.constant 0 : i32
      %dma_wait3A_136 = arith.constant 0 : i32
      %dma_wait3A_137 = tpu.memref_slice %arg13[%dma_wait3A_135, %dma_wait3A_136] : memref<10240x64xf32, #tpu.memory_space<vmem_shared>> -> memref<10240x64xf32, #tpu.memory_space<vmem_shared>>
      tpu.wait_indirect_dma semaphore(%arg17 : memref<!tpu.dma_semaphore, #tpu.memory_space<semaphore_mem>>) src(%dma_wait3A_131 : memref<64x64xf32, #tpu.memory_space<vmem>>) dst(%dma_wait3A_137 : memref<10240x64xf32, #tpu.memory_space<vmem_shared>>)
      %dma_wait3A_138 = arith.constant 5 : i32
      %dma_wait3A_139 = arith.constant 0 : i32
      %dma_wait3A_140 = arith.constant 0 : i32
      %dma_wait3A_141 = arith.constant 0 : i32
      %dma_wait3A_142 = tpu.memref_slice %arg11[%dma_wait3A_138, %dma_wait3A_140, %dma_wait3A_141] : memref<8x64x64xf32, #tpu.memory_space<vmem>> -> memref<1x64x64xf32, #tpu.memory_space<vmem>>
      %dma_wait3A_143 = tpu.memref_squeeze %dma_wait3A_142 : memref<1x64x64xf32, #tpu.memory_space<vmem>> -> memref<64x64xf32, #tpu.memory_space<vmem>>
      %dma_wait3A_144 = arith.constant 0 : i32
      %dma_wait3A_145 = tpu.memref_slice %arg10[%dma_wait3A_139, %dma_wait3A_144] : memref<320x64xi32, #tpu.memory_space<vmem>> -> memref<1x64xi32, #tpu.memory_space<vmem>>
      %dma_wait3A_146 = tpu.memref_squeeze %dma_wait3A_145 : memref<1x64xi32, #tpu.memory_space<vmem>> -> memref<64xi32, #tpu.memory_space<vmem>>
      %dma_wait3A_147 = arith.constant 0 : i32
      %dma_wait3A_148 = arith.constant 0 : i32
      %dma_wait3A_149 = tpu.memref_slice %arg13[%dma_wait3A_147, %dma_wait3A_148] : memref<10240x64xf32, #tpu.memory_space<vmem_shared>> -> memref<10240x64xf32, #tpu.memory_space<vmem_shared>>
      tpu.wait_indirect_dma semaphore(%arg17 : memref<!tpu.dma_semaphore, #tpu.memory_space<semaphore_mem>>) src(%dma_wait3A_143 : memref<64x64xf32, #tpu.memory_space<vmem>>) dst(%dma_wait3A_149 : memref<10240x64xf32, #tpu.memory_space<vmem_shared>>)
      %dma_wait3A_150 = arith.constant 6 : i32
      %dma_wait3A_151 = arith.constant 0 : i32
      %dma_wait3A_152 = arith.constant 0 : i32
      %dma_wait3A_153 = arith.constant 0 : i32
      %dma_wait3A_154 = tpu.memref_slice %arg11[%dma_wait3A_150, %dma_wait3A_152, %dma_wait3A_153] : memref<8x64x64xf32, #tpu.memory_space<vmem>> -> memref<1x64x64xf32, #tpu.memory_space<vmem>>
      %dma_wait3A_155 = tpu.memref_squeeze %dma_wait3A_154 : memref<1x64x64xf32, #tpu.memory_space<vmem>> -> memref<64x64xf32, #tpu.memory_space<vmem>>
      %dma_wait3A_156 = arith.constant 0 : i32
      %dma_wait3A_157 = tpu.memref_slice %arg10[%dma_wait3A_151, %dma_wait3A_156] : memref<320x64xi32, #tpu.memory_space<vmem>> -> memref<1x64xi32, #tpu.memory_space<vmem>>
      %dma_wait3A_158 = tpu.memref_squeeze %dma_wait3A_157 : memref<1x64xi32, #tpu.memory_space<vmem>> -> memref<64xi32, #tpu.memory_space<vmem>>
      %dma_wait3A_159 = arith.constant 0 : i32
      %dma_wait3A_160 = arith.constant 0 : i32
      %dma_wait3A_161 = tpu.memref_slice %arg13[%dma_wait3A_159, %dma_wait3A_160] : memref<10240x64xf32, #tpu.memory_space<vmem_shared>> -> memref<10240x64xf32, #tpu.memory_space<vmem_shared>>
      tpu.wait_indirect_dma semaphore(%arg17 : memref<!tpu.dma_semaphore, #tpu.memory_space<semaphore_mem>>) src(%dma_wait3A_155 : memref<64x64xf32, #tpu.memory_space<vmem>>) dst(%dma_wait3A_161 : memref<10240x64xf32, #tpu.memory_space<vmem_shared>>)
      %dma_wait3A_162 = arith.constant 7 : i32
      %dma_wait3A_163 = arith.constant 0 : i32
      %dma_wait3A_164 = arith.constant 0 : i32
      %dma_wait3A_165 = arith.constant 0 : i32
      %dma_wait3A_166 = tpu.memref_slice %arg11[%dma_wait3A_162, %dma_wait3A_164, %dma_wait3A_165] : memref<8x64x64xf32, #tpu.memory_space<vmem>> -> memref<1x64x64xf32, #tpu.memory_space<vmem>>
      %dma_wait3A_167 = tpu.memref_squeeze %dma_wait3A_166 : memref<1x64x64xf32, #tpu.memory_space<vmem>> -> memref<64x64xf32, #tpu.memory_space<vmem>>
      %dma_wait3A_168 = arith.constant 0 : i32
      %dma_wait3A_169 = tpu.memref_slice %arg10[%dma_wait3A_163, %dma_wait3A_168] : memref<320x64xi32, #tpu.memory_space<vmem>> -> memref<1x64xi32, #tpu.memory_space<vmem>>
      %dma_wait3A_170 = tpu.memref_squeeze %dma_wait3A_169 : memref<1x64xi32, #tpu.memory_space<vmem>> -> memref<64xi32, #tpu.memory_space<vmem>>
      %dma_wait3A_171 = arith.constant 0 : i32
      %dma_wait3A_172 = arith.constant 0 : i32
      %dma_wait3A_173 = tpu.memref_slice %arg13[%dma_wait3A_171, %dma_wait3A_172] : memref<10240x64xf32, #tpu.memory_space<vmem_shared>> -> memref<10240x64xf32, #tpu.memory_space<vmem_shared>>
      tpu.wait_indirect_dma semaphore(%arg17 : memref<!tpu.dma_semaphore, #tpu.memory_space<semaphore_mem>>) src(%dma_wait3A_167 : memref<64x64xf32, #tpu.memory_space<vmem>>) dst(%dma_wait3A_173 : memref<10240x64xf32, #tpu.memory_space<vmem_shared>>)
    } else {
    }
    %barrier3A_109 = arith.constant 0 : index
    tpu.barrier barrier_id(%barrier3A_109)
    "tpu.region"() ({
      %run_scoped3A = tpu.sem_alloc : memref<!tpu.dma_semaphore, #tpu.memory_space<semaphore_mem>>
      %dma_start3A_120 = arith.constant 0 : i32
      %dma_start3A_121 = tpu.memref_slice %arg6[%arg0, %mul3A_0, %dma_start3A_120] : memref<2x10240x64xf32, #tpu.memory_space<hbm>> -> memref<1x640x64xf32, #tpu.memory_space<hbm>>
      %dma_start3A_122 = tpu.memref_squeeze %dma_start3A_121 : memref<1x640x64xf32, #tpu.memory_space<hbm>> -> memref<640x64xf32, #tpu.memory_space<hbm>>
      %dma_start3A_123 = arith.constant 0 : i32
      %dma_start3A_124 = tpu.memref_slice %arg13[%mul3A_0, %dma_start3A_123] : memref<10240x64xf32, #tpu.memory_space<vmem_shared>> -> memref<640x64xf32, #tpu.memory_space<vmem_shared>>
      tpu.enqueue_dma source(%dma_start3A_124 : memref<640x64xf32, #tpu.memory_space<vmem_shared>>) target(%dma_start3A_122 : memref<640x64xf32, #tpu.memory_space<hbm>>) target_semaphore(%run_scoped3A : memref<!tpu.dma_semaphore, #tpu.memory_space<semaphore_mem>>)
      %dma_wait3A_125 = arith.constant 0 : i32
      %dma_wait3A_126 = tpu.memref_slice %arg6[%arg0, %mul3A_0, %dma_wait3A_125] : memref<2x10240x64xf32, #tpu.memory_space<hbm>> -> memref<1x640x64xf32, #tpu.memory_space<hbm>>
      %dma_wait3A_127 = tpu.memref_squeeze %dma_wait3A_126 : memref<1x640x64xf32, #tpu.memory_space<hbm>> -> memref<640x64xf32, #tpu.memory_space<hbm>>
      %dma_wait3A_128 = arith.constant 0 : i32
      %dma_wait3A_129 = tpu.memref_slice %arg13[%mul3A_0, %dma_wait3A_128] : memref<10240x64xf32, #tpu.memory_space<vmem_shared>> -> memref<640x64xf32, #tpu.memory_space<vmem_shared>>
      tpu.wait_dma2 semaphore(%run_scoped3A : memref<!tpu.dma_semaphore, #tpu.memory_space<semaphore_mem>>) src(%dma_wait3A_129 : memref<640x64xf32, #tpu.memory_space<vmem_shared>>) dst(%dma_wait3A_127 : memref<640x64xf32, #tpu.memory_space<hbm>>)
      tpu.yield
    }) : () -> ()
    %eq3A_110 = arith.constant 0 : i32
    %eq3A_111 = arith.cmpi eq, %arg0, %eq3A_110 : i32
    %convert_element_type3A_112 = arith.extui %eq3A_111 : i1 to i32
    %cond3A_113 = arith.constant 0 : i32
    %cond3A_114 = arith.cmpi ne, %convert_element_type3A_112, %cond3A_113 : i32
    scf.if %cond3A_114 {
      "tpu.region"() ({
        %run_scoped3A = tpu.sem_alloc : memref<!tpu.dma_semaphore, #tpu.memory_space<semaphore_mem>>
        %dma_start3A_120 = arith.constant 0 : i32
        %dma_start3A_121 = tpu.memref_slice %arg7[%arg1, %dma_start3A_120] : memref<16x10240xf32, #tpu.memory_space<hbm>> -> memref<1x10240xf32, #tpu.memory_space<hbm>>
        %dma_start3A_122 = tpu.memref_squeeze %dma_start3A_121 : memref<1x10240xf32, #tpu.memory_space<hbm>> -> memref<10240xf32, #tpu.memory_space<hbm>>
        %dma_start3A_123 = arith.constant 0 : i32
        %dma_start3A_124 = tpu.memref_slice %arg7[%arg1, %dma_start3A_123] : memref<16x10240xf32, #tpu.memory_space<hbm>> -> memref<1x10240xf32, #tpu.memory_space<hbm>>
        %dma_start3A_125 = tpu.memref_squeeze %dma_start3A_124 : memref<1x10240xf32, #tpu.memory_space<hbm>> -> memref<10240xf32, #tpu.memory_space<hbm>>
        tpu.enqueue_dma source(%arg12 : memref<10240xf32, #tpu.memory_space<vmem>>) target(%dma_start3A_125 : memref<10240xf32, #tpu.memory_space<hbm>>) target_semaphore(%run_scoped3A : memref<!tpu.dma_semaphore, #tpu.memory_space<semaphore_mem>>)
        %dma_wait3A_126 = arith.constant 0 : i32
        %dma_wait3A_127 = tpu.memref_slice %arg7[%arg1, %dma_wait3A_126] : memref<16x10240xf32, #tpu.memory_space<hbm>> -> memref<1x10240xf32, #tpu.memory_space<hbm>>
        %dma_wait3A_128 = tpu.memref_squeeze %dma_wait3A_127 : memref<1x10240xf32, #tpu.memory_space<hbm>> -> memref<10240xf32, #tpu.memory_space<hbm>>
        %dma_wait3A_129 = arith.constant 0 : i32
        %dma_wait3A_130 = tpu.memref_slice %arg7[%arg1, %dma_wait3A_129] : memref<16x10240xf32, #tpu.memory_space<hbm>> -> memref<1x10240xf32, #tpu.memory_space<hbm>>
        %dma_wait3A_131 = tpu.memref_squeeze %dma_wait3A_130 : memref<1x10240xf32, #tpu.memory_space<hbm>> -> memref<10240xf32, #tpu.memory_space<hbm>>
        tpu.wait_dma2 semaphore(%run_scoped3A : memref<!tpu.dma_semaphore, #tpu.memory_space<semaphore_mem>>) src(%arg12 : memref<10240xf32, #tpu.memory_space<vmem>>) dst(%dma_wait3A_131 : memref<10240xf32, #tpu.memory_space<hbm>>)
        tpu.yield
      }) : () -> ()
    } else {
    }
    %ne3A_115 = arith.constant 0 : i32
    %ne3A_116 = arith.cmpi ne, %arg0, %ne3A_115 : i32
    %convert_element_type3A_117 = arith.extui %ne3A_116 : i1 to i32
    %cond3A_118 = arith.constant 0 : i32
    %cond3A_119 = arith.cmpi ne, %convert_element_type3A_117, %cond3A_118 : i32
    scf.if %cond3A_119 {
      "tpu.region"() ({
        %run_scoped3A = tpu.sem_alloc : memref<!tpu.dma_semaphore, #tpu.memory_space<semaphore_mem>>
        %dma_start3A_120 = arith.constant 0 : i32
        %dma_start3A_121 = tpu.memref_slice %arg8[%arg1, %dma_start3A_120] : memref<16x10240xf32, #tpu.memory_space<hbm>> -> memref<1x10240xf32, #tpu.memory_space<hbm>>
        %dma_start3A_122 = tpu.memref_squeeze %dma_start3A_121 : memref<1x10240xf32, #tpu.memory_space<hbm>> -> memref<10240xf32, #tpu.memory_space<hbm>>
        %dma_start3A_123 = arith.constant 0 : i32
        %dma_start3A_124 = tpu.memref_slice %arg8[%arg1, %dma_start3A_123] : memref<16x10240xf32, #tpu.memory_space<hbm>> -> memref<1x10240xf32, #tpu.memory_space<hbm>>
        %dma_start3A_125 = tpu.memref_squeeze %dma_start3A_124 : memref<1x10240xf32, #tpu.memory_space<hbm>> -> memref<10240xf32, #tpu.memory_space<hbm>>
        tpu.enqueue_dma source(%arg12 : memref<10240xf32, #tpu.memory_space<vmem>>) target(%dma_start3A_125 : memref<10240xf32, #tpu.memory_space<hbm>>) target_semaphore(%run_scoped3A : memref<!tpu.dma_semaphore, #tpu.memory_space<semaphore_mem>>)
        %dma_wait3A_126 = arith.constant 0 : i32
        %dma_wait3A_127 = tpu.memref_slice %arg8[%arg1, %dma_wait3A_126] : memref<16x10240xf32, #tpu.memory_space<hbm>> -> memref<1x10240xf32, #tpu.memory_space<hbm>>
        %dma_wait3A_128 = tpu.memref_squeeze %dma_wait3A_127 : memref<1x10240xf32, #tpu.memory_space<hbm>> -> memref<10240xf32, #tpu.memory_space<hbm>>
        %dma_wait3A_129 = arith.constant 0 : i32
        %dma_wait3A_130 = tpu.memref_slice %arg8[%arg1, %dma_wait3A_129] : memref<16x10240xf32, #tpu.memory_space<hbm>> -> memref<1x10240xf32, #tpu.memory_space<hbm>>
        %dma_wait3A_131 = tpu.memref_squeeze %dma_wait3A_130 : memref<1x10240xf32, #tpu.memory_space<hbm>> -> memref<10240xf32, #tpu.memory_space<hbm>>
        tpu.wait_dma2 semaphore(%run_scoped3A : memref<!tpu.dma_semaphore, #tpu.memory_space<semaphore_mem>>) src(%arg12 : memref<10240xf32, #tpu.memory_space<vmem>>) dst(%dma_wait3A_131 : memref<10240xf32, #tpu.memory_space<hbm>>)
        tpu.yield
      }) : () -> ()
    } else {
    }
    return
  }
}

module attributes {stable_mosaic.version = 14 : i64} {
  func.func @_proj_matmul_body(%arg0: i32, %arg1: i32, %arg2: memref<1024x128xf32, #tpu.memory_space<vmem>>, %arg3: memref<1x128x64xf32, #tpu.memory_space<vmem>>, %arg4: memref<1x1024x64xf32, #tpu.memory_space<vmem>>) attributes {dimension_semantics = [#tpu.dimension_semantics<arbitrary>, #tpu.dimension_semantics<arbitrary>], iteration_bounds = array<i64: 2, 10>, scalar_prefetch = 0 : i64, scratch_operands = 0 : i64, tpu.core_type = #tpu.core_type<tc>, window_params = [{transform_indices = @transform_0, window_bounds = array<i64: 1024, 128>}, {transform_indices = @transform_1, window_bounds = array<i64: 1, 128, 64>}, {transform_indices = @transform_2, window_bounds = array<i64: 1, 1024, 64>}]} {
    %get3A = arith.constant 0 : index
    %get3A_0 = arith.constant 0 : index
    %get3A_1 = vector.load %arg2[%get3A, %get3A_0] : memref<1024x128xf32, #tpu.memory_space<vmem>>, vector<1024x128xf32>
    %mul3A = arith.mulf %get3A_1, %get3A_1 : vector<1024x128xf32>
    %reduce_sum3A = arith.constant dense<0.000000e+00> : vector<1024xf32>
    %reduce_sum3A_2 = vector.multi_reduction <add>, %mul3A, %reduce_sum3A [1] : vector<1024x128xf32> to vector<1024xf32>
    %broadcast_in_dim3A = vector.shape_cast %reduce_sum3A_2 : vector<1024xf32> to vector<1024x1xf32>
    %sqrt3A = math.sqrt %broadcast_in_dim3A : vector<1024x1xf32>
    %max3A = arith.constant 1.000000e-07 : f32
    %max3A_3 = vector.broadcast %max3A : f32 to vector<1024x1xf32>
    %max3A_4 = arith.maximumf %sqrt3A, %max3A_3 : vector<1024x1xf32>
    %div3A = vector.broadcast %max3A_4 : vector<1024x1xf32> to vector<1024x128xf32>
    %div3A_5 = arith.divf %get3A_1, %div3A : vector<1024x128xf32>
    %get3A_6 = arith.constant 0 : index
    %get3A_7 = arith.constant 0 : index
    %get3A_8 = arith.constant 0 : index
    %get3A_9 = vector.load %arg3[%get3A_6, %get3A_7, %get3A_8] : memref<1x128x64xf32, #tpu.memory_space<vmem>>, vector<1x128x64xf32>
    %get3A_10 = vector.shape_cast %get3A_9 : vector<1x128x64xf32> to vector<128x64xf32>
    %dot_general3A = arith.constant dense<0.000000e+00> : vector<1024x64xf32>
    %dot_general3A_11 = tpu.matmul %div3A_5, %get3A_10, %dot_general3A {dimension_numbers = #tpu.dot_dimension_numbers<[1], [0], [0], [1], [0, 0, 1, 1], [], []>, transpose_lhs_hint = false} : vector<1024x128xf32>, vector<128x64xf32>, vector<1024x64xf32> -> vector<1024x64xf32>
    %swap3A = arith.constant 0 : index
    %swap3A_12 = arith.constant 0 : index
    %swap3A_13 = arith.constant 0 : index
    %swap3A_14 = vector.load %arg4[%swap3A, %swap3A_12, %swap3A_13] : memref<1x1024x64xf32, #tpu.memory_space<vmem>>, vector<1x1024x64xf32>
    %swap3A_15 = vector.shape_cast %swap3A_14 : vector<1x1024x64xf32> to vector<1024x64xf32>
    %swap3A_16 = vector.shape_cast %dot_general3A_11 : vector<1024x64xf32> to vector<1x1024x64xf32>
    tpu.vector_store %arg4[%swap3A, %swap3A_12, %swap3A_13], %swap3A_16 {strides = array<i32>} : memref<1x1024x64xf32, #tpu.memory_space<vmem>>, vector<1x1024x64xf32>,
    return
  }
  func.func @transform_0(%arg0: i32, %arg1: i32) -> (i32, i32) {
    %c0_i32 = arith.constant 0 : i32
    %c0_i32_0 = arith.constant 0 : i32
    return %arg1, %c0_i32 : i32, i32
  }
  func.func @transform_1(%arg0: i32, %arg1: i32) -> (i32, i32, i32) {
    %c0_i32 = arith.constant 0 : i32
    %c0_i32_0 = arith.constant 0 : i32
    %c0_i32_1 = arith.constant 0 : i32
    return %arg0, %c0_i32, %c0_i32_0 : i32, i32, i32
  }
  func.func @transform_2(%arg0: i32, %arg1: i32) -> (i32, i32, i32) {
    %c0_i32 = arith.constant 0 : i32
    %c0_i32_0 = arith.constant 0 : i32
    return %arg0, %arg1, %c0_i32 : i32, i32, i32
  }
}

module attributes {stable_mosaic.version = 14 : i64} {
  func.func @_combine_div_body(%arg0: i32, %arg1: i32, %arg2: memref<1x1024x64xf32, #tpu.memory_space<vmem>>, %arg3: memref<16x1024xf32, #tpu.memory_space<vmem>>, %arg4: memref<1x1024x64xf32, #tpu.memory_space<vmem>>) attributes {dimension_semantics = [#tpu.dimension_semantics<arbitrary>, #tpu.dimension_semantics<arbitrary>], iteration_bounds = array<i64: 2, 10>, scalar_prefetch = 0 : i64, scratch_operands = 0 : i64, tpu.core_type = #tpu.core_type<tc>, window_params = [{transform_indices = @transform_0, window_bounds = array<i64: 1, 1024, 64>}, {transform_indices = @transform_1, window_bounds = array<i64: 16, 1024>}, {transform_indices = @transform_2, window_bounds = array<i64: 1, 1024, 64>}]} {
    %get3A = arith.constant 0 : index
    %get3A_0 = arith.constant 0 : index
    %get3A_1 = vector.load %arg3[%get3A, %get3A_0] : memref<16x1024xf32, #tpu.memory_space<vmem>>, vector<16x1024xf32>
    %reduce_sum3A = arith.constant dense<0.000000e+00> : vector<1024xf32>
    %reduce_sum3A_2 = vector.multi_reduction <add>, %get3A_1, %reduce_sum3A [0] : vector<16x1024xf32> to vector<1024xf32>
    %max3A = arith.constant 1.000000e+00 : f32
    %max3A_3 = vector.broadcast %max3A : f32 to vector<1024xf32>
    %max3A_4 = arith.maximumf %reduce_sum3A_2, %max3A_3 : vector<1024xf32>
    %div3A = arith.constant 1.000000e+00 : f32
    %div3A_5 = vector.broadcast %div3A : f32 to vector<1024xf32>
    %div3A_6 = arith.divf %div3A_5, %max3A_4 : vector<1024xf32>
    %get3A_7 = arith.constant 0 : index
    %get3A_8 = arith.constant 0 : index
    %get3A_9 = arith.constant 0 : index
    %get3A_10 = vector.load %arg2[%get3A_7, %get3A_8, %get3A_9] : memref<1x1024x64xf32, #tpu.memory_space<vmem>>, vector<1x1024x64xf32>
    %get3A_11 = vector.shape_cast %get3A_10 : vector<1x1024x64xf32> to vector<1024x64xf32>
    %broadcast_in_dim3A = vector.shape_cast %div3A_6 : vector<1024xf32> to vector<1024x1xf32>
    %mul3A = vector.broadcast %broadcast_in_dim3A : vector<1024x1xf32> to vector<1024x64xf32>
    %mul3A_12 = arith.mulf %get3A_11, %mul3A : vector<1024x64xf32>
    %swap3A = arith.constant 0 : index
    %swap3A_13 = arith.constant 0 : index
    %swap3A_14 = arith.constant 0 : index
    %swap3A_15 = vector.load %arg4[%swap3A, %swap3A_13, %swap3A_14] : memref<1x1024x64xf32, #tpu.memory_space<vmem>>, vector<1x1024x64xf32>
    %swap3A_16 = vector.shape_cast %swap3A_15 : vector<1x1024x64xf32> to vector<1024x64xf32>
    %swap3A_17 = vector.shape_cast %mul3A_12 : vector<1024x64xf32> to vector<1x1024x64xf32>
    tpu.vector_store %arg4[%swap3A, %swap3A_13, %swap3A_14], %swap3A_17 {strides = array<i32>} : memref<1x1024x64xf32, #tpu.memory_space<vmem>>, vector<1x1024x64xf32>,
    return
  }
  func.func @transform_0(%arg0: i32, %arg1: i32) -> (i32, i32, i32) {
    %c0_i32 = arith.constant 0 : i32
    %c0_i32_0 = arith.constant 0 : i32
    return %arg0, %arg1, %c0_i32 : i32, i32, i32
  }
  func.func @transform_1(%arg0: i32, %arg1: i32) -> (i32, i32) {
    %c0_i32 = arith.constant 0 : i32
    %c0_i32_0 = arith.constant 0 : i32
    return %c0_i32, %arg1 : i32, i32
  }
  func.func @transform_2(%arg0: i32, %arg1: i32) -> (i32, i32, i32) {
    %c0_i32 = arith.constant 0 : i32
    %c0_i32_0 = arith.constant 0 : i32
    return %arg0, %arg1, %c0_i32 : i32, i32, i32
  }
}

module attributes {stable_mosaic.version = 14 : i64} {
  func.func @_finish_body(%arg0: i32, %arg1: memref<2x1024x64xf32, #tpu.memory_space<vmem>>, %arg2: memref<16x1024xf32, #tpu.memory_space<vmem>>, %arg3: memref<128xf32, #tpu.memory_space<vmem>>, %arg4: memref<1024x128xf32, #tpu.memory_space<vmem>>) attributes {dimension_semantics = [#tpu.dimension_semantics<arbitrary>], iteration_bounds = array<i64: 10>, scalar_prefetch = 0 : i64, scratch_operands = 0 : i64, tpu.core_type = #tpu.core_type<tc>, window_params = [{transform_indices = @transform_0, window_bounds = array<i64: 2, 1024, 64>}, {transform_indices = @transform_1, window_bounds = array<i64: 16, 1024>}, {pipeline_mode = #tpu.pipeline_mode<synchronous>, transform_indices = @transform_2, window_bounds = array<i64: 128>}, {transform_indices = @transform_3, window_bounds = array<i64: 1024, 128>}]} {
    %get3A = arith.constant 0 : index
    %get3A_0 = arith.constant 0 : index
    %get3A_1 = vector.load %arg2[%get3A, %get3A_0] : memref<16x1024xf32, #tpu.memory_space<vmem>>, vector<16x1024xf32>
    %reduce_sum3A = arith.constant dense<0.000000e+00> : vector<1024xf32>
    %reduce_sum3A_2 = vector.multi_reduction <add>, %get3A_1, %reduce_sum3A [0] : vector<16x1024xf32> to vector<1024xf32>
    %max3A = arith.constant 1.000000e+00 : f32
    %max3A_3 = vector.broadcast %max3A : f32 to vector<1024xf32>
    %max3A_4 = arith.maximumf %reduce_sum3A_2, %max3A_3 : vector<1024xf32>
    %div3A = arith.constant 1.000000e+00 : f32
    %div3A_5 = vector.broadcast %div3A : f32 to vector<1024xf32>
    %div3A_6 = arith.divf %div3A_5, %max3A_4 : vector<1024xf32>
    %get3A_7 = arith.constant 0 : index
    %get3A_8 = arith.constant 0 : index
    %get3A_9 = arith.constant 0 : index
    %get3A_10 = vector.load %arg1[%get3A_7, %get3A_8, %get3A_9] : memref<2x1024x64xf32, #tpu.memory_space<vmem>>, vector<1x1024x64xf32>
    %get3A_11 = vector.shape_cast %get3A_10 : vector<1x1024x64xf32> to vector<1024x64xf32>
    %get3A_12 = arith.constant 1 : index
    %get3A_13 = arith.constant 0 : index
    %get3A_14 = arith.constant 0 : index
    %get3A_15 = vector.load %arg1[%get3A_12, %get3A_13, %get3A_14] : memref<2x1024x64xf32, #tpu.memory_space<vmem>>, vector<1x1024x64xf32>
    %get3A_16 = vector.shape_cast %get3A_15 : vector<1x1024x64xf32> to vector<1024x64xf32>
    %concatenate3A = tpu.concatenate %get3A_11, %get3A_16 in 1 : vector<1024x64xf32>, vector<1024x64xf32> -> vector<1024x128xf32>
    %broadcast_in_dim3A = vector.shape_cast %div3A_6 : vector<1024xf32> to vector<1024x1xf32>
    %mul3A = vector.broadcast %broadcast_in_dim3A : vector<1024x1xf32> to vector<1024x128xf32>
    %mul3A_17 = arith.mulf %concatenate3A, %mul3A : vector<1024x128xf32>
    %get3A_18 = arith.constant 0 : index
    %get3A_19 = vector.load %arg3[%get3A_18] : memref<128xf32, #tpu.memory_space<vmem>>, vector<128xf32>
    %broadcast_in_dim3A_20 = vector.shape_cast %get3A_19 : vector<128xf32> to vector<1x128xf32>
    %add3A = vector.broadcast %broadcast_in_dim3A_20 : vector<1x128xf32> to vector<1024x128xf32>
    %add3A_21 = arith.addf %mul3A_17, %add3A : vector<1024x128xf32>
    %tanh3A = math.tanh %add3A_21 : vector<1024x128xf32>
    %swap3A = arith.constant 0 : index
    %swap3A_22 = arith.constant 0 : index
    %swap3A_23 = vector.load %arg4[%swap3A, %swap3A_22] : memref<1024x128xf32, #tpu.memory_space<vmem>>, vector<1024x128xf32>
    tpu.vector_store %arg4[%swap3A, %swap3A_22], %tanh3A {strides = array<i32>} : memref<1024x128xf32, #tpu.memory_space<vmem>>, vector<1024x128xf32>,
    return
  }
  func.func @transform_0(%arg0: i32) -> (i32, i32, i32) {
    %c0_i32 = arith.constant 0 : i32
    %c0_i32_0 = arith.constant 0 : i32
    %c0_i32_1 = arith.constant 0 : i32
    return %c0_i32, %arg0, %c0_i32_0 : i32, i32, i32
  }
  func.func @transform_1(%arg0: i32) -> (i32, i32) {
    %c0_i32 = arith.constant 0 : i32
    %c0_i32_0 = arith.constant 0 : i32
    return %c0_i32, %arg0 : i32, i32
  }
  func.func @transform_2(%arg0: i32) -> i32 {
    %c0_i32 = arith.constant 0 : i32
    %c0_i32_0 = arith.constant 0 : i32
    return %c0_i32 : i32
  }
  func.func @transform_3(%arg0: i32) -> (i32, i32) {
    %c0_i32 = arith.constant 0 : i32
    %c0_i32_0 = arith.constant 0 : i32
    return %arg0, %c0_i32 : i32, i32
  }
}

</mosaic_0001>

<sc_bundles>
// kernel: kernel.10.cloned.1.call-start
scs
__scs_entry_jumppad:
0x0: {  	(pc) =	sbr.rel $0x88, $3  }
0x1: {  	(tag) =	ssettag $0x0;
	lr =	simm.s32 $0x1  }
0x2: {  	[smem:$0x3F9D] =	sst lr;
	_ =	strace $0xD0000000  }
0x3: {  	_ = 	snop  }
0x4: {  	_ = 	snop  }
0x5: {  	_ = 	snop  }
0x6: {  	_ = 	snop  }
0x7: {  	_ = 	snop  }
__scs_overlays_trampoline_lowered:
0x8: {  	[smem:$0x3FAC] =	sst s0  }
0x9: {  	[smem:$0x3FAD] =	sst s1  }
0xa: {  	[smem:$0x3FAE] =	sst s2  }
0xb: {  	[smem:$0x3FAF] =	sst s3  }
0xc: {  	[smem:$0x3FB0] =	sst s4  }
0xd: {  	[smem:$0x3FB1] =	sst s5  }
0xe: {  	[smem:$0x3FB2] =	sst s6  }
0xf: {  	[smem:$0x3FB3] =	sst s7  }
0x10: {  	[smem:$0x3FB4] =	sst s8  }
0x11: {  	[smem:$0x3FB5] =	sst s9;
	s0 =	simm.s32 @!p0 $0x0  }
0x12: {  	s1 =	sld [smem:$0x3F9B];
	s0 =	simm.s32 @p0 $0x1  }
0x13: {  	[smem:$0x3FB6] =	sst s0;
	s0 =	simm.s32 @!p1 $0x0  }
0x14: {  	s2 =	sld [smem:$0x3F9A];
	s0 =	simm.s32 @p1 $0x1  }
0x15: {  	[smem:$0x3FB7] =	sst s0;
	s0 =	simm.s32 @!p2 $0x0  }
0x16: {  	s3 =	sld [smem:$0x3FDB];
	s0 =	simm.s32 @p2 $0x1  }
0x17: {  	s4 =	simm.s32 $0x1BF5;
	[smem:$0x3FB9] =	sst s0  }
0x18: {  	s0 =	sld [smem:$0x3F9C];
	_ =	swait.ge [sflag:s4], $0x0  }
0x19: {  	s7 =	sld [smem:$0x3F9D]  }
0x1a: {  	s8 =	sadd.s32 $0xFFFFE003, lr  }
0x1b: {  	s9 =	sadd.s32 $0xFFFFFEF7, lr;
	s5 =	simm.s32 $0xFFFFFFFF;
	p2 =	slt.u32 s8, $0xFFFFF086  }
0x1c: {  	p1 =	slt.u32 s9, $0xF7A;
	s5 =	simm.s32 @!p2 $0x0  }
0x1d: {  	s5 =	simm.s32 @p1 $0x1;
	p0 =	seq.s32 s7, s2  }
0x1e: {  	s7 =	smul.u32 @!p0 $0xF7A, s2;
	p2 =	seq.s32 @!p0 s5, $0x0  }
0x1f: {  	s9 =	smul.u32 $0xF7A, s1;
	s8 =	simm.s32 @!p0 $0x1BF5;
	p2 =	por !p2, p0  }
0x20: {  	[sflag:s8] =	ssyncset.s32 @!p0 $0xFFFFF086;
	s6 =	sadd.s32 @!p0 s3, s7;
	s7 =	simm.s32 @!p0 $0x108  }
0x21: {  	s3 =	sadd.s32 s3, s9;
	s6 =	sadd.s32 @!p0 $0x88, s6;
	s7 =	simm.s32 @p2 $0x1082  }
0x22: {  	[simem:s7], [sflag:s8] =	dma.local @!p0 [hbm:s6], $0xF7A  }
0x23: {  	s9 =	sor.u32 $0xD0000000, s2;
	s6 =	simm.s32 $0x108;
	_ =	swait.ge @!p0 [sflag:s8], $0x0  }
0x24: {  	s3 =	sadd.s32 $0x88, s3;
	s6 =	simm.s32 @!p1 $0x1082;
	[sflag:s4] =	ssyncset.s32 $0xFFFFF086  }
0x25: {  	[simem:s6], [sflag:s4] =	dma.local [hbm:s3], $0xF7A  }
0x26: {  	[smem:$0x3F9D] =	sst s1;
	(tag) =	ssettag s2;
	_ =	strace s9  }
0x27: {  	s1 =	sld [smem:$0x3FAD]  }
0x28: {  	s2 =	sld [smem:$0x3FAE]  }
0x29: {  	s4 =	sld [smem:$0x3FB0]  }
0x2a: {  	p0 =	seq.s32 s5, $0x0;
	s5 =	sld [smem:$0x3FB1]  }
0x2b: {  	s6 =	sld [smem:$0x3FB2]  }
0x2c: {  	s7 =	sld [smem:$0x3FB3]  }
0x2d: {  	s3 =	simm.s32 $0x108;
	s8 =	sld [smem:$0x3FB4]  }
0x2e: {  	s3 =	simm.s32 @!p0 $0x1082;
	s9 =	sld [smem:$0x3FB5]  }
0x2f: {  	lr =	sadd.s32 s0, s3;
	s0 =	sld [smem:$0x3FAC]  }
0x30: {  	s3 =	sld [smem:$0x3FAF]  }
0x31: {  	[smem:$0x3FB8] =	sst s10  }
0x32: {  	s10 =	sld [smem:$0x3FB6];
	_ =	sdelay $0x3  }
0x33: {  	p0 =	seq.s32 s10, $0x1;
	s10 =	sld [smem:$0x3FB8];
	_ =	sdelay $0x3  }
0x34: {  	[smem:$0x3FB8] =	sst s10  }
0x35: {  	s10 =	sld [smem:$0x3FB7];
	_ =	sdelay $0x3  }
0x36: {  	p1 =	seq.s32 s10, $0x1;
	s10 =	sld [smem:$0x3FB8];
	_ =	sdelay $0x3  }
0x37: {  	[smem:$0x3FB8] =	sst s10  }
0x38: {  	s10 =	sld [smem:$0x3FB9]  }
0x39: {  	_ = 	snop;
	(pc) =	sbr.ind lr, $3  }
0x3a: {  	_ = 	snop  }
0x3b: {  	_ = 	snop  }
0x3c: {  	p2 =	seq.s32 s10, $0x1;
	s10 =	sld [smem:$0x3FB8]  }
0x3d: {  	_ =	shalt  }
0x3e: {  	_ =	shalt  }
0x3f: {  	_ =	shalt  }
0x40: {  	_ =	shalt  }
0x41: {  	_ =	shalt  }
0x42: {  	_ =	shalt  }
0x43: {  	_ =	shalt  }
0x44: {  	_ =	shalt  }
0x45: {  	_ =	shalt  }
0x46: {  	_ =	shalt  }
0x47: {  	_ =	shalt  }
0x48: {  	_ =	shalt  }
0x49: {  	_ =	shalt  }
0x4a: {  	_ =	shalt  }
0x4b: {  	_ =	shalt  }
0x4c: {  	_ =	shalt  }
0x4d: {  	_ =	shalt  }
0x4e: {  	_ =	shalt  }
0x4f: {  	_ =	shalt  }
0x50: {  	_ =	shalt  }
0x51: {  	_ =	shalt  }
0x52: {  	_ =	shalt  }
0x53: {  	_ =	shalt  }
0x54: {  	_ =	shalt  }
0x55: {  	_ =	shalt  }
0x56: {  	_ =	shalt  }
0x57: {  	_ =	shalt  }
0x58: {  	_ =	shalt  }
0x59: {  	_ =	shalt  }
0x5a: {  	_ =	shalt  }
0x5b: {  	_ =	shalt  }
0x5c: {  	_ =	shalt  }
0x5d: {  	_ =	shalt  }
0x5e: {  	_ =	shalt  }
0x5f: {  	_ =	shalt  }
0x60: {  	_ =	shalt  }
0x61: {  	_ =	shalt  }
0x62: {  	_ =	shalt  }
0x63: {  	_ =	shalt  }
0x64: {  	_ =	shalt  }
0x65: {  	_ =	shalt  }
0x66: {  	_ =	shalt  }
0x67: {  	_ =	shalt  }
0x68: {  	_ =	shalt  }
0x69: {  	_ =	shalt  }
0x6a: {  	_ =	shalt  }
0x6b: {  	_ =	shalt  }
0x6c: {  	_ =	shalt  }
0x6d: {  	_ =	shalt  }
0x6e: {  	_ =	shalt  }
0x6f: {  	_ =	shalt  }
0x70: {  	_ =	shalt  }
0x71: {  	_ =	shalt  }
0x72: {  	_ =	shalt  }
0x73: {  	_ =	shalt  }
0x74: {  	_ =	shalt  }
0x75: {  	_ =	shalt  }
0x76: {  	_ =	shalt  }
0x77: {  	_ =	shalt  }
0x78: {  	_ =	shalt  }
0x79: {  	_ =	shalt  }
0x7a: {  	_ =	shalt  }
0x7b: {  	_ =	shalt  }
0x7c: {  	_ =	shalt  }
0x7d: {  	_ =	shalt  }
0x7e: {  	_ =	shalt  }
0x7f: {  	_ =	shalt  }
0x80: {  	_ =	shalt  }
0x81: {  	_ =	shalt  }
0x82: {  	_ =	shalt  }
0x83: {  	_ =	shalt  }
0x84: {  	_ =	shalt  }
0x85: {  	_ =	shalt  }
0x86: {  	_ =	shalt  }
0x87: {  	_ =	shalt  }
.Lfunc_end0:
.L_simem_size_0:
called_computation.1_lowered:
.L_overlay_start_0:
0x88: {  	s2 =	sld [smem:$0x3FD9]  }
0x89: {  	s3 =	sld [smem:$0x3FFE];
	_ =	sdelay $0x1  }
0x8a: {  	s1 =	srdreg.scid  }
0x8b: {  	s0 =	sand.u32 $0x1, s1  }
0x8c: {  	s17 =	sshll.u32 s0, $0xA;
	s2 =	sadd.s32 s3, s2  }
0x8d: {  	s2 =	sadd.s32 s2, s17  }
0x8e: {  	[smem:$0x3FC4] =	sst s2  }
0x8f: {  	_ = 	snop  }
0x90: {  	s2 =	sld [smem:$0x3FD0];
	(tm) =	ssettm $0x1  }
0x91: {  	s18 =	sld [smem:$0x3FFB];
	_ =	sdelay $0x3  }
0x92: {  	_ =	strace s18  }
0x93: {  	s3 =	sld [smem:$0x3FFC];
	_ =	sdelay $0x3  }
0x94: {  	_ =	strace s3  }
0x95: {  	s3 =	sld [smem:$0x3FFD];
	_ =	sdelay $0x3  }
0x96: {  	_ =	strace s3  }
0x97: {  	_ =	strace $0x8FFFFFFF  }
0x98: {  	s19 =	sld [smem:$0x3FDB];
	_ =	sdelay $0x1  }
0x99: {  	s4 =	simm.s32 $_scs_section_size  }
0x9a: {  	s5 =	simm.s32 $_size__tile_overlayer_lowered;
	s6 =	simm.s32 $_tile_overlayer_lowered  }
0x9b: {  	s22 =	simm.s32 $0x1BFF;
	s21 =	sshll.u32 s6, $0x1;
	s3 =	sadd.s32 s4, s19  }
0x9c: {  	s7 =	simm.s32 $0x0;
	s20 =	sshll.u32 s5, $0x1;
	s5 =	sadd.s32 s21, s3  }
0x9d: {  	[timem:s7], [sflag:s22] =	dma.local [hbm:s5], s20  }
0x9e: {  	_ =	swait.ge [sflag:s22], s20  }
0x9f: {  	s4 =	ssub.s32 $0x0, s20;
	[sflag:s22] =	ssyncset.done $0x0  }
0xa0: {  	[sflag:s22] =	ssyncadd.s32 s4;
	_ =	sdelay $0x1  }
0xa1: {  	s23 =	simm.s32 $0x1B8B  }
0xa2: {  	_ =	swait.ge [sflag:s23], $0x1  }
0xa3: {  	[sflag:s23] =	ssyncset.done $0x0  }
0xa4: {  	s25 =	simm.s32 $0x1B8E;
	s24 =	sld [smem:$0x3FFE];
	[sflag:s23] =	ssyncadd.s32 $0xFFFFFFFF  }
0xa5: {  	s26 =	simm.s32 $execute0_lowered;
	[smem:$0x3FD2] =	sst s25  }
0xa6: {  	s5 =	sshll.u32 s26, $0x1;
	_ =	strace $0x80000049;
	[dreg:$0x1] =	wrdreg $0xFFFFFFFF  }
0xa7: {  	s28 =	simm.s32 $_size_execute0_lowered;
	s3 =	sadd.s32 s3, s5;
	[dreg:$0x0] =	wrdreg $0x0  }
0xa8: {  	s5 =	sshll.u32 s28, $0x1;
	[dreg:$0x2] =	wrdreg s3  }
0xa9: {  	[dreg:$0x3] =	wrdreg s5  }
0xaa: {  	[dreg:$0x4] =	wrdreg $0xC0  }
0xab: {  	_ =	task [dreg:s7], $0x5FFFF  }
0xac: {  	[dreg:$0x1] =	wrdreg $0xFFFFFFFF  }
0xad: {  	[dreg:$0x0] =	wrdreg $0x60  }
0xae: {  	[dreg:$0x2] =	wrdreg s24  }
0xaf: {  	[dreg:$0x3] =	wrdreg s2  }
0xb0: {  	[dreg:$0x4] =	wrdreg $0x140000  }
0xb1: {  	[dreg:$0x5] =	wrdreg $0x9  }
0xb2: {  	_ =	task.clear_ibuf [dreg:s7], $0x6FFFF;
	_ =	strace $0x90000049  }
0xb3: {  	s29 =	simm.s32 $0x9;
	_ =	strace $0x8000004B  }
0xb4: {  	_ =	swait.ge [sflag:s29], $0x1  }
0xb5: {  	[sflag:s29] =	ssyncadd.s32 $0xFFFFFFFF  }
0xb6: {  	_ =	strace $0x9000004B  }
0xb7: {  	_ =	sfence  }
0xb8: {  	s30 =	sld [smem:$0x0];
	_ =	sdelay $0x2  }
0xb9: {  	s31 =	sshll.u32 s1, $0xD;
	s1 =	sshrl.u32 s1, $0x2  }
0xba: {  	s3 =	sand.u32 $0x4000, s31;
	s1 =	sadd.s32 s1, s30  }
0xbb: {  	s0 =	sor.u32 s3, s0;
	s1 =	sshll.u32 s1, $0x11  }
0xbc: {  	s0 =	sor.u32 s1, s0  }
0xbd: {  	s0 =	sadd.s32 $0x8F2B, s0  }
0xbe: {  	[sflag:s0] =	ssyncadd.remote.s32 $0x1  }
0xbf: {  	_ =	sfence.sel $0xFFFF  }
0xc0: {  	[dreg:$0x0] =	wrdreg $0xFFFFFFFF;
	(pc) =	sbr.abs _section_cstart, $3  }
0xc1: {  	[dreg:$0x1] =	wrdreg $0xFFFFFFFF  }
0xc2: {  	_ =	task.clear_ibuf [dreg:s7], $0x2FFFF;
	_ =	strace $0x9FFFFFFF  }
0xc3: {  	(tm) =	ssettm $0x7FFFFFFF  }
tec
execute0_lowered:
.L_overlay_start_1:
0x0: {  	(tag) =	ssettag $0x1  }
0x1: {  	s0 =	rddreg [dreg:$0x0]  }
0x2: {  	s2 =	rddreg [dreg:$0x1]  }
0x3: {  	s1 =	rddreg [dreg:$0x2];
	s3 =	srdreg.scid  }
0x4: {  	s6 =	simm.s32 $0x0;
	s20 =	stileid.u32;
	s11 =	simm.s32 $0x5  }
0x5: {  	s12 =	simm.s32 $0x40;
	s13 =	simm.s32 $0xA000;
	s14 =	simm.s32 $0xB000  }
0x6: {  	s16 =	simm.s32 $0xC000;
	s18 =	simm.s32 $0xD000;
	s28 =	simm.s32 $0x12000  }
0x7: {  	s29 =	simm.s32 $0x13000;
	s30 =	simm.s32 $0x1;
	s31 =	simm.s32 $0x3  }
0x8: {  	s4 =	sand.u32 $0x1, s3;
	[smem:$0x7FF] =	sst s6;
	s7 =	smul.u32 $0xA000, s20  }
0x9: {  	s8 =	smul.u32 $0xA00, s20;
	s26 =	sshll.u32 s20, $0x6;
	s20 =	simm.s32 $0xE000  }
0xa: {  	s5 =	smul.u32 $0xA0000, s4;
	_ =	strace $0x8000004A;
	s4 =	ssub.s32 $0x2, s4  }
0xb: {  	s9 =	sshrl.u32 s4, $0x1;
	s8 =	sadd.s32 s8, s0;
	s24 =	sshrl.u32 s7, $0x3  }
0xc: {  	s10 =	sadd.s32 s7, s1;
	s21 =	sshrl.u32 s5, $0x3;
	s5 =	sadd.s32 s7, s5  }
0xd: {  	s4 =	ssub.s32 s4, s9;
	s22 =	sadd.s32 $0xC00, s8;
	s23 =	sadd.s32 $0xAC00, s8  }
0xe: {  	s2 =	sadd.s32 s2, s24;
	s24 =	simm.s32 $0xF000;
	[dreg:$0x4] =	wrdreg s22  }
0xf: {  	s6 =	sadd.s32 s21, s0;
	s5 =	sshrl.u32 s5, $0x3;
	[dreg:$0x5] =	wrdreg s23  }
0x10: {  	[dreg:$0x6] =	wrdreg s2;
	s25 =	smax.u32 s4, $0x1;
	s21 =	sor.u32 $0x1C06, s26  }
0x11: {  	s22 =	sshrl.u32 s10, $0x3;
	s23 =	simm.s32 $0x6;
	s26 =	simm.s32 $0x11000  }
0x12: {  	s2 =	simm.s32 $0x4;
	s10 =	simm.s32 $0x0;
	s0 =	sadd.s32 s5, s0  }
0x13: {  	s6 =	sadd.s32 $0x14C00, s6;
	[dreg:$0x8] =	wrdreg s25;
	s0 =	sadd.s32 $0x3CC00, s0  }
0x14: {  	s25 =	simm.s32 $0x10000;
	[dreg:$0x7] =	wrdreg s0;
	s0 =	simm.s32 $0x2  }
.LBB2_1:
0x15: {  	s3 =	simm.s32 $0x0;
	s4 =	rddreg [dreg:$0x4]  }
0x16: {  	[tilespmem:s3], [sflag:$0x5] =	stream.linear.gather [hbm4b:s4+s3], $0x5000, $0x38;
	[tilespmem:$0x1E000] =	vst v63  }
0x17: {  	s15 =	rddreg [dreg:$0x5];
	s5 =	simm.s32 $0x5000  }
0x18: {  	[tilespmem:s5], [sflag:$0x5] =	stream.linear.gather [hbm4b:s15+s3], $0x5000, $0x38;
	[tilespmem:$0x1E000] =	vst v63  }
0x19: {  	_ =	swait.ge [sflag:s11], $0x5000  }
0x1a: {  	[sflag:s11] =	ssyncset.done $0x0  }
0x1b: {  	[sflag:s11] =	ssyncadd.s32 $0xFFFFB000  }
0x1c: {  	_ =	swait.ge [sflag:s11], $0x5000  }
0x1d: {  	[sflag:s11] =	ssyncset.done $0x0  }
0x1e: {  	[sflag:s11] =	ssyncadd.s32 $0xFFFFB000  }
0x1f: {  	[tilespmem:s13], [sflag:$0x1] =	stream.indirect.gather [hbm4b:s6+s12], $0x40, s3, s12, $0xb8;
	[tilespmem:$0x1E000] =	vst v63  }
0x20: {  	_ = 	snop  }
0x21: {  	[tilespmem:s14], [sflag:$0x1] =	stream.indirect.gather [hbm4b:s6+s12], $0x40, s12, s12, $0xb8;
	[tilespmem:$0x1E000] =	vst v63  }
0x22: {  	s17 =	simm.s32 $0x80  }
0x23: {  	[tilespmem:s16], [sflag:$0x1] =	stream.indirect.gather [hbm4b:s6+s12], $0x40, s17, s12, $0xb8;
	[tilespmem:$0x1E000] =	vst v63  }
0x24: {  	s19 =	simm.s32 $0xC0  }
0x25: {  	[tilespmem:s18], [sflag:$0x1] =	stream.indirect.gather [hbm4b:s6+s12], $0x40, s19, s12, $0xb8;
	[tilespmem:$0x1E000] =	vst v63  }
0x26: {  	s4 =	simm.s32 $0x100;
	s5 =	rddreg [dreg:$0x6]  }
0x27: {  	[tilespmem:s20], [sflag:$0x1] =	stream.indirect.gather [hbm4b:s6+s12], $0x40, s4, s12, $0xb8;
	[tilespmem:$0x1E000] =	vst v63  }
0x28: {  	[spmem:s22], [sflag:s21] =	dma.local [hbm:s5], $0x1400  }
0x29: {  	_ =	swait.ge [sflag:s23], $0x1400  }
0x2a: {  	p0 =	por $0x1, $0x1;
	[sflag:s23] =	ssyncset.done $0x0  }
0x2b: {  	p0 =	por p0, p0;
	[sflag:s23] =	ssyncadd.s32 $0xFFFFEC00  }
0x2c: {  	s4 =	simm.s32 @!p0 $0x4;
	[bflag:$0x0] =	sbarrier.arrive $0xFFFF  }
0x2d: {  	_ =	swait.ge @!p0 [sflag:s4], $0x1000  }
0x2e: {  	[sflag:s4] =	ssyncset.done @!p0 $0x0  }
0x2f: {  	[sflag:s4] =	ssyncadd.s32 @!p0 $0xFFFFF000  }
0x30: {  	_ =	swait.ge @!p0 [sflag:s4], $0x1000  }
0x31: {  	[sflag:s4] =	ssyncset.done @!p0 $0x0  }
0x32: {  	[sflag:s4] =	ssyncadd.s32 @!p0 $0xFFFFF000  }
0x33: {  	_ =	swait.ge @!p0 [sflag:s4], $0x1000  }
0x34: {  	[sflag:s4] =	ssyncset.done @!p0 $0x0  }
0x35: {  	[sflag:s4] =	ssyncadd.s32 @!p0 $0xFFFFF000  }
0x36: {  	_ =	swait.ge @!p0 [sflag:s4], $0x1000  }
0x37: {  	[sflag:s4] =	ssyncset.done @!p0 $0x0  }
0x38: {  	[sflag:s4] =	ssyncadd.s32 @!p0 $0xFFFFF000  }
0x39: {  	_ =	swait.ge @!p0 [sflag:s4], $0x1000  }
0x3a: {  	[sflag:s4] =	ssyncset.done @!p0 $0x0  }
0x3b: {  	s7 =	simm.s32 $0x140;
	[sflag:s4] =	ssyncadd.s32 @!p0 $0xFFFFF000  }
0x3c: {  	[tilespmem:s24], [sflag:$0x2] =	stream.indirect.gather [hbm4b:s6+s12], $0x40, s7, s12, $0xb8;
	[tilespmem:$0x1E000] =	vst v63  }
0x3d: {  	s8 =	simm.s32 $0x180  }
0x3e: {  	[tilespmem:s25], [sflag:$0x2] =	stream.indirect.gather [hbm4b:s6+s12], $0x40, s8, s12, $0xb8;
	[tilespmem:$0x1E000] =	vst v63  }
0x3f: {  	s9 =	simm.s32 $0x1C0  }
0x40: {  	[tilespmem:s26], [sflag:$0x2] =	stream.indirect.gather [hbm4b:s6+s12], $0x40, s9, s12, $0xb8;
	[tilespmem:$0x1E000] =	vst v63  }
0x41: {  	s15 =	simm.s32 $0x200  }
0x42: {  	[tilespmem:s28], [sflag:$0x2] =	stream.indirect.gather [hbm4b:s6+s12], $0x40, s15, s12, $0xb8;
	[tilespmem:$0x1E000] =	vst v63  }
0x43: {  	s17 =	simm.s32 $0x240  }
0x44: {  	[tilespmem:s29], [sflag:$0x2] =	stream.indirect.gather [hbm4b:s6+s12], $0x40, s17, s12, $0xb8;
	[tilespmem:$0x1E000] =	vst v63  }
0x45: {  	_ =	swait.ge [sflag:s30], $0x1000  }
0x46: {  	[sflag:s30] =	ssyncset.done $0x0  }
0x47: {  	[sflag:s30] =	ssyncadd.s32 $0xFFFFF000  }
0x48: {  	_ =	swait.ge [sflag:s30], $0x1000  }
0x49: {  	[sflag:s30] =	ssyncset.done $0x0  }
0x4a: {  	[sflag:s30] =	ssyncadd.s32 $0xFFFFF000  }
0x4b: {  	_ =	swait.ge [sflag:s30], $0x1000  }
0x4c: {  	[sflag:s30] =	ssyncset.done $0x0  }
0x4d: {  	[sflag:s30] =	ssyncadd.s32 $0xFFFFF000  }
0x4e: {  	_ =	swait.ge [sflag:s30], $0x1000  }
0x4f: {  	[sflag:s30] =	ssyncset.done $0x0  }
0x50: {  	[sflag:s30] =	ssyncadd.s32 $0xFFFFF000  }
0x51: {  	_ =	swait.ge [sflag:s30], $0x1000  }
0x52: {  	[sflag:s30] =	ssyncset.done $0x0  }
0x53: {  	s19 =	simm.s32 $0x5000;
	[sflag:s30] =	ssyncadd.s32 $0xFFFFF000  }
0x54: {  	[spmem:s1] =	stream.indirect.scatter.add.f32 [tilespmem:s13], [sflag:$0x3], $0x40, s19, s12, $0xb8;
	[tilespmem:$0x1E000] =	vst v63  }
0x55: {  	s3 =	simm.s32 $0x5040  }
0x56: {  	[spmem:s1] =	stream.indirect.scatter.add.f32 [tilespmem:s14], [sflag:$0x3], $0x40, s3, s12, $0xb8;
	[tilespmem:$0x1E000] =	vst v63  }
0x57: {  	s5 =	simm.s32 $0x5080  }
0x58: {  	[spmem:s1] =	stream.indirect.scatter.add.f32 [tilespmem:s16], [sflag:$0x3], $0x40, s5, s12, $0xb8;
	[tilespmem:$0x1E000] =	vst v63  }
0x59: {  	s7 =	simm.s32 $0x50C0  }
0x5a: {  	[spmem:s1] =	stream.indirect.scatter.add.f32 [tilespmem:s18], [sflag:$0x3], $0x40, s7, s12, $0xb8;
	[tilespmem:$0x1E000] =	vst v63  }
0x5b: {  	s8 =	simm.s32 $0x5100  }
0x5c: {  	[spmem:s1] =	stream.indirect.scatter.add.f32 [tilespmem:s20], [sflag:$0x3], $0x40, s8, s12, $0xb8;
	[tilespmem:$0x1E000] =	vst v63  }
0x5d: {  	_ =	swait.ge [sflag:s31], $0x1000  }
0x5e: {  	[sflag:s31] =	ssyncset.done $0x0  }
0x5f: {  	[sflag:s31] =	ssyncadd.s32 $0xFFFFF000  }
0x60: {  	_ =	swait.ge [sflag:s31], $0x1000  }
0x61: {  	[sflag:s31] =	ssyncset.done $0x0  }
0x62: {  	[sflag:s31] =	ssyncadd.s32 $0xFFFFF000  }
0x63: {  	_ =	swait.ge [sflag:s31], $0x1000  }
0x64: {  	[sflag:s31] =	ssyncset.done $0x0  }
0x65: {  	[sflag:s31] =	ssyncadd.s32 $0xFFFFF000  }
0x66: {  	_ =	swait.ge [sflag:s31], $0x1000  }
0x67: {  	[sflag:s31] =	ssyncset.done $0x0  }
0x68: {  	[sflag:s31] =	ssyncadd.s32 $0xFFFFF000  }
0x69: {  	p0 =	por $0x0, $0x0;
	_ =	swait.ge [sflag:s31], $0x1000  }
0x6a: {  	s4 =	simm.s32 @!p0 $0xA000;
	[sflag:s31] =	ssyncset.done $0x0  }
0x6b: {  	s15 =	simm.s32 @!p0 $0x280;
	s17 =	simm.s32 @!p0 $0x40;
	[sflag:s31] =	ssyncadd.s32 $0xFFFFF000  }
0x6c: {  	[tilespmem:s4], [sflag:$0x1] =	stream.indirect.gather @!p0 [hbm4b:s6+s17], $0x40, s15, s17, $0xb8;
	[tilespmem:$0x1E000] =	vst v63  }
0x6d: {  	s4 =	simm.s32 @!p0 $0x2C0;
	s15 =	simm.s32 @!p0 $0xB000  }
0x6e: {  	[tilespmem:s15], [sflag:$0x1] =	stream.indirect.gather @!p0 [hbm4b:s6+s17], $0x40, s4, s17, $0xb8;
	[tilespmem:$0x1E000] =	vst v63  }
0x6f: {  	s4 =	simm.s32 @!p0 $0x300;
	s15 =	simm.s32 @!p0 $0xC000  }
0x70: {  	[tilespmem:s15], [sflag:$0x1] =	stream.indirect.gather @!p0 [hbm4b:s6+s17], $0x40, s4, s17, $0xb8;
	[tilespmem:$0x1E000] =	vst v63  }
0x71: {  	s4 =	simm.s32 @!p0 $0x340;
	s15 =	simm.s32 @!p0 $0xD000  }
0x72: {  	[tilespmem:s15], [sflag:$0x1] =	stream.indirect.gather @!p0 [hbm4b:s6+s17], $0x40, s4, s17, $0xb8;
	[tilespmem:$0x1E000] =	vst v63  }
0x73: {  	s4 =	simm.s32 @!p0 $0x380;
	s15 =	simm.s32 @!p0 $0xE000  }
0x74: {  	[tilespmem:s15], [sflag:$0x1] =	stream.indirect.gather @!p0 [hbm4b:s6+s17], $0x40, s4, s17, $0xb8;
	[tilespmem:$0x1E000] =	vst v63  }
0x75: {  	_ =	swait.ge [sflag:s0], $0x1000  }
0x76: {  	[sflag:s0] =	ssyncset.done $0x0  }
0x77: {  	[sflag:s0] =	ssyncadd.s32 $0xFFFFF000  }
0x78: {  	_ =	swait.ge [sflag:s0], $0x1000  }
0x79: {  	[sflag:s0] =	ssyncset.done $0x0  }
0x7a: {  	[sflag:s0] =	ssyncadd.s32 $0xFFFFF000  }
0x7b: {  	_ =	swait.ge [sflag:s0], $0x1000  }
0x7c: {  	[sflag:s0] =	ssyncset.done $0x0  }
0x7d: {  	[sflag:s0] =	ssyncadd.s32 $0xFFFFF000  }
0x7e: {  	_ =	swait.ge [sflag:s0], $0x1000  }
0x7f: {  	[sflag:s0] =	ssyncset.done $0x0  }
0x80: {  	[sflag:s0] =	ssyncadd.s32 $0xFFFFF000  }
0x81: {  	_ =	swait.ge [sflag:s0], $0x1000  }
0x82: {  	[sflag:s0] =	ssyncset.done $0x0  }
0x83: {  	s9 =	simm.s32 $0x5140;
	[sflag:s0] =	ssyncadd.s32 $0xFFFFF000  }
0x84: {  	[spmem:s1] =	stream.indirect.scatter.add.f32 [tilespmem:s24], [sflag:$0x4], $0x40, s9, s12, $0xb8;
	[tilespmem:$0x1E000] =	vst v63  }
0x85: {  	p6 =	por $0x0, $0x0;
	s15 =	simm.s32 $0x5180  }
0x86: {  	[spmem:s1] =	stream.indirect.scatter.add.f32 [tilespmem:s25], [sflag:$0x4], $0x40, s15, s12, $0xb8;
	[tilespmem:$0x1E000] =	vst v63  }
0x87: {  	s19 =	simm.s32 $0x5200;
	s17 =	simm.s32 $0x51C0;
	p0 =	por p6, p6  }
0x88: {  	[spmem:s1] =	stream.indirect.scatter.add.f32 [tilespmem:s26], [sflag:$0x4], $0x40, s17, s12, $0xb8;
	[tilespmem:$0x1E000] =	vst v63  }
0x89: {  	s4 =	simm.s32 $0x5240;
	s15 =	simm.s32 $0xA00;
	s17 =	simm.s32 $0x1400  }
0x8a: {  	[spmem:s1] =	stream.indirect.scatter.add.f32 [tilespmem:s28], [sflag:$0x4], $0x40, s19, s12, $0xb8;
	[tilespmem:$0x1E000] =	vst v63  }
.LBB2_2:
0x8b: {  	[spmem:s1] =	stream.indirect.scatter.add.f32 [tilespmem:s29], [sflag:$0x4], $0x40, s4, s12, $0xb8;
	[tilespmem:$0x1E000] =	vst v63  }
0x8c: {  	s4 =	smov.u32 s17  }
0x8d: {  	s17 =	sadd.s32 $0xA00, s17;
	s5 =	simm.s32 @!p0 $0x4;
	p2 =	seq.s32 s4, $0x0  }
0x8e: {  	p1 =	sne.s32 s17, $0x14000;
	_ =	swait.ge @!p0 [sflag:s5], $0x1000  }
0x8f: {  	[sflag:s5] =	ssyncset.done @!p0 $0x0  }
0x90: {  	[sflag:s5] =	ssyncadd.s32 @!p0 $0xFFFFF000  }
0x91: {  	_ =	swait.ge @!p0 [sflag:s5], $0x1000  }
0x92: {  	[sflag:s5] =	ssyncset.done @!p0 $0x0  }
0x93: {  	[sflag:s5] =	ssyncadd.s32 @!p0 $0xFFFFF000  }
0x94: {  	_ =	swait.ge @!p0 [sflag:s5], $0x1000  }
0x95: {  	[sflag:s5] =	ssyncset.done @!p0 $0x0  }
0x96: {  	[sflag:s5] =	ssyncadd.s32 @!p0 $0xFFFFF000  }
0x97: {  	_ =	swait.ge @!p0 [sflag:s5], $0x1000  }
0x98: {  	[sflag:s5] =	ssyncset.done @!p0 $0x0  }
0x99: {  	[sflag:s5] =	ssyncadd.s32 @!p0 $0xFFFFF000  }
0x9a: {  	_ =	swait.ge @!p0 [sflag:s5], $0x1000  }
0x9b: {  	s19 =	sshra.s32 s15, $0x2;
	[sflag:s5] =	ssyncset.done @!p0 $0x0  }
0x9c: {  	[sflag:s5] =	ssyncadd.s32 @!p0 $0xFFFFF000;
	s5 =	sadd.s32 $0x140, s19;
	p0 =	por p2, p2  }
0x9d: {  	[tilespmem:s24], [sflag:$0x2] =	stream.indirect.gather [hbm4b:s6+s12], $0x40, s5, s12, $0xb8;
	[tilespmem:$0x1E000] =	vst v63  }
0x9e: {  	s5 =	sadd.s32 $0x180, s19  }
0x9f: {  	[tilespmem:s25], [sflag:$0x2] =	stream.indirect.gather [hbm4b:s6+s12], $0x40, s5, s12, $0xb8;
	[tilespmem:$0x1E000] =	vst v63  }
0xa0: {  	s5 =	sadd.s32 $0x1C0, s19  }
0xa1: {  	[tilespmem:s26], [sflag:$0x2] =	stream.indirect.gather [hbm4b:s6+s12], $0x40, s5, s12, $0xb8;
	[tilespmem:$0x1E000] =	vst v63  }
0xa2: {  	s5 =	sadd.s32 $0x200, s19  }
0xa3: {  	[tilespmem:s28], [sflag:$0x2] =	stream.indirect.gather [hbm4b:s6+s12], $0x40, s5, s12, $0xb8;
	[tilespmem:$0x1E000] =	vst v63  }
0xa4: {  	s5 =	sadd.s32 $0x240, s19  }
0xa5: {  	[tilespmem:s29], [sflag:$0x2] =	stream.indirect.gather [hbm4b:s6+s12], $0x40, s5, s12, $0xb8;
	[tilespmem:$0x1E000] =	vst v63  }
0xa6: {  	_ =	swait.ge [sflag:s30], $0x1000  }
0xa7: {  	[sflag:s30] =	ssyncset.done $0x0  }
0xa8: {  	[sflag:s30] =	ssyncadd.s32 $0xFFFFF000  }
0xa9: {  	_ =	swait.ge [sflag:s30], $0x1000  }
0xaa: {  	[sflag:s30] =	ssyncset.done $0x0  }
0xab: {  	[sflag:s30] =	ssyncadd.s32 $0xFFFFF000  }
0xac: {  	_ =	swait.ge [sflag:s30], $0x1000  }
0xad: {  	[sflag:s30] =	ssyncset.done $0x0  }
0xae: {  	[sflag:s30] =	ssyncadd.s32 $0xFFFFF000  }
0xaf: {  	_ =	swait.ge [sflag:s30], $0x1000  }
0xb0: {  	[sflag:s30] =	ssyncset.done $0x0  }
0xb1: {  	[sflag:s30] =	ssyncadd.s32 $0xFFFFF000  }
0xb2: {  	_ =	swait.ge [sflag:s30], $0x1000  }
0xb3: {  	[sflag:s30] =	ssyncset.done $0x0  }
0xb4: {  	s5 =	sadd.s32 $0x5000, s19;
	[sflag:s30] =	ssyncadd.s32 $0xFFFFF000  }
0xb5: {  	[spmem:s1] =	stream.indirect.scatter.add.f32 [tilespmem:s13], [sflag:$0x3], $0x40, s5, s12, $0xb8;
	[tilespmem:$0x1E000] =	vst v63  }
0xb6: {  	s5 =	sadd.s32 $0x5040, s19  }
0xb7: {  	[spmem:s1] =	stream.indirect.scatter.add.f32 [tilespmem:s14], [sflag:$0x3], $0x40, s5, s12, $0xb8;
	[tilespmem:$0x1E000] =	vst v63  }
0xb8: {  	s5 =	sadd.s32 $0x5080, s19  }
0xb9: {  	[spmem:s1] =	stream.indirect.scatter.add.f32 [tilespmem:s16], [sflag:$0x3], $0x40, s5, s12, $0xb8;
	[tilespmem:$0x1E000] =	vst v63  }
0xba: {  	s5 =	sadd.s32 $0x50C0, s19  }
0xbb: {  	[spmem:s1] =	stream.indirect.scatter.add.f32 [tilespmem:s18], [sflag:$0x3], $0x40, s5, s12, $0xb8;
	[tilespmem:$0x1E000] =	vst v63  }
0xbc: {  	s5 =	sadd.s32 $0x5100, s19  }
0xbd: {  	[spmem:s1] =	stream.indirect.scatter.add.f32 [tilespmem:s20], [sflag:$0x3], $0x40, s5, s12, $0xb8;
	[tilespmem:$0x1E000] =	vst v63  }
0xbe: {  	_ =	swait.ge [sflag:s31], $0x1000  }
0xbf: {  	[sflag:s31] =	ssyncset.done $0x0  }
0xc0: {  	[sflag:s31] =	ssyncadd.s32 $0xFFFFF000  }
0xc1: {  	_ =	swait.ge [sflag:s31], $0x1000  }
0xc2: {  	[sflag:s31] =	ssyncset.done $0x0  }
0xc3: {  	[sflag:s31] =	ssyncadd.s32 $0xFFFFF000  }
0xc4: {  	_ =	swait.ge [sflag:s31], $0x1000  }
0xc5: {  	[sflag:s31] =	ssyncset.done $0x0  }
0xc6: {  	[sflag:s31] =	ssyncadd.s32 $0xFFFFF000  }
0xc7: {  	_ =	swait.ge [sflag:s31], $0x1000  }
0xc8: {  	[sflag:s31] =	ssyncset.done $0x0  }
0xc9: {  	[sflag:s31] =	ssyncadd.s32 $0xFFFFF000  }
0xca: {  	p2 =	seq.s32 s15, $0x13600;
	_ =	swait.ge [sflag:s31], $0x1000  }
0xcb: {  	s5 =	sshra.s32 @!p2 s15, $0x2;
	s15 =	simm.s32 @!p2 $0xA000;
	[sflag:s31] =	ssyncset.done $0x0  }
0xcc: {  	s8 =	simm.s32 @!p2 $0x40;
	s7 =	sadd.s32 @!p2 $0x280, s5;
	[sflag:s31] =	ssyncadd.s32 $0xFFFFF000  }
0xcd: {  	[tilespmem:s15], [sflag:$0x1] =	stream.indirect.gather @!p2 [hbm4b:s6+s8], $0x40, s7, s8, $0xb8;
	[tilespmem:$0x1E000] =	vst v63  }
0xce: {  	s9 =	sadd.s32 @!p2 $0x300, s5;
	s7 =	sadd.s32 @!p2 $0x2C0, s5;
	s15 =	simm.s32 @!p2 $0xB000  }
0xcf: {  	[tilespmem:s15], [sflag:$0x1] =	stream.indirect.gather @!p2 [hbm4b:s6+s8], $0x40, s7, s8, $0xb8;
	[tilespmem:$0x1E000] =	vst v63  }
0xd0: {  	s3 =	sadd.s32 @!p2 $0x340, s5;
	s5 =	sadd.s32 @!p2 $0x380, s5;
	s7 =	simm.s32 @!p2 $0xC000  }
0xd1: {  	[tilespmem:s7], [sflag:$0x1] =	stream.indirect.gather @!p2 [hbm4b:s6+s8], $0x40, s9, s8, $0xb8;
	[tilespmem:$0x1E000] =	vst v63  }
0xd2: {  	s15 =	smov.u32 s4;
	s7 =	simm.s32 @!p2 $0xD000  }
0xd3: {  	[tilespmem:s7], [sflag:$0x1] =	stream.indirect.gather @!p2 [hbm4b:s6+s8], $0x40, s3, s8, $0xb8;
	[tilespmem:$0x1E000] =	vst v63  }
0xd4: {  	s3 =	simm.s32 @!p2 $0xE000  }
0xd5: {  	[tilespmem:s3], [sflag:$0x1] =	stream.indirect.gather @!p2 [hbm4b:s6+s8], $0x40, s5, s8, $0xb8;
	[tilespmem:$0x1E000] =	vst v63  }
0xd6: {  	_ =	swait.ge [sflag:s0], $0x1000  }
0xd7: {  	[sflag:s0] =	ssyncset.done $0x0  }
0xd8: {  	[sflag:s0] =	ssyncadd.s32 $0xFFFFF000  }
0xd9: {  	_ =	swait.ge [sflag:s0], $0x1000  }
0xda: {  	[sflag:s0] =	ssyncset.done $0x0  }
0xdb: {  	[sflag:s0] =	ssyncadd.s32 $0xFFFFF000  }
0xdc: {  	_ =	swait.ge [sflag:s0], $0x1000  }
0xdd: {  	[sflag:s0] =	ssyncset.done $0x0  }
0xde: {  	[sflag:s0] =	ssyncadd.s32 $0xFFFFF000  }
0xdf: {  	_ =	swait.ge [sflag:s0], $0x1000  }
0xe0: {  	[sflag:s0] =	ssyncset.done $0x0  }
0xe1: {  	[sflag:s0] =	ssyncadd.s32 $0xFFFFF000  }
0xe2: {  	_ =	swait.ge [sflag:s0], $0x1000  }
0xe3: {  	[sflag:s0] =	ssyncset.done $0x0  }
0xe4: {  	s3 =	sadd.s32 $0x5140, s19;
	[sflag:s0] =	ssyncadd.s32 $0xFFFFF000  }
0xe5: {  	[spmem:s1] =	stream.indirect.scatter.add.f32 [tilespmem:s24], [sflag:$0x4], $0x40, s3, s12, $0xb8;
	[tilespmem:$0x1E000] =	vst v63  }
0xe6: {  	s3 =	sadd.s32 $0x5180, s19  }
0xe7: {  	[spmem:s1] =	stream.indirect.scatter.add.f32 [tilespmem:s25], [sflag:$0x4], $0x40, s3, s12, $0xb8;
	[tilespmem:$0x1E000] =	vst v63  }
.Ltmp0:
0xe8: {  	s3 =	sadd.s32 $0x51C0, s19;
	(pc) =	sbr.rel @p1 .LBB2_2-.Ltmp0, $4  }
0xe9: {  	[spmem:s1] =	stream.indirect.scatter.add.f32 [tilespmem:s26], [sflag:$0x4], $0x40, s3, s12, $0xb8;
	[tilespmem:$0x1E000] =	vst v63  }
0xea: {  	s3 =	sadd.s32 $0x5200, s19  }
0xeb: {  	[spmem:s1] =	stream.indirect.scatter.add.f32 [tilespmem:s28], [sflag:$0x4], $0x40, s3, s12, $0xb8;
	[tilespmem:$0x1E000] =	vst v63  }
0xec: {  	s4 =	sadd.s32 $0x5240, s19  }
0xed: {  	[spmem:s1] =	stream.indirect.scatter.add.f32 [tilespmem:s29], [sflag:$0x4], $0x40, s4, s12, $0xb8;
	[tilespmem:$0x1E000] =	vst v63  }
0xee: {  	s3 =	simm.s32 @!p0 $0x4  }
0xef: {  	_ =	swait.ge @!p0 [sflag:s3], $0x1000  }
0xf0: {  	[sflag:s3] =	ssyncset.done @!p0 $0x0  }
0xf1: {  	[sflag:s3] =	ssyncadd.s32 @!p0 $0xFFFFF000  }
0xf2: {  	_ =	swait.ge @!p0 [sflag:s3], $0x1000  }
0xf3: {  	[sflag:s3] =	ssyncset.done @!p0 $0x0  }
0xf4: {  	[sflag:s3] =	ssyncadd.s32 @!p0 $0xFFFFF000  }
0xf5: {  	_ =	swait.ge @!p0 [sflag:s3], $0x1000  }
0xf6: {  	[sflag:s3] =	ssyncset.done @!p0 $0x0  }
0xf7: {  	[sflag:s3] =	ssyncadd.s32 @!p0 $0xFFFFF000  }
0xf8: {  	_ =	swait.ge @!p0 [sflag:s3], $0x1000  }
0xf9: {  	[sflag:s3] =	ssyncset.done @!p0 $0x0  }
0xfa: {  	[sflag:s3] =	ssyncadd.s32 @!p0 $0xFFFFF000  }
0xfb: {  	_ =	swait.ge @!p0 [sflag:s3], $0x1000  }
0xfc: {  	s4 =	sshra.s32 s15, $0x2;
	[sflag:s3] =	ssyncset.done @!p0 $0x0  }
0xfd: {  	s8 =	sadd.s32 $0x140, s4;
	[sflag:s3] =	ssyncadd.s32 @!p0 $0xFFFFF000  }
0xfe: {  	[tilespmem:s24], [sflag:$0x2] =	stream.indirect.gather [hbm4b:s6+s12], $0x40, s8, s12, $0xb8;
	[tilespmem:$0x1E000] =	vst v63  }
0xff: {  	s9 =	sadd.s32 $0x180, s4  }
0x100: {  	[tilespmem:s25], [sflag:$0x2] =	stream.indirect.gather [hbm4b:s6+s12], $0x40, s9, s12, $0xb8;
	[tilespmem:$0x1E000] =	vst v63  }
0x101: {  	s17 =	sadd.s32 $0x1C0, s4  }
0x102: {  	[tilespmem:s26], [sflag:$0x2] =	stream.indirect.gather [hbm4b:s6+s12], $0x40, s17, s12, $0xb8;
	[tilespmem:$0x1E000] =	vst v63  }
0x103: {  	s19 =	sadd.s32 $0x200, s4  }
0x104: {  	[tilespmem:s28], [sflag:$0x2] =	stream.indirect.gather [hbm4b:s6+s12], $0x40, s19, s12, $0xb8;
	[tilespmem:$0x1E000] =	vst v63  }
0x105: {  	s5 =	sadd.s32 $0x240, s4  }
0x106: {  	[tilespmem:s29], [sflag:$0x2] =	stream.indirect.gather [hbm4b:s6+s12], $0x40, s5, s12, $0xb8;
	[tilespmem:$0x1E000] =	vst v63  }
0x107: {  	_ =	swait.ge [sflag:s30], $0x1000  }
0x108: {  	[sflag:s30] =	ssyncset.done $0x0  }
0x109: {  	[sflag:s30] =	ssyncadd.s32 $0xFFFFF000  }
0x10a: {  	_ =	swait.ge [sflag:s30], $0x1000  }
0x10b: {  	[sflag:s30] =	ssyncset.done $0x0  }
0x10c: {  	[sflag:s30] =	ssyncadd.s32 $0xFFFFF000  }
0x10d: {  	_ =	swait.ge [sflag:s30], $0x1000  }
0x10e: {  	[sflag:s30] =	ssyncset.done $0x0  }
0x10f: {  	[sflag:s30] =	ssyncadd.s32 $0xFFFFF000  }
0x110: {  	_ =	swait.ge [sflag:s30], $0x1000  }
0x111: {  	[sflag:s30] =	ssyncset.done $0x0  }
0x112: {  	[sflag:s30] =	ssyncadd.s32 $0xFFFFF000  }
0x113: {  	_ =	swait.ge [sflag:s30], $0x1000  }
0x114: {  	[sflag:s30] =	ssyncset.done $0x0  }
0x115: {  	s7 =	sadd.s32 $0x5000, s4;
	[sflag:s30] =	ssyncadd.s32 $0xFFFFF000  }
0x116: {  	[spmem:s1] =	stream.indirect.scatter.add.f32 [tilespmem:s13], [sflag:$0x3], $0x40, s7, s12, $0xb8;
	[tilespmem:$0x1E000] =	vst v63  }
0x117: {  	s8 =	sadd.s32 $0x5040, s4  }
0x118: {  	[spmem:s1] =	stream.indirect.scatter.add.f32 [tilespmem:s14], [sflag:$0x3], $0x40, s8, s12, $0xb8;
	[tilespmem:$0x1E000] =	vst v63  }
0x119: {  	s9 =	sadd.s32 $0x5080, s4  }
0x11a: {  	[spmem:s1] =	stream.indirect.scatter.add.f32 [tilespmem:s16], [sflag:$0x3], $0x40, s9, s12, $0xb8;
	[tilespmem:$0x1E000] =	vst v63  }
0x11b: {  	s17 =	sadd.s32 $0x50C0, s4  }
0x11c: {  	[spmem:s1] =	stream.indirect.scatter.add.f32 [tilespmem:s18], [sflag:$0x3], $0x40, s17, s12, $0xb8;
	[tilespmem:$0x1E000] =	vst v63  }
0x11d: {  	s19 =	sadd.s32 $0x5100, s4  }
0x11e: {  	[spmem:s1] =	stream.indirect.scatter.add.f32 [tilespmem:s20], [sflag:$0x3], $0x40, s19, s12, $0xb8;
	[tilespmem:$0x1E000] =	vst v63  }
0x11f: {  	_ =	swait.ge [sflag:s31], $0x1000  }
0x120: {  	[sflag:s31] =	ssyncset.done $0x0  }
0x121: {  	[sflag:s31] =	ssyncadd.s32 $0xFFFFF000  }
0x122: {  	_ =	swait.ge [sflag:s31], $0x1000  }
0x123: {  	[sflag:s31] =	ssyncset.done $0x0  }
0x124: {  	[sflag:s31] =	ssyncadd.s32 $0xFFFFF000  }
0x125: {  	_ =	swait.ge [sflag:s31], $0x1000  }
0x126: {  	[sflag:s31] =	ssyncset.done $0x0  }
0x127: {  	[sflag:s31] =	ssyncadd.s32 $0xFFFFF000  }
0x128: {  	_ =	swait.ge [sflag:s31], $0x1000  }
0x129: {  	[sflag:s31] =	ssyncset.done $0x0  }
0x12a: {  	[sflag:s31] =	ssyncadd.s32 $0xFFFFF000  }
0x12b: {  	p0 =	seq.s32 s15, $0x13600;
	_ =	swait.ge [sflag:s31], $0x1000  }
0x12c: {  	s3 =	sshra.s32 @!p0 s15, $0x2;
	s5 =	simm.s32 @!p0 $0xA000;
	[sflag:s31] =	ssyncset.done $0x0  }
0x12d: {  	s7 =	sadd.s32 @!p0 $0x280, s3;
	s8 =	simm.s32 @!p0 $0x40;
	[sflag:s31] =	ssyncadd.s32 $0xFFFFF000  }
0x12e: {  	[tilespmem:s5], [sflag:$0x1] =	stream.indirect.gather @!p0 [hbm4b:s6+s8], $0x40, s7, s8, $0xb8;
	[tilespmem:$0x1E000] =	vst v63  }
0x12f: {  	s5 =	sadd.s32 @!p0 $0x2C0, s3;
	s7 =	simm.s32 @!p0 $0xB000  }
0x130: {  	[tilespmem:s7], [sflag:$0x1] =	stream.indirect.gather @!p0 [hbm4b:s6+s8], $0x40, s5, s8, $0xb8;
	[tilespmem:$0x1E000] =	vst v63  }
0x131: {  	s5 =	sadd.s32 @!p0 $0x300, s3;
	s7 =	simm.s32 @!p0 $0xC000  }
0x132: {  	[tilespmem:s7], [sflag:$0x1] =	stream.indirect.gather @!p0 [hbm4b:s6+s8], $0x40, s5, s8, $0xb8;
	[tilespmem:$0x1E000] =	vst v63  }
0x133: {  	s5 =	sadd.s32 @!p0 $0x340, s3;
	s7 =	simm.s32 @!p0 $0xD000  }
0x134: {  	[tilespmem:s7], [sflag:$0x1] =	stream.indirect.gather @!p0 [hbm4b:s6+s8], $0x40, s5, s8, $0xb8;
	[tilespmem:$0x1E000] =	vst v63  }
0x135: {  	s3 =	sadd.s32 @!p0 $0x380, s3;
	s5 =	simm.s32 @!p0 $0xE000  }
0x136: {  	[tilespmem:s5], [sflag:$0x1] =	stream.indirect.gather @!p0 [hbm4b:s6+s8], $0x40, s3, s8, $0xb8;
	[tilespmem:$0x1E000] =	vst v63  }
0x137: {  	_ =	swait.ge [sflag:s0], $0x1000  }
0x138: {  	[sflag:s0] =	ssyncset.done $0x0  }
0x139: {  	[sflag:s0] =	ssyncadd.s32 $0xFFFFF000  }
0x13a: {  	_ =	swait.ge [sflag:s0], $0x1000  }
0x13b: {  	[sflag:s0] =	ssyncset.done $0x0  }
0x13c: {  	[sflag:s0] =	ssyncadd.s32 $0xFFFFF000  }
0x13d: {  	_ =	swait.ge [sflag:s0], $0x1000  }
0x13e: {  	[sflag:s0] =	ssyncset.done $0x0  }
0x13f: {  	[sflag:s0] =	ssyncadd.s32 $0xFFFFF000  }
0x140: {  	_ =	swait.ge [sflag:s0], $0x1000  }
0x141: {  	[sflag:s0] =	ssyncset.done $0x0  }
0x142: {  	[sflag:s0] =	ssyncadd.s32 $0xFFFFF000  }
0x143: {  	_ =	swait.ge [sflag:s0], $0x1000  }
0x144: {  	[sflag:s0] =	ssyncset.done $0x0  }
0x145: {  	s5 =	sadd.s32 $0x5140, s4;
	[sflag:s0] =	ssyncadd.s32 $0xFFFFF000  }
0x146: {  	[spmem:s1] =	stream.indirect.scatter.add.f32 [tilespmem:s24], [sflag:$0x4], $0x40, s5, s12, $0xb8;
	[tilespmem:$0x1E000] =	vst v63  }
0x147: {  	s7 =	sadd.s32 $0x5180, s4  }
0x148: {  	[spmem:s1] =	stream.indirect.scatter.add.f32 [tilespmem:s25], [sflag:$0x4], $0x40, s7, s12, $0xb8;
	[tilespmem:$0x1E000] =	vst v63  }
0x149: {  	s8 =	sadd.s32 $0x51C0, s4  }
0x14a: {  	[spmem:s1] =	stream.indirect.scatter.add.f32 [tilespmem:s26], [sflag:$0x4], $0x40, s8, s12, $0xb8;
	[tilespmem:$0x1E000] =	vst v63  }
0x14b: {  	s9 =	sadd.s32 $0x5200, s4  }
0x14c: {  	[spmem:s1] =	stream.indirect.scatter.add.f32 [tilespmem:s28], [sflag:$0x4], $0x40, s9, s12, $0xb8;
	[tilespmem:$0x1E000] =	vst v63  }
0x14d: {  	s15 =	sadd.s32 $0x5240, s4  }
0x14e: {  	[spmem:s1] =	stream.indirect.scatter.add.f32 [tilespmem:s29], [sflag:$0x4], $0x40, s15, s12, $0xb8;
	[tilespmem:$0x1E000] =	vst v63  }
0x14f: {  	_ =	swait.ge [sflag:s2], $0x1000  }
0x150: {  	[sflag:s2] =	ssyncset.done $0x0  }
0x151: {  	[sflag:s2] =	ssyncadd.s32 $0xFFFFF000  }
0x152: {  	_ =	swait.ge [sflag:s2], $0x1000  }
0x153: {  	[sflag:s2] =	ssyncset.done $0x0  }
0x154: {  	[sflag:s2] =	ssyncadd.s32 $0xFFFFF000  }
0x155: {  	_ =	swait.ge [sflag:s2], $0x1000  }
0x156: {  	[sflag:s2] =	ssyncset.done $0x0  }
0x157: {  	[sflag:s2] =	ssyncadd.s32 $0xFFFFF000  }
0x158: {  	_ =	swait.ge [sflag:s2], $0x1000  }
0x159: {  	[sflag:s2] =	ssyncset.done $0x0  }
0x15a: {  	[sflag:s2] =	ssyncadd.s32 $0xFFFFF000  }
0x15b: {  	_ =	swait.ge [sflag:s2], $0x1000  }
0x15c: {  	[sflag:s2] =	ssyncset.done $0x0  }
0x15d: {  	[sflag:s2] =	ssyncadd.s32 $0xFFFFF000  }
0x15e: {  	[bflag:$0x0] =	sbarrier.arrive $0xFFFF  }
0x15f: {  	s17 =	rddreg [dreg:$0x7]  }
0x160: {  	[hbm:s17], [sflag:s21] =	dma.local [spmem:s22], $0x1400  }
0x161: {  	_ =	swait.ge [sflag:s23], $0x1400  }
0x162: {  	s10 =	sadd.s32 $0x1, s10;
	s19 =	rddreg [dreg:$0x8]  }
0x163: {  	p0 =	sne.s32 s10, s19  }
.Ltmp1:
0x164: {  	_ = 	snop;
	(pc) =	sbr.rel @p0 .LBB2_1-.Ltmp1, $3  }
0x165: {  	_ =	sdelay $0x1  }
0x166: {  	[sflag:s23] =	ssyncset.done $0x0  }
0x167: {  	[sflag:s23] =	ssyncadd.s32 $0xFFFFEC00  }
0x168: {  	_ =	sfence.sel $0x180000  }
0x169: {  	[bflag:$0x0] =	sbarrier.arrive $0xFFFF  }
0x16a: {  	_ =	strace $0x9000004A  }
0x16b: {  	s0 =	stileid.u32;
	[bflag:$0x2] =	sbarrier.arrive $0xFFFF  }
0x16c: {  	p0 =	sne.s32 s0, $0x0;
	s0 =	rddreg [dreg:$0x3]  }
0x16d: {  	s0 =	sadd.s32 @!p0 $0x100000, s0  }
0x16e: {  	[sflag:s0] =	ssyncadd.tile.s32 @!p0 $0x1;
	_ =	shalt  }
.Lfunc_end2:
_tile_overlayer_lowered:
.L_overlay_start_2:
0x16f: {  	(tag) =	ssettag $0x2  }
0x170: {  	s0 =	rddreg [dreg:$0x0];
	s2 =	stileid.u32  }
0x171: {  	s1 =	rddreg [dreg:$0x1];
	p0 =	sne.s32 s2, $0x0  }
0x172: {  	s3 =	rddreg [dreg:$0x2];
	[bflag:$0x3] =	sbarrier.arrive $0xFFFF;
	s2 =	simm.s32 @!p0 $0x1C06  }
0x173: {  	[timem:s3], [sflag:s2] =	dma.local @!p0 [hbm:s0], s1  }
0x174: {  	s0 =	simm.s32 @!p0 $0x6  }
0x175: {  	_ =	swait.ge @!p0 [sflag:s0], s1  }
0x176: {  	s1 =	ssub.s32 @!p0 $0x0, s1;
	[sflag:s0] =	ssyncset.done @!p0 $0x0  }
0x177: {  	[sflag:s0] =	ssyncadd.s32 @!p0 s1  }
0x178: {  	[bflag:$0x3] =	sbarrier.arrive $0xFFFF  }
0x179: {  	_ =	shalt  }

// kernel: kernel.7.cloned.1.call-start
scs
__scs_entry_jumppad:
0x0: {  	(pc) =	sbr.rel $0x88, $3  }
0x1: {  	(tag) =	ssettag $0x0;
	lr =	simm.s32 $0x1  }
0x2: {  	[smem:$0x3F9D] =	sst lr;
	_ =	strace $0xD0000000  }
0x3: {  	_ = 	snop  }
0x4: {  	_ = 	snop  }
0x5: {  	_ = 	snop  }
0x6: {  	_ = 	snop  }
0x7: {  	_ = 	snop  }
__scs_overlays_trampoline_lowered:
0x8: {  	[smem:$0x3FAC] =	sst s0  }
0x9: {  	[smem:$0x3FAD] =	sst s1  }
0xa: {  	[smem:$0x3FAE] =	sst s2  }
0xb: {  	[smem:$0x3FAF] =	sst s3  }
0xc: {  	[smem:$0x3FB0] =	sst s4  }
0xd: {  	[smem:$0x3FB1] =	sst s5  }
0xe: {  	[smem:$0x3FB2] =	sst s6  }
0xf: {  	[smem:$0x3FB3] =	sst s7  }
0x10: {  	[smem:$0x3FB4] =	sst s8  }
0x11: {  	[smem:$0x3FB5] =	sst s9;
	s0 =	simm.s32 @!p0 $0x0  }
0x12: {  	s1 =	sld [smem:$0x3F9B];
	s0 =	simm.s32 @p0 $0x1  }
0x13: {  	[smem:$0x3FB6] =	sst s0;
	s0 =	simm.s32 @!p1 $0x0  }
0x14: {  	s2 =	sld [smem:$0x3F9A];
	s0 =	simm.s32 @p1 $0x1  }
0x15: {  	[smem:$0x3FB7] =	sst s0;
	s0 =	simm.s32 @!p2 $0x0  }
0x16: {  	s3 =	sld [smem:$0x3FDB];
	s0 =	simm.s32 @p2 $0x1  }
0x17: {  	s4 =	simm.s32 $0x1BF5;
	[smem:$0x3FB9] =	sst s0  }
0x18: {  	s0 =	sld [smem:$0x3F9C];
	_ =	swait.ge [sflag:s4], $0x0  }
0x19: {  	s7 =	sld [smem:$0x3F9D]  }
0x1a: {  	s8 =	sadd.s32 $0xFFFFE003, lr  }
0x1b: {  	s9 =	sadd.s32 $0xFFFFFEF7, lr;
	s5 =	simm.s32 $0xFFFFFFFF;
	p2 =	slt.u32 s8, $0xFFFFF086  }
0x1c: {  	p1 =	slt.u32 s9, $0xF7A;
	s5 =	simm.s32 @!p2 $0x0  }
0x1d: {  	s5 =	simm.s32 @p1 $0x1;
	p0 =	seq.s32 s7, s2  }
0x1e: {  	s7 =	smul.u32 @!p0 $0xF7A, s2;
	p2 =	seq.s32 @!p0 s5, $0x0  }
0x1f: {  	s9 =	smul.u32 $0xF7A, s1;
	s8 =	simm.s32 @!p0 $0x1BF5;
	p2 =	por !p2, p0  }
0x20: {  	[sflag:s8] =	ssyncset.s32 @!p0 $0xFFFFF086;
	s6 =	sadd.s32 @!p0 s3, s7;
	s7 =	simm.s32 @!p0 $0x108  }
0x21: {  	s3 =	sadd.s32 s3, s9;
	s6 =	sadd.s32 @!p0 $0x88, s6;
	s7 =	simm.s32 @p2 $0x1082  }
0x22: {  	[simem:s7], [sflag:s8] =	dma.local @!p0 [hbm:s6], $0xF7A  }
0x23: {  	s9 =	sor.u32 $0xD0000000, s2;
	s6 =	simm.s32 $0x108;
	_ =	swait.ge @!p0 [sflag:s8], $0x0  }
0x24: {  	s3 =	sadd.s32 $0x88, s3;
	s6 =	simm.s32 @!p1 $0x1082;
	[sflag:s4] =	ssyncset.s32 $0xFFFFF086  }
0x25: {  	[simem:s6], [sflag:s4] =	dma.local [hbm:s3], $0xF7A  }
0x26: {  	[smem:$0x3F9D] =	sst s1;
	(tag) =	ssettag s2;
	_ =	strace s9  }
0x27: {  	s1 =	sld [smem:$0x3FAD]  }
0x28: {  	s2 =	sld [smem:$0x3FAE]  }
0x29: {  	s4 =	sld [smem:$0x3FB0]  }
0x2a: {  	p0 =	seq.s32 s5, $0x0;
	s5 =	sld [smem:$0x3FB1]  }
0x2b: {  	s6 =	sld [smem:$0x3FB2]  }
0x2c: {  	s7 =	sld [smem:$0x3FB3]  }
0x2d: {  	s3 =	simm.s32 $0x108;
	s8 =	sld [smem:$0x3FB4]  }
0x2e: {  	s3 =	simm.s32 @!p0 $0x1082;
	s9 =	sld [smem:$0x3FB5]  }
0x2f: {  	lr =	sadd.s32 s0, s3;
	s0 =	sld [smem:$0x3FAC]  }
0x30: {  	s3 =	sld [smem:$0x3FAF]  }
0x31: {  	[smem:$0x3FB8] =	sst s10  }
0x32: {  	s10 =	sld [smem:$0x3FB6];
	_ =	sdelay $0x3  }
0x33: {  	p0 =	seq.s32 s10, $0x1;
	s10 =	sld [smem:$0x3FB8];
	_ =	sdelay $0x3  }
0x34: {  	[smem:$0x3FB8] =	sst s10  }
0x35: {  	s10 =	sld [smem:$0x3FB7];
	_ =	sdelay $0x3  }
0x36: {  	p1 =	seq.s32 s10, $0x1;
	s10 =	sld [smem:$0x3FB8];
	_ =	sdelay $0x3  }
0x37: {  	[smem:$0x3FB8] =	sst s10  }
0x38: {  	s10 =	sld [smem:$0x3FB9]  }
0x39: {  	_ = 	snop;
	(pc) =	sbr.ind lr, $3  }
0x3a: {  	_ = 	snop  }
0x3b: {  	_ = 	snop  }
0x3c: {  	p2 =	seq.s32 s10, $0x1;
	s10 =	sld [smem:$0x3FB8]  }
0x3d: {  	_ =	shalt  }
0x3e: {  	_ =	shalt  }
0x3f: {  	_ =	shalt  }
0x40: {  	_ =	shalt  }
0x41: {  	_ =	shalt  }
0x42: {  	_ =	shalt  }
0x43: {  	_ =	shalt  }
0x44: {  	_ =	shalt  }
0x45: {  	_ =	shalt  }
0x46: {  	_ =	shalt  }
0x47: {  	_ =	shalt  }
0x48: {  	_ =	shalt  }
0x49: {  	_ =	shalt  }
0x4a: {  	_ =	shalt  }
0x4b: {  	_ =	shalt  }
0x4c: {  	_ =	shalt  }
0x4d: {  	_ =	shalt  }
0x4e: {  	_ =	shalt  }
0x4f: {  	_ =	shalt  }
0x50: {  	_ =	shalt  }
0x51: {  	_ =	shalt  }
0x52: {  	_ =	shalt  }
0x53: {  	_ =	shalt  }
0x54: {  	_ =	shalt  }
0x55: {  	_ =	shalt  }
0x56: {  	_ =	shalt  }
0x57: {  	_ =	shalt  }
0x58: {  	_ =	shalt  }
0x59: {  	_ =	shalt  }
0x5a: {  	_ =	shalt  }
0x5b: {  	_ =	shalt  }
0x5c: {  	_ =	shalt  }
0x5d: {  	_ =	shalt  }
0x5e: {  	_ =	shalt  }
0x5f: {  	_ =	shalt  }
0x60: {  	_ =	shalt  }
0x61: {  	_ =	shalt  }
0x62: {  	_ =	shalt  }
0x63: {  	_ =	shalt  }
0x64: {  	_ =	shalt  }
0x65: {  	_ =	shalt  }
0x66: {  	_ =	shalt  }
0x67: {  	_ =	shalt  }
0x68: {  	_ =	shalt  }
0x69: {  	_ =	shalt  }
0x6a: {  	_ =	shalt  }
0x6b: {  	_ =	shalt  }
0x6c: {  	_ =	shalt  }
0x6d: {  	_ =	shalt  }
0x6e: {  	_ =	shalt  }
0x6f: {  	_ =	shalt  }
0x70: {  	_ =	shalt  }
0x71: {  	_ =	shalt  }
0x72: {  	_ =	shalt  }
0x73: {  	_ =	shalt  }
0x74: {  	_ =	shalt  }
0x75: {  	_ =	shalt  }
0x76: {  	_ =	shalt  }
0x77: {  	_ =	shalt  }
0x78: {  	_ =	shalt  }
0x79: {  	_ =	shalt  }
0x7a: {  	_ =	shalt  }
0x7b: {  	_ =	shalt  }
0x7c: {  	_ =	shalt  }
0x7d: {  	_ =	shalt  }
0x7e: {  	_ =	shalt  }
0x7f: {  	_ =	shalt  }
0x80: {  	_ =	shalt  }
0x81: {  	_ =	shalt  }
0x82: {  	_ =	shalt  }
0x83: {  	_ =	shalt  }
0x84: {  	_ =	shalt  }
0x85: {  	_ =	shalt  }
0x86: {  	_ =	shalt  }
0x87: {  	_ =	shalt  }
.Lfunc_end0:
.L_simem_size_0:
called_computation_lowered:
.L_overlay_start_0:
0x88: {  	s2 =	sld [smem:$0x3FD9]  }
0x89: {  	s3 =	sld [smem:$0x3FFE];
	_ =	sdelay $0x1  }
0x8a: {  	s1 =	srdreg.scid  }
0x8b: {  	s0 =	sand.u32 $0x1, s1  }
0x8c: {  	s17 =	sshll.u32 s0, $0xA;
	s2 =	sadd.s32 s3, s2  }
0x8d: {  	s2 =	sadd.s32 s2, s17  }
0x8e: {  	[smem:$0x3FC4] =	sst s2  }
0x8f: {  	_ = 	snop  }
0x90: {  	s2 =	sld [smem:$0x3FD0];
	(tm) =	ssettm $0x1  }
0x91: {  	s18 =	sld [smem:$0x3FFB];
	_ =	sdelay $0x3  }
0x92: {  	_ =	strace s18  }
0x93: {  	s3 =	sld [smem:$0x3FFC];
	_ =	sdelay $0x3  }
0x94: {  	_ =	strace s3  }
0x95: {  	s3 =	sld [smem:$0x3FFD];
	_ =	sdelay $0x3  }
0x96: {  	_ =	strace s3  }
0x97: {  	_ =	strace $0x8FFFFFFF  }
0x98: {  	s19 =	sld [smem:$0x3FDB];
	_ =	sdelay $0x1  }
0x99: {  	s4 =	simm.s32 $_scs_section_size  }
0x9a: {  	s5 =	simm.s32 $_size__tile_overlayer_lowered;
	s6 =	simm.s32 $_tile_overlayer_lowered  }
0x9b: {  	s22 =	simm.s32 $0x1BFF;
	s21 =	sshll.u32 s6, $0x1;
	s3 =	sadd.s32 s4, s19  }
0x9c: {  	s7 =	simm.s32 $0x0;
	s20 =	sshll.u32 s5, $0x1;
	s5 =	sadd.s32 s21, s3  }
0x9d: {  	[timem:s7], [sflag:s22] =	dma.local [hbm:s5], s20  }
0x9e: {  	_ =	swait.ge [sflag:s22], s20  }
0x9f: {  	s4 =	ssub.s32 $0x0, s20;
	[sflag:s22] =	ssyncset.done $0x0  }
0xa0: {  	[sflag:s22] =	ssyncadd.s32 s4;
	_ =	sdelay $0x1  }
0xa1: {  	s23 =	simm.s32 $0x1B8B  }
0xa2: {  	_ =	swait.ge [sflag:s23], $0x1  }
0xa3: {  	[sflag:s23] =	ssyncset.done $0x0  }
0xa4: {  	s25 =	simm.s32 $0x1B8E;
	s24 =	sld [smem:$0x3FFE];
	[sflag:s23] =	ssyncadd.s32 $0xFFFFFFFF  }
0xa5: {  	s26 =	simm.s32 $execute0_lowered;
	[smem:$0x3FD2] =	sst s25  }
0xa6: {  	s5 =	sshll.u32 s26, $0x1;
	_ =	strace $0x80000046;
	[dreg:$0x1] =	wrdreg $0xFFFFFFFF  }
0xa7: {  	s28 =	simm.s32 $_size_execute0_lowered;
	s3 =	sadd.s32 s3, s5;
	[dreg:$0x0] =	wrdreg $0x0  }
0xa8: {  	s5 =	sshll.u32 s28, $0x1;
	[dreg:$0x2] =	wrdreg s3  }
0xa9: {  	[dreg:$0x3] =	wrdreg s5  }
0xaa: {  	[dreg:$0x4] =	wrdreg $0xC0  }
0xab: {  	_ =	task [dreg:s7], $0x5FFFF  }
0xac: {  	[dreg:$0x1] =	wrdreg $0xFFFFFFFF  }
0xad: {  	[dreg:$0x0] =	wrdreg $0x60  }
0xae: {  	[dreg:$0x2] =	wrdreg s24  }
0xaf: {  	[dreg:$0x3] =	wrdreg s2  }
0xb0: {  	[dreg:$0x4] =	wrdreg $0x148000  }
0xb1: {  	[dreg:$0x5] =	wrdreg $0x9  }
0xb2: {  	_ =	task.clear_ibuf [dreg:s7], $0x6FFFF;
	_ =	strace $0x90000046  }
0xb3: {  	s29 =	simm.s32 $0x9;
	_ =	strace $0x80000048  }
0xb4: {  	_ =	swait.ge [sflag:s29], $0x1  }
0xb5: {  	[sflag:s29] =	ssyncadd.s32 $0xFFFFFFFF  }
0xb6: {  	_ =	strace $0x90000048  }
0xb7: {  	_ =	sfence  }
0xb8: {  	s30 =	sld [smem:$0x0];
	_ =	sdelay $0x2  }
0xb9: {  	s31 =	sshll.u32 s1, $0xD;
	s1 =	sshrl.u32 s1, $0x2  }
0xba: {  	s3 =	sand.u32 $0x4000, s31;
	s1 =	sadd.s32 s1, s30  }
0xbb: {  	s0 =	sor.u32 s3, s0;
	s1 =	sshll.u32 s1, $0x11  }
0xbc: {  	s0 =	sor.u32 s1, s0  }
0xbd: {  	s0 =	sadd.s32 $0x8F2B, s0  }
0xbe: {  	[sflag:s0] =	ssyncadd.remote.s32 $0x1  }
0xbf: {  	_ =	sfence.sel $0xFFFF  }
0xc0: {  	[dreg:$0x0] =	wrdreg $0xFFFFFFFF;
	(pc) =	sbr.abs _section_cstart, $3  }
0xc1: {  	[dreg:$0x1] =	wrdreg $0xFFFFFFFF  }
0xc2: {  	_ =	task.clear_ibuf [dreg:s7], $0x2FFFF;
	_ =	strace $0x9FFFFFFF  }
0xc3: {  	(tm) =	ssettm $0x7FFFFFFF  }
tec
execute0_lowered:
.L_overlay_start_1:
0x0: {  	(tag) =	ssettag $0x1  }
0x1: {  	s0 =	rddreg [dreg:$0x0]  }
0x2: {  	s5 =	rddreg [dreg:$0x1]  }
0x3: {  	s1 =	srdreg.scid;
	s2 =	rddreg [dreg:$0x2]  }
0x4: {  	s3 =	simm.s32 $0x0;
	s11 =	stileid.u32;
	s28 =	simm.s32 $0xF000  }
0x5: {  	s29 =	simm.s32 $0x10000;
	s30 =	simm.s32 $0x11000;
	s7 =	smul.u32 $0xA00, s11  }
0x6: {  	s31 =	simm.s32 $0x12000;
	s16 =	simm.s32 $0x3;
	s13 =	smul.u32 $0xA000, s11  }
0x7: {  	s1 =	sand.u32 $0x1, s1;
	[smem:$0x7FF] =	sst s3;
	s14 =	smul.u32 $0x500, s11  }
0x8: {  	s17 =	sadd.s32 $0x41C00, s0;
	s19 =	sadd.s32 $0x69C00, s0;
	s6 =	smul.u32 $0xA0000, s1  }
0x9: {  	_ =	strace $0x80000047;
	[dreg:$0x4] =	wrdreg s17;
	s18 =	ssub.s32 $0x2, s1  }
0xa: {  	[dreg:$0x5] =	wrdreg s19;
	s17 =	simm.s32 $0x5;
	s19 =	simm.s32 $0xA000  }
0xb: {  	p0 =	sne.s32 s1, $0x0;
	s8 =	sadd.s32 s7, s0;
	s10 =	sshrl.u32 s18, $0x1  }
0xc: {  	s23 =	sshrl.u32 s13, $0x3;
	s24 =	sadd.s32 s13, s2;
	s4 =	sshrl.u32 s6, $0x3  }
0xd: {  	s20 =	ssub.s32 s18, s10;
	s21 =	sadd.s32 $0xAC00, s8;
	[dreg:$0xa] =	wrdreg s24  }
0xe: {  	s22 =	sadd.s32 $0xC00, s8;
	[dreg:$0x9] =	wrdreg s23;
	s12 =	sadd.s32 s5, s23  }
0xf: {  	s25 =	sadd.s32 s13, s6;
	s18 =	simm.s32 $0x40;
	s24 =	simm.s32 $0xD000  }
0x10: {  	s5 =	simm.s32 $0x2;
	s6 =	simm.s32 $0x0;
	s9 =	sadd.s32 s4, s0  }
.Ltmp0:
0x11: {  	s0 =	sadd.s32 $0x3CC00, s0;
	[dreg:$0x7] =	wrdreg s21;
	(pc) =	sbr.rel .LBB2_1-.Ltmp0, $4  }
0x12: {  	[dreg:$0x8] =	wrdreg s22;
	s26 =	sshrl.u32 s25, $0x3;
	s15 =	smax.u32 s20, $0x1  }
0x13: {  	s20 =	simm.s32 $0xB000;
	s22 =	simm.s32 $0xC000;
	s25 =	simm.s32 $0x6  }
0x14: {  	s21 =	simm.s32 $0x4;
	[dreg:$0x6] =	wrdreg s0;
	s9 =	sadd.s32 $0x14C00, s9  }
0x15: {  	v0 =	vimm.f32 $0.0e+00;
	v1 =	vimm.f32 $1.000000000e+00;
	[dreg:$0xb] =	wrdreg s26;
	s26 =	simm.s32 $0xE000;
	s0 =	simm.s32 $0x1  }
.LBB2_8:
0x16: {  	_ =	swait.ge [sflag:s21], $0x1000  }
0x17: {  	[sflag:s21] =	ssyncset.done $0x0  }
0x18: {  	[sflag:s21] =	ssyncadd.s32 $0xFFFFF000  }
0x19: {  	_ =	swait.ge [sflag:s21], $0x1000  }
0x1a: {  	[sflag:s21] =	ssyncset.done $0x0  }
0x1b: {  	[sflag:s21] =	ssyncadd.s32 $0xFFFFF000  }
0x1c: {  	_ =	swait.ge [sflag:s21], $0x1000  }
0x1d: {  	[sflag:s21] =	ssyncset.done $0x0  }
0x1e: {  	[sflag:s21] =	ssyncadd.s32 $0xFFFFF000  }
0x1f: {  	_ =	swait.ge [sflag:s21], $0x1000  }
0x20: {  	[sflag:s21] =	ssyncset.done $0x0  }
0x21: {  	s4 =	rddreg [dreg:$0x4];
	[sflag:s21] =	ssyncadd.s32 $0xFFFFF000  }
0x22: {  	s4 =	sadd.s32 s4, s10;
	[bflag:$0x0] =	sbarrier.arrive $0xFFFF  }
0x23: {  	[hbm:s4], [sflag:s23] =	dma.local [spmem:s13], $0x1400  }
0x24: {  	s6 =	sadd.s32 $0x1, s6;
	_ =	swait.ge [sflag:s25], $0x1400  }
0x25: {  	p1 =	sne.s32 s6, s15;
	[sflag:s25] =	ssyncset.done $0x0  }
.Ltmp1:
0x26: {  	s1 =	sadd.s32 s1, s14;
	[sflag:s25] =	ssyncadd.s32 $0xFFFFEC00;
	(pc) =	sbr.rel @!p1 .LBB2_9-.Ltmp1, $4  }
0x27: {  	[hbm4b:s1+s3] =	stream.linear.scatter [tilespmem:s31], [sflag:$0x6], $0x2800, $0x38;
	[tilespmem:$0x1E800] =	vst v63  }
0x28: {  	_ =	swait.ge [sflag:s25], $0x2800  }
0x29: {  	[sflag:s25] =	ssyncset.done $0x0  }
0x2a: {  	[sflag:s25] =	ssyncadd.s32 $0xFFFFD800  }
.LBB2_1:
0x2b: {  	s1 =	rddreg [dreg:$0x7]  }
0x2c: {  	[tilespmem:s3], [sflag:$0x5] =	stream.linear.gather [hbm4b:s1+s3], $0x5000, $0x38;
	[tilespmem:$0x1E800] =	vst v63  }
0x2d: {  	s7 =	rddreg [dreg:$0x8];
	s4 =	simm.s32 $0x5000  }
0x2e: {  	[tilespmem:s4], [sflag:$0x5] =	stream.linear.gather [hbm4b:s7+s3], $0x5000, $0x38;
	[tilespmem:$0x1E800] =	vst v63  }
0x2f: {  	_ =	swait.ge [sflag:s17], $0x5000  }
0x30: {  	[sflag:s17] =	ssyncset.done $0x0  }
0x31: {  	[sflag:s17] =	ssyncadd.s32 $0xFFFFB000  }
0x32: {  	_ =	swait.ge [sflag:s17], $0x5000  }
0x33: {  	[sflag:s17] =	ssyncset.done $0x0  }
0x34: {  	[sflag:s17] =	ssyncadd.s32 $0xFFFFB000  }
0x35: {  	[tilespmem:s19], [sflag:$0x1] =	stream.indirect.gather [hbm4b:s9+s18], $0x40, s3, s18, $0xb8;
	[tilespmem:$0x1E800] =	vst v63  }
0x36: {  	s11 =	stileid.u32  }
0x37: {  	[tilespmem:s20], [sflag:$0x1] =	stream.indirect.gather [hbm4b:s9+s18], $0x40, s18, s18, $0xb8;
	[tilespmem:$0x1E800] =	vst v63  }
0x38: {  	s8 =	simm.s32 $0x80;
	s1 =	sshll.u32 s11, $0x6;
	s13 =	rddreg [dreg:$0xa]  }
0x39: {  	[tilespmem:s22], [sflag:$0x1] =	stream.indirect.gather [hbm4b:s9+s18], $0x40, s8, s18, $0xb8;
	[tilespmem:$0x1E800] =	vst v63  }
0x3a: {  	s10 =	simm.s32 $0xC0;
	s23 =	sor.u32 $0x1C06, s1;
	s13 =	sshrl.u32 s13, $0x3  }
0x3b: {  	[tilespmem:s24], [sflag:$0x1] =	stream.indirect.gather [hbm4b:s9+s18], $0x40, s10, s18, $0xb8;
	[tilespmem:$0x1E800] =	vst v63  }
0x3c: {  	[spmem:s13], [sflag:s23] =	dma.local [hbm:s12], $0x1400  }
0x3d: {  	_ =	swait.ge [sflag:s25], $0x1400  }
0x3e: {  	[sflag:s25] =	ssyncset.done $0x0  }
0x3f: {  	s1 =	simm.s32 $0x40;
	s10 =	simm.s32 $0x0;
	[sflag:s25] =	ssyncadd.s32 $0xFFFFEC00  }
.LBB2_2:
0x40: {  	p1 =	sne.s32 s1, $0x9FC0;
	[tilespmem:s10+$0x12000] =	vst v0;
	s10 =	smov.u32 s1;
	s1 =	sadd.s32 $0x40, s1  }
.Ltmp2:
0x41: {  	(pc) =	sbr.rel @p1 .LBB2_2-.Ltmp2, $2  }
0x42: {  	_ =	sdelay $0x2  }
0x43: {  	s10 =	sshra.s32 s10, $0x2  }
.Ltmp3:
0x44: {  	(pc) =	sbr.rel @p0 .LBB2_6-.Ltmp3, $4  }
0x45: {  	_ = 	snop  }
0x46: {  	[tilespmem:s10+$0x12000] =	vst v0  }
0x47: {  	[bflag:$0x0] =	sbarrier.arrive $0xFFFF  }
0x48: {  	s1 =	simm.s32 $0x0  }
.LBB2_4:
0x49: {  	p1 =	seq.s32 s1, $0x0  }
0x4a: {  	s4 =	simm.s32 @!p1 $0x4  }
0x4b: {  	_ =	swait.ge @!p1 [sflag:s4], $0x1000  }
0x4c: {  	[sflag:s4] =	ssyncset.done @!p1 $0x0  }
0x4d: {  	[sflag:s4] =	ssyncadd.s32 @!p1 $0xFFFFF000  }
0x4e: {  	_ =	swait.ge @!p1 [sflag:s4], $0x1000  }
0x4f: {  	[sflag:s4] =	ssyncset.done @!p1 $0x0  }
0x50: {  	[sflag:s4] =	ssyncadd.s32 @!p1 $0xFFFFF000  }
0x51: {  	_ =	swait.ge @!p1 [sflag:s4], $0x1000  }
0x52: {  	[sflag:s4] =	ssyncset.done @!p1 $0x0  }
0x53: {  	[sflag:s4] =	ssyncadd.s32 @!p1 $0xFFFFF000  }
0x54: {  	_ =	swait.ge @!p1 [sflag:s4], $0x1000  }
0x55: {  	s10 =	sshra.s32 s1, $0x2;
	[sflag:s4] =	ssyncset.done @!p1 $0x0  }
0x56: {  	s7 =	sadd.s32 $0x100, s10;
	[sflag:s4] =	ssyncadd.s32 @!p1 $0xFFFFF000  }
0x57: {  	[tilespmem:s26], [sflag:$0x2] =	stream.indirect.gather [hbm4b:s9+s18], $0x40, s7, s18, $0xb8;
	[tilespmem:$0x1E800] =	vst v63  }
0x58: {  	s8 =	sadd.s32 $0x140, s10  }
0x59: {  	[tilespmem:s28], [sflag:$0x2] =	stream.indirect.gather [hbm4b:s9+s18], $0x40, s8, s18, $0xb8;
	[tilespmem:$0x1E800] =	vst v63  }
0x5a: {  	s11 =	sadd.s32 $0x180, s10  }
0x5b: {  	[tilespmem:s29], [sflag:$0x2] =	stream.indirect.gather [hbm4b:s9+s18], $0x40, s11, s18, $0xb8;
	[tilespmem:$0x1E800] =	vst v63  }
0x5c: {  	s7 =	sadd.s32 $0x1C0, s10  }
0x5d: {  	[tilespmem:s30], [sflag:$0x2] =	stream.indirect.gather [hbm4b:s9+s18], $0x40, s7, s18, $0xb8;
	[tilespmem:$0x1E800] =	vst v63  }
0x5e: {  	v2 =	vld [tilespmem:s10+$0x0];
	_ =	sdelay $0x7  }
0x5f: {  	[tilespmem:v2+s31+$0x0] =	vst.idx.add.f32.msk $0xffff, v1  }
0x60: {  	v2 =	vld [tilespmem:s10+$0x10];
	_ =	sdelay $0x7  }
0x61: {  	[tilespmem:v2+s31+$0x0] =	vst.idx.add.f32.msk $0xffff, v1  }
0x62: {  	v2 =	vld [tilespmem:s10+$0x20];
	_ =	sdelay $0x7  }
0x63: {  	[tilespmem:v2+s31+$0x0] =	vst.idx.add.f32.msk $0xffff, v1  }
0x64: {  	v2 =	vld [tilespmem:s10+$0x30];
	_ =	sdelay $0x7  }
0x65: {  	[tilespmem:v2+s31+$0x0] =	vst.idx.add.f32.msk $0xffff, v1  }
0x66: {  	v2 =	vld [tilespmem:s10+$0x40];
	_ =	sdelay $0x7  }
0x67: {  	[tilespmem:v2+s31+$0x0] =	vst.idx.add.f32.msk $0xffff, v1  }
0x68: {  	v2 =	vld [tilespmem:s10+$0x50];
	_ =	sdelay $0x7  }
0x69: {  	[tilespmem:v2+s31+$0x0] =	vst.idx.add.f32.msk $0xffff, v1  }
0x6a: {  	v2 =	vld [tilespmem:s10+$0x60];
	_ =	sdelay $0x7  }
0x6b: {  	[tilespmem:v2+s31+$0x0] =	vst.idx.add.f32.msk $0xffff, v1  }
0x6c: {  	v2 =	vld [tilespmem:s10+$0x70];
	_ =	sdelay $0x7  }
0x6d: {  	[tilespmem:v2+s31+$0x0] =	vst.idx.add.f32.msk $0xffff, v1  }
0x6e: {  	v2 =	vld [tilespmem:s10+$0x80];
	_ =	sdelay $0x7  }
0x6f: {  	[tilespmem:v2+s31+$0x0] =	vst.idx.add.f32.msk $0xffff, v1  }
0x70: {  	v2 =	vld [tilespmem:s10+$0x90];
	_ =	sdelay $0x7  }
0x71: {  	[tilespmem:v2+s31+$0x0] =	vst.idx.add.f32.msk $0xffff, v1  }
0x72: {  	v2 =	vld [tilespmem:s10+$0xA0];
	_ =	sdelay $0x7  }
0x73: {  	[tilespmem:v2+s31+$0x0] =	vst.idx.add.f32.msk $0xffff, v1  }
0x74: {  	v2 =	vld [tilespmem:s10+$0xB0];
	_ =	sdelay $0x7  }
0x75: {  	[tilespmem:v2+s31+$0x0] =	vst.idx.add.f32.msk $0xffff, v1  }
0x76: {  	v2 =	vld [tilespmem:s10+$0xC0];
	_ =	sdelay $0x7  }
0x77: {  	[tilespmem:v2+s31+$0x0] =	vst.idx.add.f32.msk $0xffff, v1  }
0x78: {  	v2 =	vld [tilespmem:s10+$0xD0];
	_ =	sdelay $0x7  }
0x79: {  	[tilespmem:v2+s31+$0x0] =	vst.idx.add.f32.msk $0xffff, v1  }
0x7a: {  	v2 =	vld [tilespmem:s10+$0xE0];
	_ =	sdelay $0x7  }
0x7b: {  	[tilespmem:v2+s31+$0x0] =	vst.idx.add.f32.msk $0xffff, v1  }
0x7c: {  	v2 =	vld [tilespmem:s10+$0xF0];
	_ =	sdelay $0x7  }
0x7d: {  	[tilespmem:v2+s31+$0x0] =	vst.idx.add.f32.msk $0xffff, v1  }
0x7e: {  	v2 =	vld [tilespmem:s10+$0x100];
	_ =	sdelay $0x7  }
0x7f: {  	[tilespmem:v2+s31+$0x0] =	vst.idx.add.f32.msk $0xffff, v1  }
0x80: {  	v2 =	vld [tilespmem:s10+$0x110];
	_ =	sdelay $0x7  }
0x81: {  	[tilespmem:v2+s31+$0x0] =	vst.idx.add.f32.msk $0xffff, v1  }
0x82: {  	v2 =	vld [tilespmem:s10+$0x120];
	_ =	sdelay $0x7  }
0x83: {  	[tilespmem:v2+s31+$0x0] =	vst.idx.add.f32.msk $0xffff, v1  }
0x84: {  	v2 =	vld [tilespmem:s10+$0x130];
	_ =	sdelay $0x7  }
0x85: {  	[tilespmem:v2+s31+$0x0] =	vst.idx.add.f32.msk $0xffff, v1  }
0x86: {  	v2 =	vld [tilespmem:s10+$0x140];
	_ =	sdelay $0x7  }
0x87: {  	[tilespmem:v2+s31+$0x0] =	vst.idx.add.f32.msk $0xffff, v1  }
0x88: {  	v2 =	vld [tilespmem:s10+$0x150];
	_ =	sdelay $0x7  }
0x89: {  	[tilespmem:v2+s31+$0x0] =	vst.idx.add.f32.msk $0xffff, v1  }
0x8a: {  	v2 =	vld [tilespmem:s10+$0x160];
	_ =	sdelay $0x7  }
0x8b: {  	[tilespmem:v2+s31+$0x0] =	vst.idx.add.f32.msk $0xffff, v1  }
0x8c: {  	v2 =	vld [tilespmem:s10+$0x170];
	_ =	sdelay $0x7  }
0x8d: {  	[tilespmem:v2+s31+$0x0] =	vst.idx.add.f32.msk $0xffff, v1  }
0x8e: {  	v2 =	vld [tilespmem:s10+$0x180];
	_ =	sdelay $0x7  }
0x8f: {  	[tilespmem:v2+s31+$0x0] =	vst.idx.add.f32.msk $0xffff, v1  }
0x90: {  	v2 =	vld [tilespmem:s10+$0x190];
	_ =	sdelay $0x7  }
0x91: {  	[tilespmem:v2+s31+$0x0] =	vst.idx.add.f32.msk $0xffff, v1  }
0x92: {  	v2 =	vld [tilespmem:s10+$0x1A0];
	_ =	sdelay $0x7  }
0x93: {  	[tilespmem:v2+s31+$0x0] =	vst.idx.add.f32.msk $0xffff, v1  }
0x94: {  	v2 =	vld [tilespmem:s10+$0x1B0];
	_ =	sdelay $0x7  }
0x95: {  	[tilespmem:v2+s31+$0x0] =	vst.idx.add.f32.msk $0xffff, v1  }
0x96: {  	v2 =	vld [tilespmem:s10+$0x1C0];
	_ =	sdelay $0x7  }
0x97: {  	[tilespmem:v2+s31+$0x0] =	vst.idx.add.f32.msk $0xffff, v1  }
0x98: {  	v2 =	vld [tilespmem:s10+$0x1D0];
	_ =	sdelay $0x7  }
0x99: {  	[tilespmem:v2+s31+$0x0] =	vst.idx.add.f32.msk $0xffff, v1  }
0x9a: {  	v2 =	vld [tilespmem:s10+$0x1E0];
	_ =	sdelay $0x7  }
0x9b: {  	[tilespmem:v2+s31+$0x0] =	vst.idx.add.f32.msk $0xffff, v1  }
0x9c: {  	v2 =	vld [tilespmem:s10+$0x1F0];
	_ =	sdelay $0x7  }
0x9d: {  	[tilespmem:v2+s31+$0x0] =	vst.idx.add.f32.msk $0xffff, v1  }
0x9e: {  	_ =	swait.ge [sflag:s0], $0x1000  }
0x9f: {  	[sflag:s0] =	ssyncset.done $0x0  }
0xa0: {  	[sflag:s0] =	ssyncadd.s32 $0xFFFFF000  }
0xa1: {  	_ =	swait.ge [sflag:s0], $0x1000  }
0xa2: {  	[sflag:s0] =	ssyncset.done $0x0  }
0xa3: {  	[sflag:s0] =	ssyncadd.s32 $0xFFFFF000  }
0xa4: {  	_ =	swait.ge [sflag:s0], $0x1000  }
0xa5: {  	[sflag:s0] =	ssyncset.done $0x0  }
0xa6: {  	[sflag:s0] =	ssyncadd.s32 $0xFFFFF000  }
0xa7: {  	_ =	swait.ge [sflag:s0], $0x1000  }
0xa8: {  	[sflag:s0] =	ssyncset.done $0x0  }
0xa9: {  	s8 =	sadd.s32 $0x5000, s10;
	[sflag:s0] =	ssyncadd.s32 $0xFFFFF000  }
0xaa: {  	[spmem:s2] =	stream.indirect.scatter.add.f32 [tilespmem:s19], [sflag:$0x3], $0x40, s8, s18, $0xb8;
	[tilespmem:$0x1E800] =	vst v63  }
0xab: {  	s11 =	sadd.s32 $0x5040, s10  }
0xac: {  	[spmem:s2] =	stream.indirect.scatter.add.f32 [tilespmem:s20], [sflag:$0x3], $0x40, s11, s18, $0xb8;
	[tilespmem:$0x1E800] =	vst v63  }
0xad: {  	s7 =	sadd.s32 $0x5080, s10  }
0xae: {  	[spmem:s2] =	stream.indirect.scatter.add.f32 [tilespmem:s22], [sflag:$0x3], $0x40, s7, s18, $0xb8;
	[tilespmem:$0x1E800] =	vst v63  }
0xaf: {  	s8 =	sadd.s32 $0x50C0, s10  }
0xb0: {  	[spmem:s2] =	stream.indirect.scatter.add.f32 [tilespmem:s24], [sflag:$0x3], $0x40, s8, s18, $0xb8;
	[tilespmem:$0x1E800] =	vst v63  }
0xb1: {  	_ =	swait.ge [sflag:s16], $0x1000  }
0xb2: {  	[sflag:s16] =	ssyncset.done $0x0  }
0xb3: {  	[sflag:s16] =	ssyncadd.s32 $0xFFFFF000  }
0xb4: {  	_ =	swait.ge [sflag:s16], $0x1000  }
0xb5: {  	[sflag:s16] =	ssyncset.done $0x0  }
0xb6: {  	[sflag:s16] =	ssyncadd.s32 $0xFFFFF000  }
0xb7: {  	_ =	swait.ge [sflag:s16], $0x1000  }
0xb8: {  	[sflag:s16] =	ssyncset.done $0x0  }
0xb9: {  	[sflag:s16] =	ssyncadd.s32 $0xFFFFF000  }
0xba: {  	p1 =	seq.s32 s1, $0x13800;
	_ =	swait.ge [sflag:s16], $0x1000  }
0xbb: {  	s4 =	sshra.s32 @!p1 s1, $0x2;
	s11 =	simm.s32 @!p1 $0xA000;
	[sflag:s16] =	ssyncset.done $0x0  }
0xbc: {  	s7 =	sadd.s32 @!p1 $0x200, s4;
	s8 =	simm.s32 @!p1 $0x40;
	[sflag:s16] =	ssyncadd.s32 $0xFFFFF000  }
0xbd: {  	[tilespmem:s11], [sflag:$0x1] =	stream.indirect.gather @!p1 [hbm4b:s9+s8], $0x40, s7, s8, $0xb8;
	[tilespmem:$0x1E800] =	vst v63  }
0xbe: {  	s7 =	sadd.s32 @!p1 $0x240, s4;
	s11 =	simm.s32 @!p1 $0xB000  }
0xbf: {  	[tilespmem:s11], [sflag:$0x1] =	stream.indirect.gather @!p1 [hbm4b:s9+s8], $0x40, s7, s8, $0xb8;
	[tilespmem:$0x1E800] =	vst v63  }
0xc0: {  	s7 =	sadd.s32 @!p1 $0x280, s4;
	s11 =	simm.s32 @!p1 $0xC000  }
0xc1: {  	[tilespmem:s11], [sflag:$0x1] =	stream.indirect.gather @!p1 [hbm4b:s9+s8], $0x40, s7, s8, $0xb8;
	[tilespmem:$0x1E800] =	vst v63  }
0xc2: {  	s4 =	sadd.s32 @!p1 $0x2C0, s4;
	s7 =	simm.s32 @!p1 $0xD000  }
0xc3: {  	[tilespmem:s7], [sflag:$0x1] =	stream.indirect.gather @!p1 [hbm4b:s9+s8], $0x40, s4, s8, $0xb8;
	[tilespmem:$0x1E800] =	vst v63  }
0xc4: {  	_ =	swait.ge [sflag:s5], $0x1000  }
0xc5: {  	[sflag:s5] =	ssyncset.done $0x0  }
0xc6: {  	[sflag:s5] =	ssyncadd.s32 $0xFFFFF000  }
0xc7: {  	_ =	swait.ge [sflag:s5], $0x1000  }
0xc8: {  	[sflag:s5] =	ssyncset.done $0x0  }
0xc9: {  	[sflag:s5] =	ssyncadd.s32 $0xFFFFF000  }
0xca: {  	_ =	swait.ge [sflag:s5], $0x1000  }
0xcb: {  	[sflag:s5] =	ssyncset.done $0x0  }
0xcc: {  	[sflag:s5] =	ssyncadd.s32 $0xFFFFF000  }
0xcd: {  	_ =	swait.ge [sflag:s5], $0x1000  }
0xce: {  	[sflag:s5] =	ssyncset.done $0x0  }
0xcf: {  	s1 =	sadd.s32 $0x800, s1;
	s11 =	sadd.s32 $0x5100, s10;
	[sflag:s5] =	ssyncadd.s32 $0xFFFFF000  }
0xd0: {  	[spmem:s2] =	stream.indirect.scatter.add.f32 [tilespmem:s26], [sflag:$0x4], $0x40, s11, s18, $0xb8;
	[tilespmem:$0x1E800] =	vst v63  }
0xd1: {  	s7 =	sadd.s32 $0x5140, s10;
	p1 =	seq.s32 s1, $0x14000  }
0xd2: {  	[spmem:s2] =	stream.indirect.scatter.add.f32 [tilespmem:s28], [sflag:$0x4], $0x40, s7, s18, $0xb8;
	[tilespmem:$0x1E800] =	vst v63  }
.Ltmp4:
0xd3: {  	_ = 	snop;
	(pc) =	sbr.rel @!p1 .LBB2_4-.Ltmp4, $4  }
0xd4: {  	s8 =	sadd.s32 $0x5180, s10  }
0xd5: {  	[spmem:s2] =	stream.indirect.scatter.add.f32 [tilespmem:s29], [sflag:$0x4], $0x40, s8, s18, $0xb8;
	[tilespmem:$0x1E800] =	vst v63  }
0xd6: {  	s11 =	sadd.s32 $0x51C0, s10  }
0xd7: {  	[spmem:s2] =	stream.indirect.scatter.add.f32 [tilespmem:s30], [sflag:$0x4], $0x40, s11, s18, $0xb8;
	[tilespmem:$0x1E800] =	vst v63  }
.Ltmp5:
0xd8: {  	(pc) =	sbr.rel .LBB2_8-.Ltmp5, $3  }
0xd9: {  	_ =	sdelay $0x1  }
0xda: {  	s10 =	rddreg [dreg:$0x9]  }
0xdb: {  	s1 =	rddreg [dreg:$0x5]  }
.LBB2_6:
0xdc: {  	p1 =	seq.s32 s1, $0x0  }
0xdd: {  	s4 =	simm.s32 @!p1 $0x4  }
0xde: {  	_ =	swait.ge @!p1 [sflag:s4], $0x1000  }
0xdf: {  	[sflag:s4] =	ssyncset.done @!p1 $0x0  }
0xe0: {  	[sflag:s4] =	ssyncadd.s32 @!p1 $0xFFFFF000  }
0xe1: {  	_ =	swait.ge @!p1 [sflag:s4], $0x1000  }
0xe2: {  	[sflag:s4] =	ssyncset.done @!p1 $0x0  }
0xe3: {  	[sflag:s4] =	ssyncadd.s32 @!p1 $0xFFFFF000  }
0xe4: {  	_ =	swait.ge @!p1 [sflag:s4], $0x1000  }
0xe5: {  	[sflag:s4] =	ssyncset.done @!p1 $0x0  }
0xe6: {  	[sflag:s4] =	ssyncadd.s32 @!p1 $0xFFFFF000  }
0xe7: {  	_ =	swait.ge @!p1 [sflag:s4], $0x1000  }
0xe8: {  	s10 =	sshra.s32 s1, $0x2;
	[sflag:s4] =	ssyncset.done @!p1 $0x0  }
0xe9: {  	s7 =	sadd.s32 $0x100, s10;
	[sflag:s4] =	ssyncadd.s32 @!p1 $0xFFFFF000  }
0xea: {  	[tilespmem:s26], [sflag:$0x2] =	stream.indirect.gather [hbm4b:s9+s18], $0x40, s7, s18, $0xb8;
	[tilespmem:$0x1E800] =	vst v63  }
0xeb: {  	s8 =	sadd.s32 $0x140, s10  }
0xec: {  	[tilespmem:s28], [sflag:$0x2] =	stream.indirect.gather [hbm4b:s9+s18], $0x40, s8, s18, $0xb8;
	[tilespmem:$0x1E800] =	vst v63  }
0xed: {  	s11 =	sadd.s32 $0x180, s10  }
0xee: {  	[tilespmem:s29], [sflag:$0x2] =	stream.indirect.gather [hbm4b:s9+s18], $0x40, s11, s18, $0xb8;
	[tilespmem:$0x1E800] =	vst v63  }
0xef: {  	s7 =	sadd.s32 $0x1C0, s10  }
0xf0: {  	[tilespmem:s30], [sflag:$0x2] =	stream.indirect.gather [hbm4b:s9+s18], $0x40, s7, s18, $0xb8;
	[tilespmem:$0x1E800] =	vst v63  }
0xf1: {  	v2 =	vld [tilespmem:s10+$0x5000];
	_ =	sdelay $0x7  }
0xf2: {  	[tilespmem:v2+s31+$0x0] =	vst.idx.add.f32.msk $0xffff, v1  }
0xf3: {  	v2 =	vld [tilespmem:s10+$0x5010];
	_ =	sdelay $0x7  }
0xf4: {  	[tilespmem:v2+s31+$0x0] =	vst.idx.add.f32.msk $0xffff, v1  }
0xf5: {  	v2 =	vld [tilespmem:s10+$0x5020];
	_ =	sdelay $0x7  }
0xf6: {  	[tilespmem:v2+s31+$0x0] =	vst.idx.add.f32.msk $0xffff, v1  }
0xf7: {  	v2 =	vld [tilespmem:s10+$0x5030];
	_ =	sdelay $0x7  }
0xf8: {  	[tilespmem:v2+s31+$0x0] =	vst.idx.add.f32.msk $0xffff, v1  }
0xf9: {  	v2 =	vld [tilespmem:s10+$0x5040];
	_ =	sdelay $0x7  }
0xfa: {  	[tilespmem:v2+s31+$0x0] =	vst.idx.add.f32.msk $0xffff, v1  }
0xfb: {  	v2 =	vld [tilespmem:s10+$0x5050];
	_ =	sdelay $0x7  }
0xfc: {  	[tilespmem:v2+s31+$0x0] =	vst.idx.add.f32.msk $0xffff, v1  }
0xfd: {  	v2 =	vld [tilespmem:s10+$0x5060];
	_ =	sdelay $0x7  }
0xfe: {  	[tilespmem:v2+s31+$0x0] =	vst.idx.add.f32.msk $0xffff, v1  }
0xff: {  	v2 =	vld [tilespmem:s10+$0x5070];
	_ =	sdelay $0x7  }
0x100: {  	[tilespmem:v2+s31+$0x0] =	vst.idx.add.f32.msk $0xffff, v1  }
0x101: {  	v2 =	vld [tilespmem:s10+$0x5080];
	_ =	sdelay $0x7  }
0x102: {  	[tilespmem:v2+s31+$0x0] =	vst.idx.add.f32.msk $0xffff, v1  }
0x103: {  	v2 =	vld [tilespmem:s10+$0x5090];
	_ =	sdelay $0x7  }
0x104: {  	[tilespmem:v2+s31+$0x0] =	vst.idx.add.f32.msk $0xffff, v1  }
0x105: {  	v2 =	vld [tilespmem:s10+$0x50A0];
	_ =	sdelay $0x7  }
0x106: {  	[tilespmem:v2+s31+$0x0] =	vst.idx.add.f32.msk $0xffff, v1  }
0x107: {  	v2 =	vld [tilespmem:s10+$0x50B0];
	_ =	sdelay $0x7  }
0x108: {  	[tilespmem:v2+s31+$0x0] =	vst.idx.add.f32.msk $0xffff, v1  }
0x109: {  	v2 =	vld [tilespmem:s10+$0x50C0];
	_ =	sdelay $0x7  }
0x10a: {  	[tilespmem:v2+s31+$0x0] =	vst.idx.add.f32.msk $0xffff, v1  }
0x10b: {  	v2 =	vld [tilespmem:s10+$0x50D0];
	_ =	sdelay $0x7  }
0x10c: {  	[tilespmem:v2+s31+$0x0] =	vst.idx.add.f32.msk $0xffff, v1  }
0x10d: {  	v2 =	vld [tilespmem:s10+$0x50E0];
	_ =	sdelay $0x7  }
0x10e: {  	[tilespmem:v2+s31+$0x0] =	vst.idx.add.f32.msk $0xffff, v1  }
0x10f: {  	v2 =	vld [tilespmem:s10+$0x50F0];
	_ =	sdelay $0x7  }
0x110: {  	[tilespmem:v2+s31+$0x0] =	vst.idx.add.f32.msk $0xffff, v1  }
0x111: {  	v2 =	vld [tilespmem:s10+$0x5100];
	_ =	sdelay $0x7  }
0x112: {  	[tilespmem:v2+s31+$0x0] =	vst.idx.add.f32.msk $0xffff, v1  }
0x113: {  	v2 =	vld [tilespmem:s10+$0x5110];
	_ =	sdelay $0x7  }
0x114: {  	[tilespmem:v2+s31+$0x0] =	vst.idx.add.f32.msk $0xffff, v1  }
0x115: {  	v2 =	vld [tilespmem:s10+$0x5120];
	_ =	sdelay $0x7  }
0x116: {  	[tilespmem:v2+s31+$0x0] =	vst.idx.add.f32.msk $0xffff, v1  }
0x117: {  	v2 =	vld [tilespmem:s10+$0x5130];
	_ =	sdelay $0x7  }
0x118: {  	[tilespmem:v2+s31+$0x0] =	vst.idx.add.f32.msk $0xffff, v1  }
0x119: {  	v2 =	vld [tilespmem:s10+$0x5140];
	_ =	sdelay $0x7  }
0x11a: {  	[tilespmem:v2+s31+$0x0] =	vst.idx.add.f32.msk $0xffff, v1  }
0x11b: {  	v2 =	vld [tilespmem:s10+$0x5150];
	_ =	sdelay $0x7  }
0x11c: {  	[tilespmem:v2+s31+$0x0] =	vst.idx.add.f32.msk $0xffff, v1  }
0x11d: {  	v2 =	vld [tilespmem:s10+$0x5160];
	_ =	sdelay $0x7  }
0x11e: {  	[tilespmem:v2+s31+$0x0] =	vst.idx.add.f32.msk $0xffff, v1  }
0x11f: {  	v2 =	vld [tilespmem:s10+$0x5170];
	_ =	sdelay $0x7  }
0x120: {  	[tilespmem:v2+s31+$0x0] =	vst.idx.add.f32.msk $0xffff, v1  }
0x121: {  	v2 =	vld [tilespmem:s10+$0x5180];
	_ =	sdelay $0x7  }
0x122: {  	[tilespmem:v2+s31+$0x0] =	vst.idx.add.f32.msk $0xffff, v1  }
0x123: {  	v2 =	vld [tilespmem:s10+$0x5190];
	_ =	sdelay $0x7  }
0x124: {  	[tilespmem:v2+s31+$0x0] =	vst.idx.add.f32.msk $0xffff, v1  }
0x125: {  	v2 =	vld [tilespmem:s10+$0x51A0];
	_ =	sdelay $0x7  }
0x126: {  	[tilespmem:v2+s31+$0x0] =	vst.idx.add.f32.msk $0xffff, v1  }
0x127: {  	v2 =	vld [tilespmem:s10+$0x51B0];
	_ =	sdelay $0x7  }
0x128: {  	[tilespmem:v2+s31+$0x0] =	vst.idx.add.f32.msk $0xffff, v1  }
0x129: {  	v2 =	vld [tilespmem:s10+$0x51C0];
	_ =	sdelay $0x7  }
0x12a: {  	[tilespmem:v2+s31+$0x0] =	vst.idx.add.f32.msk $0xffff, v1  }
0x12b: {  	v2 =	vld [tilespmem:s10+$0x51D0];
	_ =	sdelay $0x7  }
0x12c: {  	[tilespmem:v2+s31+$0x0] =	vst.idx.add.f32.msk $0xffff, v1  }
0x12d: {  	v2 =	vld [tilespmem:s10+$0x51E0];
	_ =	sdelay $0x7  }
0x12e: {  	[tilespmem:v2+s31+$0x0] =	vst.idx.add.f32.msk $0xffff, v1  }
0x12f: {  	v2 =	vld [tilespmem:s10+$0x51F0];
	_ =	sdelay $0x7  }
0x130: {  	[tilespmem:v2+s31+$0x0] =	vst.idx.add.f32.msk $0xffff, v1  }
0x131: {  	_ =	swait.ge [sflag:s0], $0x1000  }
0x132: {  	[sflag:s0] =	ssyncset.done $0x0  }
0x133: {  	[sflag:s0] =	ssyncadd.s32 $0xFFFFF000  }
0x134: {  	_ =	swait.ge [sflag:s0], $0x1000  }
0x135: {  	[sflag:s0] =	ssyncset.done $0x0  }
0x136: {  	[sflag:s0] =	ssyncadd.s32 $0xFFFFF000  }
0x137: {  	_ =	swait.ge [sflag:s0], $0x1000  }
0x138: {  	[sflag:s0] =	ssyncset.done $0x0  }
0x139: {  	[sflag:s0] =	ssyncadd.s32 $0xFFFFF000  }
0x13a: {  	_ =	swait.ge [sflag:s0], $0x1000  }
0x13b: {  	[sflag:s0] =	ssyncset.done $0x0  }
0x13c: {  	s8 =	sadd.s32 $0x5000, s10;
	[sflag:s0] =	ssyncadd.s32 $0xFFFFF000  }
0x13d: {  	[spmem:s2] =	stream.indirect.scatter.add.f32 [tilespmem:s19], [sflag:$0x3], $0x40, s8, s18, $0xb8;
	[tilespmem:$0x1E800] =	vst v63  }
0x13e: {  	s11 =	sadd.s32 $0x5040, s10  }
0x13f: {  	[spmem:s2] =	stream.indirect.scatter.add.f32 [tilespmem:s20], [sflag:$0x3], $0x40, s11, s18, $0xb8;
	[tilespmem:$0x1E800] =	vst v63  }
0x140: {  	s7 =	sadd.s32 $0x5080, s10  }
0x141: {  	[spmem:s2] =	stream.indirect.scatter.add.f32 [tilespmem:s22], [sflag:$0x3], $0x40, s7, s18, $0xb8;
	[tilespmem:$0x1E800] =	vst v63  }
0x142: {  	s8 =	sadd.s32 $0x50C0, s10  }
0x143: {  	[spmem:s2] =	stream.indirect.scatter.add.f32 [tilespmem:s24], [sflag:$0x3], $0x40, s8, s18, $0xb8;
	[tilespmem:$0x1E800] =	vst v63  }
0x144: {  	_ =	swait.ge [sflag:s16], $0x1000  }
0x145: {  	[sflag:s16] =	ssyncset.done $0x0  }
0x146: {  	[sflag:s16] =	ssyncadd.s32 $0xFFFFF000  }
0x147: {  	_ =	swait.ge [sflag:s16], $0x1000  }
0x148: {  	[sflag:s16] =	ssyncset.done $0x0  }
0x149: {  	[sflag:s16] =	ssyncadd.s32 $0xFFFFF000  }
0x14a: {  	_ =	swait.ge [sflag:s16], $0x1000  }
0x14b: {  	[sflag:s16] =	ssyncset.done $0x0  }
0x14c: {  	[sflag:s16] =	ssyncadd.s32 $0xFFFFF000  }
0x14d: {  	p1 =	seq.s32 s1, $0x13800;
	_ =	swait.ge [sflag:s16], $0x1000  }
0x14e: {  	s4 =	sshra.s32 @!p1 s1, $0x2;
	s11 =	simm.s32 @!p1 $0xA000;
	[sflag:s16] =	ssyncset.done $0x0  }
0x14f: {  	s7 =	sadd.s32 @!p1 $0x200, s4;
	s8 =	simm.s32 @!p1 $0x40;
	[sflag:s16] =	ssyncadd.s32 $0xFFFFF000  }
0x150: {  	[tilespmem:s11], [sflag:$0x1] =	stream.indirect.gather @!p1 [hbm4b:s9+s8], $0x40, s7, s8, $0xb8;
	[tilespmem:$0x1E800] =	vst v63  }
0x151: {  	s7 =	sadd.s32 @!p1 $0x240, s4;
	s11 =	simm.s32 @!p1 $0xB000  }
0x152: {  	[tilespmem:s11], [sflag:$0x1] =	stream.indirect.gather @!p1 [hbm4b:s9+s8], $0x40, s7, s8, $0xb8;
	[tilespmem:$0x1E800] =	vst v63  }
0x153: {  	s7 =	sadd.s32 @!p1 $0x280, s4;
	s11 =	simm.s32 @!p1 $0xC000  }
0x154: {  	[tilespmem:s11], [sflag:$0x1] =	stream.indirect.gather @!p1 [hbm4b:s9+s8], $0x40, s7, s8, $0xb8;
	[tilespmem:$0x1E800] =	vst v63  }
0x155: {  	s4 =	sadd.s32 @!p1 $0x2C0, s4;
	s7 =	simm.s32 @!p1 $0xD000  }
0x156: {  	[tilespmem:s7], [sflag:$0x1] =	stream.indirect.gather @!p1 [hbm4b:s9+s8], $0x40, s4, s8, $0xb8;
	[tilespmem:$0x1E800] =	vst v63  }
0x157: {  	_ =	swait.ge [sflag:s5], $0x1000  }
0x158: {  	[sflag:s5] =	ssyncset.done $0x0  }
0x159: {  	[sflag:s5] =	ssyncadd.s32 $0xFFFFF000  }
0x15a: {  	_ =	swait.ge [sflag:s5], $0x1000  }
0x15b: {  	[sflag:s5] =	ssyncset.done $0x0  }
0x15c: {  	[sflag:s5] =	ssyncadd.s32 $0xFFFFF000  }
0x15d: {  	_ =	swait.ge [sflag:s5], $0x1000  }
0x15e: {  	[sflag:s5] =	ssyncset.done $0x0  }
0x15f: {  	[sflag:s5] =	ssyncadd.s32 $0xFFFFF000  }
0x160: {  	_ =	swait.ge [sflag:s5], $0x1000  }
0x161: {  	[sflag:s5] =	ssyncset.done $0x0  }
0x162: {  	s1 =	sadd.s32 $0x800, s1;
	s11 =	sadd.s32 $0x5100, s10;
	[sflag:s5] =	ssyncadd.s32 $0xFFFFF000  }
0x163: {  	[spmem:s2] =	stream.indirect.scatter.add.f32 [tilespmem:s26], [sflag:$0x4], $0x40, s11, s18, $0xb8;
	[tilespmem:$0x1E800] =	vst v63  }
0x164: {  	s7 =	sadd.s32 $0x5140, s10;
	p1 =	sne.s32 s1, $0x14000  }
0x165: {  	[spmem:s2] =	stream.indirect.scatter.add.f32 [tilespmem:s28], [sflag:$0x4], $0x40, s7, s18, $0xb8;
	[tilespmem:$0x1E800] =	vst v63  }
.Ltmp6:
0x166: {  	_ = 	snop;
	(pc) =	sbr.rel @p1 .LBB2_6-.Ltmp6, $4  }
0x167: {  	s8 =	sadd.s32 $0x5180, s10  }
0x168: {  	[spmem:s2] =	stream.indirect.scatter.add.f32 [tilespmem:s29], [sflag:$0x4], $0x40, s8, s18, $0xb8;
	[tilespmem:$0x1E800] =	vst v63  }
0x169: {  	s11 =	sadd.s32 $0x51C0, s10  }
0x16a: {  	[spmem:s2] =	stream.indirect.scatter.add.f32 [tilespmem:s30], [sflag:$0x4], $0x40, s11, s18, $0xb8;
	[tilespmem:$0x1E800] =	vst v63  }
.Ltmp7:
0x16b: {  	(pc) =	sbr.rel .LBB2_8-.Ltmp7, $3  }
0x16c: {  	_ =	sdelay $0x1  }
0x16d: {  	s10 =	rddreg [dreg:$0xb]  }
0x16e: {  	s1 =	rddreg [dreg:$0x6]  }
.LBB2_9:
0x16f: {  	_ =	sfence.sel $0x180000  }
0x170: {  	[bflag:$0x0] =	sbarrier.arrive $0xFFFF  }
0x171: {  	_ =	strace $0x90000047  }
0x172: {  	s0 =	stileid.u32;
	[bflag:$0x2] =	sbarrier.arrive $0xFFFF  }
0x173: {  	p0 =	sne.s32 s0, $0x0;
	s0 =	rddreg [dreg:$0x3]  }
0x174: {  	s0 =	sadd.s32 @!p0 $0x100000, s0  }
0x175: {  	[sflag:s0] =	ssyncadd.tile.s32 @!p0 $0x1;
	_ =	shalt  }
.Lfunc_end2:
_tile_overlayer_lowered:
.L_overlay_start_2:
0x176: {  	(tag) =	ssettag $0x2  }
0x177: {  	s0 =	rddreg [dreg:$0x0];
	s2 =	stileid.u32  }
0x178: {  	s1 =	rddreg [dreg:$0x1];
	p0 =	sne.s32 s2, $0x0  }
0x179: {  	s3 =	rddreg [dreg:$0x2];
	[bflag:$0x3] =	sbarrier.arrive $0xFFFF;
	s2 =	simm.s32 @!p0 $0x1C06  }
0x17a: {  	[timem:s3], [sflag:s2] =	dma.local @!p0 [hbm:s0], s1  }
0x17b: {  	s0 =	simm.s32 @!p0 $0x6  }
0x17c: {  	_ =	swait.ge @!p0 [sflag:s0], s1  }
0x17d: {  	s1 =	ssub.s32 @!p0 $0x0, s1;
	[sflag:s0] =	ssyncset.done @!p0 $0x0  }
0x17e: {  	[sflag:s0] =	ssyncadd.s32 @!p0 s1  }
0x17f: {  	[bflag:$0x3] =	sbarrier.arrive $0xFFFF  }
0x180: {  	_ =	shalt  }

</sc_bundles>
